<compile_context>
chip_gen: v7x
topology: tpu7x:2x2x1
jax: 0.10.2.dev20260603
libtpu: 0.0.44.dev20260713+nightly
codegen_flags: <defaults>
</compile_context>

<pallas_src>
import functools

import jax
import jax.numpy as jnp
import numpy as np
from jax import lax
from jax.experimental import pallas as pl
from jax.experimental.pallas import tpu as pltpu
from jax.experimental.pallas import tpu_sc as plsc

_K_TOP = 1024
_I32_MIN = -2147483648
_I32_MAX = 2147483647

_C_NP = np.repeat(np.eye(128, dtype=np.float32), 4, axis=0)


def _gate_body(x_ref, kl_ref, c_ref, g_ref):
    z = jnp.zeros((128, 512), jnp.float32)
    for c in range(3):
        for ky in range(4):
            xb = x_ref[0, c, :, ky * 512:(ky + 1) * 512].astype(jnp.bfloat16).astype(jnp.float32)
            kb = kl_ref[c * 4 + ky:c * 4 + ky + 1, :].astype(jnp.float32)
            z = z + xb * kb
    g_ref[0] = jnp.dot(z, c_ref[...], preferred_element_type=jnp.float32,
                       precision=jax.lax.Precision.HIGHEST)


def _sc_thresh_body(g_hbm, t_hbm, kbuf, hist, tbuf):
    wid = lax.axis_index("s") * 2 + lax.axis_index("c")

    @pl.when(wid < 16)
    def _():
        pltpu.sync_copy(g_hbm.at[wid], kbuf)
        jvec = lax.broadcasted_iota(jnp.int32, (16,), 0)
        ones = jnp.ones((16,), jnp.int32)
        lo = jnp.int32(_I32_MIN)
        for sh in (24, 16, 8, 0):
            for zi in range(16):
                hist[pl.ds(zi * 16, 16)] = jnp.zeros((16,), jnp.int32)

            if sh == 24:
                def hpass(iv, _):
                    for u in range(8):
                        v = kbuf[pl.ds((iv * 8 + u) * 16, 16)]
                        b = lax.bitcast_convert_type(v, jnp.int32)
                        k = jnp.where(b >= 0, b, b ^ _I32_MAX)
                        q = (k >> 24) + 128
                        plsc.addupdate_scatter(hist, [q], ones)
                    return 0
            else:
                hi_cl = lo + ((256 << sh) - 1)

                def hpass(iv, _, lo=lo, hi_cl=hi_cl, sh=sh):
                    for u in range(8):
                        v = kbuf[pl.ds((iv * 8 + u) * 16, 16)]
                        b = lax.bitcast_convert_type(v, jnp.int32)
                        k = jnp.where(b >= 0, b, b ^ _I32_MAX)
                        kc = jnp.clip(k, lo, hi_cl)
                        q = (kc - lo) >> sh
                        plsc.addupdate_scatter(hist, [q], ones)
                    return 0

            lax.fori_loop(0, 128, hpass, 0)

            acc = jnp.zeros((16,), jnp.int32)
            for v in range(16):
                acc = acc + hist[pl.ds(v * 16, 16)]
            total = jnp.sum(acc)
            carry = jnp.int32(0)
            jstar = jnp.int32(0)
            for v in range(16):
                h = hist[pl.ds(v * 16, 16)]
                pe = carry + (plsc.cumsum(h) - h)
                cnt_ge = total - pe
                jstar = jnp.maximum(
                    jstar,
                    jnp.max(jnp.where(cnt_ge >= _K_TOP, jvec + v * 16, 0)))
                carry = carry + jnp.sum(h)
            lo = lo + (jstar << sh)

        for i in range(8):
            tbuf[pl.ds(i * 16, 16)] = jnp.zeros((16,), jnp.int32) + lo
        pltpu.sync_copy(tbuf, t_hbm.at[wid])


@functools.partial(
    pl.kernel,
    out_type=jax.ShapeDtypeStruct((16, 128), jnp.int32),
    scratch_types=[
        pltpu.VMEM((16384,), jnp.float32),
        pltpu.VMEM((256,), jnp.int32),
        pltpu.VMEM((128,), jnp.int32),
    ],
    mesh=plsc.VectorSubcoreMesh(core_axis_name="c", subcore_axis_name="s"),
    compiler_params=pltpu.CompilerParams(needs_layout_passes=False),
)
def _sc_thresh(g_hbm, t_hbm, kbuf, hist, tbuf):
    _sc_thresh_body(g_hbm, t_hbm, kbuf, hist, tbuf)


def _apply_body(x_ref, g_ref, t_ref, ct_ref, o_ref):
    b = pl.program_id(0)
    g = g_ref[0]
    bits = jax.lax.bitcast_convert_type(g, jnp.int32)
    keys = jnp.where(bits >= 0, bits, bits ^ _I32_MAX)
    trow = t_ref[pl.ds(b, 1), :]
    m = jnp.where(keys >= trow, g, 0.0)
    m_up = jnp.dot(m, ct_ref[...], preferred_element_type=jnp.float32,
                   precision=jax.lax.Precision.HIGHEST)
    for c in range(3):
        for ky in range(4):
            sl = pl.ds(ky * 512, 512)
            o_ref[0, c, :, sl] = x_ref[0, c, :, sl] * m_up


@jax.jit
def _run(x, kl, cmat, ctmat):
    g = pl.pallas_call(
        _gate_body,
        grid=(16,),
        in_specs=[
            pl.BlockSpec((1, 3, 128, 2048), lambda b: (b, 0, 0, 0)),
            pl.BlockSpec((12, 512), lambda b: (0, 0)),
            pl.BlockSpec((512, 128), lambda b: (0, 0)),
        ],
        out_specs=pl.BlockSpec((1, 128, 128), lambda b: (b, 0, 0)),
        out_shape=jax.ShapeDtypeStruct((16, 128, 128), jnp.float32),
        compiler_params=pltpu.CompilerParams(
            dimension_semantics=("arbitrary",),
        ),
    )(x, kl, cmat)

    t = _sc_thresh(g.reshape(16, 16384))

    return pl.pallas_call(
        _apply_body,
        grid=(16,),
        in_specs=[
            pl.BlockSpec((1, 3, 128, 2048), lambda b: (b, 0, 0, 0)),
            pl.BlockSpec((1, 128, 128), lambda b: (b, 0, 0)),
            pl.BlockSpec((16, 128), lambda b: (0, 0)),
            pl.BlockSpec((128, 512), lambda b: (0, 0)),
        ],
        out_specs=pl.BlockSpec((1, 3, 128, 2048), lambda b: (b, 0, 0, 0)),
        out_shape=jax.ShapeDtypeStruct((16, 3, 128, 2048), jnp.float32),
        compiler_params=pltpu.CompilerParams(
            dimension_semantics=("arbitrary",),
        ),
    )(x, g, t, ctmat)


def kernel(inputs, gating_kernel):
    b, cin, H, W = inputs.shape
    x = inputs.reshape(b, cin, 128, 4, 512).reshape(b, cin, 128, 2048)
    w = gating_kernel[0].astype(jnp.bfloat16)
    kl = jnp.tile(w.reshape(12, 1, 4), (1, 128, 1)).reshape(12, 512)
    cmat = jnp.asarray(_C_NP)
    out = _run(x, kl, cmat, cmat.T)
    return out.reshape(b, cin, 128, 4, 512).reshape(b, cin, H, W)

# --- scband reference (transcript-rebuilt; emitter-appended) ---
"""Pipeline reference for scband-gate-36412732735547 (READ-ONLY COPY).

The authoritative reference and input builder live on the scoring server;
editing this copy changes nothing except your own understanding.
"""

import jax, jax.numpy as jnp
import numpy as np

K = 1024
GK = (4, 4)

def setup_inputs(seed: int = 0) -> dict:
    key = jax.random.key(seed)
    k1, k2 = jax.random.split(key)
    inputs = jax.random.normal(k1, (16, 3, 512, 512), dtype=jnp.float32)
    gating_kernel = jax.random.normal(k2, (1, 3, 4, 4), dtype=jnp.float32) * 1e-4
    return {"inputs": inputs, "gating_kernel": gating_kernel}

def reference(inputs, gating_kernel):
    # conv2d with stride 4, no padding -> (b, 1, 128, 128)
    g = jax.lax.conv_general_dilated(
        inputs, gating_kernel,
        window_strides=(4, 4), padding='VALID',
        dimension_numbers=('NCHW', 'OIHW', 'NCHW'))
    b, c, h, w = g.shape
    flat = g.reshape(b * c, h * w)
    # top-k over spatial dim
    values, indices = jax.lax.top_k(flat, K)
    # scatter-add top-k values back into zero mask (matches torch scatter_add_)
    ret = jnp.zeros((b * c, h * w), dtype=inputs.dtype)
    ret = ret.at[jnp.arange(b * c)[:, None], indices].add(values)
    ret = ret.reshape(b, c, h, w)
    # repeat_interleave upsampling back to input resolution
    ret = jnp.repeat(ret, GK[0], axis=2)
    ret = jnp.repeat(ret, GK[1], axis=3)
    ret = jnp.repeat(ret, gating_kernel.shape[1], axis=1)
    return inputs * ret

if __name__ == "__main__":
    import jax
    _d = setup_inputs()
    print(jax.jit(kernel)(*tuple(_d.values())))

</pallas_src>

<mosaic_0001>
#map = affine_map<(d0, d1) -> (0, 0)>
module attributes {stable_mosaic.version = 14 : i64} {
  func.func @_sc_thresh(%arg0: i32, %arg1: i32, %arg2: memref<16x16384xf32, #tpu.memory_space<hbm>>, %arg3: memref<16x128xi32, #tpu.memory_space<hbm>>, %arg4: memref<16384xf32, #tpu.memory_space<vmem>>, %arg5: memref<256xi32, #tpu.memory_space<vmem>>, %arg6: memref<128xi32, #tpu.memory_space<vmem>>) attributes {dimension_semantics = [#tpu.dimension_semantics<core_parallel>, #tpu.dimension_semantics<subcore_parallel>], iteration_bounds = array<i64: 2, 16>, scalar_prefetch = 0 : i64, scratch_operands = 3 : i64, tpu.core_type = #tpu.core_type<sc_vector_subcore>, window_params = [{transform_indices = #map}, {transform_indices = #map}]} {
    %mul3A = arith.constant 2 : i32
    %mul3A_0 = arith.muli %arg1, %mul3A : i32
    %add3A = arith.addi %mul3A_0, %arg0 : i32
    %lt3A = arith.constant 16 : i32
    %lt3A_1 = arith.cmpi slt, %add3A, %lt3A : i32
    %convert_element_type3A = arith.extui %lt3A_1 : i1 to i32
    %cond3A = arith.constant 0 : i32
    %cond3A_2 = arith.cmpi ne, %convert_element_type3A, %cond3A : i32
    scf.if %cond3A_2 {
      "tpu.region"() ({
        %run_scoped3A = tpu.sem_alloc : memref<!tpu.dma_semaphore, #tpu.memory_space<semaphore_mem>>
        %dma_start3A = arith.constant 0 : i32
        %dma_start3A_2683 = tpu.memref_slice %arg2[%add3A, %dma_start3A] : memref<16x16384xf32, #tpu.memory_space<hbm>> -> memref<1x16384xf32, #tpu.memory_space<hbm>>
        %dma_start3A_2684 = tpu.memref_squeeze %dma_start3A_2683 : memref<1x16384xf32, #tpu.memory_space<hbm>> -> memref<16384xf32, #tpu.memory_space<hbm>>
        %dma_start3A_2685 = arith.constant 0 : i32
        %dma_start3A_2686 = tpu.memref_slice %arg2[%add3A, %dma_start3A_2685] : memref<16x16384xf32, #tpu.memory_space<hbm>> -> memref<1x16384xf32, #tpu.memory_space<hbm>>
        %dma_start3A_2687 = tpu.memref_squeeze %dma_start3A_2686 : memref<1x16384xf32, #tpu.memory_space<hbm>> -> memref<16384xf32, #tpu.memory_space<hbm>>
        tpu.enqueue_dma source(%dma_start3A_2687 : memref<16384xf32, #tpu.memory_space<hbm>>) target(%arg4 : memref<16384xf32, #tpu.memory_space<vmem>>) target_semaphore(%run_scoped3A : memref<!tpu.dma_semaphore, #tpu.memory_space<semaphore_mem>>)
        %dma_wait3A = arith.constant 0 : i32
        %dma_wait3A_2688 = tpu.memref_slice %arg2[%add3A, %dma_wait3A] : memref<16x16384xf32, #tpu.memory_space<hbm>> -> memref<1x16384xf32, #tpu.memory_space<hbm>>
        %dma_wait3A_2689 = tpu.memref_squeeze %dma_wait3A_2688 : memref<1x16384xf32, #tpu.memory_space<hbm>> -> memref<16384xf32, #tpu.memory_space<hbm>>
        %dma_wait3A_2690 = arith.constant 0 : i32
        %dma_wait3A_2691 = tpu.memref_slice %arg2[%add3A, %dma_wait3A_2690] : memref<16x16384xf32, #tpu.memory_space<hbm>> -> memref<1x16384xf32, #tpu.memory_space<hbm>>
        %dma_wait3A_2692 = tpu.memref_squeeze %dma_wait3A_2691 : memref<1x16384xf32, #tpu.memory_space<hbm>> -> memref<16384xf32, #tpu.memory_space<hbm>>
        tpu.wait_dma2 semaphore(%run_scoped3A : memref<!tpu.dma_semaphore, #tpu.memory_space<semaphore_mem>>) src(%dma_wait3A_2692 : memref<16384xf32, #tpu.memory_space<hbm>>) dst(%arg4 : memref<16384xf32, #tpu.memory_space<vmem>>)
        tpu.yield
      }) : () -> ()
      %iota3A = tpu.iota {dimensions = array<i32: 0>} : vector<16xi32>
      %broadcast_in_dim3A = arith.constant 1 : i32
      %broadcast_in_dim3A_3 = vector.broadcast %broadcast_in_dim3A : i32 to vector<16xi32>
      %broadcast_in_dim3A_4 = arith.constant 0 : i32
      %broadcast_in_dim3A_5 = vector.broadcast %broadcast_in_dim3A_4 : i32 to vector<16xi32>
      %swap3A = arith.constant 0 : index
      %swap3A_6 = tpu.vector_load %arg5[%swap3A] {strides = array<i32>} : memref<256xi32, #tpu.memory_space<vmem>>, vector<16xi32>,
      tpu.vector_store %arg5[%swap3A], %broadcast_in_dim3A_5 {strides = array<i32>} : memref<256xi32, #tpu.memory_space<vmem>>, vector<16xi32>,
      %broadcast_in_dim3A_7 = arith.constant 0 : i32
      %broadcast_in_dim3A_8 = vector.broadcast %broadcast_in_dim3A_7 : i32 to vector<16xi32>
      %swap3A_9 = arith.constant 16 : index
      %swap3A_10 = tpu.vector_load %arg5[%swap3A_9] {strides = array<i32>} : memref<256xi32, #tpu.memory_space<vmem>>, vector<16xi32>,
      tpu.vector_store %arg5[%swap3A_9], %broadcast_in_dim3A_8 {strides = array<i32>} : memref<256xi32, #tpu.memory_space<vmem>>, vector<16xi32>,
      %broadcast_in_dim3A_11 = arith.constant 0 : i32
      %broadcast_in_dim3A_12 = vector.broadcast %broadcast_in_dim3A_11 : i32 to vector<16xi32>
      %swap3A_13 = arith.constant 32 : index
      %swap3A_14 = tpu.vector_load %arg5[%swap3A_13] {strides = array<i32>} : memref<256xi32, #tpu.memory_space<vmem>>, vector<16xi32>,
      tpu.vector_store %arg5[%swap3A_13], %broadcast_in_dim3A_12 {strides = array<i32>} : memref<256xi32, #tpu.memory_space<vmem>>, vector<16xi32>,
      %broadcast_in_dim3A_15 = arith.constant 0 : i32
      %broadcast_in_dim3A_16 = vector.broadcast %broadcast_in_dim3A_15 : i32 to vector<16xi32>
      %swap3A_17 = arith.constant 48 : index
      %swap3A_18 = tpu.vector_load %arg5[%swap3A_17] {strides = array<i32>} : memref<256xi32, #tpu.memory_space<vmem>>, vector<16xi32>,
      tpu.vector_store %arg5[%swap3A_17], %broadcast_in_dim3A_16 {strides = array<i32>} : memref<256xi32, #tpu.memory_space<vmem>>, vector<16xi32>,
      %broadcast_in_dim3A_19 = arith.constant 0 : i32
      %broadcast_in_dim3A_20 = vector.broadcast %broadcast_in_dim3A_19 : i32 to vector<16xi32>
      %swap3A_21 = arith.constant 64 : index
      %swap3A_22 = tpu.vector_load %arg5[%swap3A_21] {strides = array<i32>} : memref<256xi32, #tpu.memory_space<vmem>>, vector<16xi32>,
      tpu.vector_store %arg5[%swap3A_21], %broadcast_in_dim3A_20 {strides = array<i32>} : memref<256xi32, #tpu.memory_space<vmem>>, vector<16xi32>,
      %broadcast_in_dim3A_23 = arith.constant 0 : i32
      %broadcast_in_dim3A_24 = vector.broadcast %broadcast_in_dim3A_23 : i32 to vector<16xi32>
      %swap3A_25 = arith.constant 80 : index
      %swap3A_26 = tpu.vector_load %arg5[%swap3A_25] {strides = array<i32>} : memref<256xi32, #tpu.memory_space<vmem>>, vector<16xi32>,
      tpu.vector_store %arg5[%swap3A_25], %broadcast_in_dim3A_24 {strides = array<i32>} : memref<256xi32, #tpu.memory_space<vmem>>, vector<16xi32>,
      %broadcast_in_dim3A_27 = arith.constant 0 : i32
      %broadcast_in_dim3A_28 = vector.broadcast %broadcast_in_dim3A_27 : i32 to vector<16xi32>
      %swap3A_29 = arith.constant 96 : index
      %swap3A_30 = tpu.vector_load %arg5[%swap3A_29] {strides = array<i32>} : memref<256xi32, #tpu.memory_space<vmem>>, vector<16xi32>,
      tpu.vector_store %arg5[%swap3A_29], %broadcast_in_dim3A_28 {strides = array<i32>} : memref<256xi32, #tpu.memory_space<vmem>>, vector<16xi32>,
      %broadcast_in_dim3A_31 = arith.constant 0 : i32
      %broadcast_in_dim3A_32 = vector.broadcast %broadcast_in_dim3A_31 : i32 to vector<16xi32>
      %swap3A_33 = arith.constant 112 : index
      %swap3A_34 = tpu.vector_load %arg5[%swap3A_33] {strides = array<i32>} : memref<256xi32, #tpu.memory_space<vmem>>, vector<16xi32>,
      tpu.vector_store %arg5[%swap3A_33], %broadcast_in_dim3A_32 {strides = array<i32>} : memref<256xi32, #tpu.memory_space<vmem>>, vector<16xi32>,
      %broadcast_in_dim3A_35 = arith.constant 0 : i32
      %broadcast_in_dim3A_36 = vector.broadcast %broadcast_in_dim3A_35 : i32 to vector<16xi32>
      %swap3A_37 = arith.constant 128 : index
      %swap3A_38 = tpu.vector_load %arg5[%swap3A_37] {strides = array<i32>} : memref<256xi32, #tpu.memory_space<vmem>>, vector<16xi32>,
      tpu.vector_store %arg5[%swap3A_37], %broadcast_in_dim3A_36 {strides = array<i32>} : memref<256xi32, #tpu.memory_space<vmem>>, vector<16xi32>,
      %broadcast_in_dim3A_39 = arith.constant 0 : i32
      %broadcast_in_dim3A_40 = vector.broadcast %broadcast_in_dim3A_39 : i32 to vector<16xi32>
      %swap3A_41 = arith.constant 144 : index
      %swap3A_42 = tpu.vector_load %arg5[%swap3A_41] {strides = array<i32>} : memref<256xi32, #tpu.memory_space<vmem>>, vector<16xi32>,
      tpu.vector_store %arg5[%swap3A_41], %broadcast_in_dim3A_40 {strides = array<i32>} : memref<256xi32, #tpu.memory_space<vmem>>, vector<16xi32>,
      %broadcast_in_dim3A_43 = arith.constant 0 : i32
      %broadcast_in_dim3A_44 = vector.broadcast %broadcast_in_dim3A_43 : i32 to vector<16xi32>
      %swap3A_45 = arith.constant 160 : index
      %swap3A_46 = tpu.vector_load %arg5[%swap3A_45] {strides = array<i32>} : memref<256xi32, #tpu.memory_space<vmem>>, vector<16xi32>,
      tpu.vector_store %arg5[%swap3A_45], %broadcast_in_dim3A_44 {strides = array<i32>} : memref<256xi32, #tpu.memory_space<vmem>>, vector<16xi32>,
      %broadcast_in_dim3A_47 = arith.constant 0 : i32
      %broadcast_in_dim3A_48 = vector.broadcast %broadcast_in_dim3A_47 : i32 to vector<16xi32>
      %swap3A_49 = arith.constant 176 : index
      %swap3A_50 = tpu.vector_load %arg5[%swap3A_49] {strides = array<i32>} : memref<256xi32, #tpu.memory_space<vmem>>, vector<16xi32>,
      tpu.vector_store %arg5[%swap3A_49], %broadcast_in_dim3A_48 {strides = array<i32>} : memref<256xi32, #tpu.memory_space<vmem>>, vector<16xi32>,
      %broadcast_in_dim3A_51 = arith.constant 0 : i32
      %broadcast_in_dim3A_52 = vector.broadcast %broadcast_in_dim3A_51 : i32 to vector<16xi32>
      %swap3A_53 = arith.constant 192 : index
      %swap3A_54 = tpu.vector_load %arg5[%swap3A_53] {strides = array<i32>} : memref<256xi32, #tpu.memory_space<vmem>>, vector<16xi32>,
      tpu.vector_store %arg5[%swap3A_53], %broadcast_in_dim3A_52 {strides = array<i32>} : memref<256xi32, #tpu.memory_space<vmem>>, vector<16xi32>,
      %broadcast_in_dim3A_55 = arith.constant 0 : i32
      %broadcast_in_dim3A_56 = vector.broadcast %broadcast_in_dim3A_55 : i32 to vector<16xi32>
      %swap3A_57 = arith.constant 208 : index
      %swap3A_58 = tpu.vector_load %arg5[%swap3A_57] {strides = array<i32>} : memref<256xi32, #tpu.memory_space<vmem>>, vector<16xi32>,
      tpu.vector_store %arg5[%swap3A_57], %broadcast_in_dim3A_56 {strides = array<i32>} : memref<256xi32, #tpu.memory_space<vmem>>, vector<16xi32>,
      %broadcast_in_dim3A_59 = arith.constant 0 : i32
      %broadcast_in_dim3A_60 = vector.broadcast %broadcast_in_dim3A_59 : i32 to vector<16xi32>
      %swap3A_61 = arith.constant 224 : index
      %swap3A_62 = tpu.vector_load %arg5[%swap3A_61] {strides = array<i32>} : memref<256xi32, #tpu.memory_space<vmem>>, vector<16xi32>,
      tpu.vector_store %arg5[%swap3A_61], %broadcast_in_dim3A_60 {strides = array<i32>} : memref<256xi32, #tpu.memory_space<vmem>>, vector<16xi32>,
      %broadcast_in_dim3A_63 = arith.constant 0 : i32
      %broadcast_in_dim3A_64 = vector.broadcast %broadcast_in_dim3A_63 : i32 to vector<16xi32>
      %swap3A_65 = arith.constant 240 : index
      %swap3A_66 = tpu.vector_load %arg5[%swap3A_65] {strides = array<i32>} : memref<256xi32, #tpu.memory_space<vmem>>, vector<16xi32>,
      tpu.vector_store %arg5[%swap3A_65], %broadcast_in_dim3A_64 {strides = array<i32>} : memref<256xi32, #tpu.memory_space<vmem>>, vector<16xi32>,
      %scan3A = arith.constant 0 : i32
      %scan3A_67 = arith.constant 0 : i32
      %scan3A_68 = arith.constant 128 : i32
      %scan3A_69 = arith.addi %scan3A_67, %scan3A_68 : i32
      %scan3A_70 = arith.constant 1 : i32
      %scan3A_71 = scf.for %scan3A_2683 = %scan3A_67 to %scan3A_69 step %scan3A_70 iter_args(%scan3A_2684 = %scan3A) -> (i32)  : i32 {
        %mul3A_2685 = arith.constant 8 : i32
        %mul3A_2686 = arith.muli %scan3A_2683, %mul3A_2685 : i32
        %add3A_2687 = arith.constant 0 : i32
        %add3A_2688 = arith.addi %mul3A_2686, %add3A_2687 : i32
        %mul3A_2689 = arith.constant 16 : i32
        %mul3A_2690 = arith.muli %add3A_2688, %mul3A_2689 : i32
        %get3A_2691 = arith.index_cast %mul3A_2690 : i32 to index
        %get3A_2692 = tpu.vector_load %arg4[%get3A_2691] {strides = array<i32>} : memref<16384xf32, #tpu.memory_space<vmem>>, vector<16xf32>,
        %bitcast_convert_type3A = tpu.bitcast %get3A_2692 : vector<16xf32> -> vector<16xi32>
        %ge3A_2693 = arith.constant 0 : i32
        %ge3A_2694 = vector.broadcast %ge3A_2693 : i32 to vector<16xi32>
        %ge3A_2695 = arith.cmpi sge, %bitcast_convert_type3A, %ge3A_2694 : vector<16xi32>
        %xor3A = arith.constant 2147483647 : i32
        %xor3A_2696 = vector.broadcast %xor3A : i32 to vector<16xi32>
        %xor3A_2697 = arith.xori %bitcast_convert_type3A, %xor3A_2696 : vector<16xi32>
        %select_n3A_2698 = arith.select %ge3A_2695, %bitcast_convert_type3A, %xor3A_2697 : vector<16xi1>, vector<16xi32>
        %shift_right_arithmetic3A = arith.constant 24 : i32
        %shift_right_arithmetic3A_2699 = vector.broadcast %shift_right_arithmetic3A : i32 to vector<16xi32>
        %shift_right_arithmetic3A_2700 = arith.shrsi %select_n3A_2698, %shift_right_arithmetic3A_2699 : vector<16xi32>
        %add3A_2701 = arith.constant 128 : i32
        %add3A_2702 = vector.broadcast %add3A_2701 : i32 to vector<16xi32>
        %add3A_2703 = arith.addi %shift_right_arithmetic3A_2700, %add3A_2702 : vector<16xi32>
        tpu.vector_store_idx %arg5[%add3A_2703], %broadcast_in_dim3A_3 {add = true} : memref<256xi32, #tpu.memory_space<vmem>>[vector<16xi32>], vector<16xi32>,
        %mul3A_2704 = arith.constant 8 : i32
        %mul3A_2705 = arith.muli %scan3A_2683, %mul3A_2704 : i32
        %add3A_2706 = arith.constant 1 : i32
        %add3A_2707 = arith.addi %mul3A_2705, %add3A_2706 : i32
        %mul3A_2708 = arith.constant 16 : i32
        %mul3A_2709 = arith.muli %add3A_2707, %mul3A_2708 : i32
        %get3A_2710 = arith.index_cast %mul3A_2709 : i32 to index
        %get3A_2711 = tpu.vector_load %arg4[%get3A_2710] {strides = array<i32>} : memref<16384xf32, #tpu.memory_space<vmem>>, vector<16xf32>,
        %bitcast_convert_type3A_2712 = tpu.bitcast %get3A_2711 : vector<16xf32> -> vector<16xi32>
        %ge3A_2713 = arith.constant 0 : i32
        %ge3A_2714 = vector.broadcast %ge3A_2713 : i32 to vector<16xi32>
        %ge3A_2715 = arith.cmpi sge, %bitcast_convert_type3A_2712, %ge3A_2714 : vector<16xi32>
        %xor3A_2716 = arith.constant 2147483647 : i32
        %xor3A_2717 = vector.broadcast %xor3A_2716 : i32 to vector<16xi32>
        %xor3A_2718 = arith.xori %bitcast_convert_type3A_2712, %xor3A_2717 : vector<16xi32>
        %select_n3A_2719 = arith.select %ge3A_2715, %bitcast_convert_type3A_2712, %xor3A_2718 : vector<16xi1>, vector<16xi32>
        %shift_right_arithmetic3A_2720 = arith.constant 24 : i32
        %shift_right_arithmetic3A_2721 = vector.broadcast %shift_right_arithmetic3A_2720 : i32 to vector<16xi32>
        %shift_right_arithmetic3A_2722 = arith.shrsi %select_n3A_2719, %shift_right_arithmetic3A_2721 : vector<16xi32>
        %add3A_2723 = arith.constant 128 : i32
        %add3A_2724 = vector.broadcast %add3A_2723 : i32 to vector<16xi32>
        %add3A_2725 = arith.addi %shift_right_arithmetic3A_2722, %add3A_2724 : vector<16xi32>
        tpu.vector_store_idx %arg5[%add3A_2725], %broadcast_in_dim3A_3 {add = true} : memref<256xi32, #tpu.memory_space<vmem>>[vector<16xi32>], vector<16xi32>,
        %mul3A_2726 = arith.constant 8 : i32
        %mul3A_2727 = arith.muli %scan3A_2683, %mul3A_2726 : i32
        %add3A_2728 = arith.constant 2 : i32
        %add3A_2729 = arith.addi %mul3A_2727, %add3A_2728 : i32
        %mul3A_2730 = arith.constant 16 : i32
        %mul3A_2731 = arith.muli %add3A_2729, %mul3A_2730 : i32
        %get3A_2732 = arith.index_cast %mul3A_2731 : i32 to index
        %get3A_2733 = tpu.vector_load %arg4[%get3A_2732] {strides = array<i32>} : memref<16384xf32, #tpu.memory_space<vmem>>, vector<16xf32>,
        %bitcast_convert_type3A_2734 = tpu.bitcast %get3A_2733 : vector<16xf32> -> vector<16xi32>
        %ge3A_2735 = arith.constant 0 : i32
        %ge3A_2736 = vector.broadcast %ge3A_2735 : i32 to vector<16xi32>
        %ge3A_2737 = arith.cmpi sge, %bitcast_convert_type3A_2734, %ge3A_2736 : vector<16xi32>
        %xor3A_2738 = arith.constant 2147483647 : i32
        %xor3A_2739 = vector.broadcast %xor3A_2738 : i32 to vector<16xi32>
        %xor3A_2740 = arith.xori %bitcast_convert_type3A_2734, %xor3A_2739 : vector<16xi32>
        %select_n3A_2741 = arith.select %ge3A_2737, %bitcast_convert_type3A_2734, %xor3A_2740 : vector<16xi1>, vector<16xi32>
        %shift_right_arithmetic3A_2742 = arith.constant 24 : i32
        %shift_right_arithmetic3A_2743 = vector.broadcast %shift_right_arithmetic3A_2742 : i32 to vector<16xi32>
        %shift_right_arithmetic3A_2744 = arith.shrsi %select_n3A_2741, %shift_right_arithmetic3A_2743 : vector<16xi32>
        %add3A_2745 = arith.constant 128 : i32
        %add3A_2746 = vector.broadcast %add3A_2745 : i32 to vector<16xi32>
        %add3A_2747 = arith.addi %shift_right_arithmetic3A_2744, %add3A_2746 : vector<16xi32>
        tpu.vector_store_idx %arg5[%add3A_2747], %broadcast_in_dim3A_3 {add = true} : memref<256xi32, #tpu.memory_space<vmem>>[vector<16xi32>], vector<16xi32>,
        %mul3A_2748 = arith.constant 8 : i32
        %mul3A_2749 = arith.muli %scan3A_2683, %mul3A_2748 : i32
        %add3A_2750 = arith.constant 3 : i32
        %add3A_2751 = arith.addi %mul3A_2749, %add3A_2750 : i32
        %mul3A_2752 = arith.constant 16 : i32
        %mul3A_2753 = arith.muli %add3A_2751, %mul3A_2752 : i32
        %get3A_2754 = arith.index_cast %mul3A_2753 : i32 to index
        %get3A_2755 = tpu.vector_load %arg4[%get3A_2754] {strides = array<i32>} : memref<16384xf32, #tpu.memory_space<vmem>>, vector<16xf32>,
        %bitcast_convert_type3A_2756 = tpu.bitcast %get3A_2755 : vector<16xf32> -> vector<16xi32>
        %ge3A_2757 = arith.constant 0 : i32
        %ge3A_2758 = vector.broadcast %ge3A_2757 : i32 to vector<16xi32>
        %ge3A_2759 = arith.cmpi sge, %bitcast_convert_type3A_2756, %ge3A_2758 : vector<16xi32>
        %xor3A_2760 = arith.constant 2147483647 : i32
        %xor3A_2761 = vector.broadcast %xor3A_2760 : i32 to vector<16xi32>
        %xor3A_2762 = arith.xori %bitcast_convert_type3A_2756, %xor3A_2761 : vector<16xi32>
        %select_n3A_2763 = arith.select %ge3A_2759, %bitcast_convert_type3A_2756, %xor3A_2762 : vector<16xi1>, vector<16xi32>
        %shift_right_arithmetic3A_2764 = arith.constant 24 : i32
        %shift_right_arithmetic3A_2765 = vector.broadcast %shift_right_arithmetic3A_2764 : i32 to vector<16xi32>
        %shift_right_arithmetic3A_2766 = arith.shrsi %select_n3A_2763, %shift_right_arithmetic3A_2765 : vector<16xi32>
        %add3A_2767 = arith.constant 128 : i32
        %add3A_2768 = vector.broadcast %add3A_2767 : i32 to vector<16xi32>
        %add3A_2769 = arith.addi %shift_right_arithmetic3A_2766, %add3A_2768 : vector<16xi32>
        tpu.vector_store_idx %arg5[%add3A_2769], %broadcast_in_dim3A_3 {add = true} : memref<256xi32, #tpu.memory_space<vmem>>[vector<16xi32>], vector<16xi32>,
        %mul3A_2770 = arith.constant 8 : i32
        %mul3A_2771 = arith.muli %scan3A_2683, %mul3A_2770 : i32
        %add3A_2772 = arith.constant 4 : i32
        %add3A_2773 = arith.addi %mul3A_2771, %add3A_2772 : i32
        %mul3A_2774 = arith.constant 16 : i32
        %mul3A_2775 = arith.muli %add3A_2773, %mul3A_2774 : i32
        %get3A_2776 = arith.index_cast %mul3A_2775 : i32 to index
        %get3A_2777 = tpu.vector_load %arg4[%get3A_2776] {strides = array<i32>} : memref<16384xf32, #tpu.memory_space<vmem>>, vector<16xf32>,
        %bitcast_convert_type3A_2778 = tpu.bitcast %get3A_2777 : vector<16xf32> -> vector<16xi32>
        %ge3A_2779 = arith.constant 0 : i32
        %ge3A_2780 = vector.broadcast %ge3A_2779 : i32 to vector<16xi32>
        %ge3A_2781 = arith.cmpi sge, %bitcast_convert_type3A_2778, %ge3A_2780 : vector<16xi32>
        %xor3A_2782 = arith.constant 2147483647 : i32
        %xor3A_2783 = vector.broadcast %xor3A_2782 : i32 to vector<16xi32>
        %xor3A_2784 = arith.xori %bitcast_convert_type3A_2778, %xor3A_2783 : vector<16xi32>
        %select_n3A_2785 = arith.select %ge3A_2781, %bitcast_convert_type3A_2778, %xor3A_2784 : vector<16xi1>, vector<16xi32>
        %shift_right_arithmetic3A_2786 = arith.constant 24 : i32
        %shift_right_arithmetic3A_2787 = vector.broadcast %shift_right_arithmetic3A_2786 : i32 to vector<16xi32>
        %shift_right_arithmetic3A_2788 = arith.shrsi %select_n3A_2785, %shift_right_arithmetic3A_2787 : vector<16xi32>
        %add3A_2789 = arith.constant 128 : i32
        %add3A_2790 = vector.broadcast %add3A_2789 : i32 to vector<16xi32>
        %add3A_2791 = arith.addi %shift_right_arithmetic3A_2788, %add3A_2790 : vector<16xi32>
        tpu.vector_store_idx %arg5[%add3A_2791], %broadcast_in_dim3A_3 {add = true} : memref<256xi32, #tpu.memory_space<vmem>>[vector<16xi32>], vector<16xi32>,
        %mul3A_2792 = arith.constant 8 : i32
        %mul3A_2793 = arith.muli %scan3A_2683, %mul3A_2792 : i32
        %add3A_2794 = arith.constant 5 : i32
        %add3A_2795 = arith.addi %mul3A_2793, %add3A_2794 : i32
        %mul3A_2796 = arith.constant 16 : i32
        %mul3A_2797 = arith.muli %add3A_2795, %mul3A_2796 : i32
        %get3A_2798 = arith.index_cast %mul3A_2797 : i32 to index
        %get3A_2799 = tpu.vector_load %arg4[%get3A_2798] {strides = array<i32>} : memref<16384xf32, #tpu.memory_space<vmem>>, vector<16xf32>,
        %bitcast_convert_type3A_2800 = tpu.bitcast %get3A_2799 : vector<16xf32> -> vector<16xi32>
        %ge3A_2801 = arith.constant 0 : i32
        %ge3A_2802 = vector.broadcast %ge3A_2801 : i32 to vector<16xi32>
        %ge3A_2803 = arith.cmpi sge, %bitcast_convert_type3A_2800, %ge3A_2802 : vector<16xi32>
        %xor3A_2804 = arith.constant 2147483647 : i32
        %xor3A_2805 = vector.broadcast %xor3A_2804 : i32 to vector<16xi32>
        %xor3A_2806 = arith.xori %bitcast_convert_type3A_2800, %xor3A_2805 : vector<16xi32>
        %select_n3A_2807 = arith.select %ge3A_2803, %bitcast_convert_type3A_2800, %xor3A_2806 : vector<16xi1>, vector<16xi32>
        %shift_right_arithmetic3A_2808 = arith.constant 24 : i32
        %shift_right_arithmetic3A_2809 = vector.broadcast %shift_right_arithmetic3A_2808 : i32 to vector<16xi32>
        %shift_right_arithmetic3A_2810 = arith.shrsi %select_n3A_2807, %shift_right_arithmetic3A_2809 : vector<16xi32>
        %add3A_2811 = arith.constant 128 : i32
        %add3A_2812 = vector.broadcast %add3A_2811 : i32 to vector<16xi32>
        %add3A_2813 = arith.addi %shift_right_arithmetic3A_2810, %add3A_2812 : vector<16xi32>
        tpu.vector_store_idx %arg5[%add3A_2813], %broadcast_in_dim3A_3 {add = true} : memref<256xi32, #tpu.memory_space<vmem>>[vector<16xi32>], vector<16xi32>,
        %mul3A_2814 = arith.constant 8 : i32
        %mul3A_2815 = arith.muli %scan3A_2683, %mul3A_2814 : i32
        %add3A_2816 = arith.constant 6 : i32
        %add3A_2817 = arith.addi %mul3A_2815, %add3A_2816 : i32
        %mul3A_2818 = arith.constant 16 : i32
        %mul3A_2819 = arith.muli %add3A_2817, %mul3A_2818 : i32
        %get3A_2820 = arith.index_cast %mul3A_2819 : i32 to index
        %get3A_2821 = tpu.vector_load %arg4[%get3A_2820] {strides = array<i32>} : memref<16384xf32, #tpu.memory_space<vmem>>, vector<16xf32>,
        %bitcast_convert_type3A_2822 = tpu.bitcast %get3A_2821 : vector<16xf32> -> vector<16xi32>
        %ge3A_2823 = arith.constant 0 : i32
        %ge3A_2824 = vector.broadcast %ge3A_2823 : i32 to vector<16xi32>
        %ge3A_2825 = arith.cmpi sge, %bitcast_convert_type3A_2822, %ge3A_2824 : vector<16xi32>
        %xor3A_2826 = arith.constant 2147483647 : i32
        %xor3A_2827 = vector.broadcast %xor3A_2826 : i32 to vector<16xi32>
        %xor3A_2828 = arith.xori %bitcast_convert_type3A_2822, %xor3A_2827 : vector<16xi32>
        %select_n3A_2829 = arith.select %ge3A_2825, %bitcast_convert_type3A_2822, %xor3A_2828 : vector<16xi1>, vector<16xi32>
        %shift_right_arithmetic3A_2830 = arith.constant 24 : i32
        %shift_right_arithmetic3A_2831 = vector.broadcast %shift_right_arithmetic3A_2830 : i32 to vector<16xi32>
        %shift_right_arithmetic3A_2832 = arith.shrsi %select_n3A_2829, %shift_right_arithmetic3A_2831 : vector<16xi32>
        %add3A_2833 = arith.constant 128 : i32
        %add3A_2834 = vector.broadcast %add3A_2833 : i32 to vector<16xi32>
        %add3A_2835 = arith.addi %shift_right_arithmetic3A_2832, %add3A_2834 : vector<16xi32>
        tpu.vector_store_idx %arg5[%add3A_2835], %broadcast_in_dim3A_3 {add = true} : memref<256xi32, #tpu.memory_space<vmem>>[vector<16xi32>], vector<16xi32>,
        %mul3A_2836 = arith.constant 8 : i32
        %mul3A_2837 = arith.muli %scan3A_2683, %mul3A_2836 : i32
        %add3A_2838 = arith.constant 7 : i32
        %add3A_2839 = arith.addi %mul3A_2837, %add3A_2838 : i32
        %mul3A_2840 = arith.constant 16 : i32
        %mul3A_2841 = arith.muli %add3A_2839, %mul3A_2840 : i32
        %get3A_2842 = arith.index_cast %mul3A_2841 : i32 to index
        %get3A_2843 = tpu.vector_load %arg4[%get3A_2842] {strides = array<i32>} : memref<16384xf32, #tpu.memory_space<vmem>>, vector<16xf32>,
        %bitcast_convert_type3A_2844 = tpu.bitcast %get3A_2843 : vector<16xf32> -> vector<16xi32>
        %ge3A_2845 = arith.constant 0 : i32
        %ge3A_2846 = vector.broadcast %ge3A_2845 : i32 to vector<16xi32>
        %ge3A_2847 = arith.cmpi sge, %bitcast_convert_type3A_2844, %ge3A_2846 : vector<16xi32>
        %xor3A_2848 = arith.constant 2147483647 : i32
        %xor3A_2849 = vector.broadcast %xor3A_2848 : i32 to vector<16xi32>
        %xor3A_2850 = arith.xori %bitcast_convert_type3A_2844, %xor3A_2849 : vector<16xi32>
        %select_n3A_2851 = arith.select %ge3A_2847, %bitcast_convert_type3A_2844, %xor3A_2850 : vector<16xi1>, vector<16xi32>
        %shift_right_arithmetic3A_2852 = arith.constant 24 : i32
        %shift_right_arithmetic3A_2853 = vector.broadcast %shift_right_arithmetic3A_2852 : i32 to vector<16xi32>
        %shift_right_arithmetic3A_2854 = arith.shrsi %select_n3A_2851, %shift_right_arithmetic3A_2853 : vector<16xi32>
        %add3A_2855 = arith.constant 128 : i32
        %add3A_2856 = vector.broadcast %add3A_2855 : i32 to vector<16xi32>
        %add3A_2857 = arith.addi %shift_right_arithmetic3A_2854, %add3A_2856 : vector<16xi32>
        tpu.vector_store_idx %arg5[%add3A_2857], %broadcast_in_dim3A_3 {add = true} : memref<256xi32, #tpu.memory_space<vmem>>[vector<16xi32>], vector<16xi32>,
        %scan3A_2858 = arith.constant 0 : i32
        scf.yield %scan3A_2858 : i32
      }
      %scan3A_72 = arith.constant 128 : i32
      %broadcast_in_dim3A_73 = arith.constant 0 : i32
      %broadcast_in_dim3A_74 = vector.broadcast %broadcast_in_dim3A_73 : i32 to vector<16xi32>
      %get3A = arith.constant 0 : index
      %get3A_75 = tpu.vector_load %arg5[%get3A] {strides = array<i32>} : memref<256xi32, #tpu.memory_space<vmem>>, vector<16xi32>,
      %add3A_76 = arith.addi %broadcast_in_dim3A_74, %get3A_75 : vector<16xi32>
      %get3A_77 = arith.constant 16 : index
      %get3A_78 = tpu.vector_load %arg5[%get3A_77] {strides = array<i32>} : memref<256xi32, #tpu.memory_space<vmem>>, vector<16xi32>,
      %add3A_79 = arith.addi %add3A_76, %get3A_78 : vector<16xi32>
      %get3A_80 = arith.constant 32 : index
      %get3A_81 = tpu.vector_load %arg5[%get3A_80] {strides = array<i32>} : memref<256xi32, #tpu.memory_space<vmem>>, vector<16xi32>,
      %add3A_82 = arith.addi %add3A_79, %get3A_81 : vector<16xi32>
      %get3A_83 = arith.constant 48 : index
      %get3A_84 = tpu.vector_load %arg5[%get3A_83] {strides = array<i32>} : memref<256xi32, #tpu.memory_space<vmem>>, vector<16xi32>,
      %add3A_85 = arith.addi %add3A_82, %get3A_84 : vector<16xi32>
      %get3A_86 = arith.constant 64 : index
      %get3A_87 = tpu.vector_load %arg5[%get3A_86] {strides = array<i32>} : memref<256xi32, #tpu.memory_space<vmem>>, vector<16xi32>,
      %add3A_88 = arith.addi %add3A_85, %get3A_87 : vector<16xi32>
      %get3A_89 = arith.constant 80 : index
      %get3A_90 = tpu.vector_load %arg5[%get3A_89] {strides = array<i32>} : memref<256xi32, #tpu.memory_space<vmem>>, vector<16xi32>,
      %add3A_91 = arith.addi %add3A_88, %get3A_90 : vector<16xi32>
      %get3A_92 = arith.constant 96 : index
      %get3A_93 = tpu.vector_load %arg5[%get3A_92] {strides = array<i32>} : memref<256xi32, #tpu.memory_space<vmem>>, vector<16xi32>,
      %add3A_94 = arith.addi %add3A_91, %get3A_93 : vector<16xi32>
      %get3A_95 = arith.constant 112 : index
      %get3A_96 = tpu.vector_load %arg5[%get3A_95] {strides = array<i32>} : memref<256xi32, #tpu.memory_space<vmem>>, vector<16xi32>,
      %add3A_97 = arith.addi %add3A_94, %get3A_96 : vector<16xi32>
      %get3A_98 = arith.constant 128 : index
      %get3A_99 = tpu.vector_load %arg5[%get3A_98] {strides = array<i32>} : memref<256xi32, #tpu.memory_space<vmem>>, vector<16xi32>,
      %add3A_100 = arith.addi %add3A_97, %get3A_99 : vector<16xi32>
      %get3A_101 = arith.constant 144 : index
      %get3A_102 = tpu.vector_load %arg5[%get3A_101] {strides = array<i32>} : memref<256xi32, #tpu.memory_space<vmem>>, vector<16xi32>,
      %add3A_103 = arith.addi %add3A_100, %get3A_102 : vector<16xi32>
      %get3A_104 = arith.constant 160 : index
      %get3A_105 = tpu.vector_load %arg5[%get3A_104] {strides = array<i32>} : memref<256xi32, #tpu.memory_space<vmem>>, vector<16xi32>,
      %add3A_106 = arith.addi %add3A_103, %get3A_105 : vector<16xi32>
      %get3A_107 = arith.constant 176 : index
      %get3A_108 = tpu.vector_load %arg5[%get3A_107] {strides = array<i32>} : memref<256xi32, #tpu.memory_space<vmem>>, vector<16xi32>,
      %add3A_109 = arith.addi %add3A_106, %get3A_108 : vector<16xi32>
      %get3A_110 = arith.constant 192 : index
      %get3A_111 = tpu.vector_load %arg5[%get3A_110] {strides = array<i32>} : memref<256xi32, #tpu.memory_space<vmem>>, vector<16xi32>,
      %add3A_112 = arith.addi %add3A_109, %get3A_111 : vector<16xi32>
      %get3A_113 = arith.constant 208 : index
      %get3A_114 = tpu.vector_load %arg5[%get3A_113] {strides = array<i32>} : memref<256xi32, #tpu.memory_space<vmem>>, vector<16xi32>,
      %add3A_115 = arith.addi %add3A_112, %get3A_114 : vector<16xi32>
      %get3A_116 = arith.constant 224 : index
      %get3A_117 = tpu.vector_load %arg5[%get3A_116] {strides = array<i32>} : memref<256xi32, #tpu.memory_space<vmem>>, vector<16xi32>,
      %add3A_118 = arith.addi %add3A_115, %get3A_117 : vector<16xi32>
      %get3A_119 = arith.constant 240 : index
      %get3A_120 = tpu.vector_load %arg5[%get3A_119] {strides = array<i32>} : memref<256xi32, #tpu.memory_space<vmem>>, vector<16xi32>,
      %add3A_121 = arith.addi %add3A_118, %get3A_120 : vector<16xi32>
      %reduce_sum3A = arith.constant true
      %reduce_sum3A_122 = vector.broadcast %reduce_sum3A : i1 to vector<16xi1>
      %reduce_sum3A_123 = tpu.scan <sum>, %add3A_121 masked %reduce_sum3A_122 : vector<16xi32>, vector<16xi1> -> vector<16xi32>
      %reduce_sum3A_124 = vector.extract %reduce_sum3A_123[15] : i32 from vector<16xi32>
      %get3A_125 = arith.constant 0 : index
      %get3A_126 = tpu.vector_load %arg5[%get3A_125] {strides = array<i32>} : memref<256xi32, #tpu.memory_space<vmem>>, vector<16xi32>,
      %broadcast_in_dim3A_127 = arith.constant true
      %broadcast_in_dim3A_128 = vector.broadcast %broadcast_in_dim3A_127 : i1 to vector<16xi1>
      %masked_cumsum3A = tpu.scan <sum>, %get3A_126 masked %broadcast_in_dim3A_128 : vector<16xi32>, vector<16xi1> -> vector<16xi32>
      %sub3A = arith.subi %masked_cumsum3A, %get3A_126 : vector<16xi32>
      %add3A_129 = arith.constant 0 : i32
      %add3A_130 = vector.broadcast %add3A_129 : i32 to vector<16xi32>
      %add3A_131 = arith.addi %add3A_130, %sub3A : vector<16xi32>
      %sub3A_132 = vector.broadcast %reduce_sum3A_124 : i32 to vector<16xi32>
      %sub3A_133 = arith.subi %sub3A_132, %add3A_131 : vector<16xi32>
      %ge3A = arith.constant 1024 : i32
      %ge3A_134 = vector.broadcast %ge3A : i32 to vector<16xi32>
      %ge3A_135 = arith.cmpi sge, %sub3A_133, %ge3A_134 : vector<16xi32>
      %add3A_136 = arith.constant 0 : i32
      %add3A_137 = vector.broadcast %add3A_136 : i32 to vector<16xi32>
      %add3A_138 = arith.addi %iota3A, %add3A_137 : vector<16xi32>
      %jit3A = arith.constant 0 : i32
      %broadcast_in_dim3A_139 = vector.broadcast %jit3A : i32 to vector<16xi32>
      %select_n3A = arith.select %ge3A_135, %add3A_138, %broadcast_in_dim3A_139 : vector<16xi1>, vector<16xi32>
      %reduce_max3A = arith.constant true
      %reduce_max3A_140 = vector.broadcast %reduce_max3A : i1 to vector<16xi1>
      %reduce_max3A_141 = arith.constant -2147483648 : i32
      %reduce_max3A_142 = vector.broadcast %reduce_max3A_141 : i32 to vector<16xi32>
      %reduce_max3A_143 = arith.xori %select_n3A, %reduce_max3A_142 : vector<16xi32>
      %reduce_max3A_144 = tpu.scan <max>, %reduce_max3A_143 masked %reduce_max3A_140 : vector<16xi32>, vector<16xi1> -> vector<16xi32>
      %reduce_max3A_145 = arith.xori %reduce_max3A_144, %reduce_max3A_142 : vector<16xi32>
      %reduce_max3A_146 = vector.extract %reduce_max3A_145[15] : i32 from vector<16xi32>
      %max3A = arith.constant 0 : i32
      %max3A_147 = arith.maxsi %max3A, %reduce_max3A_146 : i32
      %reduce_sum3A_148 = arith.constant true
      %reduce_sum3A_149 = vector.broadcast %reduce_sum3A_148 : i1 to vector<16xi1>
      %reduce_sum3A_150 = tpu.scan <sum>, %get3A_126 masked %reduce_sum3A_149 : vector<16xi32>, vector<16xi1> -> vector<16xi32>
      %reduce_sum3A_151 = vector.extract %reduce_sum3A_150[15] : i32 from vector<16xi32>
      %add3A_152 = arith.constant 0 : i32
      %add3A_153 = arith.addi %add3A_152, %reduce_sum3A_151 : i32
      %get3A_154 = arith.constant 16 : index
      %get3A_155 = tpu.vector_load %arg5[%get3A_154] {strides = array<i32>} : memref<256xi32, #tpu.memory_space<vmem>>, vector<16xi32>,
      %broadcast_in_dim3A_156 = arith.constant true
      %broadcast_in_dim3A_157 = vector.broadcast %broadcast_in_dim3A_156 : i1 to vector<16xi1>
      %masked_cumsum3A_158 = tpu.scan <sum>, %get3A_155 masked %broadcast_in_dim3A_157 : vector<16xi32>, vector<16xi1> -> vector<16xi32>
      %sub3A_159 = arith.subi %masked_cumsum3A_158, %get3A_155 : vector<16xi32>
      %add3A_160 = vector.broadcast %add3A_153 : i32 to vector<16xi32>
      %add3A_161 = arith.addi %add3A_160, %sub3A_159 : vector<16xi32>
      %sub3A_162 = vector.broadcast %reduce_sum3A_124 : i32 to vector<16xi32>
      %sub3A_163 = arith.subi %sub3A_162, %add3A_161 : vector<16xi32>
      %ge3A_164 = arith.constant 1024 : i32
      %ge3A_165 = vector.broadcast %ge3A_164 : i32 to vector<16xi32>
      %ge3A_166 = arith.cmpi sge, %sub3A_163, %ge3A_165 : vector<16xi32>
      %add3A_167 = arith.constant 16 : i32
      %add3A_168 = vector.broadcast %add3A_167 : i32 to vector<16xi32>
      %add3A_169 = arith.addi %iota3A, %add3A_168 : vector<16xi32>
      %jit3A_170 = arith.constant 0 : i32
      %broadcast_in_dim3A_171 = vector.broadcast %jit3A_170 : i32 to vector<16xi32>
      %select_n3A_172 = arith.select %ge3A_166, %add3A_169, %broadcast_in_dim3A_171 : vector<16xi1>, vector<16xi32>
      %reduce_max3A_173 = arith.constant true
      %reduce_max3A_174 = vector.broadcast %reduce_max3A_173 : i1 to vector<16xi1>
      %reduce_max3A_175 = arith.constant -2147483648 : i32
      %reduce_max3A_176 = vector.broadcast %reduce_max3A_175 : i32 to vector<16xi32>
      %reduce_max3A_177 = arith.xori %select_n3A_172, %reduce_max3A_176 : vector<16xi32>
      %reduce_max3A_178 = tpu.scan <max>, %reduce_max3A_177 masked %reduce_max3A_174 : vector<16xi32>, vector<16xi1> -> vector<16xi32>
      %reduce_max3A_179 = arith.xori %reduce_max3A_178, %reduce_max3A_176 : vector<16xi32>
      %reduce_max3A_180 = vector.extract %reduce_max3A_179[15] : i32 from vector<16xi32>
      %max3A_181 = arith.maxsi %max3A_147, %reduce_max3A_180 : i32
      %reduce_sum3A_182 = arith.constant true
      %reduce_sum3A_183 = vector.broadcast %reduce_sum3A_182 : i1 to vector<16xi1>
      %reduce_sum3A_184 = tpu.scan <sum>, %get3A_155 masked %reduce_sum3A_183 : vector<16xi32>, vector<16xi1> -> vector<16xi32>
      %reduce_sum3A_185 = vector.extract %reduce_sum3A_184[15] : i32 from vector<16xi32>
      %add3A_186 = arith.addi %add3A_153, %reduce_sum3A_185 : i32
      %get3A_187 = arith.constant 32 : index
      %get3A_188 = tpu.vector_load %arg5[%get3A_187] {strides = array<i32>} : memref<256xi32, #tpu.memory_space<vmem>>, vector<16xi32>,
      %broadcast_in_dim3A_189 = arith.constant true
      %broadcast_in_dim3A_190 = vector.broadcast %broadcast_in_dim3A_189 : i1 to vector<16xi1>
      %masked_cumsum3A_191 = tpu.scan <sum>, %get3A_188 masked %broadcast_in_dim3A_190 : vector<16xi32>, vector<16xi1> -> vector<16xi32>
      %sub3A_192 = arith.subi %masked_cumsum3A_191, %get3A_188 : vector<16xi32>
      %add3A_193 = vector.broadcast %add3A_186 : i32 to vector<16xi32>
      %add3A_194 = arith.addi %add3A_193, %sub3A_192 : vector<16xi32>
      %sub3A_195 = vector.broadcast %reduce_sum3A_124 : i32 to vector<16xi32>
      %sub3A_196 = arith.subi %sub3A_195, %add3A_194 : vector<16xi32>
      %ge3A_197 = arith.constant 1024 : i32
      %ge3A_198 = vector.broadcast %ge3A_197 : i32 to vector<16xi32>
      %ge3A_199 = arith.cmpi sge, %sub3A_196, %ge3A_198 : vector<16xi32>
      %add3A_200 = arith.constant 32 : i32
      %add3A_201 = vector.broadcast %add3A_200 : i32 to vector<16xi32>
      %add3A_202 = arith.addi %iota3A, %add3A_201 : vector<16xi32>
      %jit3A_203 = arith.constant 0 : i32
      %broadcast_in_dim3A_204 = vector.broadcast %jit3A_203 : i32 to vector<16xi32>
      %select_n3A_205 = arith.select %ge3A_199, %add3A_202, %broadcast_in_dim3A_204 : vector<16xi1>, vector<16xi32>
      %reduce_max3A_206 = arith.constant true
      %reduce_max3A_207 = vector.broadcast %reduce_max3A_206 : i1 to vector<16xi1>
      %reduce_max3A_208 = arith.constant -2147483648 : i32
      %reduce_max3A_209 = vector.broadcast %reduce_max3A_208 : i32 to vector<16xi32>
      %reduce_max3A_210 = arith.xori %select_n3A_205, %reduce_max3A_209 : vector<16xi32>
      %reduce_max3A_211 = tpu.scan <max>, %reduce_max3A_210 masked %reduce_max3A_207 : vector<16xi32>, vector<16xi1> -> vector<16xi32>
      %reduce_max3A_212 = arith.xori %reduce_max3A_211, %reduce_max3A_209 : vector<16xi32>
      %reduce_max3A_213 = vector.extract %reduce_max3A_212[15] : i32 from vector<16xi32>
      %max3A_214 = arith.maxsi %max3A_181, %reduce_max3A_213 : i32
      %reduce_sum3A_215 = arith.constant true
      %reduce_sum3A_216 = vector.broadcast %reduce_sum3A_215 : i1 to vector<16xi1>
      %reduce_sum3A_217 = tpu.scan <sum>, %get3A_188 masked %reduce_sum3A_216 : vector<16xi32>, vector<16xi1> -> vector<16xi32>
      %reduce_sum3A_218 = vector.extract %reduce_sum3A_217[15] : i32 from vector<16xi32>
      %add3A_219 = arith.addi %add3A_186, %reduce_sum3A_218 : i32
      %get3A_220 = arith.constant 48 : index
      %get3A_221 = tpu.vector_load %arg5[%get3A_220] {strides = array<i32>} : memref<256xi32, #tpu.memory_space<vmem>>, vector<16xi32>,
      %broadcast_in_dim3A_222 = arith.constant true
      %broadcast_in_dim3A_223 = vector.broadcast %broadcast_in_dim3A_222 : i1 to vector<16xi1>
      %masked_cumsum3A_224 = tpu.scan <sum>, %get3A_221 masked %broadcast_in_dim3A_223 : vector<16xi32>, vector<16xi1> -> vector<16xi32>
      %sub3A_225 = arith.subi %masked_cumsum3A_224, %get3A_221 : vector<16xi32>
      %add3A_226 = vector.broadcast %add3A_219 : i32 to vector<16xi32>
      %add3A_227 = arith.addi %add3A_226, %sub3A_225 : vector<16xi32>
      %sub3A_228 = vector.broadcast %reduce_sum3A_124 : i32 to vector<16xi32>
      %sub3A_229 = arith.subi %sub3A_228, %add3A_227 : vector<16xi32>
      %ge3A_230 = arith.constant 1024 : i32
      %ge3A_231 = vector.broadcast %ge3A_230 : i32 to vector<16xi32>
      %ge3A_232 = arith.cmpi sge, %sub3A_229, %ge3A_231 : vector<16xi32>
      %add3A_233 = arith.constant 48 : i32
      %add3A_234 = vector.broadcast %add3A_233 : i32 to vector<16xi32>
      %add3A_235 = arith.addi %iota3A, %add3A_234 : vector<16xi32>
      %jit3A_236 = arith.constant 0 : i32
      %broadcast_in_dim3A_237 = vector.broadcast %jit3A_236 : i32 to vector<16xi32>
      %select_n3A_238 = arith.select %ge3A_232, %add3A_235, %broadcast_in_dim3A_237 : vector<16xi1>, vector<16xi32>
      %reduce_max3A_239 = arith.constant true
      %reduce_max3A_240 = vector.broadcast %reduce_max3A_239 : i1 to vector<16xi1>
      %reduce_max3A_241 = arith.constant -2147483648 : i32
      %reduce_max3A_242 = vector.broadcast %reduce_max3A_241 : i32 to vector<16xi32>
      %reduce_max3A_243 = arith.xori %select_n3A_238, %reduce_max3A_242 : vector<16xi32>
      %reduce_max3A_244 = tpu.scan <max>, %reduce_max3A_243 masked %reduce_max3A_240 : vector<16xi32>, vector<16xi1> -> vector<16xi32>
      %reduce_max3A_245 = arith.xori %reduce_max3A_244, %reduce_max3A_242 : vector<16xi32>
      %reduce_max3A_246 = vector.extract %reduce_max3A_245[15] : i32 from vector<16xi32>
      %max3A_247 = arith.maxsi %max3A_214, %reduce_max3A_246 : i32
      %reduce_sum3A_248 = arith.constant true
      %reduce_sum3A_249 = vector.broadcast %reduce_sum3A_248 : i1 to vector<16xi1>
      %reduce_sum3A_250 = tpu.scan <sum>, %get3A_221 masked %reduce_sum3A_249 : vector<16xi32>, vector<16xi1> -> vector<16xi32>
      %reduce_sum3A_251 = vector.extract %reduce_sum3A_250[15] : i32 from vector<16xi32>
      %add3A_252 = arith.addi %add3A_219, %reduce_sum3A_251 : i32
      %get3A_253 = arith.constant 64 : index
      %get3A_254 = tpu.vector_load %arg5[%get3A_253] {strides = array<i32>} : memref<256xi32, #tpu.memory_space<vmem>>, vector<16xi32>,
      %broadcast_in_dim3A_255 = arith.constant true
      %broadcast_in_dim3A_256 = vector.broadcast %broadcast_in_dim3A_255 : i1 to vector<16xi1>
      %masked_cumsum3A_257 = tpu.scan <sum>, %get3A_254 masked %broadcast_in_dim3A_256 : vector<16xi32>, vector<16xi1> -> vector<16xi32>
      %sub3A_258 = arith.subi %masked_cumsum3A_257, %get3A_254 : vector<16xi32>
      %add3A_259 = vector.broadcast %add3A_252 : i32 to vector<16xi32>
      %add3A_260 = arith.addi %add3A_259, %sub3A_258 : vector<16xi32>
      %sub3A_261 = vector.broadcast %reduce_sum3A_124 : i32 to vector<16xi32>
      %sub3A_262 = arith.subi %sub3A_261, %add3A_260 : vector<16xi32>
      %ge3A_263 = arith.constant 1024 : i32
      %ge3A_264 = vector.broadcast %ge3A_263 : i32 to vector<16xi32>
      %ge3A_265 = arith.cmpi sge, %sub3A_262, %ge3A_264 : vector<16xi32>
      %add3A_266 = arith.constant 64 : i32
      %add3A_267 = vector.broadcast %add3A_266 : i32 to vector<16xi32>
      %add3A_268 = arith.addi %iota3A, %add3A_267 : vector<16xi32>
      %jit3A_269 = arith.constant 0 : i32
      %broadcast_in_dim3A_270 = vector.broadcast %jit3A_269 : i32 to vector<16xi32>
      %select_n3A_271 = arith.select %ge3A_265, %add3A_268, %broadcast_in_dim3A_270 : vector<16xi1>, vector<16xi32>
      %reduce_max3A_272 = arith.constant true
      %reduce_max3A_273 = vector.broadcast %reduce_max3A_272 : i1 to vector<16xi1>
      %reduce_max3A_274 = arith.constant -2147483648 : i32
      %reduce_max3A_275 = vector.broadcast %reduce_max3A_274 : i32 to vector<16xi32>
      %reduce_max3A_276 = arith.xori %select_n3A_271, %reduce_max3A_275 : vector<16xi32>
      %reduce_max3A_277 = tpu.scan <max>, %reduce_max3A_276 masked %reduce_max3A_273 : vector<16xi32>, vector<16xi1> -> vector<16xi32>
      %reduce_max3A_278 = arith.xori %reduce_max3A_277, %reduce_max3A_275 : vector<16xi32>
      %reduce_max3A_279 = vector.extract %reduce_max3A_278[15] : i32 from vector<16xi32>
      %max3A_280 = arith.maxsi %max3A_247, %reduce_max3A_279 : i32
      %reduce_sum3A_281 = arith.constant true
      %reduce_sum3A_282 = vector.broadcast %reduce_sum3A_281 : i1 to vector<16xi1>
      %reduce_sum3A_283 = tpu.scan <sum>, %get3A_254 masked %reduce_sum3A_282 : vector<16xi32>, vector<16xi1> -> vector<16xi32>
      %reduce_sum3A_284 = vector.extract %reduce_sum3A_283[15] : i32 from vector<16xi32>
      %add3A_285 = arith.addi %add3A_252, %reduce_sum3A_284 : i32
      %get3A_286 = arith.constant 80 : index
      %get3A_287 = tpu.vector_load %arg5[%get3A_286] {strides = array<i32>} : memref<256xi32, #tpu.memory_space<vmem>>, vector<16xi32>,
      %broadcast_in_dim3A_288 = arith.constant true
      %broadcast_in_dim3A_289 = vector.broadcast %broadcast_in_dim3A_288 : i1 to vector<16xi1>
      %masked_cumsum3A_290 = tpu.scan <sum>, %get3A_287 masked %broadcast_in_dim3A_289 : vector<16xi32>, vector<16xi1> -> vector<16xi32>
      %sub3A_291 = arith.subi %masked_cumsum3A_290, %get3A_287 : vector<16xi32>
      %add3A_292 = vector.broadcast %add3A_285 : i32 to vector<16xi32>
      %add3A_293 = arith.addi %add3A_292, %sub3A_291 : vector<16xi32>
      %sub3A_294 = vector.broadcast %reduce_sum3A_124 : i32 to vector<16xi32>
      %sub3A_295 = arith.subi %sub3A_294, %add3A_293 : vector<16xi32>
      %ge3A_296 = arith.constant 1024 : i32
      %ge3A_297 = vector.broadcast %ge3A_296 : i32 to vector<16xi32>
      %ge3A_298 = arith.cmpi sge, %sub3A_295, %ge3A_297 : vector<16xi32>
      %add3A_299 = arith.constant 80 : i32
      %add3A_300 = vector.broadcast %add3A_299 : i32 to vector<16xi32>
      %add3A_301 = arith.addi %iota3A, %add3A_300 : vector<16xi32>
      %jit3A_302 = arith.constant 0 : i32
      %broadcast_in_dim3A_303 = vector.broadcast %jit3A_302 : i32 to vector<16xi32>
      %select_n3A_304 = arith.select %ge3A_298, %add3A_301, %broadcast_in_dim3A_303 : vector<16xi1>, vector<16xi32>
      %reduce_max3A_305 = arith.constant true
      %reduce_max3A_306 = vector.broadcast %reduce_max3A_305 : i1 to vector<16xi1>
      %reduce_max3A_307 = arith.constant -2147483648 : i32
      %reduce_max3A_308 = vector.broadcast %reduce_max3A_307 : i32 to vector<16xi32>
      %reduce_max3A_309 = arith.xori %select_n3A_304, %reduce_max3A_308 : vector<16xi32>
      %reduce_max3A_310 = tpu.scan <max>, %reduce_max3A_309 masked %reduce_max3A_306 : vector<16xi32>, vector<16xi1> -> vector<16xi32>
      %reduce_max3A_311 = arith.xori %reduce_max3A_310, %reduce_max3A_308 : vector<16xi32>
      %reduce_max3A_312 = vector.extract %reduce_max3A_311[15] : i32 from vector<16xi32>
      %max3A_313 = arith.maxsi %max3A_280, %reduce_max3A_312 : i32
      %reduce_sum3A_314 = arith.constant true
      %reduce_sum3A_315 = vector.broadcast %reduce_sum3A_314 : i1 to vector<16xi1>
      %reduce_sum3A_316 = tpu.scan <sum>, %get3A_287 masked %reduce_sum3A_315 : vector<16xi32>, vector<16xi1> -> vector<16xi32>
      %reduce_sum3A_317 = vector.extract %reduce_sum3A_316[15] : i32 from vector<16xi32>
      %add3A_318 = arith.addi %add3A_285, %reduce_sum3A_317 : i32
      %get3A_319 = arith.constant 96 : index
      %get3A_320 = tpu.vector_load %arg5[%get3A_319] {strides = array<i32>} : memref<256xi32, #tpu.memory_space<vmem>>, vector<16xi32>,
      %broadcast_in_dim3A_321 = arith.constant true
      %broadcast_in_dim3A_322 = vector.broadcast %broadcast_in_dim3A_321 : i1 to vector<16xi1>
      %masked_cumsum3A_323 = tpu.scan <sum>, %get3A_320 masked %broadcast_in_dim3A_322 : vector<16xi32>, vector<16xi1> -> vector<16xi32>
      %sub3A_324 = arith.subi %masked_cumsum3A_323, %get3A_320 : vector<16xi32>
      %add3A_325 = vector.broadcast %add3A_318 : i32 to vector<16xi32>
      %add3A_326 = arith.addi %add3A_325, %sub3A_324 : vector<16xi32>
      %sub3A_327 = vector.broadcast %reduce_sum3A_124 : i32 to vector<16xi32>
      %sub3A_328 = arith.subi %sub3A_327, %add3A_326 : vector<16xi32>
      %ge3A_329 = arith.constant 1024 : i32
      %ge3A_330 = vector.broadcast %ge3A_329 : i32 to vector<16xi32>
      %ge3A_331 = arith.cmpi sge, %sub3A_328, %ge3A_330 : vector<16xi32>
      %add3A_332 = arith.constant 96 : i32
      %add3A_333 = vector.broadcast %add3A_332 : i32 to vector<16xi32>
      %add3A_334 = arith.addi %iota3A, %add3A_333 : vector<16xi32>
      %jit3A_335 = arith.constant 0 : i32
      %broadcast_in_dim3A_336 = vector.broadcast %jit3A_335 : i32 to vector<16xi32>
      %select_n3A_337 = arith.select %ge3A_331, %add3A_334, %broadcast_in_dim3A_336 : vector<16xi1>, vector<16xi32>
      %reduce_max3A_338 = arith.constant true
      %reduce_max3A_339 = vector.broadcast %reduce_max3A_338 : i1 to vector<16xi1>
      %reduce_max3A_340 = arith.constant -2147483648 : i32
      %reduce_max3A_341 = vector.broadcast %reduce_max3A_340 : i32 to vector<16xi32>
      %reduce_max3A_342 = arith.xori %select_n3A_337, %reduce_max3A_341 : vector<16xi32>
      %reduce_max3A_343 = tpu.scan <max>, %reduce_max3A_342 masked %reduce_max3A_339 : vector<16xi32>, vector<16xi1> -> vector<16xi32>
      %reduce_max3A_344 = arith.xori %reduce_max3A_343, %reduce_max3A_341 : vector<16xi32>
      %reduce_max3A_345 = vector.extract %reduce_max3A_344[15] : i32 from vector<16xi32>
      %max3A_346 = arith.maxsi %max3A_313, %reduce_max3A_345 : i32
      %reduce_sum3A_347 = arith.constant true
      %reduce_sum3A_348 = vector.broadcast %reduce_sum3A_347 : i1 to vector<16xi1>
      %reduce_sum3A_349 = tpu.scan <sum>, %get3A_320 masked %reduce_sum3A_348 : vector<16xi32>, vector<16xi1> -> vector<16xi32>
      %reduce_sum3A_350 = vector.extract %reduce_sum3A_349[15] : i32 from vector<16xi32>
      %add3A_351 = arith.addi %add3A_318, %reduce_sum3A_350 : i32
      %get3A_352 = arith.constant 112 : index
      %get3A_353 = tpu.vector_load %arg5[%get3A_352] {strides = array<i32>} : memref<256xi32, #tpu.memory_space<vmem>>, vector<16xi32>,
      %broadcast_in_dim3A_354 = arith.constant true
      %broadcast_in_dim3A_355 = vector.broadcast %broadcast_in_dim3A_354 : i1 to vector<16xi1>
      %masked_cumsum3A_356 = tpu.scan <sum>, %get3A_353 masked %broadcast_in_dim3A_355 : vector<16xi32>, vector<16xi1> -> vector<16xi32>
      %sub3A_357 = arith.subi %masked_cumsum3A_356, %get3A_353 : vector<16xi32>
      %add3A_358 = vector.broadcast %add3A_351 : i32 to vector<16xi32>
      %add3A_359 = arith.addi %add3A_358, %sub3A_357 : vector<16xi32>
      %sub3A_360 = vector.broadcast %reduce_sum3A_124 : i32 to vector<16xi32>
      %sub3A_361 = arith.subi %sub3A_360, %add3A_359 : vector<16xi32>
      %ge3A_362 = arith.constant 1024 : i32
      %ge3A_363 = vector.broadcast %ge3A_362 : i32 to vector<16xi32>
      %ge3A_364 = arith.cmpi sge, %sub3A_361, %ge3A_363 : vector<16xi32>
      %add3A_365 = arith.constant 112 : i32
      %add3A_366 = vector.broadcast %add3A_365 : i32 to vector<16xi32>
      %add3A_367 = arith.addi %iota3A, %add3A_366 : vector<16xi32>
      %jit3A_368 = arith.constant 0 : i32
      %broadcast_in_dim3A_369 = vector.broadcast %jit3A_368 : i32 to vector<16xi32>
      %select_n3A_370 = arith.select %ge3A_364, %add3A_367, %broadcast_in_dim3A_369 : vector<16xi1>, vector<16xi32>
      %reduce_max3A_371 = arith.constant true
      %reduce_max3A_372 = vector.broadcast %reduce_max3A_371 : i1 to vector<16xi1>
      %reduce_max3A_373 = arith.constant -2147483648 : i32
      %reduce_max3A_374 = vector.broadcast %reduce_max3A_373 : i32 to vector<16xi32>
      %reduce_max3A_375 = arith.xori %select_n3A_370, %reduce_max3A_374 : vector<16xi32>
      %reduce_max3A_376 = tpu.scan <max>, %reduce_max3A_375 masked %reduce_max3A_372 : vector<16xi32>, vector<16xi1> -> vector<16xi32>
      %reduce_max3A_377 = arith.xori %reduce_max3A_376, %reduce_max3A_374 : vector<16xi32>
      %reduce_max3A_378 = vector.extract %reduce_max3A_377[15] : i32 from vector<16xi32>
      %max3A_379 = arith.maxsi %max3A_346, %reduce_max3A_378 : i32
      %reduce_sum3A_380 = arith.constant true
      %reduce_sum3A_381 = vector.broadcast %reduce_sum3A_380 : i1 to vector<16xi1>
      %reduce_sum3A_382 = tpu.scan <sum>, %get3A_353 masked %reduce_sum3A_381 : vector<16xi32>, vector<16xi1> -> vector<16xi32>
      %reduce_sum3A_383 = vector.extract %reduce_sum3A_382[15] : i32 from vector<16xi32>
      %add3A_384 = arith.addi %add3A_351, %reduce_sum3A_383 : i32
      %get3A_385 = arith.constant 128 : index
      %get3A_386 = tpu.vector_load %arg5[%get3A_385] {strides = array<i32>} : memref<256xi32, #tpu.memory_space<vmem>>, vector<16xi32>,
      %broadcast_in_dim3A_387 = arith.constant true
      %broadcast_in_dim3A_388 = vector.broadcast %broadcast_in_dim3A_387 : i1 to vector<16xi1>
      %masked_cumsum3A_389 = tpu.scan <sum>, %get3A_386 masked %broadcast_in_dim3A_388 : vector<16xi32>, vector<16xi1> -> vector<16xi32>
      %sub3A_390 = arith.subi %masked_cumsum3A_389, %get3A_386 : vector<16xi32>
      %add3A_391 = vector.broadcast %add3A_384 : i32 to vector<16xi32>
      %add3A_392 = arith.addi %add3A_391, %sub3A_390 : vector<16xi32>
      %sub3A_393 = vector.broadcast %reduce_sum3A_124 : i32 to vector<16xi32>
      %sub3A_394 = arith.subi %sub3A_393, %add3A_392 : vector<16xi32>
      %ge3A_395 = arith.constant 1024 : i32
      %ge3A_396 = vector.broadcast %ge3A_395 : i32 to vector<16xi32>
      %ge3A_397 = arith.cmpi sge, %sub3A_394, %ge3A_396 : vector<16xi32>
      %add3A_398 = arith.constant 128 : i32
      %add3A_399 = vector.broadcast %add3A_398 : i32 to vector<16xi32>
      %add3A_400 = arith.addi %iota3A, %add3A_399 : vector<16xi32>
      %jit3A_401 = arith.constant 0 : i32
      %broadcast_in_dim3A_402 = vector.broadcast %jit3A_401 : i32 to vector<16xi32>
      %select_n3A_403 = arith.select %ge3A_397, %add3A_400, %broadcast_in_dim3A_402 : vector<16xi1>, vector<16xi32>
      %reduce_max3A_404 = arith.constant true
      %reduce_max3A_405 = vector.broadcast %reduce_max3A_404 : i1 to vector<16xi1>
      %reduce_max3A_406 = arith.constant -2147483648 : i32
      %reduce_max3A_407 = vector.broadcast %reduce_max3A_406 : i32 to vector<16xi32>
      %reduce_max3A_408 = arith.xori %select_n3A_403, %reduce_max3A_407 : vector<16xi32>
      %reduce_max3A_409 = tpu.scan <max>, %reduce_max3A_408 masked %reduce_max3A_405 : vector<16xi32>, vector<16xi1> -> vector<16xi32>
      %reduce_max3A_410 = arith.xori %reduce_max3A_409, %reduce_max3A_407 : vector<16xi32>
      %reduce_max3A_411 = vector.extract %reduce_max3A_410[15] : i32 from vector<16xi32>
      %max3A_412 = arith.maxsi %max3A_379, %reduce_max3A_411 : i32
      %reduce_sum3A_413 = arith.constant true
      %reduce_sum3A_414 = vector.broadcast %reduce_sum3A_413 : i1 to vector<16xi1>
      %reduce_sum3A_415 = tpu.scan <sum>, %get3A_386 masked %reduce_sum3A_414 : vector<16xi32>, vector<16xi1> -> vector<16xi32>
      %reduce_sum3A_416 = vector.extract %reduce_sum3A_415[15] : i32 from vector<16xi32>
      %add3A_417 = arith.addi %add3A_384, %reduce_sum3A_416 : i32
      %get3A_418 = arith.constant 144 : index
      %get3A_419 = tpu.vector_load %arg5[%get3A_418] {strides = array<i32>} : memref<256xi32, #tpu.memory_space<vmem>>, vector<16xi32>,
      %broadcast_in_dim3A_420 = arith.constant true
      %broadcast_in_dim3A_421 = vector.broadcast %broadcast_in_dim3A_420 : i1 to vector<16xi1>
      %masked_cumsum3A_422 = tpu.scan <sum>, %get3A_419 masked %broadcast_in_dim3A_421 : vector<16xi32>, vector<16xi1> -> vector<16xi32>
      %sub3A_423 = arith.subi %masked_cumsum3A_422, %get3A_419 : vector<16xi32>
      %add3A_424 = vector.broadcast %add3A_417 : i32 to vector<16xi32>
      %add3A_425 = arith.addi %add3A_424, %sub3A_423 : vector<16xi32>
      %sub3A_426 = vector.broadcast %reduce_sum3A_124 : i32 to vector<16xi32>
      %sub3A_427 = arith.subi %sub3A_426, %add3A_425 : vector<16xi32>
      %ge3A_428 = arith.constant 1024 : i32
      %ge3A_429 = vector.broadcast %ge3A_428 : i32 to vector<16xi32>
      %ge3A_430 = arith.cmpi sge, %sub3A_427, %ge3A_429 : vector<16xi32>
      %add3A_431 = arith.constant 144 : i32
      %add3A_432 = vector.broadcast %add3A_431 : i32 to vector<16xi32>
      %add3A_433 = arith.addi %iota3A, %add3A_432 : vector<16xi32>
      %jit3A_434 = arith.constant 0 : i32
      %broadcast_in_dim3A_435 = vector.broadcast %jit3A_434 : i32 to vector<16xi32>
      %select_n3A_436 = arith.select %ge3A_430, %add3A_433, %broadcast_in_dim3A_435 : vector<16xi1>, vector<16xi32>
      %reduce_max3A_437 = arith.constant true
      %reduce_max3A_438 = vector.broadcast %reduce_max3A_437 : i1 to vector<16xi1>
      %reduce_max3A_439 = arith.constant -2147483648 : i32
      %reduce_max3A_440 = vector.broadcast %reduce_max3A_439 : i32 to vector<16xi32>
      %reduce_max3A_441 = arith.xori %select_n3A_436, %reduce_max3A_440 : vector<16xi32>
      %reduce_max3A_442 = tpu.scan <max>, %reduce_max3A_441 masked %reduce_max3A_438 : vector<16xi32>, vector<16xi1> -> vector<16xi32>
      %reduce_max3A_443 = arith.xori %reduce_max3A_442, %reduce_max3A_440 : vector<16xi32>
      %reduce_max3A_444 = vector.extract %reduce_max3A_443[15] : i32 from vector<16xi32>
      %max3A_445 = arith.maxsi %max3A_412, %reduce_max3A_444 : i32
      %reduce_sum3A_446 = arith.constant true
      %reduce_sum3A_447 = vector.broadcast %reduce_sum3A_446 : i1 to vector<16xi1>
      %reduce_sum3A_448 = tpu.scan <sum>, %get3A_419 masked %reduce_sum3A_447 : vector<16xi32>, vector<16xi1> -> vector<16xi32>
      %reduce_sum3A_449 = vector.extract %reduce_sum3A_448[15] : i32 from vector<16xi32>
      %add3A_450 = arith.addi %add3A_417, %reduce_sum3A_449 : i32
      %get3A_451 = arith.constant 160 : index
      %get3A_452 = tpu.vector_load %arg5[%get3A_451] {strides = array<i32>} : memref<256xi32, #tpu.memory_space<vmem>>, vector<16xi32>,
      %broadcast_in_dim3A_453 = arith.constant true
      %broadcast_in_dim3A_454 = vector.broadcast %broadcast_in_dim3A_453 : i1 to vector<16xi1>
      %masked_cumsum3A_455 = tpu.scan <sum>, %get3A_452 masked %broadcast_in_dim3A_454 : vector<16xi32>, vector<16xi1> -> vector<16xi32>
      %sub3A_456 = arith.subi %masked_cumsum3A_455, %get3A_452 : vector<16xi32>
      %add3A_457 = vector.broadcast %add3A_450 : i32 to vector<16xi32>
      %add3A_458 = arith.addi %add3A_457, %sub3A_456 : vector<16xi32>
      %sub3A_459 = vector.broadcast %reduce_sum3A_124 : i32 to vector<16xi32>
      %sub3A_460 = arith.subi %sub3A_459, %add3A_458 : vector<16xi32>
      %ge3A_461 = arith.constant 1024 : i32
      %ge3A_462 = vector.broadcast %ge3A_461 : i32 to vector<16xi32>
      %ge3A_463 = arith.cmpi sge, %sub3A_460, %ge3A_462 : vector<16xi32>
      %add3A_464 = arith.constant 160 : i32
      %add3A_465 = vector.broadcast %add3A_464 : i32 to vector<16xi32>
      %add3A_466 = arith.addi %iota3A, %add3A_465 : vector<16xi32>
      %jit3A_467 = arith.constant 0 : i32
      %broadcast_in_dim3A_468 = vector.broadcast %jit3A_467 : i32 to vector<16xi32>
      %select_n3A_469 = arith.select %ge3A_463, %add3A_466, %broadcast_in_dim3A_468 : vector<16xi1>, vector<16xi32>
      %reduce_max3A_470 = arith.constant true
      %reduce_max3A_471 = vector.broadcast %reduce_max3A_470 : i1 to vector<16xi1>
      %reduce_max3A_472 = arith.constant -2147483648 : i32
      %reduce_max3A_473 = vector.broadcast %reduce_max3A_472 : i32 to vector<16xi32>
      %reduce_max3A_474 = arith.xori %select_n3A_469, %reduce_max3A_473 : vector<16xi32>
      %reduce_max3A_475 = tpu.scan <max>, %reduce_max3A_474 masked %reduce_max3A_471 : vector<16xi32>, vector<16xi1> -> vector<16xi32>
      %reduce_max3A_476 = arith.xori %reduce_max3A_475, %reduce_max3A_473 : vector<16xi32>
      %reduce_max3A_477 = vector.extract %reduce_max3A_476[15] : i32 from vector<16xi32>
      %max3A_478 = arith.maxsi %max3A_445, %reduce_max3A_477 : i32
      %reduce_sum3A_479 = arith.constant true
      %reduce_sum3A_480 = vector.broadcast %reduce_sum3A_479 : i1 to vector<16xi1>
      %reduce_sum3A_481 = tpu.scan <sum>, %get3A_452 masked %reduce_sum3A_480 : vector<16xi32>, vector<16xi1> -> vector<16xi32>
      %reduce_sum3A_482 = vector.extract %reduce_sum3A_481[15] : i32 from vector<16xi32>
      %add3A_483 = arith.addi %add3A_450, %reduce_sum3A_482 : i32
      %get3A_484 = arith.constant 176 : index
      %get3A_485 = tpu.vector_load %arg5[%get3A_484] {strides = array<i32>} : memref<256xi32, #tpu.memory_space<vmem>>, vector<16xi32>,
      %broadcast_in_dim3A_486 = arith.constant true
      %broadcast_in_dim3A_487 = vector.broadcast %broadcast_in_dim3A_486 : i1 to vector<16xi1>
      %masked_cumsum3A_488 = tpu.scan <sum>, %get3A_485 masked %broadcast_in_dim3A_487 : vector<16xi32>, vector<16xi1> -> vector<16xi32>
      %sub3A_489 = arith.subi %masked_cumsum3A_488, %get3A_485 : vector<16xi32>
      %add3A_490 = vector.broadcast %add3A_483 : i32 to vector<16xi32>
      %add3A_491 = arith.addi %add3A_490, %sub3A_489 : vector<16xi32>
      %sub3A_492 = vector.broadcast %reduce_sum3A_124 : i32 to vector<16xi32>
      %sub3A_493 = arith.subi %sub3A_492, %add3A_491 : vector<16xi32>
      %ge3A_494 = arith.constant 1024 : i32
      %ge3A_495 = vector.broadcast %ge3A_494 : i32 to vector<16xi32>
      %ge3A_496 = arith.cmpi sge, %sub3A_493, %ge3A_495 : vector<16xi32>
      %add3A_497 = arith.constant 176 : i32
      %add3A_498 = vector.broadcast %add3A_497 : i32 to vector<16xi32>
      %add3A_499 = arith.addi %iota3A, %add3A_498 : vector<16xi32>
      %jit3A_500 = arith.constant 0 : i32
      %broadcast_in_dim3A_501 = vector.broadcast %jit3A_500 : i32 to vector<16xi32>
      %select_n3A_502 = arith.select %ge3A_496, %add3A_499, %broadcast_in_dim3A_501 : vector<16xi1>, vector<16xi32>
      %reduce_max3A_503 = arith.constant true
      %reduce_max3A_504 = vector.broadcast %reduce_max3A_503 : i1 to vector<16xi1>
      %reduce_max3A_505 = arith.constant -2147483648 : i32
      %reduce_max3A_506 = vector.broadcast %reduce_max3A_505 : i32 to vector<16xi32>
      %reduce_max3A_507 = arith.xori %select_n3A_502, %reduce_max3A_506 : vector<16xi32>
      %reduce_max3A_508 = tpu.scan <max>, %reduce_max3A_507 masked %reduce_max3A_504 : vector<16xi32>, vector<16xi1> -> vector<16xi32>
      %reduce_max3A_509 = arith.xori %reduce_max3A_508, %reduce_max3A_506 : vector<16xi32>
      %reduce_max3A_510 = vector.extract %reduce_max3A_509[15] : i32 from vector<16xi32>
      %max3A_511 = arith.maxsi %max3A_478, %reduce_max3A_510 : i32
      %reduce_sum3A_512 = arith.constant true
      %reduce_sum3A_513 = vector.broadcast %reduce_sum3A_512 : i1 to vector<16xi1>
      %reduce_sum3A_514 = tpu.scan <sum>, %get3A_485 masked %reduce_sum3A_513 : vector<16xi32>, vector<16xi1> -> vector<16xi32>
      %reduce_sum3A_515 = vector.extract %reduce_sum3A_514[15] : i32 from vector<16xi32>
      %add3A_516 = arith.addi %add3A_483, %reduce_sum3A_515 : i32
      %get3A_517 = arith.constant 192 : index
      %get3A_518 = tpu.vector_load %arg5[%get3A_517] {strides = array<i32>} : memref<256xi32, #tpu.memory_space<vmem>>, vector<16xi32>,
      %broadcast_in_dim3A_519 = arith.constant true
      %broadcast_in_dim3A_520 = vector.broadcast %broadcast_in_dim3A_519 : i1 to vector<16xi1>
      %masked_cumsum3A_521 = tpu.scan <sum>, %get3A_518 masked %broadcast_in_dim3A_520 : vector<16xi32>, vector<16xi1> -> vector<16xi32>
      %sub3A_522 = arith.subi %masked_cumsum3A_521, %get3A_518 : vector<16xi32>
      %add3A_523 = vector.broadcast %add3A_516 : i32 to vector<16xi32>
      %add3A_524 = arith.addi %add3A_523, %sub3A_522 : vector<16xi32>
      %sub3A_525 = vector.broadcast %reduce_sum3A_124 : i32 to vector<16xi32>
      %sub3A_526 = arith.subi %sub3A_525, %add3A_524 : vector<16xi32>
      %ge3A_527 = arith.constant 1024 : i32
      %ge3A_528 = vector.broadcast %ge3A_527 : i32 to vector<16xi32>
      %ge3A_529 = arith.cmpi sge, %sub3A_526, %ge3A_528 : vector<16xi32>
      %add3A_530 = arith.constant 192 : i32
      %add3A_531 = vector.broadcast %add3A_530 : i32 to vector<16xi32>
      %add3A_532 = arith.addi %iota3A, %add3A_531 : vector<16xi32>
      %jit3A_533 = arith.constant 0 : i32
      %broadcast_in_dim3A_534 = vector.broadcast %jit3A_533 : i32 to vector<16xi32>
      %select_n3A_535 = arith.select %ge3A_529, %add3A_532, %broadcast_in_dim3A_534 : vector<16xi1>, vector<16xi32>
      %reduce_max3A_536 = arith.constant true
      %reduce_max3A_537 = vector.broadcast %reduce_max3A_536 : i1 to vector<16xi1>
      %reduce_max3A_538 = arith.constant -2147483648 : i32
      %reduce_max3A_539 = vector.broadcast %reduce_max3A_538 : i32 to vector<16xi32>
      %reduce_max3A_540 = arith.xori %select_n3A_535, %reduce_max3A_539 : vector<16xi32>
      %reduce_max3A_541 = tpu.scan <max>, %reduce_max3A_540 masked %reduce_max3A_537 : vector<16xi32>, vector<16xi1> -> vector<16xi32>
      %reduce_max3A_542 = arith.xori %reduce_max3A_541, %reduce_max3A_539 : vector<16xi32>
      %reduce_max3A_543 = vector.extract %reduce_max3A_542[15] : i32 from vector<16xi32>
      %max3A_544 = arith.maxsi %max3A_511, %reduce_max3A_543 : i32
      %reduce_sum3A_545 = arith.constant true
      %reduce_sum3A_546 = vector.broadcast %reduce_sum3A_545 : i1 to vector<16xi1>
      %reduce_sum3A_547 = tpu.scan <sum>, %get3A_518 masked %reduce_sum3A_546 : vector<16xi32>, vector<16xi1> -> vector<16xi32>
      %reduce_sum3A_548 = vector.extract %reduce_sum3A_547[15] : i32 from vector<16xi32>
      %add3A_549 = arith.addi %add3A_516, %reduce_sum3A_548 : i32
      %get3A_550 = arith.constant 208 : index
      %get3A_551 = tpu.vector_load %arg5[%get3A_550] {strides = array<i32>} : memref<256xi32, #tpu.memory_space<vmem>>, vector<16xi32>,
      %broadcast_in_dim3A_552 = arith.constant true
      %broadcast_in_dim3A_553 = vector.broadcast %broadcast_in_dim3A_552 : i1 to vector<16xi1>
      %masked_cumsum3A_554 = tpu.scan <sum>, %get3A_551 masked %broadcast_in_dim3A_553 : vector<16xi32>, vector<16xi1> -> vector<16xi32>
      %sub3A_555 = arith.subi %masked_cumsum3A_554, %get3A_551 : vector<16xi32>
      %add3A_556 = vector.broadcast %add3A_549 : i32 to vector<16xi32>
      %add3A_557 = arith.addi %add3A_556, %sub3A_555 : vector<16xi32>
      %sub3A_558 = vector.broadcast %reduce_sum3A_124 : i32 to vector<16xi32>
      %sub3A_559 = arith.subi %sub3A_558, %add3A_557 : vector<16xi32>
      %ge3A_560 = arith.constant 1024 : i32
      %ge3A_561 = vector.broadcast %ge3A_560 : i32 to vector<16xi32>
      %ge3A_562 = arith.cmpi sge, %sub3A_559, %ge3A_561 : vector<16xi32>
      %add3A_563 = arith.constant 208 : i32
      %add3A_564 = vector.broadcast %add3A_563 : i32 to vector<16xi32>
      %add3A_565 = arith.addi %iota3A, %add3A_564 : vector<16xi32>
      %jit3A_566 = arith.constant 0 : i32
      %broadcast_in_dim3A_567 = vector.broadcast %jit3A_566 : i32 to vector<16xi32>
      %select_n3A_568 = arith.select %ge3A_562, %add3A_565, %broadcast_in_dim3A_567 : vector<16xi1>, vector<16xi32>
      %reduce_max3A_569 = arith.constant true
      %reduce_max3A_570 = vector.broadcast %reduce_max3A_569 : i1 to vector<16xi1>
      %reduce_max3A_571 = arith.constant -2147483648 : i32
      %reduce_max3A_572 = vector.broadcast %reduce_max3A_571 : i32 to vector<16xi32>
      %reduce_max3A_573 = arith.xori %select_n3A_568, %reduce_max3A_572 : vector<16xi32>
      %reduce_max3A_574 = tpu.scan <max>, %reduce_max3A_573 masked %reduce_max3A_570 : vector<16xi32>, vector<16xi1> -> vector<16xi32>
      %reduce_max3A_575 = arith.xori %reduce_max3A_574, %reduce_max3A_572 : vector<16xi32>
      %reduce_max3A_576 = vector.extract %reduce_max3A_575[15] : i32 from vector<16xi32>
      %max3A_577 = arith.maxsi %max3A_544, %reduce_max3A_576 : i32
      %reduce_sum3A_578 = arith.constant true
      %reduce_sum3A_579 = vector.broadcast %reduce_sum3A_578 : i1 to vector<16xi1>
      %reduce_sum3A_580 = tpu.scan <sum>, %get3A_551 masked %reduce_sum3A_579 : vector<16xi32>, vector<16xi1> -> vector<16xi32>
      %reduce_sum3A_581 = vector.extract %reduce_sum3A_580[15] : i32 from vector<16xi32>
      %add3A_582 = arith.addi %add3A_549, %reduce_sum3A_581 : i32
      %get3A_583 = arith.constant 224 : index
      %get3A_584 = tpu.vector_load %arg5[%get3A_583] {strides = array<i32>} : memref<256xi32, #tpu.memory_space<vmem>>, vector<16xi32>,
      %broadcast_in_dim3A_585 = arith.constant true
      %broadcast_in_dim3A_586 = vector.broadcast %broadcast_in_dim3A_585 : i1 to vector<16xi1>
      %masked_cumsum3A_587 = tpu.scan <sum>, %get3A_584 masked %broadcast_in_dim3A_586 : vector<16xi32>, vector<16xi1> -> vector<16xi32>
      %sub3A_588 = arith.subi %masked_cumsum3A_587, %get3A_584 : vector<16xi32>
      %add3A_589 = vector.broadcast %add3A_582 : i32 to vector<16xi32>
      %add3A_590 = arith.addi %add3A_589, %sub3A_588 : vector<16xi32>
      %sub3A_591 = vector.broadcast %reduce_sum3A_124 : i32 to vector<16xi32>
      %sub3A_592 = arith.subi %sub3A_591, %add3A_590 : vector<16xi32>
      %ge3A_593 = arith.constant 1024 : i32
      %ge3A_594 = vector.broadcast %ge3A_593 : i32 to vector<16xi32>
      %ge3A_595 = arith.cmpi sge, %sub3A_592, %ge3A_594 : vector<16xi32>
      %add3A_596 = arith.constant 224 : i32
      %add3A_597 = vector.broadcast %add3A_596 : i32 to vector<16xi32>
      %add3A_598 = arith.addi %iota3A, %add3A_597 : vector<16xi32>
      %jit3A_599 = arith.constant 0 : i32
      %broadcast_in_dim3A_600 = vector.broadcast %jit3A_599 : i32 to vector<16xi32>
      %select_n3A_601 = arith.select %ge3A_595, %add3A_598, %broadcast_in_dim3A_600 : vector<16xi1>, vector<16xi32>
      %reduce_max3A_602 = arith.constant true
      %reduce_max3A_603 = vector.broadcast %reduce_max3A_602 : i1 to vector<16xi1>
      %reduce_max3A_604 = arith.constant -2147483648 : i32
      %reduce_max3A_605 = vector.broadcast %reduce_max3A_604 : i32 to vector<16xi32>
      %reduce_max3A_606 = arith.xori %select_n3A_601, %reduce_max3A_605 : vector<16xi32>
      %reduce_max3A_607 = tpu.scan <max>, %reduce_max3A_606 masked %reduce_max3A_603 : vector<16xi32>, vector<16xi1> -> vector<16xi32>
      %reduce_max3A_608 = arith.xori %reduce_max3A_607, %reduce_max3A_605 : vector<16xi32>
      %reduce_max3A_609 = vector.extract %reduce_max3A_608[15] : i32 from vector<16xi32>
      %max3A_610 = arith.maxsi %max3A_577, %reduce_max3A_609 : i32
      %reduce_sum3A_611 = arith.constant true
      %reduce_sum3A_612 = vector.broadcast %reduce_sum3A_611 : i1 to vector<16xi1>
      %reduce_sum3A_613 = tpu.scan <sum>, %get3A_584 masked %reduce_sum3A_612 : vector<16xi32>, vector<16xi1> -> vector<16xi32>
      %reduce_sum3A_614 = vector.extract %reduce_sum3A_613[15] : i32 from vector<16xi32>
      %add3A_615 = arith.addi %add3A_582, %reduce_sum3A_614 : i32
      %get3A_616 = arith.constant 240 : index
      %get3A_617 = tpu.vector_load %arg5[%get3A_616] {strides = array<i32>} : memref<256xi32, #tpu.memory_space<vmem>>, vector<16xi32>,
      %broadcast_in_dim3A_618 = arith.constant true
      %broadcast_in_dim3A_619 = vector.broadcast %broadcast_in_dim3A_618 : i1 to vector<16xi1>
      %masked_cumsum3A_620 = tpu.scan <sum>, %get3A_617 masked %broadcast_in_dim3A_619 : vector<16xi32>, vector<16xi1> -> vector<16xi32>
      %sub3A_621 = arith.subi %masked_cumsum3A_620, %get3A_617 : vector<16xi32>
      %add3A_622 = vector.broadcast %add3A_615 : i32 to vector<16xi32>
      %add3A_623 = arith.addi %add3A_622, %sub3A_621 : vector<16xi32>
      %sub3A_624 = vector.broadcast %reduce_sum3A_124 : i32 to vector<16xi32>
      %sub3A_625 = arith.subi %sub3A_624, %add3A_623 : vector<16xi32>
      %ge3A_626 = arith.constant 1024 : i32
      %ge3A_627 = vector.broadcast %ge3A_626 : i32 to vector<16xi32>
      %ge3A_628 = arith.cmpi sge, %sub3A_625, %ge3A_627 : vector<16xi32>
      %add3A_629 = arith.constant 240 : i32
      %add3A_630 = vector.broadcast %add3A_629 : i32 to vector<16xi32>
      %add3A_631 = arith.addi %iota3A, %add3A_630 : vector<16xi32>
      %jit3A_632 = arith.constant 0 : i32
      %broadcast_in_dim3A_633 = vector.broadcast %jit3A_632 : i32 to vector<16xi32>
      %select_n3A_634 = arith.select %ge3A_628, %add3A_631, %broadcast_in_dim3A_633 : vector<16xi1>, vector<16xi32>
      %reduce_max3A_635 = arith.constant true
      %reduce_max3A_636 = vector.broadcast %reduce_max3A_635 : i1 to vector<16xi1>
      %reduce_max3A_637 = arith.constant -2147483648 : i32
      %reduce_max3A_638 = vector.broadcast %reduce_max3A_637 : i32 to vector<16xi32>
      %reduce_max3A_639 = arith.xori %select_n3A_634, %reduce_max3A_638 : vector<16xi32>
      %reduce_max3A_640 = tpu.scan <max>, %reduce_max3A_639 masked %reduce_max3A_636 : vector<16xi32>, vector<16xi1> -> vector<16xi32>
      %reduce_max3A_641 = arith.xori %reduce_max3A_640, %reduce_max3A_638 : vector<16xi32>
      %reduce_max3A_642 = vector.extract %reduce_max3A_641[15] : i32 from vector<16xi32>
      %max3A_643 = arith.maxsi %max3A_610, %reduce_max3A_642 : i32
      %reduce_sum3A_644 = arith.constant true
      %reduce_sum3A_645 = vector.broadcast %reduce_sum3A_644 : i1 to vector<16xi1>
      %reduce_sum3A_646 = tpu.scan <sum>, %get3A_617 masked %reduce_sum3A_645 : vector<16xi32>, vector<16xi1> -> vector<16xi32>
      %reduce_sum3A_647 = vector.extract %reduce_sum3A_646[15] : i32 from vector<16xi32>
      %add3A_648 = arith.addi %add3A_615, %reduce_sum3A_647 : i32
      %shift_left3A = arith.constant 24 : i32
      %shift_left3A_649 = arith.shli %max3A_643, %shift_left3A : i32
      %add3A_650 = arith.constant -2147483648 : i32
      %add3A_651 = arith.addi %add3A_650, %shift_left3A_649 : i32
      %broadcast_in_dim3A_652 = arith.constant 0 : i32
      %broadcast_in_dim3A_653 = vector.broadcast %broadcast_in_dim3A_652 : i32 to vector<16xi32>
      %swap3A_654 = arith.constant 0 : index
      %swap3A_655 = tpu.vector_load %arg5[%swap3A_654] {strides = array<i32>} : memref<256xi32, #tpu.memory_space<vmem>>, vector<16xi32>,
      tpu.vector_store %arg5[%swap3A_654], %broadcast_in_dim3A_653 {strides = array<i32>} : memref<256xi32, #tpu.memory_space<vmem>>, vector<16xi32>,
      %broadcast_in_dim3A_656 = arith.constant 0 : i32
      %broadcast_in_dim3A_657 = vector.broadcast %broadcast_in_dim3A_656 : i32 to vector<16xi32>
      %swap3A_658 = arith.constant 16 : index
      %swap3A_659 = tpu.vector_load %arg5[%swap3A_658] {strides = array<i32>} : memref<256xi32, #tpu.memory_space<vmem>>, vector<16xi32>,
      tpu.vector_store %arg5[%swap3A_658], %broadcast_in_dim3A_657 {strides = array<i32>} : memref<256xi32, #tpu.memory_space<vmem>>, vector<16xi32>,
      %broadcast_in_dim3A_660 = arith.constant 0 : i32
      %broadcast_in_dim3A_661 = vector.broadcast %broadcast_in_dim3A_660 : i32 to vector<16xi32>
      %swap3A_662 = arith.constant 32 : index
      %swap3A_663 = tpu.vector_load %arg5[%swap3A_662] {strides = array<i32>} : memref<256xi32, #tpu.memory_space<vmem>>, vector<16xi32>,
      tpu.vector_store %arg5[%swap3A_662], %broadcast_in_dim3A_661 {strides = array<i32>} : memref<256xi32, #tpu.memory_space<vmem>>, vector<16xi32>,
      %broadcast_in_dim3A_664 = arith.constant 0 : i32
      %broadcast_in_dim3A_665 = vector.broadcast %broadcast_in_dim3A_664 : i32 to vector<16xi32>
      %swap3A_666 = arith.constant 48 : index
      %swap3A_667 = tpu.vector_load %arg5[%swap3A_666] {strides = array<i32>} : memref<256xi32, #tpu.memory_space<vmem>>, vector<16xi32>,
      tpu.vector_store %arg5[%swap3A_666], %broadcast_in_dim3A_665 {strides = array<i32>} : memref<256xi32, #tpu.memory_space<vmem>>, vector<16xi32>,
      %broadcast_in_dim3A_668 = arith.constant 0 : i32
      %broadcast_in_dim3A_669 = vector.broadcast %broadcast_in_dim3A_668 : i32 to vector<16xi32>
      %swap3A_670 = arith.constant 64 : index
      %swap3A_671 = tpu.vector_load %arg5[%swap3A_670] {strides = array<i32>} : memref<256xi32, #tpu.memory_space<vmem>>, vector<16xi32>,
      tpu.vector_store %arg5[%swap3A_670], %broadcast_in_dim3A_669 {strides = array<i32>} : memref<256xi32, #tpu.memory_space<vmem>>, vector<16xi32>,
      %broadcast_in_dim3A_672 = arith.constant 0 : i32
      %broadcast_in_dim3A_673 = vector.broadcast %broadcast_in_dim3A_672 : i32 to vector<16xi32>
      %swap3A_674 = arith.constant 80 : index
      %swap3A_675 = tpu.vector_load %arg5[%swap3A_674] {strides = array<i32>} : memref<256xi32, #tpu.memory_space<vmem>>, vector<16xi32>,
      tpu.vector_store %arg5[%swap3A_674], %broadcast_in_dim3A_673 {strides = array<i32>} : memref<256xi32, #tpu.memory_space<vmem>>, vector<16xi32>,
      %broadcast_in_dim3A_676 = arith.constant 0 : i32
      %broadcast_in_dim3A_677 = vector.broadcast %broadcast_in_dim3A_676 : i32 to vector<16xi32>
      %swap3A_678 = arith.constant 96 : index
      %swap3A_679 = tpu.vector_load %arg5[%swap3A_678] {strides = array<i32>} : memref<256xi32, #tpu.memory_space<vmem>>, vector<16xi32>,
      tpu.vector_store %arg5[%swap3A_678], %broadcast_in_dim3A_677 {strides = array<i32>} : memref<256xi32, #tpu.memory_space<vmem>>, vector<16xi32>,
      %broadcast_in_dim3A_680 = arith.constant 0 : i32
      %broadcast_in_dim3A_681 = vector.broadcast %broadcast_in_dim3A_680 : i32 to vector<16xi32>
      %swap3A_682 = arith.constant 112 : index
      %swap3A_683 = tpu.vector_load %arg5[%swap3A_682] {strides = array<i32>} : memref<256xi32, #tpu.memory_space<vmem>>, vector<16xi32>,
      tpu.vector_store %arg5[%swap3A_682], %broadcast_in_dim3A_681 {strides = array<i32>} : memref<256xi32, #tpu.memory_space<vmem>>, vector<16xi32>,
      %broadcast_in_dim3A_684 = arith.constant 0 : i32
      %broadcast_in_dim3A_685 = vector.broadcast %broadcast_in_dim3A_684 : i32 to vector<16xi32>
      %swap3A_686 = arith.constant 128 : index
      %swap3A_687 = tpu.vector_load %arg5[%swap3A_686] {strides = array<i32>} : memref<256xi32, #tpu.memory_space<vmem>>, vector<16xi32>,
      tpu.vector_store %arg5[%swap3A_686], %broadcast_in_dim3A_685 {strides = array<i32>} : memref<256xi32, #tpu.memory_space<vmem>>, vector<16xi32>,
      %broadcast_in_dim3A_688 = arith.constant 0 : i32
      %broadcast_in_dim3A_689 = vector.broadcast %broadcast_in_dim3A_688 : i32 to vector<16xi32>
      %swap3A_690 = arith.constant 144 : index
      %swap3A_691 = tpu.vector_load %arg5[%swap3A_690] {strides = array<i32>} : memref<256xi32, #tpu.memory_space<vmem>>, vector<16xi32>,
      tpu.vector_store %arg5[%swap3A_690], %broadcast_in_dim3A_689 {strides = array<i32>} : memref<256xi32, #tpu.memory_space<vmem>>, vector<16xi32>,
      %broadcast_in_dim3A_692 = arith.constant 0 : i32
      %broadcast_in_dim3A_693 = vector.broadcast %broadcast_in_dim3A_692 : i32 to vector<16xi32>
      %swap3A_694 = arith.constant 160 : index
      %swap3A_695 = tpu.vector_load %arg5[%swap3A_694] {strides = array<i32>} : memref<256xi32, #tpu.memory_space<vmem>>, vector<16xi32>,
      tpu.vector_store %arg5[%swap3A_694], %broadcast_in_dim3A_693 {strides = array<i32>} : memref<256xi32, #tpu.memory_space<vmem>>, vector<16xi32>,
      %broadcast_in_dim3A_696 = arith.constant 0 : i32
      %broadcast_in_dim3A_697 = vector.broadcast %broadcast_in_dim3A_696 : i32 to vector<16xi32>
      %swap3A_698 = arith.constant 176 : index
      %swap3A_699 = tpu.vector_load %arg5[%swap3A_698] {strides = array<i32>} : memref<256xi32, #tpu.memory_space<vmem>>, vector<16xi32>,
      tpu.vector_store %arg5[%swap3A_698], %broadcast_in_dim3A_697 {strides = array<i32>} : memref<256xi32, #tpu.memory_space<vmem>>, vector<16xi32>,
      %broadcast_in_dim3A_700 = arith.constant 0 : i32
      %broadcast_in_dim3A_701 = vector.broadcast %broadcast_in_dim3A_700 : i32 to vector<16xi32>
      %swap3A_702 = arith.constant 192 : index
      %swap3A_703 = tpu.vector_load %arg5[%swap3A_702] {strides = array<i32>} : memref<256xi32, #tpu.memory_space<vmem>>, vector<16xi32>,
      tpu.vector_store %arg5[%swap3A_702], %broadcast_in_dim3A_701 {strides = array<i32>} : memref<256xi32, #tpu.memory_space<vmem>>, vector<16xi32>,
      %broadcast_in_dim3A_704 = arith.constant 0 : i32
      %broadcast_in_dim3A_705 = vector.broadcast %broadcast_in_dim3A_704 : i32 to vector<16xi32>
      %swap3A_706 = arith.constant 208 : index
      %swap3A_707 = tpu.vector_load %arg5[%swap3A_706] {strides = array<i32>} : memref<256xi32, #tpu.memory_space<vmem>>, vector<16xi32>,
      tpu.vector_store %arg5[%swap3A_706], %broadcast_in_dim3A_705 {strides = array<i32>} : memref<256xi32, #tpu.memory_space<vmem>>, vector<16xi32>,
      %broadcast_in_dim3A_708 = arith.constant 0 : i32
      %broadcast_in_dim3A_709 = vector.broadcast %broadcast_in_dim3A_708 : i32 to vector<16xi32>
      %swap3A_710 = arith.constant 224 : index
      %swap3A_711 = tpu.vector_load %arg5[%swap3A_710] {strides = array<i32>} : memref<256xi32, #tpu.memory_space<vmem>>, vector<16xi32>,
      tpu.vector_store %arg5[%swap3A_710], %broadcast_in_dim3A_709 {strides = array<i32>} : memref<256xi32, #tpu.memory_space<vmem>>, vector<16xi32>,
      %broadcast_in_dim3A_712 = arith.constant 0 : i32
      %broadcast_in_dim3A_713 = vector.broadcast %broadcast_in_dim3A_712 : i32 to vector<16xi32>
      %swap3A_714 = arith.constant 240 : index
      %swap3A_715 = tpu.vector_load %arg5[%swap3A_714] {strides = array<i32>} : memref<256xi32, #tpu.memory_space<vmem>>, vector<16xi32>,
      tpu.vector_store %arg5[%swap3A_714], %broadcast_in_dim3A_713 {strides = array<i32>} : memref<256xi32, #tpu.memory_space<vmem>>, vector<16xi32>,
      %add3A_716 = arith.constant 16777215 : i32
      %add3A_717 = arith.addi %add3A_651, %add3A_716 : i32
      %scan3A_718 = arith.constant 0 : i32
      %scan3A_719 = arith.constant 0 : i32
      %scan3A_720 = arith.constant 128 : i32
      %scan3A_721 = arith.addi %scan3A_719, %scan3A_720 : i32
      %scan3A_722 = arith.constant 1 : i32
      %scan3A_723 = scf.for %scan3A_2683 = %scan3A_719 to %scan3A_721 step %scan3A_722 iter_args(%scan3A_2684 = %scan3A_718) -> (i32)  : i32 {
        %mul3A_2685 = arith.constant 8 : i32
        %mul3A_2686 = arith.muli %scan3A_2683, %mul3A_2685 : i32
        %add3A_2687 = arith.constant 0 : i32
        %add3A_2688 = arith.addi %mul3A_2686, %add3A_2687 : i32
        %mul3A_2689 = arith.constant 16 : i32
        %mul3A_2690 = arith.muli %add3A_2688, %mul3A_2689 : i32
        %get3A_2691 = arith.index_cast %mul3A_2690 : i32 to index
        %get3A_2692 = tpu.vector_load %arg4[%get3A_2691] {strides = array<i32>} : memref<16384xf32, #tpu.memory_space<vmem>>, vector<16xf32>,
        %bitcast_convert_type3A = tpu.bitcast %get3A_2692 : vector<16xf32> -> vector<16xi32>
        %ge3A_2693 = arith.constant 0 : i32
        %ge3A_2694 = vector.broadcast %ge3A_2693 : i32 to vector<16xi32>
        %ge3A_2695 = arith.cmpi sge, %bitcast_convert_type3A, %ge3A_2694 : vector<16xi32>
        %xor3A = arith.constant 2147483647 : i32
        %xor3A_2696 = vector.broadcast %xor3A : i32 to vector<16xi32>
        %xor3A_2697 = arith.xori %bitcast_convert_type3A, %xor3A_2696 : vector<16xi32>
        %select_n3A_2698 = arith.select %ge3A_2695, %bitcast_convert_type3A, %xor3A_2697 : vector<16xi1>, vector<16xi32>
        %max3A_2699 = vector.broadcast %add3A_651 : i32 to vector<16xi32>
        %max3A_2700 = arith.maxsi %max3A_2699, %select_n3A_2698 : vector<16xi32>
        %min3A = vector.broadcast %add3A_717 : i32 to vector<16xi32>
        %min3A_2701 = arith.minsi %min3A, %max3A_2700 : vector<16xi32>
        %sub3A_2702 = vector.broadcast %add3A_651 : i32 to vector<16xi32>
        %sub3A_2703 = arith.subi %min3A_2701, %sub3A_2702 : vector<16xi32>
        %shift_right_arithmetic3A = arith.constant 16 : i32
        %shift_right_arithmetic3A_2704 = vector.broadcast %shift_right_arithmetic3A : i32 to vector<16xi32>
        %shift_right_arithmetic3A_2705 = arith.shrsi %sub3A_2703, %shift_right_arithmetic3A_2704 : vector<16xi32>
        tpu.vector_store_idx %arg5[%shift_right_arithmetic3A_2705], %broadcast_in_dim3A_3 {add = true} : memref<256xi32, #tpu.memory_space<vmem>>[vector<16xi32>], vector<16xi32>,
        %mul3A_2706 = arith.constant 8 : i32
        %mul3A_2707 = arith.muli %scan3A_2683, %mul3A_2706 : i32
        %add3A_2708 = arith.constant 1 : i32
        %add3A_2709 = arith.addi %mul3A_2707, %add3A_2708 : i32
        %mul3A_2710 = arith.constant 16 : i32
        %mul3A_2711 = arith.muli %add3A_2709, %mul3A_2710 : i32
        %get3A_2712 = arith.index_cast %mul3A_2711 : i32 to index
        %get3A_2713 = tpu.vector_load %arg4[%get3A_2712] {strides = array<i32>} : memref<16384xf32, #tpu.memory_space<vmem>>, vector<16xf32>,
        %bitcast_convert_type3A_2714 = tpu.bitcast %get3A_2713 : vector<16xf32> -> vector<16xi32>
        %ge3A_2715 = arith.constant 0 : i32
        %ge3A_2716 = vector.broadcast %ge3A_2715 : i32 to vector<16xi32>
        %ge3A_2717 = arith.cmpi sge, %bitcast_convert_type3A_2714, %ge3A_2716 : vector<16xi32>
        %xor3A_2718 = arith.constant 2147483647 : i32
        %xor3A_2719 = vector.broadcast %xor3A_2718 : i32 to vector<16xi32>
        %xor3A_2720 = arith.xori %bitcast_convert_type3A_2714, %xor3A_2719 : vector<16xi32>
        %select_n3A_2721 = arith.select %ge3A_2717, %bitcast_convert_type3A_2714, %xor3A_2720 : vector<16xi1>, vector<16xi32>
        %max3A_2722 = vector.broadcast %add3A_651 : i32 to vector<16xi32>
        %max3A_2723 = arith.maxsi %max3A_2722, %select_n3A_2721 : vector<16xi32>
        %min3A_2724 = vector.broadcast %add3A_717 : i32 to vector<16xi32>
        %min3A_2725 = arith.minsi %min3A_2724, %max3A_2723 : vector<16xi32>
        %sub3A_2726 = vector.broadcast %add3A_651 : i32 to vector<16xi32>
        %sub3A_2727 = arith.subi %min3A_2725, %sub3A_2726 : vector<16xi32>
        %shift_right_arithmetic3A_2728 = arith.constant 16 : i32
        %shift_right_arithmetic3A_2729 = vector.broadcast %shift_right_arithmetic3A_2728 : i32 to vector<16xi32>
        %shift_right_arithmetic3A_2730 = arith.shrsi %sub3A_2727, %shift_right_arithmetic3A_2729 : vector<16xi32>
        tpu.vector_store_idx %arg5[%shift_right_arithmetic3A_2730], %broadcast_in_dim3A_3 {add = true} : memref<256xi32, #tpu.memory_space<vmem>>[vector<16xi32>], vector<16xi32>,
        %mul3A_2731 = arith.constant 8 : i32
        %mul3A_2732 = arith.muli %scan3A_2683, %mul3A_2731 : i32
        %add3A_2733 = arith.constant 2 : i32
        %add3A_2734 = arith.addi %mul3A_2732, %add3A_2733 : i32
        %mul3A_2735 = arith.constant 16 : i32
        %mul3A_2736 = arith.muli %add3A_2734, %mul3A_2735 : i32
        %get3A_2737 = arith.index_cast %mul3A_2736 : i32 to index
        %get3A_2738 = tpu.vector_load %arg4[%get3A_2737] {strides = array<i32>} : memref<16384xf32, #tpu.memory_space<vmem>>, vector<16xf32>,
        %bitcast_convert_type3A_2739 = tpu.bitcast %get3A_2738 : vector<16xf32> -> vector<16xi32>
        %ge3A_2740 = arith.constant 0 : i32
        %ge3A_2741 = vector.broadcast %ge3A_2740 : i32 to vector<16xi32>
        %ge3A_2742 = arith.cmpi sge, %bitcast_convert_type3A_2739, %ge3A_2741 : vector<16xi32>
        %xor3A_2743 = arith.constant 2147483647 : i32
        %xor3A_2744 = vector.broadcast %xor3A_2743 : i32 to vector<16xi32>
        %xor3A_2745 = arith.xori %bitcast_convert_type3A_2739, %xor3A_2744 : vector<16xi32>
        %select_n3A_2746 = arith.select %ge3A_2742, %bitcast_convert_type3A_2739, %xor3A_2745 : vector<16xi1>, vector<16xi32>
        %max3A_2747 = vector.broadcast %add3A_651 : i32 to vector<16xi32>
        %max3A_2748 = arith.maxsi %max3A_2747, %select_n3A_2746 : vector<16xi32>
        %min3A_2749 = vector.broadcast %add3A_717 : i32 to vector<16xi32>
        %min3A_2750 = arith.minsi %min3A_2749, %max3A_2748 : vector<16xi32>
        %sub3A_2751 = vector.broadcast %add3A_651 : i32 to vector<16xi32>
        %sub3A_2752 = arith.subi %min3A_2750, %sub3A_2751 : vector<16xi32>
        %shift_right_arithmetic3A_2753 = arith.constant 16 : i32
        %shift_right_arithmetic3A_2754 = vector.broadcast %shift_right_arithmetic3A_2753 : i32 to vector<16xi32>
        %shift_right_arithmetic3A_2755 = arith.shrsi %sub3A_2752, %shift_right_arithmetic3A_2754 : vector<16xi32>
        tpu.vector_store_idx %arg5[%shift_right_arithmetic3A_2755], %broadcast_in_dim3A_3 {add = true} : memref<256xi32, #tpu.memory_space<vmem>>[vector<16xi32>], vector<16xi32>,
        %mul3A_2756 = arith.constant 8 : i32
        %mul3A_2757 = arith.muli %scan3A_2683, %mul3A_2756 : i32
        %add3A_2758 = arith.constant 3 : i32
        %add3A_2759 = arith.addi %mul3A_2757, %add3A_2758 : i32
        %mul3A_2760 = arith.constant 16 : i32
        %mul3A_2761 = arith.muli %add3A_2759, %mul3A_2760 : i32
        %get3A_2762 = arith.index_cast %mul3A_2761 : i32 to index
        %get3A_2763 = tpu.vector_load %arg4[%get3A_2762] {strides = array<i32>} : memref<16384xf32, #tpu.memory_space<vmem>>, vector<16xf32>,
        %bitcast_convert_type3A_2764 = tpu.bitcast %get3A_2763 : vector<16xf32> -> vector<16xi32>
        %ge3A_2765 = arith.constant 0 : i32
        %ge3A_2766 = vector.broadcast %ge3A_2765 : i32 to vector<16xi32>
        %ge3A_2767 = arith.cmpi sge, %bitcast_convert_type3A_2764, %ge3A_2766 : vector<16xi32>
        %xor3A_2768 = arith.constant 2147483647 : i32
        %xor3A_2769 = vector.broadcast %xor3A_2768 : i32 to vector<16xi32>
        %xor3A_2770 = arith.xori %bitcast_convert_type3A_2764, %xor3A_2769 : vector<16xi32>
        %select_n3A_2771 = arith.select %ge3A_2767, %bitcast_convert_type3A_2764, %xor3A_2770 : vector<16xi1>, vector<16xi32>
        %max3A_2772 = vector.broadcast %add3A_651 : i32 to vector<16xi32>
        %max3A_2773 = arith.maxsi %max3A_2772, %select_n3A_2771 : vector<16xi32>
        %min3A_2774 = vector.broadcast %add3A_717 : i32 to vector<16xi32>
        %min3A_2775 = arith.minsi %min3A_2774, %max3A_2773 : vector<16xi32>
        %sub3A_2776 = vector.broadcast %add3A_651 : i32 to vector<16xi32>
        %sub3A_2777 = arith.subi %min3A_2775, %sub3A_2776 : vector<16xi32>
        %shift_right_arithmetic3A_2778 = arith.constant 16 : i32
        %shift_right_arithmetic3A_2779 = vector.broadcast %shift_right_arithmetic3A_2778 : i32 to vector<16xi32>
        %shift_right_arithmetic3A_2780 = arith.shrsi %sub3A_2777, %shift_right_arithmetic3A_2779 : vector<16xi32>
        tpu.vector_store_idx %arg5[%shift_right_arithmetic3A_2780], %broadcast_in_dim3A_3 {add = true} : memref<256xi32, #tpu.memory_space<vmem>>[vector<16xi32>], vector<16xi32>,
        %mul3A_2781 = arith.constant 8 : i32
        %mul3A_2782 = arith.muli %scan3A_2683, %mul3A_2781 : i32
        %add3A_2783 = arith.constant 4 : i32
        %add3A_2784 = arith.addi %mul3A_2782, %add3A_2783 : i32
        %mul3A_2785 = arith.constant 16 : i32
        %mul3A_2786 = arith.muli %add3A_2784, %mul3A_2785 : i32
        %get3A_2787 = arith.index_cast %mul3A_2786 : i32 to index
        %get3A_2788 = tpu.vector_load %arg4[%get3A_2787] {strides = array<i32>} : memref<16384xf32, #tpu.memory_space<vmem>>, vector<16xf32>,
        %bitcast_convert_type3A_2789 = tpu.bitcast %get3A_2788 : vector<16xf32> -> vector<16xi32>
        %ge3A_2790 = arith.constant 0 : i32
        %ge3A_2791 = vector.broadcast %ge3A_2790 : i32 to vector<16xi32>
        %ge3A_2792 = arith.cmpi sge, %bitcast_convert_type3A_2789, %ge3A_2791 : vector<16xi32>
        %xor3A_2793 = arith.constant 2147483647 : i32
        %xor3A_2794 = vector.broadcast %xor3A_2793 : i32 to vector<16xi32>
        %xor3A_2795 = arith.xori %bitcast_convert_type3A_2789, %xor3A_2794 : vector<16xi32>
        %select_n3A_2796 = arith.select %ge3A_2792, %bitcast_convert_type3A_2789, %xor3A_2795 : vector<16xi1>, vector<16xi32>
        %max3A_2797 = vector.broadcast %add3A_651 : i32 to vector<16xi32>
        %max3A_2798 = arith.maxsi %max3A_2797, %select_n3A_2796 : vector<16xi32>
        %min3A_2799 = vector.broadcast %add3A_717 : i32 to vector<16xi32>
        %min3A_2800 = arith.minsi %min3A_2799, %max3A_2798 : vector<16xi32>
        %sub3A_2801 = vector.broadcast %add3A_651 : i32 to vector<16xi32>
        %sub3A_2802 = arith.subi %min3A_2800, %sub3A_2801 : vector<16xi32>
        %shift_right_arithmetic3A_2803 = arith.constant 16 : i32
        %shift_right_arithmetic3A_2804 = vector.broadcast %shift_right_arithmetic3A_2803 : i32 to vector<16xi32>
        %shift_right_arithmetic3A_2805 = arith.shrsi %sub3A_2802, %shift_right_arithmetic3A_2804 : vector<16xi32>
        tpu.vector_store_idx %arg5[%shift_right_arithmetic3A_2805], %broadcast_in_dim3A_3 {add = true} : memref<256xi32, #tpu.memory_space<vmem>>[vector<16xi32>], vector<16xi32>,
        %mul3A_2806 = arith.constant 8 : i32
        %mul3A_2807 = arith.muli %scan3A_2683, %mul3A_2806 : i32
        %add3A_2808 = arith.constant 5 : i32
        %add3A_2809 = arith.addi %mul3A_2807, %add3A_2808 : i32
        %mul3A_2810 = arith.constant 16 : i32
        %mul3A_2811 = arith.muli %add3A_2809, %mul3A_2810 : i32
        %get3A_2812 = arith.index_cast %mul3A_2811 : i32 to index
        %get3A_2813 = tpu.vector_load %arg4[%get3A_2812] {strides = array<i32>} : memref<16384xf32, #tpu.memory_space<vmem>>, vector<16xf32>,
        %bitcast_convert_type3A_2814 = tpu.bitcast %get3A_2813 : vector<16xf32> -> vector<16xi32>
        %ge3A_2815 = arith.constant 0 : i32
        %ge3A_2816 = vector.broadcast %ge3A_2815 : i32 to vector<16xi32>
        %ge3A_2817 = arith.cmpi sge, %bitcast_convert_type3A_2814, %ge3A_2816 : vector<16xi32>
        %xor3A_2818 = arith.constant 2147483647 : i32
        %xor3A_2819 = vector.broadcast %xor3A_2818 : i32 to vector<16xi32>
        %xor3A_2820 = arith.xori %bitcast_convert_type3A_2814, %xor3A_2819 : vector<16xi32>
        %select_n3A_2821 = arith.select %ge3A_2817, %bitcast_convert_type3A_2814, %xor3A_2820 : vector<16xi1>, vector<16xi32>
        %max3A_2822 = vector.broadcast %add3A_651 : i32 to vector<16xi32>
        %max3A_2823 = arith.maxsi %max3A_2822, %select_n3A_2821 : vector<16xi32>
        %min3A_2824 = vector.broadcast %add3A_717 : i32 to vector<16xi32>
        %min3A_2825 = arith.minsi %min3A_2824, %max3A_2823 : vector<16xi32>
        %sub3A_2826 = vector.broadcast %add3A_651 : i32 to vector<16xi32>
        %sub3A_2827 = arith.subi %min3A_2825, %sub3A_2826 : vector<16xi32>
        %shift_right_arithmetic3A_2828 = arith.constant 16 : i32
        %shift_right_arithmetic3A_2829 = vector.broadcast %shift_right_arithmetic3A_2828 : i32 to vector<16xi32>
        %shift_right_arithmetic3A_2830 = arith.shrsi %sub3A_2827, %shift_right_arithmetic3A_2829 : vector<16xi32>
        tpu.vector_store_idx %arg5[%shift_right_arithmetic3A_2830], %broadcast_in_dim3A_3 {add = true} : memref<256xi32, #tpu.memory_space<vmem>>[vector<16xi32>], vector<16xi32>,
        %mul3A_2831 = arith.constant 8 : i32
        %mul3A_2832 = arith.muli %scan3A_2683, %mul3A_2831 : i32
        %add3A_2833 = arith.constant 6 : i32
        %add3A_2834 = arith.addi %mul3A_2832, %add3A_2833 : i32
        %mul3A_2835 = arith.constant 16 : i32
        %mul3A_2836 = arith.muli %add3A_2834, %mul3A_2835 : i32
        %get3A_2837 = arith.index_cast %mul3A_2836 : i32 to index
        %get3A_2838 = tpu.vector_load %arg4[%get3A_2837] {strides = array<i32>} : memref<16384xf32, #tpu.memory_space<vmem>>, vector<16xf32>,
        %bitcast_convert_type3A_2839 = tpu.bitcast %get3A_2838 : vector<16xf32> -> vector<16xi32>
        %ge3A_2840 = arith.constant 0 : i32
        %ge3A_2841 = vector.broadcast %ge3A_2840 : i32 to vector<16xi32>
        %ge3A_2842 = arith.cmpi sge, %bitcast_convert_type3A_2839, %ge3A_2841 : vector<16xi32>
        %xor3A_2843 = arith.constant 2147483647 : i32
        %xor3A_2844 = vector.broadcast %xor3A_2843 : i32 to vector<16xi32>
        %xor3A_2845 = arith.xori %bitcast_convert_type3A_2839, %xor3A_2844 : vector<16xi32>
        %select_n3A_2846 = arith.select %ge3A_2842, %bitcast_convert_type3A_2839, %xor3A_2845 : vector<16xi1>, vector<16xi32>
        %max3A_2847 = vector.broadcast %add3A_651 : i32 to vector<16xi32>
        %max3A_2848 = arith.maxsi %max3A_2847, %select_n3A_2846 : vector<16xi32>
        %min3A_2849 = vector.broadcast %add3A_717 : i32 to vector<16xi32>
        %min3A_2850 = arith.minsi %min3A_2849, %max3A_2848 : vector<16xi32>
        %sub3A_2851 = vector.broadcast %add3A_651 : i32 to vector<16xi32>
        %sub3A_2852 = arith.subi %min3A_2850, %sub3A_2851 : vector<16xi32>
        %shift_right_arithmetic3A_2853 = arith.constant 16 : i32
        %shift_right_arithmetic3A_2854 = vector.broadcast %shift_right_arithmetic3A_2853 : i32 to vector<16xi32>
        %shift_right_arithmetic3A_2855 = arith.shrsi %sub3A_2852, %shift_right_arithmetic3A_2854 : vector<16xi32>
        tpu.vector_store_idx %arg5[%shift_right_arithmetic3A_2855], %broadcast_in_dim3A_3 {add = true} : memref<256xi32, #tpu.memory_space<vmem>>[vector<16xi32>], vector<16xi32>,
        %mul3A_2856 = arith.constant 8 : i32
        %mul3A_2857 = arith.muli %scan3A_2683, %mul3A_2856 : i32
        %add3A_2858 = arith.constant 7 : i32
        %add3A_2859 = arith.addi %mul3A_2857, %add3A_2858 : i32
        %mul3A_2860 = arith.constant 16 : i32
        %mul3A_2861 = arith.muli %add3A_2859, %mul3A_2860 : i32
        %get3A_2862 = arith.index_cast %mul3A_2861 : i32 to index
        %get3A_2863 = tpu.vector_load %arg4[%get3A_2862] {strides = array<i32>} : memref<16384xf32, #tpu.memory_space<vmem>>, vector<16xf32>,
        %bitcast_convert_type3A_2864 = tpu.bitcast %get3A_2863 : vector<16xf32> -> vector<16xi32>
        %ge3A_2865 = arith.constant 0 : i32
        %ge3A_2866 = vector.broadcast %ge3A_2865 : i32 to vector<16xi32>
        %ge3A_2867 = arith.cmpi sge, %bitcast_convert_type3A_2864, %ge3A_2866 : vector<16xi32>
        %xor3A_2868 = arith.constant 2147483647 : i32
        %xor3A_2869 = vector.broadcast %xor3A_2868 : i32 to vector<16xi32>
        %xor3A_2870 = arith.xori %bitcast_convert_type3A_2864, %xor3A_2869 : vector<16xi32>
        %select_n3A_2871 = arith.select %ge3A_2867, %bitcast_convert_type3A_2864, %xor3A_2870 : vector<16xi1>, vector<16xi32>
        %max3A_2872 = vector.broadcast %add3A_651 : i32 to vector<16xi32>
        %max3A_2873 = arith.maxsi %max3A_2872, %select_n3A_2871 : vector<16xi32>
        %min3A_2874 = vector.broadcast %add3A_717 : i32 to vector<16xi32>
        %min3A_2875 = arith.minsi %min3A_2874, %max3A_2873 : vector<16xi32>
        %sub3A_2876 = vector.broadcast %add3A_651 : i32 to vector<16xi32>
        %sub3A_2877 = arith.subi %min3A_2875, %sub3A_2876 : vector<16xi32>
        %shift_right_arithmetic3A_2878 = arith.constant 16 : i32
        %shift_right_arithmetic3A_2879 = vector.broadcast %shift_right_arithmetic3A_2878 : i32 to vector<16xi32>
        %shift_right_arithmetic3A_2880 = arith.shrsi %sub3A_2877, %shift_right_arithmetic3A_2879 : vector<16xi32>
        tpu.vector_store_idx %arg5[%shift_right_arithmetic3A_2880], %broadcast_in_dim3A_3 {add = true} : memref<256xi32, #tpu.memory_space<vmem>>[vector<16xi32>], vector<16xi32>,
        %scan3A_2881 = arith.constant 0 : i32
        scf.yield %scan3A_2881 : i32
      }
      %scan3A_724 = arith.constant 128 : i32
      %broadcast_in_dim3A_725 = arith.constant 0 : i32
      %broadcast_in_dim3A_726 = vector.broadcast %broadcast_in_dim3A_725 : i32 to vector<16xi32>
      %get3A_727 = arith.constant 0 : index
      %get3A_728 = tpu.vector_load %arg5[%get3A_727] {strides = array<i32>} : memref<256xi32, #tpu.memory_space<vmem>>, vector<16xi32>,
      %add3A_729 = arith.addi %broadcast_in_dim3A_726, %get3A_728 : vector<16xi32>
      %get3A_730 = arith.constant 16 : index
      %get3A_731 = tpu.vector_load %arg5[%get3A_730] {strides = array<i32>} : memref<256xi32, #tpu.memory_space<vmem>>, vector<16xi32>,
      %add3A_732 = arith.addi %add3A_729, %get3A_731 : vector<16xi32>
      %get3A_733 = arith.constant 32 : index
      %get3A_734 = tpu.vector_load %arg5[%get3A_733] {strides = array<i32>} : memref<256xi32, #tpu.memory_space<vmem>>, vector<16xi32>,
      %add3A_735 = arith.addi %add3A_732, %get3A_734 : vector<16xi32>
      %get3A_736 = arith.constant 48 : index
      %get3A_737 = tpu.vector_load %arg5[%get3A_736] {strides = array<i32>} : memref<256xi32, #tpu.memory_space<vmem>>, vector<16xi32>,
      %add3A_738 = arith.addi %add3A_735, %get3A_737 : vector<16xi32>
      %get3A_739 = arith.constant 64 : index
      %get3A_740 = tpu.vector_load %arg5[%get3A_739] {strides = array<i32>} : memref<256xi32, #tpu.memory_space<vmem>>, vector<16xi32>,
      %add3A_741 = arith.addi %add3A_738, %get3A_740 : vector<16xi32>
      %get3A_742 = arith.constant 80 : index
      %get3A_743 = tpu.vector_load %arg5[%get3A_742] {strides = array<i32>} : memref<256xi32, #tpu.memory_space<vmem>>, vector<16xi32>,
      %add3A_744 = arith.addi %add3A_741, %get3A_743 : vector<16xi32>
      %get3A_745 = arith.constant 96 : index
      %get3A_746 = tpu.vector_load %arg5[%get3A_745] {strides = array<i32>} : memref<256xi32, #tpu.memory_space<vmem>>, vector<16xi32>,
      %add3A_747 = arith.addi %add3A_744, %get3A_746 : vector<16xi32>
      %get3A_748 = arith.constant 112 : index
      %get3A_749 = tpu.vector_load %arg5[%get3A_748] {strides = array<i32>} : memref<256xi32, #tpu.memory_space<vmem>>, vector<16xi32>,
      %add3A_750 = arith.addi %add3A_747, %get3A_749 : vector<16xi32>
      %get3A_751 = arith.constant 128 : index
      %get3A_752 = tpu.vector_load %arg5[%get3A_751] {strides = array<i32>} : memref<256xi32, #tpu.memory_space<vmem>>, vector<16xi32>,
      %add3A_753 = arith.addi %add3A_750, %get3A_752 : vector<16xi32>
      %get3A_754 = arith.constant 144 : index
      %get3A_755 = tpu.vector_load %arg5[%get3A_754] {strides = array<i32>} : memref<256xi32, #tpu.memory_space<vmem>>, vector<16xi32>,
      %add3A_756 = arith.addi %add3A_753, %get3A_755 : vector<16xi32>
      %get3A_757 = arith.constant 160 : index
      %get3A_758 = tpu.vector_load %arg5[%get3A_757] {strides = array<i32>} : memref<256xi32, #tpu.memory_space<vmem>>, vector<16xi32>,
      %add3A_759 = arith.addi %add3A_756, %get3A_758 : vector<16xi32>
      %get3A_760 = arith.constant 176 : index
      %get3A_761 = tpu.vector_load %arg5[%get3A_760] {strides = array<i32>} : memref<256xi32, #tpu.memory_space<vmem>>, vector<16xi32>,
      %add3A_762 = arith.addi %add3A_759, %get3A_761 : vector<16xi32>
      %get3A_763 = arith.constant 192 : index
      %get3A_764 = tpu.vector_load %arg5[%get3A_763] {strides = array<i32>} : memref<256xi32, #tpu.memory_space<vmem>>, vector<16xi32>,
      %add3A_765 = arith.addi %add3A_762, %get3A_764 : vector<16xi32>
      %get3A_766 = arith.constant 208 : index
      %get3A_767 = tpu.vector_load %arg5[%get3A_766] {strides = array<i32>} : memref<256xi32, #tpu.memory_space<vmem>>, vector<16xi32>,
      %add3A_768 = arith.addi %add3A_765, %get3A_767 : vector<16xi32>
      %get3A_769 = arith.constant 224 : index
      %get3A_770 = tpu.vector_load %arg5[%get3A_769] {strides = array<i32>} : memref<256xi32, #tpu.memory_space<vmem>>, vector<16xi32>,
      %add3A_771 = arith.addi %add3A_768, %get3A_770 : vector<16xi32>
      %get3A_772 = arith.constant 240 : index
      %get3A_773 = tpu.vector_load %arg5[%get3A_772] {strides = array<i32>} : memref<256xi32, #tpu.memory_space<vmem>>, vector<16xi32>,
      %add3A_774 = arith.addi %add3A_771, %get3A_773 : vector<16xi32>
      %reduce_sum3A_775 = arith.constant true
      %reduce_sum3A_776 = vector.broadcast %reduce_sum3A_775 : i1 to vector<16xi1>
      %reduce_sum3A_777 = tpu.scan <sum>, %add3A_774 masked %reduce_sum3A_776 : vector<16xi32>, vector<16xi1> -> vector<16xi32>
      %reduce_sum3A_778 = vector.extract %reduce_sum3A_777[15] : i32 from vector<16xi32>
      %get3A_779 = arith.constant 0 : index
      %get3A_780 = tpu.vector_load %arg5[%get3A_779] {strides = array<i32>} : memref<256xi32, #tpu.memory_space<vmem>>, vector<16xi32>,
      %broadcast_in_dim3A_781 = arith.constant true
      %broadcast_in_dim3A_782 = vector.broadcast %broadcast_in_dim3A_781 : i1 to vector<16xi1>
      %masked_cumsum3A_783 = tpu.scan <sum>, %get3A_780 masked %broadcast_in_dim3A_782 : vector<16xi32>, vector<16xi1> -> vector<16xi32>
      %sub3A_784 = arith.subi %masked_cumsum3A_783, %get3A_780 : vector<16xi32>
      %add3A_785 = arith.constant 0 : i32
      %add3A_786 = vector.broadcast %add3A_785 : i32 to vector<16xi32>
      %add3A_787 = arith.addi %add3A_786, %sub3A_784 : vector<16xi32>
      %sub3A_788 = vector.broadcast %reduce_sum3A_778 : i32 to vector<16xi32>
      %sub3A_789 = arith.subi %sub3A_788, %add3A_787 : vector<16xi32>
      %ge3A_790 = arith.constant 1024 : i32
      %ge3A_791 = vector.broadcast %ge3A_790 : i32 to vector<16xi32>
      %ge3A_792 = arith.cmpi sge, %sub3A_789, %ge3A_791 : vector<16xi32>
      %add3A_793 = arith.constant 0 : i32
      %add3A_794 = vector.broadcast %add3A_793 : i32 to vector<16xi32>
      %add3A_795 = arith.addi %iota3A, %add3A_794 : vector<16xi32>
      %jit3A_796 = arith.constant 0 : i32
      %broadcast_in_dim3A_797 = vector.broadcast %jit3A_796 : i32 to vector<16xi32>
      %select_n3A_798 = arith.select %ge3A_792, %add3A_795, %broadcast_in_dim3A_797 : vector<16xi1>, vector<16xi32>
      %reduce_max3A_799 = arith.constant true
      %reduce_max3A_800 = vector.broadcast %reduce_max3A_799 : i1 to vector<16xi1>
      %reduce_max3A_801 = arith.constant -2147483648 : i32
      %reduce_max3A_802 = vector.broadcast %reduce_max3A_801 : i32 to vector<16xi32>
      %reduce_max3A_803 = arith.xori %select_n3A_798, %reduce_max3A_802 : vector<16xi32>
      %reduce_max3A_804 = tpu.scan <max>, %reduce_max3A_803 masked %reduce_max3A_800 : vector<16xi32>, vector<16xi1> -> vector<16xi32>
      %reduce_max3A_805 = arith.xori %reduce_max3A_804, %reduce_max3A_802 : vector<16xi32>
      %reduce_max3A_806 = vector.extract %reduce_max3A_805[15] : i32 from vector<16xi32>
      %max3A_807 = arith.constant 0 : i32
      %max3A_808 = arith.maxsi %max3A_807, %reduce_max3A_806 : i32
      %reduce_sum3A_809 = arith.constant true
      %reduce_sum3A_810 = vector.broadcast %reduce_sum3A_809 : i1 to vector<16xi1>
      %reduce_sum3A_811 = tpu.scan <sum>, %get3A_780 masked %reduce_sum3A_810 : vector<16xi32>, vector<16xi1> -> vector<16xi32>
      %reduce_sum3A_812 = vector.extract %reduce_sum3A_811[15] : i32 from vector<16xi32>
      %add3A_813 = arith.constant 0 : i32
      %add3A_814 = arith.addi %add3A_813, %reduce_sum3A_812 : i32
      %get3A_815 = arith.constant 16 : index
      %get3A_816 = tpu.vector_load %arg5[%get3A_815] {strides = array<i32>} : memref<256xi32, #tpu.memory_space<vmem>>, vector<16xi32>,
      %broadcast_in_dim3A_817 = arith.constant true
      %broadcast_in_dim3A_818 = vector.broadcast %broadcast_in_dim3A_817 : i1 to vector<16xi1>
      %masked_cumsum3A_819 = tpu.scan <sum>, %get3A_816 masked %broadcast_in_dim3A_818 : vector<16xi32>, vector<16xi1> -> vector<16xi32>
      %sub3A_820 = arith.subi %masked_cumsum3A_819, %get3A_816 : vector<16xi32>
      %add3A_821 = vector.broadcast %add3A_814 : i32 to vector<16xi32>
      %add3A_822 = arith.addi %add3A_821, %sub3A_820 : vector<16xi32>
      %sub3A_823 = vector.broadcast %reduce_sum3A_778 : i32 to vector<16xi32>
      %sub3A_824 = arith.subi %sub3A_823, %add3A_822 : vector<16xi32>
      %ge3A_825 = arith.constant 1024 : i32
      %ge3A_826 = vector.broadcast %ge3A_825 : i32 to vector<16xi32>
      %ge3A_827 = arith.cmpi sge, %sub3A_824, %ge3A_826 : vector<16xi32>
      %add3A_828 = arith.constant 16 : i32
      %add3A_829 = vector.broadcast %add3A_828 : i32 to vector<16xi32>
      %add3A_830 = arith.addi %iota3A, %add3A_829 : vector<16xi32>
      %jit3A_831 = arith.constant 0 : i32
      %broadcast_in_dim3A_832 = vector.broadcast %jit3A_831 : i32 to vector<16xi32>
      %select_n3A_833 = arith.select %ge3A_827, %add3A_830, %broadcast_in_dim3A_832 : vector<16xi1>, vector<16xi32>
      %reduce_max3A_834 = arith.constant true
      %reduce_max3A_835 = vector.broadcast %reduce_max3A_834 : i1 to vector<16xi1>
      %reduce_max3A_836 = arith.constant -2147483648 : i32
      %reduce_max3A_837 = vector.broadcast %reduce_max3A_836 : i32 to vector<16xi32>
      %reduce_max3A_838 = arith.xori %select_n3A_833, %reduce_max3A_837 : vector<16xi32>
      %reduce_max3A_839 = tpu.scan <max>, %reduce_max3A_838 masked %reduce_max3A_835 : vector<16xi32>, vector<16xi1> -> vector<16xi32>
      %reduce_max3A_840 = arith.xori %reduce_max3A_839, %reduce_max3A_837 : vector<16xi32>
      %reduce_max3A_841 = vector.extract %reduce_max3A_840[15] : i32 from vector<16xi32>
      %max3A_842 = arith.maxsi %max3A_808, %reduce_max3A_841 : i32
      %reduce_sum3A_843 = arith.constant true
      %reduce_sum3A_844 = vector.broadcast %reduce_sum3A_843 : i1 to vector<16xi1>
      %reduce_sum3A_845 = tpu.scan <sum>, %get3A_816 masked %reduce_sum3A_844 : vector<16xi32>, vector<16xi1> -> vector<16xi32>
      %reduce_sum3A_846 = vector.extract %reduce_sum3A_845[15] : i32 from vector<16xi32>
      %add3A_847 = arith.addi %add3A_814, %reduce_sum3A_846 : i32
      %get3A_848 = arith.constant 32 : index
      %get3A_849 = tpu.vector_load %arg5[%get3A_848] {strides = array<i32>} : memref<256xi32, #tpu.memory_space<vmem>>, vector<16xi32>,
      %broadcast_in_dim3A_850 = arith.constant true
      %broadcast_in_dim3A_851 = vector.broadcast %broadcast_in_dim3A_850 : i1 to vector<16xi1>
      %masked_cumsum3A_852 = tpu.scan <sum>, %get3A_849 masked %broadcast_in_dim3A_851 : vector<16xi32>, vector<16xi1> -> vector<16xi32>
      %sub3A_853 = arith.subi %masked_cumsum3A_852, %get3A_849 : vector<16xi32>
      %add3A_854 = vector.broadcast %add3A_847 : i32 to vector<16xi32>
      %add3A_855 = arith.addi %add3A_854, %sub3A_853 : vector<16xi32>
      %sub3A_856 = vector.broadcast %reduce_sum3A_778 : i32 to vector<16xi32>
      %sub3A_857 = arith.subi %sub3A_856, %add3A_855 : vector<16xi32>
      %ge3A_858 = arith.constant 1024 : i32
      %ge3A_859 = vector.broadcast %ge3A_858 : i32 to vector<16xi32>
      %ge3A_860 = arith.cmpi sge, %sub3A_857, %ge3A_859 : vector<16xi32>
      %add3A_861 = arith.constant 32 : i32
      %add3A_862 = vector.broadcast %add3A_861 : i32 to vector<16xi32>
      %add3A_863 = arith.addi %iota3A, %add3A_862 : vector<16xi32>
      %jit3A_864 = arith.constant 0 : i32
      %broadcast_in_dim3A_865 = vector.broadcast %jit3A_864 : i32 to vector<16xi32>
      %select_n3A_866 = arith.select %ge3A_860, %add3A_863, %broadcast_in_dim3A_865 : vector<16xi1>, vector<16xi32>
      %reduce_max3A_867 = arith.constant true
      %reduce_max3A_868 = vector.broadcast %reduce_max3A_867 : i1 to vector<16xi1>
      %reduce_max3A_869 = arith.constant -2147483648 : i32
      %reduce_max3A_870 = vector.broadcast %reduce_max3A_869 : i32 to vector<16xi32>
      %reduce_max3A_871 = arith.xori %select_n3A_866, %reduce_max3A_870 : vector<16xi32>
      %reduce_max3A_872 = tpu.scan <max>, %reduce_max3A_871 masked %reduce_max3A_868 : vector<16xi32>, vector<16xi1> -> vector<16xi32>
      %reduce_max3A_873 = arith.xori %reduce_max3A_872, %reduce_max3A_870 : vector<16xi32>
      %reduce_max3A_874 = vector.extract %reduce_max3A_873[15] : i32 from vector<16xi32>
      %max3A_875 = arith.maxsi %max3A_842, %reduce_max3A_874 : i32
      %reduce_sum3A_876 = arith.constant true
      %reduce_sum3A_877 = vector.broadcast %reduce_sum3A_876 : i1 to vector<16xi1>
      %reduce_sum3A_878 = tpu.scan <sum>, %get3A_849 masked %reduce_sum3A_877 : vector<16xi32>, vector<16xi1> -> vector<16xi32>
      %reduce_sum3A_879 = vector.extract %reduce_sum3A_878[15] : i32 from vector<16xi32>
      %add3A_880 = arith.addi %add3A_847, %reduce_sum3A_879 : i32
      %get3A_881 = arith.constant 48 : index
      %get3A_882 = tpu.vector_load %arg5[%get3A_881] {strides = array<i32>} : memref<256xi32, #tpu.memory_space<vmem>>, vector<16xi32>,
      %broadcast_in_dim3A_883 = arith.constant true
      %broadcast_in_dim3A_884 = vector.broadcast %broadcast_in_dim3A_883 : i1 to vector<16xi1>
      %masked_cumsum3A_885 = tpu.scan <sum>, %get3A_882 masked %broadcast_in_dim3A_884 : vector<16xi32>, vector<16xi1> -> vector<16xi32>
      %sub3A_886 = arith.subi %masked_cumsum3A_885, %get3A_882 : vector<16xi32>
      %add3A_887 = vector.broadcast %add3A_880 : i32 to vector<16xi32>
      %add3A_888 = arith.addi %add3A_887, %sub3A_886 : vector<16xi32>
      %sub3A_889 = vector.broadcast %reduce_sum3A_778 : i32 to vector<16xi32>
      %sub3A_890 = arith.subi %sub3A_889, %add3A_888 : vector<16xi32>
      %ge3A_891 = arith.constant 1024 : i32
      %ge3A_892 = vector.broadcast %ge3A_891 : i32 to vector<16xi32>
      %ge3A_893 = arith.cmpi sge, %sub3A_890, %ge3A_892 : vector<16xi32>
      %add3A_894 = arith.constant 48 : i32
      %add3A_895 = vector.broadcast %add3A_894 : i32 to vector<16xi32>
      %add3A_896 = arith.addi %iota3A, %add3A_895 : vector<16xi32>
      %jit3A_897 = arith.constant 0 : i32
      %broadcast_in_dim3A_898 = vector.broadcast %jit3A_897 : i32 to vector<16xi32>
      %select_n3A_899 = arith.select %ge3A_893, %add3A_896, %broadcast_in_dim3A_898 : vector<16xi1>, vector<16xi32>
      %reduce_max3A_900 = arith.constant true
      %reduce_max3A_901 = vector.broadcast %reduce_max3A_900 : i1 to vector<16xi1>
      %reduce_max3A_902 = arith.constant -2147483648 : i32
      %reduce_max3A_903 = vector.broadcast %reduce_max3A_902 : i32 to vector<16xi32>
      %reduce_max3A_904 = arith.xori %select_n3A_899, %reduce_max3A_903 : vector<16xi32>
      %reduce_max3A_905 = tpu.scan <max>, %reduce_max3A_904 masked %reduce_max3A_901 : vector<16xi32>, vector<16xi1> -> vector<16xi32>
      %reduce_max3A_906 = arith.xori %reduce_max3A_905, %reduce_max3A_903 : vector<16xi32>
      %reduce_max3A_907 = vector.extract %reduce_max3A_906[15] : i32 from vector<16xi32>
      %max3A_908 = arith.maxsi %max3A_875, %reduce_max3A_907 : i32
      %reduce_sum3A_909 = arith.constant true
      %reduce_sum3A_910 = vector.broadcast %reduce_sum3A_909 : i1 to vector<16xi1>
      %reduce_sum3A_911 = tpu.scan <sum>, %get3A_882 masked %reduce_sum3A_910 : vector<16xi32>, vector<16xi1> -> vector<16xi32>
      %reduce_sum3A_912 = vector.extract %reduce_sum3A_911[15] : i32 from vector<16xi32>
      %add3A_913 = arith.addi %add3A_880, %reduce_sum3A_912 : i32
      %get3A_914 = arith.constant 64 : index
      %get3A_915 = tpu.vector_load %arg5[%get3A_914] {strides = array<i32>} : memref<256xi32, #tpu.memory_space<vmem>>, vector<16xi32>,
      %broadcast_in_dim3A_916 = arith.constant true
      %broadcast_in_dim3A_917 = vector.broadcast %broadcast_in_dim3A_916 : i1 to vector<16xi1>
      %masked_cumsum3A_918 = tpu.scan <sum>, %get3A_915 masked %broadcast_in_dim3A_917 : vector<16xi32>, vector<16xi1> -> vector<16xi32>
      %sub3A_919 = arith.subi %masked_cumsum3A_918, %get3A_915 : vector<16xi32>
      %add3A_920 = vector.broadcast %add3A_913 : i32 to vector<16xi32>
      %add3A_921 = arith.addi %add3A_920, %sub3A_919 : vector<16xi32>
      %sub3A_922 = vector.broadcast %reduce_sum3A_778 : i32 to vector<16xi32>
      %sub3A_923 = arith.subi %sub3A_922, %add3A_921 : vector<16xi32>
      %ge3A_924 = arith.constant 1024 : i32
      %ge3A_925 = vector.broadcast %ge3A_924 : i32 to vector<16xi32>
      %ge3A_926 = arith.cmpi sge, %sub3A_923, %ge3A_925 : vector<16xi32>
      %add3A_927 = arith.constant 64 : i32
      %add3A_928 = vector.broadcast %add3A_927 : i32 to vector<16xi32>
      %add3A_929 = arith.addi %iota3A, %add3A_928 : vector<16xi32>
      %jit3A_930 = arith.constant 0 : i32
      %broadcast_in_dim3A_931 = vector.broadcast %jit3A_930 : i32 to vector<16xi32>
      %select_n3A_932 = arith.select %ge3A_926, %add3A_929, %broadcast_in_dim3A_931 : vector<16xi1>, vector<16xi32>
      %reduce_max3A_933 = arith.constant true
      %reduce_max3A_934 = vector.broadcast %reduce_max3A_933 : i1 to vector<16xi1>
      %reduce_max3A_935 = arith.constant -2147483648 : i32
      %reduce_max3A_936 = vector.broadcast %reduce_max3A_935 : i32 to vector<16xi32>
      %reduce_max3A_937 = arith.xori %select_n3A_932, %reduce_max3A_936 : vector<16xi32>
      %reduce_max3A_938 = tpu.scan <max>, %reduce_max3A_937 masked %reduce_max3A_934 : vector<16xi32>, vector<16xi1> -> vector<16xi32>
      %reduce_max3A_939 = arith.xori %reduce_max3A_938, %reduce_max3A_936 : vector<16xi32>
      %reduce_max3A_940 = vector.extract %reduce_max3A_939[15] : i32 from vector<16xi32>
      %max3A_941 = arith.maxsi %max3A_908, %reduce_max3A_940 : i32
      %reduce_sum3A_942 = arith.constant true
      %reduce_sum3A_943 = vector.broadcast %reduce_sum3A_942 : i1 to vector<16xi1>
      %reduce_sum3A_944 = tpu.scan <sum>, %get3A_915 masked %reduce_sum3A_943 : vector<16xi32>, vector<16xi1> -> vector<16xi32>
      %reduce_sum3A_945 = vector.extract %reduce_sum3A_944[15] : i32 from vector<16xi32>
      %add3A_946 = arith.addi %add3A_913, %reduce_sum3A_945 : i32
      %get3A_947 = arith.constant 80 : index
      %get3A_948 = tpu.vector_load %arg5[%get3A_947] {strides = array<i32>} : memref<256xi32, #tpu.memory_space<vmem>>, vector<16xi32>,
      %broadcast_in_dim3A_949 = arith.constant true
      %broadcast_in_dim3A_950 = vector.broadcast %broadcast_in_dim3A_949 : i1 to vector<16xi1>
      %masked_cumsum3A_951 = tpu.scan <sum>, %get3A_948 masked %broadcast_in_dim3A_950 : vector<16xi32>, vector<16xi1> -> vector<16xi32>
      %sub3A_952 = arith.subi %masked_cumsum3A_951, %get3A_948 : vector<16xi32>
      %add3A_953 = vector.broadcast %add3A_946 : i32 to vector<16xi32>
      %add3A_954 = arith.addi %add3A_953, %sub3A_952 : vector<16xi32>
      %sub3A_955 = vector.broadcast %reduce_sum3A_778 : i32 to vector<16xi32>
      %sub3A_956 = arith.subi %sub3A_955, %add3A_954 : vector<16xi32>
      %ge3A_957 = arith.constant 1024 : i32
      %ge3A_958 = vector.broadcast %ge3A_957 : i32 to vector<16xi32>
      %ge3A_959 = arith.cmpi sge, %sub3A_956, %ge3A_958 : vector<16xi32>
      %add3A_960 = arith.constant 80 : i32
      %add3A_961 = vector.broadcast %add3A_960 : i32 to vector<16xi32>
      %add3A_962 = arith.addi %iota3A, %add3A_961 : vector<16xi32>
      %jit3A_963 = arith.constant 0 : i32
      %broadcast_in_dim3A_964 = vector.broadcast %jit3A_963 : i32 to vector<16xi32>
      %select_n3A_965 = arith.select %ge3A_959, %add3A_962, %broadcast_in_dim3A_964 : vector<16xi1>, vector<16xi32>
      %reduce_max3A_966 = arith.constant true
      %reduce_max3A_967 = vector.broadcast %reduce_max3A_966 : i1 to vector<16xi1>
      %reduce_max3A_968 = arith.constant -2147483648 : i32
      %reduce_max3A_969 = vector.broadcast %reduce_max3A_968 : i32 to vector<16xi32>
      %reduce_max3A_970 = arith.xori %select_n3A_965, %reduce_max3A_969 : vector<16xi32>
      %reduce_max3A_971 = tpu.scan <max>, %reduce_max3A_970 masked %reduce_max3A_967 : vector<16xi32>, vector<16xi1> -> vector<16xi32>
      %reduce_max3A_972 = arith.xori %reduce_max3A_971, %reduce_max3A_969 : vector<16xi32>
      %reduce_max3A_973 = vector.extract %reduce_max3A_972[15] : i32 from vector<16xi32>
      %max3A_974 = arith.maxsi %max3A_941, %reduce_max3A_973 : i32
      %reduce_sum3A_975 = arith.constant true
      %reduce_sum3A_976 = vector.broadcast %reduce_sum3A_975 : i1 to vector<16xi1>
      %reduce_sum3A_977 = tpu.scan <sum>, %get3A_948 masked %reduce_sum3A_976 : vector<16xi32>, vector<16xi1> -> vector<16xi32>
      %reduce_sum3A_978 = vector.extract %reduce_sum3A_977[15] : i32 from vector<16xi32>
      %add3A_979 = arith.addi %add3A_946, %reduce_sum3A_978 : i32
      %get3A_980 = arith.constant 96 : index
      %get3A_981 = tpu.vector_load %arg5[%get3A_980] {strides = array<i32>} : memref<256xi32, #tpu.memory_space<vmem>>, vector<16xi32>,
      %broadcast_in_dim3A_982 = arith.constant true
      %broadcast_in_dim3A_983 = vector.broadcast %broadcast_in_dim3A_982 : i1 to vector<16xi1>
      %masked_cumsum3A_984 = tpu.scan <sum>, %get3A_981 masked %broadcast_in_dim3A_983 : vector<16xi32>, vector<16xi1> -> vector<16xi32>
      %sub3A_985 = arith.subi %masked_cumsum3A_984, %get3A_981 : vector<16xi32>
      %add3A_986 = vector.broadcast %add3A_979 : i32 to vector<16xi32>
      %add3A_987 = arith.addi %add3A_986, %sub3A_985 : vector<16xi32>
      %sub3A_988 = vector.broadcast %reduce_sum3A_778 : i32 to vector<16xi32>
      %sub3A_989 = arith.subi %sub3A_988, %add3A_987 : vector<16xi32>
      %ge3A_990 = arith.constant 1024 : i32
      %ge3A_991 = vector.broadcast %ge3A_990 : i32 to vector<16xi32>
      %ge3A_992 = arith.cmpi sge, %sub3A_989, %ge3A_991 : vector<16xi32>
      %add3A_993 = arith.constant 96 : i32
      %add3A_994 = vector.broadcast %add3A_993 : i32 to vector<16xi32>
      %add3A_995 = arith.addi %iota3A, %add3A_994 : vector<16xi32>
      %jit3A_996 = arith.constant 0 : i32
      %broadcast_in_dim3A_997 = vector.broadcast %jit3A_996 : i32 to vector<16xi32>
      %select_n3A_998 = arith.select %ge3A_992, %add3A_995, %broadcast_in_dim3A_997 : vector<16xi1>, vector<16xi32>
      %reduce_max3A_999 = arith.constant true
      %reduce_max3A_1000 = vector.broadcast %reduce_max3A_999 : i1 to vector<16xi1>
      %reduce_max3A_1001 = arith.constant -2147483648 : i32
      %reduce_max3A_1002 = vector.broadcast %reduce_max3A_1001 : i32 to vector<16xi32>
      %reduce_max3A_1003 = arith.xori %select_n3A_998, %reduce_max3A_1002 : vector<16xi32>
      %reduce_max3A_1004 = tpu.scan <max>, %reduce_max3A_1003 masked %reduce_max3A_1000 : vector<16xi32>, vector<16xi1> -> vector<16xi32>
      %reduce_max3A_1005 = arith.xori %reduce_max3A_1004, %reduce_max3A_1002 : vector<16xi32>
      %reduce_max3A_1006 = vector.extract %reduce_max3A_1005[15] : i32 from vector<16xi32>
      %max3A_1007 = arith.maxsi %max3A_974, %reduce_max3A_1006 : i32
      %reduce_sum3A_1008 = arith.constant true
      %reduce_sum3A_1009 = vector.broadcast %reduce_sum3A_1008 : i1 to vector<16xi1>
      %reduce_sum3A_1010 = tpu.scan <sum>, %get3A_981 masked %reduce_sum3A_1009 : vector<16xi32>, vector<16xi1> -> vector<16xi32>
      %reduce_sum3A_1011 = vector.extract %reduce_sum3A_1010[15] : i32 from vector<16xi32>
      %add3A_1012 = arith.addi %add3A_979, %reduce_sum3A_1011 : i32
      %get3A_1013 = arith.constant 112 : index
      %get3A_1014 = tpu.vector_load %arg5[%get3A_1013] {strides = array<i32>} : memref<256xi32, #tpu.memory_space<vmem>>, vector<16xi32>,
      %broadcast_in_dim3A_1015 = arith.constant true
      %broadcast_in_dim3A_1016 = vector.broadcast %broadcast_in_dim3A_1015 : i1 to vector<16xi1>
      %masked_cumsum3A_1017 = tpu.scan <sum>, %get3A_1014 masked %broadcast_in_dim3A_1016 : vector<16xi32>, vector<16xi1> -> vector<16xi32>
      %sub3A_1018 = arith.subi %masked_cumsum3A_1017, %get3A_1014 : vector<16xi32>
      %add3A_1019 = vector.broadcast %add3A_1012 : i32 to vector<16xi32>
      %add3A_1020 = arith.addi %add3A_1019, %sub3A_1018 : vector<16xi32>
      %sub3A_1021 = vector.broadcast %reduce_sum3A_778 : i32 to vector<16xi32>
      %sub3A_1022 = arith.subi %sub3A_1021, %add3A_1020 : vector<16xi32>
      %ge3A_1023 = arith.constant 1024 : i32
      %ge3A_1024 = vector.broadcast %ge3A_1023 : i32 to vector<16xi32>
      %ge3A_1025 = arith.cmpi sge, %sub3A_1022, %ge3A_1024 : vector<16xi32>
      %add3A_1026 = arith.constant 112 : i32
      %add3A_1027 = vector.broadcast %add3A_1026 : i32 to vector<16xi32>
      %add3A_1028 = arith.addi %iota3A, %add3A_1027 : vector<16xi32>
      %jit3A_1029 = arith.constant 0 : i32
      %broadcast_in_dim3A_1030 = vector.broadcast %jit3A_1029 : i32 to vector<16xi32>
      %select_n3A_1031 = arith.select %ge3A_1025, %add3A_1028, %broadcast_in_dim3A_1030 : vector<16xi1>, vector<16xi32>
      %reduce_max3A_1032 = arith.constant true
      %reduce_max3A_1033 = vector.broadcast %reduce_max3A_1032 : i1 to vector<16xi1>
      %reduce_max3A_1034 = arith.constant -2147483648 : i32
      %reduce_max3A_1035 = vector.broadcast %reduce_max3A_1034 : i32 to vector<16xi32>
      %reduce_max3A_1036 = arith.xori %select_n3A_1031, %reduce_max3A_1035 : vector<16xi32>
      %reduce_max3A_1037 = tpu.scan <max>, %reduce_max3A_1036 masked %reduce_max3A_1033 : vector<16xi32>, vector<16xi1> -> vector<16xi32>
      %reduce_max3A_1038 = arith.xori %reduce_max3A_1037, %reduce_max3A_1035 : vector<16xi32>
      %reduce_max3A_1039 = vector.extract %reduce_max3A_1038[15] : i32 from vector<16xi32>
      %max3A_1040 = arith.maxsi %max3A_1007, %reduce_max3A_1039 : i32
      %reduce_sum3A_1041 = arith.constant true
      %reduce_sum3A_1042 = vector.broadcast %reduce_sum3A_1041 : i1 to vector<16xi1>
      %reduce_sum3A_1043 = tpu.scan <sum>, %get3A_1014 masked %reduce_sum3A_1042 : vector<16xi32>, vector<16xi1> -> vector<16xi32>
      %reduce_sum3A_1044 = vector.extract %reduce_sum3A_1043[15] : i32 from vector<16xi32>
      %add3A_1045 = arith.addi %add3A_1012, %reduce_sum3A_1044 : i32
      %get3A_1046 = arith.constant 128 : index
      %get3A_1047 = tpu.vector_load %arg5[%get3A_1046] {strides = array<i32>} : memref<256xi32, #tpu.memory_space<vmem>>, vector<16xi32>,
      %broadcast_in_dim3A_1048 = arith.constant true
      %broadcast_in_dim3A_1049 = vector.broadcast %broadcast_in_dim3A_1048 : i1 to vector<16xi1>
      %masked_cumsum3A_1050 = tpu.scan <sum>, %get3A_1047 masked %broadcast_in_dim3A_1049 : vector<16xi32>, vector<16xi1> -> vector<16xi32>
      %sub3A_1051 = arith.subi %masked_cumsum3A_1050, %get3A_1047 : vector<16xi32>
      %add3A_1052 = vector.broadcast %add3A_1045 : i32 to vector<16xi32>
      %add3A_1053 = arith.addi %add3A_1052, %sub3A_1051 : vector<16xi32>
      %sub3A_1054 = vector.broadcast %reduce_sum3A_778 : i32 to vector<16xi32>
      %sub3A_1055 = arith.subi %sub3A_1054, %add3A_1053 : vector<16xi32>
      %ge3A_1056 = arith.constant 1024 : i32
      %ge3A_1057 = vector.broadcast %ge3A_1056 : i32 to vector<16xi32>
      %ge3A_1058 = arith.cmpi sge, %sub3A_1055, %ge3A_1057 : vector<16xi32>
      %add3A_1059 = arith.constant 128 : i32
      %add3A_1060 = vector.broadcast %add3A_1059 : i32 to vector<16xi32>
      %add3A_1061 = arith.addi %iota3A, %add3A_1060 : vector<16xi32>
      %jit3A_1062 = arith.constant 0 : i32
      %broadcast_in_dim3A_1063 = vector.broadcast %jit3A_1062 : i32 to vector<16xi32>
      %select_n3A_1064 = arith.select %ge3A_1058, %add3A_1061, %broadcast_in_dim3A_1063 : vector<16xi1>, vector<16xi32>
      %reduce_max3A_1065 = arith.constant true
      %reduce_max3A_1066 = vector.broadcast %reduce_max3A_1065 : i1 to vector<16xi1>
      %reduce_max3A_1067 = arith.constant -2147483648 : i32
      %reduce_max3A_1068 = vector.broadcast %reduce_max3A_1067 : i32 to vector<16xi32>
      %reduce_max3A_1069 = arith.xori %select_n3A_1064, %reduce_max3A_1068 : vector<16xi32>
      %reduce_max3A_1070 = tpu.scan <max>, %reduce_max3A_1069 masked %reduce_max3A_1066 : vector<16xi32>, vector<16xi1> -> vector<16xi32>
      %reduce_max3A_1071 = arith.xori %reduce_max3A_1070, %reduce_max3A_1068 : vector<16xi32>
      %reduce_max3A_1072 = vector.extract %reduce_max3A_1071[15] : i32 from vector<16xi32>
      %max3A_1073 = arith.maxsi %max3A_1040, %reduce_max3A_1072 : i32
      %reduce_sum3A_1074 = arith.constant true
      %reduce_sum3A_1075 = vector.broadcast %reduce_sum3A_1074 : i1 to vector<16xi1>
      %reduce_sum3A_1076 = tpu.scan <sum>, %get3A_1047 masked %reduce_sum3A_1075 : vector<16xi32>, vector<16xi1> -> vector<16xi32>
      %reduce_sum3A_1077 = vector.extract %reduce_sum3A_1076[15] : i32 from vector<16xi32>
      %add3A_1078 = arith.addi %add3A_1045, %reduce_sum3A_1077 : i32
      %get3A_1079 = arith.constant 144 : index
      %get3A_1080 = tpu.vector_load %arg5[%get3A_1079] {strides = array<i32>} : memref<256xi32, #tpu.memory_space<vmem>>, vector<16xi32>,
      %broadcast_in_dim3A_1081 = arith.constant true
      %broadcast_in_dim3A_1082 = vector.broadcast %broadcast_in_dim3A_1081 : i1 to vector<16xi1>
      %masked_cumsum3A_1083 = tpu.scan <sum>, %get3A_1080 masked %broadcast_in_dim3A_1082 : vector<16xi32>, vector<16xi1> -> vector<16xi32>
      %sub3A_1084 = arith.subi %masked_cumsum3A_1083, %get3A_1080 : vector<16xi32>
      %add3A_1085 = vector.broadcast %add3A_1078 : i32 to vector<16xi32>
      %add3A_1086 = arith.addi %add3A_1085, %sub3A_1084 : vector<16xi32>
      %sub3A_1087 = vector.broadcast %reduce_sum3A_778 : i32 to vector<16xi32>
      %sub3A_1088 = arith.subi %sub3A_1087, %add3A_1086 : vector<16xi32>
      %ge3A_1089 = arith.constant 1024 : i32
      %ge3A_1090 = vector.broadcast %ge3A_1089 : i32 to vector<16xi32>
      %ge3A_1091 = arith.cmpi sge, %sub3A_1088, %ge3A_1090 : vector<16xi32>
      %add3A_1092 = arith.constant 144 : i32
      %add3A_1093 = vector.broadcast %add3A_1092 : i32 to vector<16xi32>
      %add3A_1094 = arith.addi %iota3A, %add3A_1093 : vector<16xi32>
      %jit3A_1095 = arith.constant 0 : i32
      %broadcast_in_dim3A_1096 = vector.broadcast %jit3A_1095 : i32 to vector<16xi32>
      %select_n3A_1097 = arith.select %ge3A_1091, %add3A_1094, %broadcast_in_dim3A_1096 : vector<16xi1>, vector<16xi32>
      %reduce_max3A_1098 = arith.constant true
      %reduce_max3A_1099 = vector.broadcast %reduce_max3A_1098 : i1 to vector<16xi1>
      %reduce_max3A_1100 = arith.constant -2147483648 : i32
      %reduce_max3A_1101 = vector.broadcast %reduce_max3A_1100 : i32 to vector<16xi32>
      %reduce_max3A_1102 = arith.xori %select_n3A_1097, %reduce_max3A_1101 : vector<16xi32>
      %reduce_max3A_1103 = tpu.scan <max>, %reduce_max3A_1102 masked %reduce_max3A_1099 : vector<16xi32>, vector<16xi1> -> vector<16xi32>
      %reduce_max3A_1104 = arith.xori %reduce_max3A_1103, %reduce_max3A_1101 : vector<16xi32>
      %reduce_max3A_1105 = vector.extract %reduce_max3A_1104[15] : i32 from vector<16xi32>
      %max3A_1106 = arith.maxsi %max3A_1073, %reduce_max3A_1105 : i32
      %reduce_sum3A_1107 = arith.constant true
      %reduce_sum3A_1108 = vector.broadcast %reduce_sum3A_1107 : i1 to vector<16xi1>
      %reduce_sum3A_1109 = tpu.scan <sum>, %get3A_1080 masked %reduce_sum3A_1108 : vector<16xi32>, vector<16xi1> -> vector<16xi32>
      %reduce_sum3A_1110 = vector.extract %reduce_sum3A_1109[15] : i32 from vector<16xi32>
      %add3A_1111 = arith.addi %add3A_1078, %reduce_sum3A_1110 : i32
      %get3A_1112 = arith.constant 160 : index
      %get3A_1113 = tpu.vector_load %arg5[%get3A_1112] {strides = array<i32>} : memref<256xi32, #tpu.memory_space<vmem>>, vector<16xi32>,
      %broadcast_in_dim3A_1114 = arith.constant true
      %broadcast_in_dim3A_1115 = vector.broadcast %broadcast_in_dim3A_1114 : i1 to vector<16xi1>
      %masked_cumsum3A_1116 = tpu.scan <sum>, %get3A_1113 masked %broadcast_in_dim3A_1115 : vector<16xi32>, vector<16xi1> -> vector<16xi32>
      %sub3A_1117 = arith.subi %masked_cumsum3A_1116, %get3A_1113 : vector<16xi32>
      %add3A_1118 = vector.broadcast %add3A_1111 : i32 to vector<16xi32>
      %add3A_1119 = arith.addi %add3A_1118, %sub3A_1117 : vector<16xi32>
      %sub3A_1120 = vector.broadcast %reduce_sum3A_778 : i32 to vector<16xi32>
      %sub3A_1121 = arith.subi %sub3A_1120, %add3A_1119 : vector<16xi32>
      %ge3A_1122 = arith.constant 1024 : i32
      %ge3A_1123 = vector.broadcast %ge3A_1122 : i32 to vector<16xi32>
      %ge3A_1124 = arith.cmpi sge, %sub3A_1121, %ge3A_1123 : vector<16xi32>
      %add3A_1125 = arith.constant 160 : i32
      %add3A_1126 = vector.broadcast %add3A_1125 : i32 to vector<16xi32>
      %add3A_1127 = arith.addi %iota3A, %add3A_1126 : vector<16xi32>
      %jit3A_1128 = arith.constant 0 : i32
      %broadcast_in_dim3A_1129 = vector.broadcast %jit3A_1128 : i32 to vector<16xi32>
      %select_n3A_1130 = arith.select %ge3A_1124, %add3A_1127, %broadcast_in_dim3A_1129 : vector<16xi1>, vector<16xi32>
      %reduce_max3A_1131 = arith.constant true
      %reduce_max3A_1132 = vector.broadcast %reduce_max3A_1131 : i1 to vector<16xi1>
      %reduce_max3A_1133 = arith.constant -2147483648 : i32
      %reduce_max3A_1134 = vector.broadcast %reduce_max3A_1133 : i32 to vector<16xi32>
      %reduce_max3A_1135 = arith.xori %select_n3A_1130, %reduce_max3A_1134 : vector<16xi32>
      %reduce_max3A_1136 = tpu.scan <max>, %reduce_max3A_1135 masked %reduce_max3A_1132 : vector<16xi32>, vector<16xi1> -> vector<16xi32>
      %reduce_max3A_1137 = arith.xori %reduce_max3A_1136, %reduce_max3A_1134 : vector<16xi32>
      %reduce_max3A_1138 = vector.extract %reduce_max3A_1137[15] : i32 from vector<16xi32>
      %max3A_1139 = arith.maxsi %max3A_1106, %reduce_max3A_1138 : i32
      %reduce_sum3A_1140 = arith.constant true
      %reduce_sum3A_1141 = vector.broadcast %reduce_sum3A_1140 : i1 to vector<16xi1>
      %reduce_sum3A_1142 = tpu.scan <sum>, %get3A_1113 masked %reduce_sum3A_1141 : vector<16xi32>, vector<16xi1> -> vector<16xi32>
      %reduce_sum3A_1143 = vector.extract %reduce_sum3A_1142[15] : i32 from vector<16xi32>
      %add3A_1144 = arith.addi %add3A_1111, %reduce_sum3A_1143 : i32
      %get3A_1145 = arith.constant 176 : index
      %get3A_1146 = tpu.vector_load %arg5[%get3A_1145] {strides = array<i32>} : memref<256xi32, #tpu.memory_space<vmem>>, vector<16xi32>,
      %broadcast_in_dim3A_1147 = arith.constant true
      %broadcast_in_dim3A_1148 = vector.broadcast %broadcast_in_dim3A_1147 : i1 to vector<16xi1>
      %masked_cumsum3A_1149 = tpu.scan <sum>, %get3A_1146 masked %broadcast_in_dim3A_1148 : vector<16xi32>, vector<16xi1> -> vector<16xi32>
      %sub3A_1150 = arith.subi %masked_cumsum3A_1149, %get3A_1146 : vector<16xi32>
      %add3A_1151 = vector.broadcast %add3A_1144 : i32 to vector<16xi32>
      %add3A_1152 = arith.addi %add3A_1151, %sub3A_1150 : vector<16xi32>
      %sub3A_1153 = vector.broadcast %reduce_sum3A_778 : i32 to vector<16xi32>
      %sub3A_1154 = arith.subi %sub3A_1153, %add3A_1152 : vector<16xi32>
      %ge3A_1155 = arith.constant 1024 : i32
      %ge3A_1156 = vector.broadcast %ge3A_1155 : i32 to vector<16xi32>
      %ge3A_1157 = arith.cmpi sge, %sub3A_1154, %ge3A_1156 : vector<16xi32>
      %add3A_1158 = arith.constant 176 : i32
      %add3A_1159 = vector.broadcast %add3A_1158 : i32 to vector<16xi32>
      %add3A_1160 = arith.addi %iota3A, %add3A_1159 : vector<16xi32>
      %jit3A_1161 = arith.constant 0 : i32
      %broadcast_in_dim3A_1162 = vector.broadcast %jit3A_1161 : i32 to vector<16xi32>
      %select_n3A_1163 = arith.select %ge3A_1157, %add3A_1160, %broadcast_in_dim3A_1162 : vector<16xi1>, vector<16xi32>
      %reduce_max3A_1164 = arith.constant true
      %reduce_max3A_1165 = vector.broadcast %reduce_max3A_1164 : i1 to vector<16xi1>
      %reduce_max3A_1166 = arith.constant -2147483648 : i32
      %reduce_max3A_1167 = vector.broadcast %reduce_max3A_1166 : i32 to vector<16xi32>
      %reduce_max3A_1168 = arith.xori %select_n3A_1163, %reduce_max3A_1167 : vector<16xi32>
      %reduce_max3A_1169 = tpu.scan <max>, %reduce_max3A_1168 masked %reduce_max3A_1165 : vector<16xi32>, vector<16xi1> -> vector<16xi32>
      %reduce_max3A_1170 = arith.xori %reduce_max3A_1169, %reduce_max3A_1167 : vector<16xi32>
      %reduce_max3A_1171 = vector.extract %reduce_max3A_1170[15] : i32 from vector<16xi32>
      %max3A_1172 = arith.maxsi %max3A_1139, %reduce_max3A_1171 : i32
      %reduce_sum3A_1173 = arith.constant true
      %reduce_sum3A_1174 = vector.broadcast %reduce_sum3A_1173 : i1 to vector<16xi1>
      %reduce_sum3A_1175 = tpu.scan <sum>, %get3A_1146 masked %reduce_sum3A_1174 : vector<16xi32>, vector<16xi1> -> vector<16xi32>
      %reduce_sum3A_1176 = vector.extract %reduce_sum3A_1175[15] : i32 from vector<16xi32>
      %add3A_1177 = arith.addi %add3A_1144, %reduce_sum3A_1176 : i32
      %get3A_1178 = arith.constant 192 : index
      %get3A_1179 = tpu.vector_load %arg5[%get3A_1178] {strides = array<i32>} : memref<256xi32, #tpu.memory_space<vmem>>, vector<16xi32>,
      %broadcast_in_dim3A_1180 = arith.constant true
      %broadcast_in_dim3A_1181 = vector.broadcast %broadcast_in_dim3A_1180 : i1 to vector<16xi1>
      %masked_cumsum3A_1182 = tpu.scan <sum>, %get3A_1179 masked %broadcast_in_dim3A_1181 : vector<16xi32>, vector<16xi1> -> vector<16xi32>
      %sub3A_1183 = arith.subi %masked_cumsum3A_1182, %get3A_1179 : vector<16xi32>
      %add3A_1184 = vector.broadcast %add3A_1177 : i32 to vector<16xi32>
      %add3A_1185 = arith.addi %add3A_1184, %sub3A_1183 : vector<16xi32>
      %sub3A_1186 = vector.broadcast %reduce_sum3A_778 : i32 to vector<16xi32>
      %sub3A_1187 = arith.subi %sub3A_1186, %add3A_1185 : vector<16xi32>
      %ge3A_1188 = arith.constant 1024 : i32
      %ge3A_1189 = vector.broadcast %ge3A_1188 : i32 to vector<16xi32>
      %ge3A_1190 = arith.cmpi sge, %sub3A_1187, %ge3A_1189 : vector<16xi32>
      %add3A_1191 = arith.constant 192 : i32
      %add3A_1192 = vector.broadcast %add3A_1191 : i32 to vector<16xi32>
      %add3A_1193 = arith.addi %iota3A, %add3A_1192 : vector<16xi32>
      %jit3A_1194 = arith.constant 0 : i32
      %broadcast_in_dim3A_1195 = vector.broadcast %jit3A_1194 : i32 to vector<16xi32>
      %select_n3A_1196 = arith.select %ge3A_1190, %add3A_1193, %broadcast_in_dim3A_1195 : vector<16xi1>, vector<16xi32>
      %reduce_max3A_1197 = arith.constant true
      %reduce_max3A_1198 = vector.broadcast %reduce_max3A_1197 : i1 to vector<16xi1>
      %reduce_max3A_1199 = arith.constant -2147483648 : i32
      %reduce_max3A_1200 = vector.broadcast %reduce_max3A_1199 : i32 to vector<16xi32>
      %reduce_max3A_1201 = arith.xori %select_n3A_1196, %reduce_max3A_1200 : vector<16xi32>
      %reduce_max3A_1202 = tpu.scan <max>, %reduce_max3A_1201 masked %reduce_max3A_1198 : vector<16xi32>, vector<16xi1> -> vector<16xi32>
      %reduce_max3A_1203 = arith.xori %reduce_max3A_1202, %reduce_max3A_1200 : vector<16xi32>
      %reduce_max3A_1204 = vector.extract %reduce_max3A_1203[15] : i32 from vector<16xi32>
      %max3A_1205 = arith.maxsi %max3A_1172, %reduce_max3A_1204 : i32
      %reduce_sum3A_1206 = arith.constant true
      %reduce_sum3A_1207 = vector.broadcast %reduce_sum3A_1206 : i1 to vector<16xi1>
      %reduce_sum3A_1208 = tpu.scan <sum>, %get3A_1179 masked %reduce_sum3A_1207 : vector<16xi32>, vector<16xi1> -> vector<16xi32>
      %reduce_sum3A_1209 = vector.extract %reduce_sum3A_1208[15] : i32 from vector<16xi32>
      %add3A_1210 = arith.addi %add3A_1177, %reduce_sum3A_1209 : i32
      %get3A_1211 = arith.constant 208 : index
      %get3A_1212 = tpu.vector_load %arg5[%get3A_1211] {strides = array<i32>} : memref<256xi32, #tpu.memory_space<vmem>>, vector<16xi32>,
      %broadcast_in_dim3A_1213 = arith.constant true
      %broadcast_in_dim3A_1214 = vector.broadcast %broadcast_in_dim3A_1213 : i1 to vector<16xi1>
      %masked_cumsum3A_1215 = tpu.scan <sum>, %get3A_1212 masked %broadcast_in_dim3A_1214 : vector<16xi32>, vector<16xi1> -> vector<16xi32>
      %sub3A_1216 = arith.subi %masked_cumsum3A_1215, %get3A_1212 : vector<16xi32>
      %add3A_1217 = vector.broadcast %add3A_1210 : i32 to vector<16xi32>
      %add3A_1218 = arith.addi %add3A_1217, %sub3A_1216 : vector<16xi32>
      %sub3A_1219 = vector.broadcast %reduce_sum3A_778 : i32 to vector<16xi32>
      %sub3A_1220 = arith.subi %sub3A_1219, %add3A_1218 : vector<16xi32>
      %ge3A_1221 = arith.constant 1024 : i32
      %ge3A_1222 = vector.broadcast %ge3A_1221 : i32 to vector<16xi32>
      %ge3A_1223 = arith.cmpi sge, %sub3A_1220, %ge3A_1222 : vector<16xi32>
      %add3A_1224 = arith.constant 208 : i32
      %add3A_1225 = vector.broadcast %add3A_1224 : i32 to vector<16xi32>
      %add3A_1226 = arith.addi %iota3A, %add3A_1225 : vector<16xi32>
      %jit3A_1227 = arith.constant 0 : i32
      %broadcast_in_dim3A_1228 = vector.broadcast %jit3A_1227 : i32 to vector<16xi32>
      %select_n3A_1229 = arith.select %ge3A_1223, %add3A_1226, %broadcast_in_dim3A_1228 : vector<16xi1>, vector<16xi32>
      %reduce_max3A_1230 = arith.constant true
      %reduce_max3A_1231 = vector.broadcast %reduce_max3A_1230 : i1 to vector<16xi1>
      %reduce_max3A_1232 = arith.constant -2147483648 : i32
      %reduce_max3A_1233 = vector.broadcast %reduce_max3A_1232 : i32 to vector<16xi32>
      %reduce_max3A_1234 = arith.xori %select_n3A_1229, %reduce_max3A_1233 : vector<16xi32>
      %reduce_max3A_1235 = tpu.scan <max>, %reduce_max3A_1234 masked %reduce_max3A_1231 : vector<16xi32>, vector<16xi1> -> vector<16xi32>
      %reduce_max3A_1236 = arith.xori %reduce_max3A_1235, %reduce_max3A_1233 : vector<16xi32>
      %reduce_max3A_1237 = vector.extract %reduce_max3A_1236[15] : i32 from vector<16xi32>
      %max3A_1238 = arith.maxsi %max3A_1205, %reduce_max3A_1237 : i32
      %reduce_sum3A_1239 = arith.constant true
      %reduce_sum3A_1240 = vector.broadcast %reduce_sum3A_1239 : i1 to vector<16xi1>
      %reduce_sum3A_1241 = tpu.scan <sum>, %get3A_1212 masked %reduce_sum3A_1240 : vector<16xi32>, vector<16xi1> -> vector<16xi32>
      %reduce_sum3A_1242 = vector.extract %reduce_sum3A_1241[15] : i32 from vector<16xi32>
      %add3A_1243 = arith.addi %add3A_1210, %reduce_sum3A_1242 : i32
      %get3A_1244 = arith.constant 224 : index
      %get3A_1245 = tpu.vector_load %arg5[%get3A_1244] {strides = array<i32>} : memref<256xi32, #tpu.memory_space<vmem>>, vector<16xi32>,
      %broadcast_in_dim3A_1246 = arith.constant true
      %broadcast_in_dim3A_1247 = vector.broadcast %broadcast_in_dim3A_1246 : i1 to vector<16xi1>
      %masked_cumsum3A_1248 = tpu.scan <sum>, %get3A_1245 masked %broadcast_in_dim3A_1247 : vector<16xi32>, vector<16xi1> -> vector<16xi32>
      %sub3A_1249 = arith.subi %masked_cumsum3A_1248, %get3A_1245 : vector<16xi32>
      %add3A_1250 = vector.broadcast %add3A_1243 : i32 to vector<16xi32>
      %add3A_1251 = arith.addi %add3A_1250, %sub3A_1249 : vector<16xi32>
      %sub3A_1252 = vector.broadcast %reduce_sum3A_778 : i32 to vector<16xi32>
      %sub3A_1253 = arith.subi %sub3A_1252, %add3A_1251 : vector<16xi32>
      %ge3A_1254 = arith.constant 1024 : i32
      %ge3A_1255 = vector.broadcast %ge3A_1254 : i32 to vector<16xi32>
      %ge3A_1256 = arith.cmpi sge, %sub3A_1253, %ge3A_1255 : vector<16xi32>
      %add3A_1257 = arith.constant 224 : i32
      %add3A_1258 = vector.broadcast %add3A_1257 : i32 to vector<16xi32>
      %add3A_1259 = arith.addi %iota3A, %add3A_1258 : vector<16xi32>
      %jit3A_1260 = arith.constant 0 : i32
      %broadcast_in_dim3A_1261 = vector.broadcast %jit3A_1260 : i32 to vector<16xi32>
      %select_n3A_1262 = arith.select %ge3A_1256, %add3A_1259, %broadcast_in_dim3A_1261 : vector<16xi1>, vector<16xi32>
      %reduce_max3A_1263 = arith.constant true
      %reduce_max3A_1264 = vector.broadcast %reduce_max3A_1263 : i1 to vector<16xi1>
      %reduce_max3A_1265 = arith.constant -2147483648 : i32
      %reduce_max3A_1266 = vector.broadcast %reduce_max3A_1265 : i32 to vector<16xi32>
      %reduce_max3A_1267 = arith.xori %select_n3A_1262, %reduce_max3A_1266 : vector<16xi32>
      %reduce_max3A_1268 = tpu.scan <max>, %reduce_max3A_1267 masked %reduce_max3A_1264 : vector<16xi32>, vector<16xi1> -> vector<16xi32>
      %reduce_max3A_1269 = arith.xori %reduce_max3A_1268, %reduce_max3A_1266 : vector<16xi32>
      %reduce_max3A_1270 = vector.extract %reduce_max3A_1269[15] : i32 from vector<16xi32>
      %max3A_1271 = arith.maxsi %max3A_1238, %reduce_max3A_1270 : i32
      %reduce_sum3A_1272 = arith.constant true
      %reduce_sum3A_1273 = vector.broadcast %reduce_sum3A_1272 : i1 to vector<16xi1>
      %reduce_sum3A_1274 = tpu.scan <sum>, %get3A_1245 masked %reduce_sum3A_1273 : vector<16xi32>, vector<16xi1> -> vector<16xi32>
      %reduce_sum3A_1275 = vector.extract %reduce_sum3A_1274[15] : i32 from vector<16xi32>
      %add3A_1276 = arith.addi %add3A_1243, %reduce_sum3A_1275 : i32
      %get3A_1277 = arith.constant 240 : index
      %get3A_1278 = tpu.vector_load %arg5[%get3A_1277] {strides = array<i32>} : memref<256xi32, #tpu.memory_space<vmem>>, vector<16xi32>,
      %broadcast_in_dim3A_1279 = arith.constant true
      %broadcast_in_dim3A_1280 = vector.broadcast %broadcast_in_dim3A_1279 : i1 to vector<16xi1>
      %masked_cumsum3A_1281 = tpu.scan <sum>, %get3A_1278 masked %broadcast_in_dim3A_1280 : vector<16xi32>, vector<16xi1> -> vector<16xi32>
      %sub3A_1282 = arith.subi %masked_cumsum3A_1281, %get3A_1278 : vector<16xi32>
      %add3A_1283 = vector.broadcast %add3A_1276 : i32 to vector<16xi32>
      %add3A_1284 = arith.addi %add3A_1283, %sub3A_1282 : vector<16xi32>
      %sub3A_1285 = vector.broadcast %reduce_sum3A_778 : i32 to vector<16xi32>
      %sub3A_1286 = arith.subi %sub3A_1285, %add3A_1284 : vector<16xi32>
      %ge3A_1287 = arith.constant 1024 : i32
      %ge3A_1288 = vector.broadcast %ge3A_1287 : i32 to vector<16xi32>
      %ge3A_1289 = arith.cmpi sge, %sub3A_1286, %ge3A_1288 : vector<16xi32>
      %add3A_1290 = arith.constant 240 : i32
      %add3A_1291 = vector.broadcast %add3A_1290 : i32 to vector<16xi32>
      %add3A_1292 = arith.addi %iota3A, %add3A_1291 : vector<16xi32>
      %jit3A_1293 = arith.constant 0 : i32
      %broadcast_in_dim3A_1294 = vector.broadcast %jit3A_1293 : i32 to vector<16xi32>
      %select_n3A_1295 = arith.select %ge3A_1289, %add3A_1292, %broadcast_in_dim3A_1294 : vector<16xi1>, vector<16xi32>
      %reduce_max3A_1296 = arith.constant true
      %reduce_max3A_1297 = vector.broadcast %reduce_max3A_1296 : i1 to vector<16xi1>
      %reduce_max3A_1298 = arith.constant -2147483648 : i32
      %reduce_max3A_1299 = vector.broadcast %reduce_max3A_1298 : i32 to vector<16xi32>
      %reduce_max3A_1300 = arith.xori %select_n3A_1295, %reduce_max3A_1299 : vector<16xi32>
      %reduce_max3A_1301 = tpu.scan <max>, %reduce_max3A_1300 masked %reduce_max3A_1297 : vector<16xi32>, vector<16xi1> -> vector<16xi32>
      %reduce_max3A_1302 = arith.xori %reduce_max3A_1301, %reduce_max3A_1299 : vector<16xi32>
      %reduce_max3A_1303 = vector.extract %reduce_max3A_1302[15] : i32 from vector<16xi32>
      %max3A_1304 = arith.maxsi %max3A_1271, %reduce_max3A_1303 : i32
      %reduce_sum3A_1305 = arith.constant true
      %reduce_sum3A_1306 = vector.broadcast %reduce_sum3A_1305 : i1 to vector<16xi1>
      %reduce_sum3A_1307 = tpu.scan <sum>, %get3A_1278 masked %reduce_sum3A_1306 : vector<16xi32>, vector<16xi1> -> vector<16xi32>
      %reduce_sum3A_1308 = vector.extract %reduce_sum3A_1307[15] : i32 from vector<16xi32>
      %add3A_1309 = arith.addi %add3A_1276, %reduce_sum3A_1308 : i32
      %shift_left3A_1310 = arith.constant 16 : i32
      %shift_left3A_1311 = arith.shli %max3A_1304, %shift_left3A_1310 : i32
      %add3A_1312 = arith.addi %add3A_651, %shift_left3A_1311 : i32
      %broadcast_in_dim3A_1313 = arith.constant 0 : i32
      %broadcast_in_dim3A_1314 = vector.broadcast %broadcast_in_dim3A_1313 : i32 to vector<16xi32>
      %swap3A_1315 = arith.constant 0 : index
      %swap3A_1316 = tpu.vector_load %arg5[%swap3A_1315] {strides = array<i32>} : memref<256xi32, #tpu.memory_space<vmem>>, vector<16xi32>,
      tpu.vector_store %arg5[%swap3A_1315], %broadcast_in_dim3A_1314 {strides = array<i32>} : memref<256xi32, #tpu.memory_space<vmem>>, vector<16xi32>,
      %broadcast_in_dim3A_1317 = arith.constant 0 : i32
      %broadcast_in_dim3A_1318 = vector.broadcast %broadcast_in_dim3A_1317 : i32 to vector<16xi32>
      %swap3A_1319 = arith.constant 16 : index
      %swap3A_1320 = tpu.vector_load %arg5[%swap3A_1319] {strides = array<i32>} : memref<256xi32, #tpu.memory_space<vmem>>, vector<16xi32>,
      tpu.vector_store %arg5[%swap3A_1319], %broadcast_in_dim3A_1318 {strides = array<i32>} : memref<256xi32, #tpu.memory_space<vmem>>, vector<16xi32>,
      %broadcast_in_dim3A_1321 = arith.constant 0 : i32
      %broadcast_in_dim3A_1322 = vector.broadcast %broadcast_in_dim3A_1321 : i32 to vector<16xi32>
      %swap3A_1323 = arith.constant 32 : index
      %swap3A_1324 = tpu.vector_load %arg5[%swap3A_1323] {strides = array<i32>} : memref<256xi32, #tpu.memory_space<vmem>>, vector<16xi32>,
      tpu.vector_store %arg5[%swap3A_1323], %broadcast_in_dim3A_1322 {strides = array<i32>} : memref<256xi32, #tpu.memory_space<vmem>>, vector<16xi32>,
      %broadcast_in_dim3A_1325 = arith.constant 0 : i32
      %broadcast_in_dim3A_1326 = vector.broadcast %broadcast_in_dim3A_1325 : i32 to vector<16xi32>
      %swap3A_1327 = arith.constant 48 : index
      %swap3A_1328 = tpu.vector_load %arg5[%swap3A_1327] {strides = array<i32>} : memref<256xi32, #tpu.memory_space<vmem>>, vector<16xi32>,
      tpu.vector_store %arg5[%swap3A_1327], %broadcast_in_dim3A_1326 {strides = array<i32>} : memref<256xi32, #tpu.memory_space<vmem>>, vector<16xi32>,
      %broadcast_in_dim3A_1329 = arith.constant 0 : i32
      %broadcast_in_dim3A_1330 = vector.broadcast %broadcast_in_dim3A_1329 : i32 to vector<16xi32>
      %swap3A_1331 = arith.constant 64 : index
      %swap3A_1332 = tpu.vector_load %arg5[%swap3A_1331] {strides = array<i32>} : memref<256xi32, #tpu.memory_space<vmem>>, vector<16xi32>,
      tpu.vector_store %arg5[%swap3A_1331], %broadcast_in_dim3A_1330 {strides = array<i32>} : memref<256xi32, #tpu.memory_space<vmem>>, vector<16xi32>,
      %broadcast_in_dim3A_1333 = arith.constant 0 : i32
      %broadcast_in_dim3A_1334 = vector.broadcast %broadcast_in_dim3A_1333 : i32 to vector<16xi32>
      %swap3A_1335 = arith.constant 80 : index
      %swap3A_1336 = tpu.vector_load %arg5[%swap3A_1335] {strides = array<i32>} : memref<256xi32, #tpu.memory_space<vmem>>, vector<16xi32>,
      tpu.vector_store %arg5[%swap3A_1335], %broadcast_in_dim3A_1334 {strides = array<i32>} : memref<256xi32, #tpu.memory_space<vmem>>, vector<16xi32>,
      %broadcast_in_dim3A_1337 = arith.constant 0 : i32
      %broadcast_in_dim3A_1338 = vector.broadcast %broadcast_in_dim3A_1337 : i32 to vector<16xi32>
      %swap3A_1339 = arith.constant 96 : index
      %swap3A_1340 = tpu.vector_load %arg5[%swap3A_1339] {strides = array<i32>} : memref<256xi32, #tpu.memory_space<vmem>>, vector<16xi32>,
      tpu.vector_store %arg5[%swap3A_1339], %broadcast_in_dim3A_1338 {strides = array<i32>} : memref<256xi32, #tpu.memory_space<vmem>>, vector<16xi32>,
      %broadcast_in_dim3A_1341 = arith.constant 0 : i32
      %broadcast_in_dim3A_1342 = vector.broadcast %broadcast_in_dim3A_1341 : i32 to vector<16xi32>
      %swap3A_1343 = arith.constant 112 : index
      %swap3A_1344 = tpu.vector_load %arg5[%swap3A_1343] {strides = array<i32>} : memref<256xi32, #tpu.memory_space<vmem>>, vector<16xi32>,
      tpu.vector_store %arg5[%swap3A_1343], %broadcast_in_dim3A_1342 {strides = array<i32>} : memref<256xi32, #tpu.memory_space<vmem>>, vector<16xi32>,
      %broadcast_in_dim3A_1345 = arith.constant 0 : i32
      %broadcast_in_dim3A_1346 = vector.broadcast %broadcast_in_dim3A_1345 : i32 to vector<16xi32>
      %swap3A_1347 = arith.constant 128 : index
      %swap3A_1348 = tpu.vector_load %arg5[%swap3A_1347] {strides = array<i32>} : memref<256xi32, #tpu.memory_space<vmem>>, vector<16xi32>,
      tpu.vector_store %arg5[%swap3A_1347], %broadcast_in_dim3A_1346 {strides = array<i32>} : memref<256xi32, #tpu.memory_space<vmem>>, vector<16xi32>,
      %broadcast_in_dim3A_1349 = arith.constant 0 : i32
      %broadcast_in_dim3A_1350 = vector.broadcast %broadcast_in_dim3A_1349 : i32 to vector<16xi32>
      %swap3A_1351 = arith.constant 144 : index
      %swap3A_1352 = tpu.vector_load %arg5[%swap3A_1351] {strides = array<i32>} : memref<256xi32, #tpu.memory_space<vmem>>, vector<16xi32>,
      tpu.vector_store %arg5[%swap3A_1351], %broadcast_in_dim3A_1350 {strides = array<i32>} : memref<256xi32, #tpu.memory_space<vmem>>, vector<16xi32>,
      %broadcast_in_dim3A_1353 = arith.constant 0 : i32
      %broadcast_in_dim3A_1354 = vector.broadcast %broadcast_in_dim3A_1353 : i32 to vector<16xi32>
      %swap3A_1355 = arith.constant 160 : index
      %swap3A_1356 = tpu.vector_load %arg5[%swap3A_1355] {strides = array<i32>} : memref<256xi32, #tpu.memory_space<vmem>>, vector<16xi32>,
      tpu.vector_store %arg5[%swap3A_1355], %broadcast_in_dim3A_1354 {strides = array<i32>} : memref<256xi32, #tpu.memory_space<vmem>>, vector<16xi32>,
      %broadcast_in_dim3A_1357 = arith.constant 0 : i32
      %broadcast_in_dim3A_1358 = vector.broadcast %broadcast_in_dim3A_1357 : i32 to vector<16xi32>
      %swap3A_1359 = arith.constant 176 : index
      %swap3A_1360 = tpu.vector_load %arg5[%swap3A_1359] {strides = array<i32>} : memref<256xi32, #tpu.memory_space<vmem>>, vector<16xi32>,
      tpu.vector_store %arg5[%swap3A_1359], %broadcast_in_dim3A_1358 {strides = array<i32>} : memref<256xi32, #tpu.memory_space<vmem>>, vector<16xi32>,
      %broadcast_in_dim3A_1361 = arith.constant 0 : i32
      %broadcast_in_dim3A_1362 = vector.broadcast %broadcast_in_dim3A_1361 : i32 to vector<16xi32>
      %swap3A_1363 = arith.constant 192 : index
      %swap3A_1364 = tpu.vector_load %arg5[%swap3A_1363] {strides = array<i32>} : memref<256xi32, #tpu.memory_space<vmem>>, vector<16xi32>,
      tpu.vector_store %arg5[%swap3A_1363], %broadcast_in_dim3A_1362 {strides = array<i32>} : memref<256xi32, #tpu.memory_space<vmem>>, vector<16xi32>,
      %broadcast_in_dim3A_1365 = arith.constant 0 : i32
      %broadcast_in_dim3A_1366 = vector.broadcast %broadcast_in_dim3A_1365 : i32 to vector<16xi32>
      %swap3A_1367 = arith.constant 208 : index
      %swap3A_1368 = tpu.vector_load %arg5[%swap3A_1367] {strides = array<i32>} : memref<256xi32, #tpu.memory_space<vmem>>, vector<16xi32>,
      tpu.vector_store %arg5[%swap3A_1367], %broadcast_in_dim3A_1366 {strides = array<i32>} : memref<256xi32, #tpu.memory_space<vmem>>, vector<16xi32>,
      %broadcast_in_dim3A_1369 = arith.constant 0 : i32
      %broadcast_in_dim3A_1370 = vector.broadcast %broadcast_in_dim3A_1369 : i32 to vector<16xi32>
      %swap3A_1371 = arith.constant 224 : index
      %swap3A_1372 = tpu.vector_load %arg5[%swap3A_1371] {strides = array<i32>} : memref<256xi32, #tpu.memory_space<vmem>>, vector<16xi32>,
      tpu.vector_store %arg5[%swap3A_1371], %broadcast_in_dim3A_1370 {strides = array<i32>} : memref<256xi32, #tpu.memory_space<vmem>>, vector<16xi32>,
      %broadcast_in_dim3A_1373 = arith.constant 0 : i32
      %broadcast_in_dim3A_1374 = vector.broadcast %broadcast_in_dim3A_1373 : i32 to vector<16xi32>
      %swap3A_1375 = arith.constant 240 : index
      %swap3A_1376 = tpu.vector_load %arg5[%swap3A_1375] {strides = array<i32>} : memref<256xi32, #tpu.memory_space<vmem>>, vector<16xi32>,
      tpu.vector_store %arg5[%swap3A_1375], %broadcast_in_dim3A_1374 {strides = array<i32>} : memref<256xi32, #tpu.memory_space<vmem>>, vector<16xi32>,
      %add3A_1377 = arith.constant 65535 : i32
      %add3A_1378 = arith.addi %add3A_1312, %add3A_1377 : i32
      %scan3A_1379 = arith.constant 0 : i32
      %scan3A_1380 = arith.constant 0 : i32
      %scan3A_1381 = arith.constant 128 : i32
      %scan3A_1382 = arith.addi %scan3A_1380, %scan3A_1381 : i32
      %scan3A_1383 = arith.constant 1 : i32
      %scan3A_1384 = scf.for %scan3A_2683 = %scan3A_1380 to %scan3A_1382 step %scan3A_1383 iter_args(%scan3A_2684 = %scan3A_1379) -> (i32)  : i32 {
        %mul3A_2685 = arith.constant 8 : i32
        %mul3A_2686 = arith.muli %scan3A_2683, %mul3A_2685 : i32
        %add3A_2687 = arith.constant 0 : i32
        %add3A_2688 = arith.addi %mul3A_2686, %add3A_2687 : i32
        %mul3A_2689 = arith.constant 16 : i32
        %mul3A_2690 = arith.muli %add3A_2688, %mul3A_2689 : i32
        %get3A_2691 = arith.index_cast %mul3A_2690 : i32 to index
        %get3A_2692 = tpu.vector_load %arg4[%get3A_2691] {strides = array<i32>} : memref<16384xf32, #tpu.memory_space<vmem>>, vector<16xf32>,
        %bitcast_convert_type3A = tpu.bitcast %get3A_2692 : vector<16xf32> -> vector<16xi32>
        %ge3A_2693 = arith.constant 0 : i32
        %ge3A_2694 = vector.broadcast %ge3A_2693 : i32 to vector<16xi32>
        %ge3A_2695 = arith.cmpi sge, %bitcast_convert_type3A, %ge3A_2694 : vector<16xi32>
        %xor3A = arith.constant 2147483647 : i32
        %xor3A_2696 = vector.broadcast %xor3A : i32 to vector<16xi32>
        %xor3A_2697 = arith.xori %bitcast_convert_type3A, %xor3A_2696 : vector<16xi32>
        %select_n3A_2698 = arith.select %ge3A_2695, %bitcast_convert_type3A, %xor3A_2697 : vector<16xi1>, vector<16xi32>
        %max3A_2699 = vector.broadcast %add3A_1312 : i32 to vector<16xi32>
        %max3A_2700 = arith.maxsi %max3A_2699, %select_n3A_2698 : vector<16xi32>
        %min3A = vector.broadcast %add3A_1378 : i32 to vector<16xi32>
        %min3A_2701 = arith.minsi %min3A, %max3A_2700 : vector<16xi32>
        %sub3A_2702 = vector.broadcast %add3A_1312 : i32 to vector<16xi32>
        %sub3A_2703 = arith.subi %min3A_2701, %sub3A_2702 : vector<16xi32>
        %shift_right_arithmetic3A = arith.constant 8 : i32
        %shift_right_arithmetic3A_2704 = vector.broadcast %shift_right_arithmetic3A : i32 to vector<16xi32>
        %shift_right_arithmetic3A_2705 = arith.shrsi %sub3A_2703, %shift_right_arithmetic3A_2704 : vector<16xi32>
        tpu.vector_store_idx %arg5[%shift_right_arithmetic3A_2705], %broadcast_in_dim3A_3 {add = true} : memref<256xi32, #tpu.memory_space<vmem>>[vector<16xi32>], vector<16xi32>,
        %mul3A_2706 = arith.constant 8 : i32
        %mul3A_2707 = arith.muli %scan3A_2683, %mul3A_2706 : i32
        %add3A_2708 = arith.constant 1 : i32
        %add3A_2709 = arith.addi %mul3A_2707, %add3A_2708 : i32
        %mul3A_2710 = arith.constant 16 : i32
        %mul3A_2711 = arith.muli %add3A_2709, %mul3A_2710 : i32
        %get3A_2712 = arith.index_cast %mul3A_2711 : i32 to index
        %get3A_2713 = tpu.vector_load %arg4[%get3A_2712] {strides = array<i32>} : memref<16384xf32, #tpu.memory_space<vmem>>, vector<16xf32>,
        %bitcast_convert_type3A_2714 = tpu.bitcast %get3A_2713 : vector<16xf32> -> vector<16xi32>
        %ge3A_2715 = arith.constant 0 : i32
        %ge3A_2716 = vector.broadcast %ge3A_2715 : i32 to vector<16xi32>
        %ge3A_2717 = arith.cmpi sge, %bitcast_convert_type3A_2714, %ge3A_2716 : vector<16xi32>
        %xor3A_2718 = arith.constant 2147483647 : i32
        %xor3A_2719 = vector.broadcast %xor3A_2718 : i32 to vector<16xi32>
        %xor3A_2720 = arith.xori %bitcast_convert_type3A_2714, %xor3A_2719 : vector<16xi32>
        %select_n3A_2721 = arith.select %ge3A_2717, %bitcast_convert_type3A_2714, %xor3A_2720 : vector<16xi1>, vector<16xi32>
        %max3A_2722 = vector.broadcast %add3A_1312 : i32 to vector<16xi32>
        %max3A_2723 = arith.maxsi %max3A_2722, %select_n3A_2721 : vector<16xi32>
        %min3A_2724 = vector.broadcast %add3A_1378 : i32 to vector<16xi32>
        %min3A_2725 = arith.minsi %min3A_2724, %max3A_2723 : vector<16xi32>
        %sub3A_2726 = vector.broadcast %add3A_1312 : i32 to vector<16xi32>
        %sub3A_2727 = arith.subi %min3A_2725, %sub3A_2726 : vector<16xi32>
        %shift_right_arithmetic3A_2728 = arith.constant 8 : i32
        %shift_right_arithmetic3A_2729 = vector.broadcast %shift_right_arithmetic3A_2728 : i32 to vector<16xi32>
        %shift_right_arithmetic3A_2730 = arith.shrsi %sub3A_2727, %shift_right_arithmetic3A_2729 : vector<16xi32>
        tpu.vector_store_idx %arg5[%shift_right_arithmetic3A_2730], %broadcast_in_dim3A_3 {add = true} : memref<256xi32, #tpu.memory_space<vmem>>[vector<16xi32>], vector<16xi32>,
        %mul3A_2731 = arith.constant 8 : i32
        %mul3A_2732 = arith.muli %scan3A_2683, %mul3A_2731 : i32
        %add3A_2733 = arith.constant 2 : i32
        %add3A_2734 = arith.addi %mul3A_2732, %add3A_2733 : i32
        %mul3A_2735 = arith.constant 16 : i32
        %mul3A_2736 = arith.muli %add3A_2734, %mul3A_2735 : i32
        %get3A_2737 = arith.index_cast %mul3A_2736 : i32 to index
        %get3A_2738 = tpu.vector_load %arg4[%get3A_2737] {strides = array<i32>} : memref<16384xf32, #tpu.memory_space<vmem>>, vector<16xf32>,
        %bitcast_convert_type3A_2739 = tpu.bitcast %get3A_2738 : vector<16xf32> -> vector<16xi32>
        %ge3A_2740 = arith.constant 0 : i32
        %ge3A_2741 = vector.broadcast %ge3A_2740 : i32 to vector<16xi32>
        %ge3A_2742 = arith.cmpi sge, %bitcast_convert_type3A_2739, %ge3A_2741 : vector<16xi32>
        %xor3A_2743 = arith.constant 2147483647 : i32
        %xor3A_2744 = vector.broadcast %xor3A_2743 : i32 to vector<16xi32>
        %xor3A_2745 = arith.xori %bitcast_convert_type3A_2739, %xor3A_2744 : vector<16xi32>
        %select_n3A_2746 = arith.select %ge3A_2742, %bitcast_convert_type3A_2739, %xor3A_2745 : vector<16xi1>, vector<16xi32>
        %max3A_2747 = vector.broadcast %add3A_1312 : i32 to vector<16xi32>
        %max3A_2748 = arith.maxsi %max3A_2747, %select_n3A_2746 : vector<16xi32>
        %min3A_2749 = vector.broadcast %add3A_1378 : i32 to vector<16xi32>
        %min3A_2750 = arith.minsi %min3A_2749, %max3A_2748 : vector<16xi32>
        %sub3A_2751 = vector.broadcast %add3A_1312 : i32 to vector<16xi32>
        %sub3A_2752 = arith.subi %min3A_2750, %sub3A_2751 : vector<16xi32>
        %shift_right_arithmetic3A_2753 = arith.constant 8 : i32
        %shift_right_arithmetic3A_2754 = vector.broadcast %shift_right_arithmetic3A_2753 : i32 to vector<16xi32>
        %shift_right_arithmetic3A_2755 = arith.shrsi %sub3A_2752, %shift_right_arithmetic3A_2754 : vector<16xi32>
        tpu.vector_store_idx %arg5[%shift_right_arithmetic3A_2755], %broadcast_in_dim3A_3 {add = true} : memref<256xi32, #tpu.memory_space<vmem>>[vector<16xi32>], vector<16xi32>,
        %mul3A_2756 = arith.constant 8 : i32
        %mul3A_2757 = arith.muli %scan3A_2683, %mul3A_2756 : i32
        %add3A_2758 = arith.constant 3 : i32
        %add3A_2759 = arith.addi %mul3A_2757, %add3A_2758 : i32
        %mul3A_2760 = arith.constant 16 : i32
        %mul3A_2761 = arith.muli %add3A_2759, %mul3A_2760 : i32
        %get3A_2762 = arith.index_cast %mul3A_2761 : i32 to index
        %get3A_2763 = tpu.vector_load %arg4[%get3A_2762] {strides = array<i32>} : memref<16384xf32, #tpu.memory_space<vmem>>, vector<16xf32>,
        %bitcast_convert_type3A_2764 = tpu.bitcast %get3A_2763 : vector<16xf32> -> vector<16xi32>
        %ge3A_2765 = arith.constant 0 : i32
        %ge3A_2766 = vector.broadcast %ge3A_2765 : i32 to vector<16xi32>
        %ge3A_2767 = arith.cmpi sge, %bitcast_convert_type3A_2764, %ge3A_2766 : vector<16xi32>
        %xor3A_2768 = arith.constant 2147483647 : i32
        %xor3A_2769 = vector.broadcast %xor3A_2768 : i32 to vector<16xi32>
        %xor3A_2770 = arith.xori %bitcast_convert_type3A_2764, %xor3A_2769 : vector<16xi32>
        %select_n3A_2771 = arith.select %ge3A_2767, %bitcast_convert_type3A_2764, %xor3A_2770 : vector<16xi1>, vector<16xi32>
        %max3A_2772 = vector.broadcast %add3A_1312 : i32 to vector<16xi32>
        %max3A_2773 = arith.maxsi %max3A_2772, %select_n3A_2771 : vector<16xi32>
        %min3A_2774 = vector.broadcast %add3A_1378 : i32 to vector<16xi32>
        %min3A_2775 = arith.minsi %min3A_2774, %max3A_2773 : vector<16xi32>
        %sub3A_2776 = vector.broadcast %add3A_1312 : i32 to vector<16xi32>
        %sub3A_2777 = arith.subi %min3A_2775, %sub3A_2776 : vector<16xi32>
        %shift_right_arithmetic3A_2778 = arith.constant 8 : i32
        %shift_right_arithmetic3A_2779 = vector.broadcast %shift_right_arithmetic3A_2778 : i32 to vector<16xi32>
        %shift_right_arithmetic3A_2780 = arith.shrsi %sub3A_2777, %shift_right_arithmetic3A_2779 : vector<16xi32>
        tpu.vector_store_idx %arg5[%shift_right_arithmetic3A_2780], %broadcast_in_dim3A_3 {add = true} : memref<256xi32, #tpu.memory_space<vmem>>[vector<16xi32>], vector<16xi32>,
        %mul3A_2781 = arith.constant 8 : i32
        %mul3A_2782 = arith.muli %scan3A_2683, %mul3A_2781 : i32
        %add3A_2783 = arith.constant 4 : i32
        %add3A_2784 = arith.addi %mul3A_2782, %add3A_2783 : i32
        %mul3A_2785 = arith.constant 16 : i32
        %mul3A_2786 = arith.muli %add3A_2784, %mul3A_2785 : i32
        %get3A_2787 = arith.index_cast %mul3A_2786 : i32 to index
        %get3A_2788 = tpu.vector_load %arg4[%get3A_2787] {strides = array<i32>} : memref<16384xf32, #tpu.memory_space<vmem>>, vector<16xf32>,
        %bitcast_convert_type3A_2789 = tpu.bitcast %get3A_2788 : vector<16xf32> -> vector<16xi32>
        %ge3A_2790 = arith.constant 0 : i32
        %ge3A_2791 = vector.broadcast %ge3A_2790 : i32 to vector<16xi32>
        %ge3A_2792 = arith.cmpi sge, %bitcast_convert_type3A_2789, %ge3A_2791 : vector<16xi32>
        %xor3A_2793 = arith.constant 2147483647 : i32
        %xor3A_2794 = vector.broadcast %xor3A_2793 : i32 to vector<16xi32>
        %xor3A_2795 = arith.xori %bitcast_convert_type3A_2789, %xor3A_2794 : vector<16xi32>
        %select_n3A_2796 = arith.select %ge3A_2792, %bitcast_convert_type3A_2789, %xor3A_2795 : vector<16xi1>, vector<16xi32>
        %max3A_2797 = vector.broadcast %add3A_1312 : i32 to vector<16xi32>
        %max3A_2798 = arith.maxsi %max3A_2797, %select_n3A_2796 : vector<16xi32>
        %min3A_2799 = vector.broadcast %add3A_1378 : i32 to vector<16xi32>
        %min3A_2800 = arith.minsi %min3A_2799, %max3A_2798 : vector<16xi32>
        %sub3A_2801 = vector.broadcast %add3A_1312 : i32 to vector<16xi32>
        %sub3A_2802 = arith.subi %min3A_2800, %sub3A_2801 : vector<16xi32>
        %shift_right_arithmetic3A_2803 = arith.constant 8 : i32
        %shift_right_arithmetic3A_2804 = vector.broadcast %shift_right_arithmetic3A_2803 : i32 to vector<16xi32>
        %shift_right_arithmetic3A_2805 = arith.shrsi %sub3A_2802, %shift_right_arithmetic3A_2804 : vector<16xi32>
        tpu.vector_store_idx %arg5[%shift_right_arithmetic3A_2805], %broadcast_in_dim3A_3 {add = true} : memref<256xi32, #tpu.memory_space<vmem>>[vector<16xi32>], vector<16xi32>,
        %mul3A_2806 = arith.constant 8 : i32
        %mul3A_2807 = arith.muli %scan3A_2683, %mul3A_2806 : i32
        %add3A_2808 = arith.constant 5 : i32
        %add3A_2809 = arith.addi %mul3A_2807, %add3A_2808 : i32
        %mul3A_2810 = arith.constant 16 : i32
        %mul3A_2811 = arith.muli %add3A_2809, %mul3A_2810 : i32
        %get3A_2812 = arith.index_cast %mul3A_2811 : i32 to index
        %get3A_2813 = tpu.vector_load %arg4[%get3A_2812] {strides = array<i32>} : memref<16384xf32, #tpu.memory_space<vmem>>, vector<16xf32>,
        %bitcast_convert_type3A_2814 = tpu.bitcast %get3A_2813 : vector<16xf32> -> vector<16xi32>
        %ge3A_2815 = arith.constant 0 : i32
        %ge3A_2816 = vector.broadcast %ge3A_2815 : i32 to vector<16xi32>
        %ge3A_2817 = arith.cmpi sge, %bitcast_convert_type3A_2814, %ge3A_2816 : vector<16xi32>
        %xor3A_2818 = arith.constant 2147483647 : i32
        %xor3A_2819 = vector.broadcast %xor3A_2818 : i32 to vector<16xi32>
        %xor3A_2820 = arith.xori %bitcast_convert_type3A_2814, %xor3A_2819 : vector<16xi32>
        %select_n3A_2821 = arith.select %ge3A_2817, %bitcast_convert_type3A_2814, %xor3A_2820 : vector<16xi1>, vector<16xi32>
        %max3A_2822 = vector.broadcast %add3A_1312 : i32 to vector<16xi32>
        %max3A_2823 = arith.maxsi %max3A_2822, %select_n3A_2821 : vector<16xi32>
        %min3A_2824 = vector.broadcast %add3A_1378 : i32 to vector<16xi32>
        %min3A_2825 = arith.minsi %min3A_2824, %max3A_2823 : vector<16xi32>
        %sub3A_2826 = vector.broadcast %add3A_1312 : i32 to vector<16xi32>
        %sub3A_2827 = arith.subi %min3A_2825, %sub3A_2826 : vector<16xi32>
        %shift_right_arithmetic3A_2828 = arith.constant 8 : i32
        %shift_right_arithmetic3A_2829 = vector.broadcast %shift_right_arithmetic3A_2828 : i32 to vector<16xi32>
        %shift_right_arithmetic3A_2830 = arith.shrsi %sub3A_2827, %shift_right_arithmetic3A_2829 : vector<16xi32>
        tpu.vector_store_idx %arg5[%shift_right_arithmetic3A_2830], %broadcast_in_dim3A_3 {add = true} : memref<256xi32, #tpu.memory_space<vmem>>[vector<16xi32>], vector<16xi32>,
        %mul3A_2831 = arith.constant 8 : i32
        %mul3A_2832 = arith.muli %scan3A_2683, %mul3A_2831 : i32
        %add3A_2833 = arith.constant 6 : i32
        %add3A_2834 = arith.addi %mul3A_2832, %add3A_2833 : i32
        %mul3A_2835 = arith.constant 16 : i32
        %mul3A_2836 = arith.muli %add3A_2834, %mul3A_2835 : i32
        %get3A_2837 = arith.index_cast %mul3A_2836 : i32 to index
        %get3A_2838 = tpu.vector_load %arg4[%get3A_2837] {strides = array<i32>} : memref<16384xf32, #tpu.memory_space<vmem>>, vector<16xf32>,
        %bitcast_convert_type3A_2839 = tpu.bitcast %get3A_2838 : vector<16xf32> -> vector<16xi32>
        %ge3A_2840 = arith.constant 0 : i32
        %ge3A_2841 = vector.broadcast %ge3A_2840 : i32 to vector<16xi32>
        %ge3A_2842 = arith.cmpi sge, %bitcast_convert_type3A_2839, %ge3A_2841 : vector<16xi32>
        %xor3A_2843 = arith.constant 2147483647 : i32
        %xor3A_2844 = vector.broadcast %xor3A_2843 : i32 to vector<16xi32>
        %xor3A_2845 = arith.xori %bitcast_convert_type3A_2839, %xor3A_2844 : vector<16xi32>
        %select_n3A_2846 = arith.select %ge3A_2842, %bitcast_convert_type3A_2839, %xor3A_2845 : vector<16xi1>, vector<16xi32>
        %max3A_2847 = vector.broadcast %add3A_1312 : i32 to vector<16xi32>
        %max3A_2848 = arith.maxsi %max3A_2847, %select_n3A_2846 : vector<16xi32>
        %min3A_2849 = vector.broadcast %add3A_1378 : i32 to vector<16xi32>
        %min3A_2850 = arith.minsi %min3A_2849, %max3A_2848 : vector<16xi32>
        %sub3A_2851 = vector.broadcast %add3A_1312 : i32 to vector<16xi32>
        %sub3A_2852 = arith.subi %min3A_2850, %sub3A_2851 : vector<16xi32>
        %shift_right_arithmetic3A_2853 = arith.constant 8 : i32
        %shift_right_arithmetic3A_2854 = vector.broadcast %shift_right_arithmetic3A_2853 : i32 to vector<16xi32>
        %shift_right_arithmetic3A_2855 = arith.shrsi %sub3A_2852, %shift_right_arithmetic3A_2854 : vector<16xi32>
        tpu.vector_store_idx %arg5[%shift_right_arithmetic3A_2855], %broadcast_in_dim3A_3 {add = true} : memref<256xi32, #tpu.memory_space<vmem>>[vector<16xi32>], vector<16xi32>,
        %mul3A_2856 = arith.constant 8 : i32
        %mul3A_2857 = arith.muli %scan3A_2683, %mul3A_2856 : i32
        %add3A_2858 = arith.constant 7 : i32
        %add3A_2859 = arith.addi %mul3A_2857, %add3A_2858 : i32
        %mul3A_2860 = arith.constant 16 : i32
        %mul3A_2861 = arith.muli %add3A_2859, %mul3A_2860 : i32
        %get3A_2862 = arith.index_cast %mul3A_2861 : i32 to index
        %get3A_2863 = tpu.vector_load %arg4[%get3A_2862] {strides = array<i32>} : memref<16384xf32, #tpu.memory_space<vmem>>, vector<16xf32>,
        %bitcast_convert_type3A_2864 = tpu.bitcast %get3A_2863 : vector<16xf32> -> vector<16xi32>
        %ge3A_2865 = arith.constant 0 : i32
        %ge3A_2866 = vector.broadcast %ge3A_2865 : i32 to vector<16xi32>
        %ge3A_2867 = arith.cmpi sge, %bitcast_convert_type3A_2864, %ge3A_2866 : vector<16xi32>
        %xor3A_2868 = arith.constant 2147483647 : i32
        %xor3A_2869 = vector.broadcast %xor3A_2868 : i32 to vector<16xi32>
        %xor3A_2870 = arith.xori %bitcast_convert_type3A_2864, %xor3A_2869 : vector<16xi32>
        %select_n3A_2871 = arith.select %ge3A_2867, %bitcast_convert_type3A_2864, %xor3A_2870 : vector<16xi1>, vector<16xi32>
        %max3A_2872 = vector.broadcast %add3A_1312 : i32 to vector<16xi32>
        %max3A_2873 = arith.maxsi %max3A_2872, %select_n3A_2871 : vector<16xi32>
        %min3A_2874 = vector.broadcast %add3A_1378 : i32 to vector<16xi32>
        %min3A_2875 = arith.minsi %min3A_2874, %max3A_2873 : vector<16xi32>
        %sub3A_2876 = vector.broadcast %add3A_1312 : i32 to vector<16xi32>
        %sub3A_2877 = arith.subi %min3A_2875, %sub3A_2876 : vector<16xi32>
        %shift_right_arithmetic3A_2878 = arith.constant 8 : i32
        %shift_right_arithmetic3A_2879 = vector.broadcast %shift_right_arithmetic3A_2878 : i32 to vector<16xi32>
        %shift_right_arithmetic3A_2880 = arith.shrsi %sub3A_2877, %shift_right_arithmetic3A_2879 : vector<16xi32>
        tpu.vector_store_idx %arg5[%shift_right_arithmetic3A_2880], %broadcast_in_dim3A_3 {add = true} : memref<256xi32, #tpu.memory_space<vmem>>[vector<16xi32>], vector<16xi32>,
        %scan3A_2881 = arith.constant 0 : i32
        scf.yield %scan3A_2881 : i32
      }
      %scan3A_1385 = arith.constant 128 : i32
      %broadcast_in_dim3A_1386 = arith.constant 0 : i32
      %broadcast_in_dim3A_1387 = vector.broadcast %broadcast_in_dim3A_1386 : i32 to vector<16xi32>
      %get3A_1388 = arith.constant 0 : index
      %get3A_1389 = tpu.vector_load %arg5[%get3A_1388] {strides = array<i32>} : memref<256xi32, #tpu.memory_space<vmem>>, vector<16xi32>,
      %add3A_1390 = arith.addi %broadcast_in_dim3A_1387, %get3A_1389 : vector<16xi32>
      %get3A_1391 = arith.constant 16 : index
      %get3A_1392 = tpu.vector_load %arg5[%get3A_1391] {strides = array<i32>} : memref<256xi32, #tpu.memory_space<vmem>>, vector<16xi32>,
      %add3A_1393 = arith.addi %add3A_1390, %get3A_1392 : vector<16xi32>
      %get3A_1394 = arith.constant 32 : index
      %get3A_1395 = tpu.vector_load %arg5[%get3A_1394] {strides = array<i32>} : memref<256xi32, #tpu.memory_space<vmem>>, vector<16xi32>,
      %add3A_1396 = arith.addi %add3A_1393, %get3A_1395 : vector<16xi32>
      %get3A_1397 = arith.constant 48 : index
      %get3A_1398 = tpu.vector_load %arg5[%get3A_1397] {strides = array<i32>} : memref<256xi32, #tpu.memory_space<vmem>>, vector<16xi32>,
      %add3A_1399 = arith.addi %add3A_1396, %get3A_1398 : vector<16xi32>
      %get3A_1400 = arith.constant 64 : index
      %get3A_1401 = tpu.vector_load %arg5[%get3A_1400] {strides = array<i32>} : memref<256xi32, #tpu.memory_space<vmem>>, vector<16xi32>,
      %add3A_1402 = arith.addi %add3A_1399, %get3A_1401 : vector<16xi32>
      %get3A_1403 = arith.constant 80 : index
      %get3A_1404 = tpu.vector_load %arg5[%get3A_1403] {strides = array<i32>} : memref<256xi32, #tpu.memory_space<vmem>>, vector<16xi32>,
      %add3A_1405 = arith.addi %add3A_1402, %get3A_1404 : vector<16xi32>
      %get3A_1406 = arith.constant 96 : index
      %get3A_1407 = tpu.vector_load %arg5[%get3A_1406] {strides = array<i32>} : memref<256xi32, #tpu.memory_space<vmem>>, vector<16xi32>,
      %add3A_1408 = arith.addi %add3A_1405, %get3A_1407 : vector<16xi32>
      %get3A_1409 = arith.constant 112 : index
      %get3A_1410 = tpu.vector_load %arg5[%get3A_1409] {strides = array<i32>} : memref<256xi32, #tpu.memory_space<vmem>>, vector<16xi32>,
      %add3A_1411 = arith.addi %add3A_1408, %get3A_1410 : vector<16xi32>
      %get3A_1412 = arith.constant 128 : index
      %get3A_1413 = tpu.vector_load %arg5[%get3A_1412] {strides = array<i32>} : memref<256xi32, #tpu.memory_space<vmem>>, vector<16xi32>,
      %add3A_1414 = arith.addi %add3A_1411, %get3A_1413 : vector<16xi32>
      %get3A_1415 = arith.constant 144 : index
      %get3A_1416 = tpu.vector_load %arg5[%get3A_1415] {strides = array<i32>} : memref<256xi32, #tpu.memory_space<vmem>>, vector<16xi32>,
      %add3A_1417 = arith.addi %add3A_1414, %get3A_1416 : vector<16xi32>
      %get3A_1418 = arith.constant 160 : index
      %get3A_1419 = tpu.vector_load %arg5[%get3A_1418] {strides = array<i32>} : memref<256xi32, #tpu.memory_space<vmem>>, vector<16xi32>,
      %add3A_1420 = arith.addi %add3A_1417, %get3A_1419 : vector<16xi32>
      %get3A_1421 = arith.constant 176 : index
      %get3A_1422 = tpu.vector_load %arg5[%get3A_1421] {strides = array<i32>} : memref<256xi32, #tpu.memory_space<vmem>>, vector<16xi32>,
      %add3A_1423 = arith.addi %add3A_1420, %get3A_1422 : vector<16xi32>
      %get3A_1424 = arith.constant 192 : index
      %get3A_1425 = tpu.vector_load %arg5[%get3A_1424] {strides = array<i32>} : memref<256xi32, #tpu.memory_space<vmem>>, vector<16xi32>,
      %add3A_1426 = arith.addi %add3A_1423, %get3A_1425 : vector<16xi32>
      %get3A_1427 = arith.constant 208 : index
      %get3A_1428 = tpu.vector_load %arg5[%get3A_1427] {strides = array<i32>} : memref<256xi32, #tpu.memory_space<vmem>>, vector<16xi32>,
      %add3A_1429 = arith.addi %add3A_1426, %get3A_1428 : vector<16xi32>
      %get3A_1430 = arith.constant 224 : index
      %get3A_1431 = tpu.vector_load %arg5[%get3A_1430] {strides = array<i32>} : memref<256xi32, #tpu.memory_space<vmem>>, vector<16xi32>,
      %add3A_1432 = arith.addi %add3A_1429, %get3A_1431 : vector<16xi32>
      %get3A_1433 = arith.constant 240 : index
      %get3A_1434 = tpu.vector_load %arg5[%get3A_1433] {strides = array<i32>} : memref<256xi32, #tpu.memory_space<vmem>>, vector<16xi32>,
      %add3A_1435 = arith.addi %add3A_1432, %get3A_1434 : vector<16xi32>
      %reduce_sum3A_1436 = arith.constant true
      %reduce_sum3A_1437 = vector.broadcast %reduce_sum3A_1436 : i1 to vector<16xi1>
      %reduce_sum3A_1438 = tpu.scan <sum>, %add3A_1435 masked %reduce_sum3A_1437 : vector<16xi32>, vector<16xi1> -> vector<16xi32>
      %reduce_sum3A_1439 = vector.extract %reduce_sum3A_1438[15] : i32 from vector<16xi32>
      %get3A_1440 = arith.constant 0 : index
      %get3A_1441 = tpu.vector_load %arg5[%get3A_1440] {strides = array<i32>} : memref<256xi32, #tpu.memory_space<vmem>>, vector<16xi32>,
      %broadcast_in_dim3A_1442 = arith.constant true
      %broadcast_in_dim3A_1443 = vector.broadcast %broadcast_in_dim3A_1442 : i1 to vector<16xi1>
      %masked_cumsum3A_1444 = tpu.scan <sum>, %get3A_1441 masked %broadcast_in_dim3A_1443 : vector<16xi32>, vector<16xi1> -> vector<16xi32>
      %sub3A_1445 = arith.subi %masked_cumsum3A_1444, %get3A_1441 : vector<16xi32>
      %add3A_1446 = arith.constant 0 : i32
      %add3A_1447 = vector.broadcast %add3A_1446 : i32 to vector<16xi32>
      %add3A_1448 = arith.addi %add3A_1447, %sub3A_1445 : vector<16xi32>
      %sub3A_1449 = vector.broadcast %reduce_sum3A_1439 : i32 to vector<16xi32>
      %sub3A_1450 = arith.subi %sub3A_1449, %add3A_1448 : vector<16xi32>
      %ge3A_1451 = arith.constant 1024 : i32
      %ge3A_1452 = vector.broadcast %ge3A_1451 : i32 to vector<16xi32>
      %ge3A_1453 = arith.cmpi sge, %sub3A_1450, %ge3A_1452 : vector<16xi32>
      %add3A_1454 = arith.constant 0 : i32
      %add3A_1455 = vector.broadcast %add3A_1454 : i32 to vector<16xi32>
      %add3A_1456 = arith.addi %iota3A, %add3A_1455 : vector<16xi32>
      %jit3A_1457 = arith.constant 0 : i32
      %broadcast_in_dim3A_1458 = vector.broadcast %jit3A_1457 : i32 to vector<16xi32>
      %select_n3A_1459 = arith.select %ge3A_1453, %add3A_1456, %broadcast_in_dim3A_1458 : vector<16xi1>, vector<16xi32>
      %reduce_max3A_1460 = arith.constant true
      %reduce_max3A_1461 = vector.broadcast %reduce_max3A_1460 : i1 to vector<16xi1>
      %reduce_max3A_1462 = arith.constant -2147483648 : i32
      %reduce_max3A_1463 = vector.broadcast %reduce_max3A_1462 : i32 to vector<16xi32>
      %reduce_max3A_1464 = arith.xori %select_n3A_1459, %reduce_max3A_1463 : vector<16xi32>
      %reduce_max3A_1465 = tpu.scan <max>, %reduce_max3A_1464 masked %reduce_max3A_1461 : vector<16xi32>, vector<16xi1> -> vector<16xi32>
      %reduce_max3A_1466 = arith.xori %reduce_max3A_1465, %reduce_max3A_1463 : vector<16xi32>
      %reduce_max3A_1467 = vector.extract %reduce_max3A_1466[15] : i32 from vector<16xi32>
      %max3A_1468 = arith.constant 0 : i32
      %max3A_1469 = arith.maxsi %max3A_1468, %reduce_max3A_1467 : i32
      %reduce_sum3A_1470 = arith.constant true
      %reduce_sum3A_1471 = vector.broadcast %reduce_sum3A_1470 : i1 to vector<16xi1>
      %reduce_sum3A_1472 = tpu.scan <sum>, %get3A_1441 masked %reduce_sum3A_1471 : vector<16xi32>, vector<16xi1> -> vector<16xi32>
      %reduce_sum3A_1473 = vector.extract %reduce_sum3A_1472[15] : i32 from vector<16xi32>
      %add3A_1474 = arith.constant 0 : i32
      %add3A_1475 = arith.addi %add3A_1474, %reduce_sum3A_1473 : i32
      %get3A_1476 = arith.constant 16 : index
      %get3A_1477 = tpu.vector_load %arg5[%get3A_1476] {strides = array<i32>} : memref<256xi32, #tpu.memory_space<vmem>>, vector<16xi32>,
      %broadcast_in_dim3A_1478 = arith.constant true
      %broadcast_in_dim3A_1479 = vector.broadcast %broadcast_in_dim3A_1478 : i1 to vector<16xi1>
      %masked_cumsum3A_1480 = tpu.scan <sum>, %get3A_1477 masked %broadcast_in_dim3A_1479 : vector<16xi32>, vector<16xi1> -> vector<16xi32>
      %sub3A_1481 = arith.subi %masked_cumsum3A_1480, %get3A_1477 : vector<16xi32>
      %add3A_1482 = vector.broadcast %add3A_1475 : i32 to vector<16xi32>
      %add3A_1483 = arith.addi %add3A_1482, %sub3A_1481 : vector<16xi32>
      %sub3A_1484 = vector.broadcast %reduce_sum3A_1439 : i32 to vector<16xi32>
      %sub3A_1485 = arith.subi %sub3A_1484, %add3A_1483 : vector<16xi32>
      %ge3A_1486 = arith.constant 1024 : i32
      %ge3A_1487 = vector.broadcast %ge3A_1486 : i32 to vector<16xi32>
      %ge3A_1488 = arith.cmpi sge, %sub3A_1485, %ge3A_1487 : vector<16xi32>
      %add3A_1489 = arith.constant 16 : i32
      %add3A_1490 = vector.broadcast %add3A_1489 : i32 to vector<16xi32>
      %add3A_1491 = arith.addi %iota3A, %add3A_1490 : vector<16xi32>
      %jit3A_1492 = arith.constant 0 : i32
      %broadcast_in_dim3A_1493 = vector.broadcast %jit3A_1492 : i32 to vector<16xi32>
      %select_n3A_1494 = arith.select %ge3A_1488, %add3A_1491, %broadcast_in_dim3A_1493 : vector<16xi1>, vector<16xi32>
      %reduce_max3A_1495 = arith.constant true
      %reduce_max3A_1496 = vector.broadcast %reduce_max3A_1495 : i1 to vector<16xi1>
      %reduce_max3A_1497 = arith.constant -2147483648 : i32
      %reduce_max3A_1498 = vector.broadcast %reduce_max3A_1497 : i32 to vector<16xi32>
      %reduce_max3A_1499 = arith.xori %select_n3A_1494, %reduce_max3A_1498 : vector<16xi32>
      %reduce_max3A_1500 = tpu.scan <max>, %reduce_max3A_1499 masked %reduce_max3A_1496 : vector<16xi32>, vector<16xi1> -> vector<16xi32>
      %reduce_max3A_1501 = arith.xori %reduce_max3A_1500, %reduce_max3A_1498 : vector<16xi32>
      %reduce_max3A_1502 = vector.extract %reduce_max3A_1501[15] : i32 from vector<16xi32>
      %max3A_1503 = arith.maxsi %max3A_1469, %reduce_max3A_1502 : i32
      %reduce_sum3A_1504 = arith.constant true
      %reduce_sum3A_1505 = vector.broadcast %reduce_sum3A_1504 : i1 to vector<16xi1>
      %reduce_sum3A_1506 = tpu.scan <sum>, %get3A_1477 masked %reduce_sum3A_1505 : vector<16xi32>, vector<16xi1> -> vector<16xi32>
      %reduce_sum3A_1507 = vector.extract %reduce_sum3A_1506[15] : i32 from vector<16xi32>
      %add3A_1508 = arith.addi %add3A_1475, %reduce_sum3A_1507 : i32
      %get3A_1509 = arith.constant 32 : index
      %get3A_1510 = tpu.vector_load %arg5[%get3A_1509] {strides = array<i32>} : memref<256xi32, #tpu.memory_space<vmem>>, vector<16xi32>,
      %broadcast_in_dim3A_1511 = arith.constant true
      %broadcast_in_dim3A_1512 = vector.broadcast %broadcast_in_dim3A_1511 : i1 to vector<16xi1>
      %masked_cumsum3A_1513 = tpu.scan <sum>, %get3A_1510 masked %broadcast_in_dim3A_1512 : vector<16xi32>, vector<16xi1> -> vector<16xi32>
      %sub3A_1514 = arith.subi %masked_cumsum3A_1513, %get3A_1510 : vector<16xi32>
      %add3A_1515 = vector.broadcast %add3A_1508 : i32 to vector<16xi32>
      %add3A_1516 = arith.addi %add3A_1515, %sub3A_1514 : vector<16xi32>
      %sub3A_1517 = vector.broadcast %reduce_sum3A_1439 : i32 to vector<16xi32>
      %sub3A_1518 = arith.subi %sub3A_1517, %add3A_1516 : vector<16xi32>
      %ge3A_1519 = arith.constant 1024 : i32
      %ge3A_1520 = vector.broadcast %ge3A_1519 : i32 to vector<16xi32>
      %ge3A_1521 = arith.cmpi sge, %sub3A_1518, %ge3A_1520 : vector<16xi32>
      %add3A_1522 = arith.constant 32 : i32
      %add3A_1523 = vector.broadcast %add3A_1522 : i32 to vector<16xi32>
      %add3A_1524 = arith.addi %iota3A, %add3A_1523 : vector<16xi32>
      %jit3A_1525 = arith.constant 0 : i32
      %broadcast_in_dim3A_1526 = vector.broadcast %jit3A_1525 : i32 to vector<16xi32>
      %select_n3A_1527 = arith.select %ge3A_1521, %add3A_1524, %broadcast_in_dim3A_1526 : vector<16xi1>, vector<16xi32>
      %reduce_max3A_1528 = arith.constant true
      %reduce_max3A_1529 = vector.broadcast %reduce_max3A_1528 : i1 to vector<16xi1>
      %reduce_max3A_1530 = arith.constant -2147483648 : i32
      %reduce_max3A_1531 = vector.broadcast %reduce_max3A_1530 : i32 to vector<16xi32>
      %reduce_max3A_1532 = arith.xori %select_n3A_1527, %reduce_max3A_1531 : vector<16xi32>
      %reduce_max3A_1533 = tpu.scan <max>, %reduce_max3A_1532 masked %reduce_max3A_1529 : vector<16xi32>, vector<16xi1> -> vector<16xi32>
      %reduce_max3A_1534 = arith.xori %reduce_max3A_1533, %reduce_max3A_1531 : vector<16xi32>
      %reduce_max3A_1535 = vector.extract %reduce_max3A_1534[15] : i32 from vector<16xi32>
      %max3A_1536 = arith.maxsi %max3A_1503, %reduce_max3A_1535 : i32
      %reduce_sum3A_1537 = arith.constant true
      %reduce_sum3A_1538 = vector.broadcast %reduce_sum3A_1537 : i1 to vector<16xi1>
      %reduce_sum3A_1539 = tpu.scan <sum>, %get3A_1510 masked %reduce_sum3A_1538 : vector<16xi32>, vector<16xi1> -> vector<16xi32>
      %reduce_sum3A_1540 = vector.extract %reduce_sum3A_1539[15] : i32 from vector<16xi32>
      %add3A_1541 = arith.addi %add3A_1508, %reduce_sum3A_1540 : i32
      %get3A_1542 = arith.constant 48 : index
      %get3A_1543 = tpu.vector_load %arg5[%get3A_1542] {strides = array<i32>} : memref<256xi32, #tpu.memory_space<vmem>>, vector<16xi32>,
      %broadcast_in_dim3A_1544 = arith.constant true
      %broadcast_in_dim3A_1545 = vector.broadcast %broadcast_in_dim3A_1544 : i1 to vector<16xi1>
      %masked_cumsum3A_1546 = tpu.scan <sum>, %get3A_1543 masked %broadcast_in_dim3A_1545 : vector<16xi32>, vector<16xi1> -> vector<16xi32>
      %sub3A_1547 = arith.subi %masked_cumsum3A_1546, %get3A_1543 : vector<16xi32>
      %add3A_1548 = vector.broadcast %add3A_1541 : i32 to vector<16xi32>
      %add3A_1549 = arith.addi %add3A_1548, %sub3A_1547 : vector<16xi32>
      %sub3A_1550 = vector.broadcast %reduce_sum3A_1439 : i32 to vector<16xi32>
      %sub3A_1551 = arith.subi %sub3A_1550, %add3A_1549 : vector<16xi32>
      %ge3A_1552 = arith.constant 1024 : i32
      %ge3A_1553 = vector.broadcast %ge3A_1552 : i32 to vector<16xi32>
      %ge3A_1554 = arith.cmpi sge, %sub3A_1551, %ge3A_1553 : vector<16xi32>
      %add3A_1555 = arith.constant 48 : i32
      %add3A_1556 = vector.broadcast %add3A_1555 : i32 to vector<16xi32>
      %add3A_1557 = arith.addi %iota3A, %add3A_1556 : vector<16xi32>
      %jit3A_1558 = arith.constant 0 : i32
      %broadcast_in_dim3A_1559 = vector.broadcast %jit3A_1558 : i32 to vector<16xi32>
      %select_n3A_1560 = arith.select %ge3A_1554, %add3A_1557, %broadcast_in_dim3A_1559 : vector<16xi1>, vector<16xi32>
      %reduce_max3A_1561 = arith.constant true
      %reduce_max3A_1562 = vector.broadcast %reduce_max3A_1561 : i1 to vector<16xi1>
      %reduce_max3A_1563 = arith.constant -2147483648 : i32
      %reduce_max3A_1564 = vector.broadcast %reduce_max3A_1563 : i32 to vector<16xi32>
      %reduce_max3A_1565 = arith.xori %select_n3A_1560, %reduce_max3A_1564 : vector<16xi32>
      %reduce_max3A_1566 = tpu.scan <max>, %reduce_max3A_1565 masked %reduce_max3A_1562 : vector<16xi32>, vector<16xi1> -> vector<16xi32>
      %reduce_max3A_1567 = arith.xori %reduce_max3A_1566, %reduce_max3A_1564 : vector<16xi32>
      %reduce_max3A_1568 = vector.extract %reduce_max3A_1567[15] : i32 from vector<16xi32>
      %max3A_1569 = arith.maxsi %max3A_1536, %reduce_max3A_1568 : i32
      %reduce_sum3A_1570 = arith.constant true
      %reduce_sum3A_1571 = vector.broadcast %reduce_sum3A_1570 : i1 to vector<16xi1>
      %reduce_sum3A_1572 = tpu.scan <sum>, %get3A_1543 masked %reduce_sum3A_1571 : vector<16xi32>, vector<16xi1> -> vector<16xi32>
      %reduce_sum3A_1573 = vector.extract %reduce_sum3A_1572[15] : i32 from vector<16xi32>
      %add3A_1574 = arith.addi %add3A_1541, %reduce_sum3A_1573 : i32
      %get3A_1575 = arith.constant 64 : index
      %get3A_1576 = tpu.vector_load %arg5[%get3A_1575] {strides = array<i32>} : memref<256xi32, #tpu.memory_space<vmem>>, vector<16xi32>,
      %broadcast_in_dim3A_1577 = arith.constant true
      %broadcast_in_dim3A_1578 = vector.broadcast %broadcast_in_dim3A_1577 : i1 to vector<16xi1>
      %masked_cumsum3A_1579 = tpu.scan <sum>, %get3A_1576 masked %broadcast_in_dim3A_1578 : vector<16xi32>, vector<16xi1> -> vector<16xi32>
      %sub3A_1580 = arith.subi %masked_cumsum3A_1579, %get3A_1576 : vector<16xi32>
      %add3A_1581 = vector.broadcast %add3A_1574 : i32 to vector<16xi32>
      %add3A_1582 = arith.addi %add3A_1581, %sub3A_1580 : vector<16xi32>
      %sub3A_1583 = vector.broadcast %reduce_sum3A_1439 : i32 to vector<16xi32>
      %sub3A_1584 = arith.subi %sub3A_1583, %add3A_1582 : vector<16xi32>
      %ge3A_1585 = arith.constant 1024 : i32
      %ge3A_1586 = vector.broadcast %ge3A_1585 : i32 to vector<16xi32>
      %ge3A_1587 = arith.cmpi sge, %sub3A_1584, %ge3A_1586 : vector<16xi32>
      %add3A_1588 = arith.constant 64 : i32
      %add3A_1589 = vector.broadcast %add3A_1588 : i32 to vector<16xi32>
      %add3A_1590 = arith.addi %iota3A, %add3A_1589 : vector<16xi32>
      %jit3A_1591 = arith.constant 0 : i32
      %broadcast_in_dim3A_1592 = vector.broadcast %jit3A_1591 : i32 to vector<16xi32>
      %select_n3A_1593 = arith.select %ge3A_1587, %add3A_1590, %broadcast_in_dim3A_1592 : vector<16xi1>, vector<16xi32>
      %reduce_max3A_1594 = arith.constant true
      %reduce_max3A_1595 = vector.broadcast %reduce_max3A_1594 : i1 to vector<16xi1>
      %reduce_max3A_1596 = arith.constant -2147483648 : i32
      %reduce_max3A_1597 = vector.broadcast %reduce_max3A_1596 : i32 to vector<16xi32>
      %reduce_max3A_1598 = arith.xori %select_n3A_1593, %reduce_max3A_1597 : vector<16xi32>
      %reduce_max3A_1599 = tpu.scan <max>, %reduce_max3A_1598 masked %reduce_max3A_1595 : vector<16xi32>, vector<16xi1> -> vector<16xi32>
      %reduce_max3A_1600 = arith.xori %reduce_max3A_1599, %reduce_max3A_1597 : vector<16xi32>
      %reduce_max3A_1601 = vector.extract %reduce_max3A_1600[15] : i32 from vector<16xi32>
      %max3A_1602 = arith.maxsi %max3A_1569, %reduce_max3A_1601 : i32
      %reduce_sum3A_1603 = arith.constant true
      %reduce_sum3A_1604 = vector.broadcast %reduce_sum3A_1603 : i1 to vector<16xi1>
      %reduce_sum3A_1605 = tpu.scan <sum>, %get3A_1576 masked %reduce_sum3A_1604 : vector<16xi32>, vector<16xi1> -> vector<16xi32>
      %reduce_sum3A_1606 = vector.extract %reduce_sum3A_1605[15] : i32 from vector<16xi32>
      %add3A_1607 = arith.addi %add3A_1574, %reduce_sum3A_1606 : i32
      %get3A_1608 = arith.constant 80 : index
      %get3A_1609 = tpu.vector_load %arg5[%get3A_1608] {strides = array<i32>} : memref<256xi32, #tpu.memory_space<vmem>>, vector<16xi32>,
      %broadcast_in_dim3A_1610 = arith.constant true
      %broadcast_in_dim3A_1611 = vector.broadcast %broadcast_in_dim3A_1610 : i1 to vector<16xi1>
      %masked_cumsum3A_1612 = tpu.scan <sum>, %get3A_1609 masked %broadcast_in_dim3A_1611 : vector<16xi32>, vector<16xi1> -> vector<16xi32>
      %sub3A_1613 = arith.subi %masked_cumsum3A_1612, %get3A_1609 : vector<16xi32>
      %add3A_1614 = vector.broadcast %add3A_1607 : i32 to vector<16xi32>
      %add3A_1615 = arith.addi %add3A_1614, %sub3A_1613 : vector<16xi32>
      %sub3A_1616 = vector.broadcast %reduce_sum3A_1439 : i32 to vector<16xi32>
      %sub3A_1617 = arith.subi %sub3A_1616, %add3A_1615 : vector<16xi32>
      %ge3A_1618 = arith.constant 1024 : i32
      %ge3A_1619 = vector.broadcast %ge3A_1618 : i32 to vector<16xi32>
      %ge3A_1620 = arith.cmpi sge, %sub3A_1617, %ge3A_1619 : vector<16xi32>
      %add3A_1621 = arith.constant 80 : i32
      %add3A_1622 = vector.broadcast %add3A_1621 : i32 to vector<16xi32>
      %add3A_1623 = arith.addi %iota3A, %add3A_1622 : vector<16xi32>
      %jit3A_1624 = arith.constant 0 : i32
      %broadcast_in_dim3A_1625 = vector.broadcast %jit3A_1624 : i32 to vector<16xi32>
      %select_n3A_1626 = arith.select %ge3A_1620, %add3A_1623, %broadcast_in_dim3A_1625 : vector<16xi1>, vector<16xi32>
      %reduce_max3A_1627 = arith.constant true
      %reduce_max3A_1628 = vector.broadcast %reduce_max3A_1627 : i1 to vector<16xi1>
      %reduce_max3A_1629 = arith.constant -2147483648 : i32
      %reduce_max3A_1630 = vector.broadcast %reduce_max3A_1629 : i32 to vector<16xi32>
      %reduce_max3A_1631 = arith.xori %select_n3A_1626, %reduce_max3A_1630 : vector<16xi32>
      %reduce_max3A_1632 = tpu.scan <max>, %reduce_max3A_1631 masked %reduce_max3A_1628 : vector<16xi32>, vector<16xi1> -> vector<16xi32>
      %reduce_max3A_1633 = arith.xori %reduce_max3A_1632, %reduce_max3A_1630 : vector<16xi32>
      %reduce_max3A_1634 = vector.extract %reduce_max3A_1633[15] : i32 from vector<16xi32>
      %max3A_1635 = arith.maxsi %max3A_1602, %reduce_max3A_1634 : i32
      %reduce_sum3A_1636 = arith.constant true
      %reduce_sum3A_1637 = vector.broadcast %reduce_sum3A_1636 : i1 to vector<16xi1>
      %reduce_sum3A_1638 = tpu.scan <sum>, %get3A_1609 masked %reduce_sum3A_1637 : vector<16xi32>, vector<16xi1> -> vector<16xi32>
      %reduce_sum3A_1639 = vector.extract %reduce_sum3A_1638[15] : i32 from vector<16xi32>
      %add3A_1640 = arith.addi %add3A_1607, %reduce_sum3A_1639 : i32
      %get3A_1641 = arith.constant 96 : index
      %get3A_1642 = tpu.vector_load %arg5[%get3A_1641] {strides = array<i32>} : memref<256xi32, #tpu.memory_space<vmem>>, vector<16xi32>,
      %broadcast_in_dim3A_1643 = arith.constant true
      %broadcast_in_dim3A_1644 = vector.broadcast %broadcast_in_dim3A_1643 : i1 to vector<16xi1>
      %masked_cumsum3A_1645 = tpu.scan <sum>, %get3A_1642 masked %broadcast_in_dim3A_1644 : vector<16xi32>, vector<16xi1> -> vector<16xi32>
      %sub3A_1646 = arith.subi %masked_cumsum3A_1645, %get3A_1642 : vector<16xi32>
      %add3A_1647 = vector.broadcast %add3A_1640 : i32 to vector<16xi32>
      %add3A_1648 = arith.addi %add3A_1647, %sub3A_1646 : vector<16xi32>
      %sub3A_1649 = vector.broadcast %reduce_sum3A_1439 : i32 to vector<16xi32>
      %sub3A_1650 = arith.subi %sub3A_1649, %add3A_1648 : vector<16xi32>
      %ge3A_1651 = arith.constant 1024 : i32
      %ge3A_1652 = vector.broadcast %ge3A_1651 : i32 to vector<16xi32>
      %ge3A_1653 = arith.cmpi sge, %sub3A_1650, %ge3A_1652 : vector<16xi32>
      %add3A_1654 = arith.constant 96 : i32
      %add3A_1655 = vector.broadcast %add3A_1654 : i32 to vector<16xi32>
      %add3A_1656 = arith.addi %iota3A, %add3A_1655 : vector<16xi32>
      %jit3A_1657 = arith.constant 0 : i32
      %broadcast_in_dim3A_1658 = vector.broadcast %jit3A_1657 : i32 to vector<16xi32>
      %select_n3A_1659 = arith.select %ge3A_1653, %add3A_1656, %broadcast_in_dim3A_1658 : vector<16xi1>, vector<16xi32>
      %reduce_max3A_1660 = arith.constant true
      %reduce_max3A_1661 = vector.broadcast %reduce_max3A_1660 : i1 to vector<16xi1>
      %reduce_max3A_1662 = arith.constant -2147483648 : i32
      %reduce_max3A_1663 = vector.broadcast %reduce_max3A_1662 : i32 to vector<16xi32>
      %reduce_max3A_1664 = arith.xori %select_n3A_1659, %reduce_max3A_1663 : vector<16xi32>
      %reduce_max3A_1665 = tpu.scan <max>, %reduce_max3A_1664 masked %reduce_max3A_1661 : vector<16xi32>, vector<16xi1> -> vector<16xi32>
      %reduce_max3A_1666 = arith.xori %reduce_max3A_1665, %reduce_max3A_1663 : vector<16xi32>
      %reduce_max3A_1667 = vector.extract %reduce_max3A_1666[15] : i32 from vector<16xi32>
      %max3A_1668 = arith.maxsi %max3A_1635, %reduce_max3A_1667 : i32
      %reduce_sum3A_1669 = arith.constant true
      %reduce_sum3A_1670 = vector.broadcast %reduce_sum3A_1669 : i1 to vector<16xi1>
      %reduce_sum3A_1671 = tpu.scan <sum>, %get3A_1642 masked %reduce_sum3A_1670 : vector<16xi32>, vector<16xi1> -> vector<16xi32>
      %reduce_sum3A_1672 = vector.extract %reduce_sum3A_1671[15] : i32 from vector<16xi32>
      %add3A_1673 = arith.addi %add3A_1640, %reduce_sum3A_1672 : i32
      %get3A_1674 = arith.constant 112 : index
      %get3A_1675 = tpu.vector_load %arg5[%get3A_1674] {strides = array<i32>} : memref<256xi32, #tpu.memory_space<vmem>>, vector<16xi32>,
      %broadcast_in_dim3A_1676 = arith.constant true
      %broadcast_in_dim3A_1677 = vector.broadcast %broadcast_in_dim3A_1676 : i1 to vector<16xi1>
      %masked_cumsum3A_1678 = tpu.scan <sum>, %get3A_1675 masked %broadcast_in_dim3A_1677 : vector<16xi32>, vector<16xi1> -> vector<16xi32>
      %sub3A_1679 = arith.subi %masked_cumsum3A_1678, %get3A_1675 : vector<16xi32>
      %add3A_1680 = vector.broadcast %add3A_1673 : i32 to vector<16xi32>
      %add3A_1681 = arith.addi %add3A_1680, %sub3A_1679 : vector<16xi32>
      %sub3A_1682 = vector.broadcast %reduce_sum3A_1439 : i32 to vector<16xi32>
      %sub3A_1683 = arith.subi %sub3A_1682, %add3A_1681 : vector<16xi32>
      %ge3A_1684 = arith.constant 1024 : i32
      %ge3A_1685 = vector.broadcast %ge3A_1684 : i32 to vector<16xi32>
      %ge3A_1686 = arith.cmpi sge, %sub3A_1683, %ge3A_1685 : vector<16xi32>
      %add3A_1687 = arith.constant 112 : i32
      %add3A_1688 = vector.broadcast %add3A_1687 : i32 to vector<16xi32>
      %add3A_1689 = arith.addi %iota3A, %add3A_1688 : vector<16xi32>
      %jit3A_1690 = arith.constant 0 : i32
      %broadcast_in_dim3A_1691 = vector.broadcast %jit3A_1690 : i32 to vector<16xi32>
      %select_n3A_1692 = arith.select %ge3A_1686, %add3A_1689, %broadcast_in_dim3A_1691 : vector<16xi1>, vector<16xi32>
      %reduce_max3A_1693 = arith.constant true
      %reduce_max3A_1694 = vector.broadcast %reduce_max3A_1693 : i1 to vector<16xi1>
      %reduce_max3A_1695 = arith.constant -2147483648 : i32
      %reduce_max3A_1696 = vector.broadcast %reduce_max3A_1695 : i32 to vector<16xi32>
      %reduce_max3A_1697 = arith.xori %select_n3A_1692, %reduce_max3A_1696 : vector<16xi32>
      %reduce_max3A_1698 = tpu.scan <max>, %reduce_max3A_1697 masked %reduce_max3A_1694 : vector<16xi32>, vector<16xi1> -> vector<16xi32>
      %reduce_max3A_1699 = arith.xori %reduce_max3A_1698, %reduce_max3A_1696 : vector<16xi32>
      %reduce_max3A_1700 = vector.extract %reduce_max3A_1699[15] : i32 from vector<16xi32>
      %max3A_1701 = arith.maxsi %max3A_1668, %reduce_max3A_1700 : i32
      %reduce_sum3A_1702 = arith.constant true
      %reduce_sum3A_1703 = vector.broadcast %reduce_sum3A_1702 : i1 to vector<16xi1>
      %reduce_sum3A_1704 = tpu.scan <sum>, %get3A_1675 masked %reduce_sum3A_1703 : vector<16xi32>, vector<16xi1> -> vector<16xi32>
      %reduce_sum3A_1705 = vector.extract %reduce_sum3A_1704[15] : i32 from vector<16xi32>
      %add3A_1706 = arith.addi %add3A_1673, %reduce_sum3A_1705 : i32
      %get3A_1707 = arith.constant 128 : index
      %get3A_1708 = tpu.vector_load %arg5[%get3A_1707] {strides = array<i32>} : memref<256xi32, #tpu.memory_space<vmem>>, vector<16xi32>,
      %broadcast_in_dim3A_1709 = arith.constant true
      %broadcast_in_dim3A_1710 = vector.broadcast %broadcast_in_dim3A_1709 : i1 to vector<16xi1>
      %masked_cumsum3A_1711 = tpu.scan <sum>, %get3A_1708 masked %broadcast_in_dim3A_1710 : vector<16xi32>, vector<16xi1> -> vector<16xi32>
      %sub3A_1712 = arith.subi %masked_cumsum3A_1711, %get3A_1708 : vector<16xi32>
      %add3A_1713 = vector.broadcast %add3A_1706 : i32 to vector<16xi32>
      %add3A_1714 = arith.addi %add3A_1713, %sub3A_1712 : vector<16xi32>
      %sub3A_1715 = vector.broadcast %reduce_sum3A_1439 : i32 to vector<16xi32>
      %sub3A_1716 = arith.subi %sub3A_1715, %add3A_1714 : vector<16xi32>
      %ge3A_1717 = arith.constant 1024 : i32
      %ge3A_1718 = vector.broadcast %ge3A_1717 : i32 to vector<16xi32>
      %ge3A_1719 = arith.cmpi sge, %sub3A_1716, %ge3A_1718 : vector<16xi32>
      %add3A_1720 = arith.constant 128 : i32
      %add3A_1721 = vector.broadcast %add3A_1720 : i32 to vector<16xi32>
      %add3A_1722 = arith.addi %iota3A, %add3A_1721 : vector<16xi32>
      %jit3A_1723 = arith.constant 0 : i32
      %broadcast_in_dim3A_1724 = vector.broadcast %jit3A_1723 : i32 to vector<16xi32>
      %select_n3A_1725 = arith.select %ge3A_1719, %add3A_1722, %broadcast_in_dim3A_1724 : vector<16xi1>, vector<16xi32>
      %reduce_max3A_1726 = arith.constant true
      %reduce_max3A_1727 = vector.broadcast %reduce_max3A_1726 : i1 to vector<16xi1>
      %reduce_max3A_1728 = arith.constant -2147483648 : i32
      %reduce_max3A_1729 = vector.broadcast %reduce_max3A_1728 : i32 to vector<16xi32>
      %reduce_max3A_1730 = arith.xori %select_n3A_1725, %reduce_max3A_1729 : vector<16xi32>
      %reduce_max3A_1731 = tpu.scan <max>, %reduce_max3A_1730 masked %reduce_max3A_1727 : vector<16xi32>, vector<16xi1> -> vector<16xi32>
      %reduce_max3A_1732 = arith.xori %reduce_max3A_1731, %reduce_max3A_1729 : vector<16xi32>
      %reduce_max3A_1733 = vector.extract %reduce_max3A_1732[15] : i32 from vector<16xi32>
      %max3A_1734 = arith.maxsi %max3A_1701, %reduce_max3A_1733 : i32
      %reduce_sum3A_1735 = arith.constant true
      %reduce_sum3A_1736 = vector.broadcast %reduce_sum3A_1735 : i1 to vector<16xi1>
      %reduce_sum3A_1737 = tpu.scan <sum>, %get3A_1708 masked %reduce_sum3A_1736 : vector<16xi32>, vector<16xi1> -> vector<16xi32>
      %reduce_sum3A_1738 = vector.extract %reduce_sum3A_1737[15] : i32 from vector<16xi32>
      %add3A_1739 = arith.addi %add3A_1706, %reduce_sum3A_1738 : i32
      %get3A_1740 = arith.constant 144 : index
      %get3A_1741 = tpu.vector_load %arg5[%get3A_1740] {strides = array<i32>} : memref<256xi32, #tpu.memory_space<vmem>>, vector<16xi32>,
      %broadcast_in_dim3A_1742 = arith.constant true
      %broadcast_in_dim3A_1743 = vector.broadcast %broadcast_in_dim3A_1742 : i1 to vector<16xi1>
      %masked_cumsum3A_1744 = tpu.scan <sum>, %get3A_1741 masked %broadcast_in_dim3A_1743 : vector<16xi32>, vector<16xi1> -> vector<16xi32>
      %sub3A_1745 = arith.subi %masked_cumsum3A_1744, %get3A_1741 : vector<16xi32>
      %add3A_1746 = vector.broadcast %add3A_1739 : i32 to vector<16xi32>
      %add3A_1747 = arith.addi %add3A_1746, %sub3A_1745 : vector<16xi32>
      %sub3A_1748 = vector.broadcast %reduce_sum3A_1439 : i32 to vector<16xi32>
      %sub3A_1749 = arith.subi %sub3A_1748, %add3A_1747 : vector<16xi32>
      %ge3A_1750 = arith.constant 1024 : i32
      %ge3A_1751 = vector.broadcast %ge3A_1750 : i32 to vector<16xi32>
      %ge3A_1752 = arith.cmpi sge, %sub3A_1749, %ge3A_1751 : vector<16xi32>
      %add3A_1753 = arith.constant 144 : i32
      %add3A_1754 = vector.broadcast %add3A_1753 : i32 to vector<16xi32>
      %add3A_1755 = arith.addi %iota3A, %add3A_1754 : vector<16xi32>
      %jit3A_1756 = arith.constant 0 : i32
      %broadcast_in_dim3A_1757 = vector.broadcast %jit3A_1756 : i32 to vector<16xi32>
      %select_n3A_1758 = arith.select %ge3A_1752, %add3A_1755, %broadcast_in_dim3A_1757 : vector<16xi1>, vector<16xi32>
      %reduce_max3A_1759 = arith.constant true
      %reduce_max3A_1760 = vector.broadcast %reduce_max3A_1759 : i1 to vector<16xi1>
      %reduce_max3A_1761 = arith.constant -2147483648 : i32
      %reduce_max3A_1762 = vector.broadcast %reduce_max3A_1761 : i32 to vector<16xi32>
      %reduce_max3A_1763 = arith.xori %select_n3A_1758, %reduce_max3A_1762 : vector<16xi32>
      %reduce_max3A_1764 = tpu.scan <max>, %reduce_max3A_1763 masked %reduce_max3A_1760 : vector<16xi32>, vector<16xi1> -> vector<16xi32>
      %reduce_max3A_1765 = arith.xori %reduce_max3A_1764, %reduce_max3A_1762 : vector<16xi32>
      %reduce_max3A_1766 = vector.extract %reduce_max3A_1765[15] : i32 from vector<16xi32>
      %max3A_1767 = arith.maxsi %max3A_1734, %reduce_max3A_1766 : i32
      %reduce_sum3A_1768 = arith.constant true
      %reduce_sum3A_1769 = vector.broadcast %reduce_sum3A_1768 : i1 to vector<16xi1>
      %reduce_sum3A_1770 = tpu.scan <sum>, %get3A_1741 masked %reduce_sum3A_1769 : vector<16xi32>, vector<16xi1> -> vector<16xi32>
      %reduce_sum3A_1771 = vector.extract %reduce_sum3A_1770[15] : i32 from vector<16xi32>
      %add3A_1772 = arith.addi %add3A_1739, %reduce_sum3A_1771 : i32
      %get3A_1773 = arith.constant 160 : index
      %get3A_1774 = tpu.vector_load %arg5[%get3A_1773] {strides = array<i32>} : memref<256xi32, #tpu.memory_space<vmem>>, vector<16xi32>,
      %broadcast_in_dim3A_1775 = arith.constant true
      %broadcast_in_dim3A_1776 = vector.broadcast %broadcast_in_dim3A_1775 : i1 to vector<16xi1>
      %masked_cumsum3A_1777 = tpu.scan <sum>, %get3A_1774 masked %broadcast_in_dim3A_1776 : vector<16xi32>, vector<16xi1> -> vector<16xi32>
      %sub3A_1778 = arith.subi %masked_cumsum3A_1777, %get3A_1774 : vector<16xi32>
      %add3A_1779 = vector.broadcast %add3A_1772 : i32 to vector<16xi32>
      %add3A_1780 = arith.addi %add3A_1779, %sub3A_1778 : vector<16xi32>
      %sub3A_1781 = vector.broadcast %reduce_sum3A_1439 : i32 to vector<16xi32>
      %sub3A_1782 = arith.subi %sub3A_1781, %add3A_1780 : vector<16xi32>
      %ge3A_1783 = arith.constant 1024 : i32
      %ge3A_1784 = vector.broadcast %ge3A_1783 : i32 to vector<16xi32>
      %ge3A_1785 = arith.cmpi sge, %sub3A_1782, %ge3A_1784 : vector<16xi32>
      %add3A_1786 = arith.constant 160 : i32
      %add3A_1787 = vector.broadcast %add3A_1786 : i32 to vector<16xi32>
      %add3A_1788 = arith.addi %iota3A, %add3A_1787 : vector<16xi32>
      %jit3A_1789 = arith.constant 0 : i32
      %broadcast_in_dim3A_1790 = vector.broadcast %jit3A_1789 : i32 to vector<16xi32>
      %select_n3A_1791 = arith.select %ge3A_1785, %add3A_1788, %broadcast_in_dim3A_1790 : vector<16xi1>, vector<16xi32>
      %reduce_max3A_1792 = arith.constant true
      %reduce_max3A_1793 = vector.broadcast %reduce_max3A_1792 : i1 to vector<16xi1>
      %reduce_max3A_1794 = arith.constant -2147483648 : i32
      %reduce_max3A_1795 = vector.broadcast %reduce_max3A_1794 : i32 to vector<16xi32>
      %reduce_max3A_1796 = arith.xori %select_n3A_1791, %reduce_max3A_1795 : vector<16xi32>
      %reduce_max3A_1797 = tpu.scan <max>, %reduce_max3A_1796 masked %reduce_max3A_1793 : vector<16xi32>, vector<16xi1> -> vector<16xi32>
      %reduce_max3A_1798 = arith.xori %reduce_max3A_1797, %reduce_max3A_1795 : vector<16xi32>
      %reduce_max3A_1799 = vector.extract %reduce_max3A_1798[15] : i32 from vector<16xi32>
      %max3A_1800 = arith.maxsi %max3A_1767, %reduce_max3A_1799 : i32
      %reduce_sum3A_1801 = arith.constant true
      %reduce_sum3A_1802 = vector.broadcast %reduce_sum3A_1801 : i1 to vector<16xi1>
      %reduce_sum3A_1803 = tpu.scan <sum>, %get3A_1774 masked %reduce_sum3A_1802 : vector<16xi32>, vector<16xi1> -> vector<16xi32>
      %reduce_sum3A_1804 = vector.extract %reduce_sum3A_1803[15] : i32 from vector<16xi32>
      %add3A_1805 = arith.addi %add3A_1772, %reduce_sum3A_1804 : i32
      %get3A_1806 = arith.constant 176 : index
      %get3A_1807 = tpu.vector_load %arg5[%get3A_1806] {strides = array<i32>} : memref<256xi32, #tpu.memory_space<vmem>>, vector<16xi32>,
      %broadcast_in_dim3A_1808 = arith.constant true
      %broadcast_in_dim3A_1809 = vector.broadcast %broadcast_in_dim3A_1808 : i1 to vector<16xi1>
      %masked_cumsum3A_1810 = tpu.scan <sum>, %get3A_1807 masked %broadcast_in_dim3A_1809 : vector<16xi32>, vector<16xi1> -> vector<16xi32>
      %sub3A_1811 = arith.subi %masked_cumsum3A_1810, %get3A_1807 : vector<16xi32>
      %add3A_1812 = vector.broadcast %add3A_1805 : i32 to vector<16xi32>
      %add3A_1813 = arith.addi %add3A_1812, %sub3A_1811 : vector<16xi32>
      %sub3A_1814 = vector.broadcast %reduce_sum3A_1439 : i32 to vector<16xi32>
      %sub3A_1815 = arith.subi %sub3A_1814, %add3A_1813 : vector<16xi32>
      %ge3A_1816 = arith.constant 1024 : i32
      %ge3A_1817 = vector.broadcast %ge3A_1816 : i32 to vector<16xi32>
      %ge3A_1818 = arith.cmpi sge, %sub3A_1815, %ge3A_1817 : vector<16xi32>
      %add3A_1819 = arith.constant 176 : i32
      %add3A_1820 = vector.broadcast %add3A_1819 : i32 to vector<16xi32>
      %add3A_1821 = arith.addi %iota3A, %add3A_1820 : vector<16xi32>
      %jit3A_1822 = arith.constant 0 : i32
      %broadcast_in_dim3A_1823 = vector.broadcast %jit3A_1822 : i32 to vector<16xi32>
      %select_n3A_1824 = arith.select %ge3A_1818, %add3A_1821, %broadcast_in_dim3A_1823 : vector<16xi1>, vector<16xi32>
      %reduce_max3A_1825 = arith.constant true
      %reduce_max3A_1826 = vector.broadcast %reduce_max3A_1825 : i1 to vector<16xi1>
      %reduce_max3A_1827 = arith.constant -2147483648 : i32
      %reduce_max3A_1828 = vector.broadcast %reduce_max3A_1827 : i32 to vector<16xi32>
      %reduce_max3A_1829 = arith.xori %select_n3A_1824, %reduce_max3A_1828 : vector<16xi32>
      %reduce_max3A_1830 = tpu.scan <max>, %reduce_max3A_1829 masked %reduce_max3A_1826 : vector<16xi32>, vector<16xi1> -> vector<16xi32>
      %reduce_max3A_1831 = arith.xori %reduce_max3A_1830, %reduce_max3A_1828 : vector<16xi32>
      %reduce_max3A_1832 = vector.extract %reduce_max3A_1831[15] : i32 from vector<16xi32>
      %max3A_1833 = arith.maxsi %max3A_1800, %reduce_max3A_1832 : i32
      %reduce_sum3A_1834 = arith.constant true
      %reduce_sum3A_1835 = vector.broadcast %reduce_sum3A_1834 : i1 to vector<16xi1>
      %reduce_sum3A_1836 = tpu.scan <sum>, %get3A_1807 masked %reduce_sum3A_1835 : vector<16xi32>, vector<16xi1> -> vector<16xi32>
      %reduce_sum3A_1837 = vector.extract %reduce_sum3A_1836[15] : i32 from vector<16xi32>
      %add3A_1838 = arith.addi %add3A_1805, %reduce_sum3A_1837 : i32
      %get3A_1839 = arith.constant 192 : index
      %get3A_1840 = tpu.vector_load %arg5[%get3A_1839] {strides = array<i32>} : memref<256xi32, #tpu.memory_space<vmem>>, vector<16xi32>,
      %broadcast_in_dim3A_1841 = arith.constant true
      %broadcast_in_dim3A_1842 = vector.broadcast %broadcast_in_dim3A_1841 : i1 to vector<16xi1>
      %masked_cumsum3A_1843 = tpu.scan <sum>, %get3A_1840 masked %broadcast_in_dim3A_1842 : vector<16xi32>, vector<16xi1> -> vector<16xi32>
      %sub3A_1844 = arith.subi %masked_cumsum3A_1843, %get3A_1840 : vector<16xi32>
      %add3A_1845 = vector.broadcast %add3A_1838 : i32 to vector<16xi32>
      %add3A_1846 = arith.addi %add3A_1845, %sub3A_1844 : vector<16xi32>
      %sub3A_1847 = vector.broadcast %reduce_sum3A_1439 : i32 to vector<16xi32>
      %sub3A_1848 = arith.subi %sub3A_1847, %add3A_1846 : vector<16xi32>
      %ge3A_1849 = arith.constant 1024 : i32
      %ge3A_1850 = vector.broadcast %ge3A_1849 : i32 to vector<16xi32>
      %ge3A_1851 = arith.cmpi sge, %sub3A_1848, %ge3A_1850 : vector<16xi32>
      %add3A_1852 = arith.constant 192 : i32
      %add3A_1853 = vector.broadcast %add3A_1852 : i32 to vector<16xi32>
      %add3A_1854 = arith.addi %iota3A, %add3A_1853 : vector<16xi32>
      %jit3A_1855 = arith.constant 0 : i32
      %broadcast_in_dim3A_1856 = vector.broadcast %jit3A_1855 : i32 to vector<16xi32>
      %select_n3A_1857 = arith.select %ge3A_1851, %add3A_1854, %broadcast_in_dim3A_1856 : vector<16xi1>, vector<16xi32>
      %reduce_max3A_1858 = arith.constant true
      %reduce_max3A_1859 = vector.broadcast %reduce_max3A_1858 : i1 to vector<16xi1>
      %reduce_max3A_1860 = arith.constant -2147483648 : i32
      %reduce_max3A_1861 = vector.broadcast %reduce_max3A_1860 : i32 to vector<16xi32>
      %reduce_max3A_1862 = arith.xori %select_n3A_1857, %reduce_max3A_1861 : vector<16xi32>
      %reduce_max3A_1863 = tpu.scan <max>, %reduce_max3A_1862 masked %reduce_max3A_1859 : vector<16xi32>, vector<16xi1> -> vector<16xi32>
      %reduce_max3A_1864 = arith.xori %reduce_max3A_1863, %reduce_max3A_1861 : vector<16xi32>
      %reduce_max3A_1865 = vector.extract %reduce_max3A_1864[15] : i32 from vector<16xi32>
      %max3A_1866 = arith.maxsi %max3A_1833, %reduce_max3A_1865 : i32
      %reduce_sum3A_1867 = arith.constant true
      %reduce_sum3A_1868 = vector.broadcast %reduce_sum3A_1867 : i1 to vector<16xi1>
      %reduce_sum3A_1869 = tpu.scan <sum>, %get3A_1840 masked %reduce_sum3A_1868 : vector<16xi32>, vector<16xi1> -> vector<16xi32>
      %reduce_sum3A_1870 = vector.extract %reduce_sum3A_1869[15] : i32 from vector<16xi32>
      %add3A_1871 = arith.addi %add3A_1838, %reduce_sum3A_1870 : i32
      %get3A_1872 = arith.constant 208 : index
      %get3A_1873 = tpu.vector_load %arg5[%get3A_1872] {strides = array<i32>} : memref<256xi32, #tpu.memory_space<vmem>>, vector<16xi32>,
      %broadcast_in_dim3A_1874 = arith.constant true
      %broadcast_in_dim3A_1875 = vector.broadcast %broadcast_in_dim3A_1874 : i1 to vector<16xi1>
      %masked_cumsum3A_1876 = tpu.scan <sum>, %get3A_1873 masked %broadcast_in_dim3A_1875 : vector<16xi32>, vector<16xi1> -> vector<16xi32>
      %sub3A_1877 = arith.subi %masked_cumsum3A_1876, %get3A_1873 : vector<16xi32>
      %add3A_1878 = vector.broadcast %add3A_1871 : i32 to vector<16xi32>
      %add3A_1879 = arith.addi %add3A_1878, %sub3A_1877 : vector<16xi32>
      %sub3A_1880 = vector.broadcast %reduce_sum3A_1439 : i32 to vector<16xi32>
      %sub3A_1881 = arith.subi %sub3A_1880, %add3A_1879 : vector<16xi32>
      %ge3A_1882 = arith.constant 1024 : i32
      %ge3A_1883 = vector.broadcast %ge3A_1882 : i32 to vector<16xi32>
      %ge3A_1884 = arith.cmpi sge, %sub3A_1881, %ge3A_1883 : vector<16xi32>
      %add3A_1885 = arith.constant 208 : i32
      %add3A_1886 = vector.broadcast %add3A_1885 : i32 to vector<16xi32>
      %add3A_1887 = arith.addi %iota3A, %add3A_1886 : vector<16xi32>
      %jit3A_1888 = arith.constant 0 : i32
      %broadcast_in_dim3A_1889 = vector.broadcast %jit3A_1888 : i32 to vector<16xi32>
      %select_n3A_1890 = arith.select %ge3A_1884, %add3A_1887, %broadcast_in_dim3A_1889 : vector<16xi1>, vector<16xi32>
      %reduce_max3A_1891 = arith.constant true
      %reduce_max3A_1892 = vector.broadcast %reduce_max3A_1891 : i1 to vector<16xi1>
      %reduce_max3A_1893 = arith.constant -2147483648 : i32
      %reduce_max3A_1894 = vector.broadcast %reduce_max3A_1893 : i32 to vector<16xi32>
      %reduce_max3A_1895 = arith.xori %select_n3A_1890, %reduce_max3A_1894 : vector<16xi32>
      %reduce_max3A_1896 = tpu.scan <max>, %reduce_max3A_1895 masked %reduce_max3A_1892 : vector<16xi32>, vector<16xi1> -> vector<16xi32>
      %reduce_max3A_1897 = arith.xori %reduce_max3A_1896, %reduce_max3A_1894 : vector<16xi32>
      %reduce_max3A_1898 = vector.extract %reduce_max3A_1897[15] : i32 from vector<16xi32>
      %max3A_1899 = arith.maxsi %max3A_1866, %reduce_max3A_1898 : i32
      %reduce_sum3A_1900 = arith.constant true
      %reduce_sum3A_1901 = vector.broadcast %reduce_sum3A_1900 : i1 to vector<16xi1>
      %reduce_sum3A_1902 = tpu.scan <sum>, %get3A_1873 masked %reduce_sum3A_1901 : vector<16xi32>, vector<16xi1> -> vector<16xi32>
      %reduce_sum3A_1903 = vector.extract %reduce_sum3A_1902[15] : i32 from vector<16xi32>
      %add3A_1904 = arith.addi %add3A_1871, %reduce_sum3A_1903 : i32
      %get3A_1905 = arith.constant 224 : index
      %get3A_1906 = tpu.vector_load %arg5[%get3A_1905] {strides = array<i32>} : memref<256xi32, #tpu.memory_space<vmem>>, vector<16xi32>,
      %broadcast_in_dim3A_1907 = arith.constant true
      %broadcast_in_dim3A_1908 = vector.broadcast %broadcast_in_dim3A_1907 : i1 to vector<16xi1>
      %masked_cumsum3A_1909 = tpu.scan <sum>, %get3A_1906 masked %broadcast_in_dim3A_1908 : vector<16xi32>, vector<16xi1> -> vector<16xi32>
      %sub3A_1910 = arith.subi %masked_cumsum3A_1909, %get3A_1906 : vector<16xi32>
      %add3A_1911 = vector.broadcast %add3A_1904 : i32 to vector<16xi32>
      %add3A_1912 = arith.addi %add3A_1911, %sub3A_1910 : vector<16xi32>
      %sub3A_1913 = vector.broadcast %reduce_sum3A_1439 : i32 to vector<16xi32>
      %sub3A_1914 = arith.subi %sub3A_1913, %add3A_1912 : vector<16xi32>
      %ge3A_1915 = arith.constant 1024 : i32
      %ge3A_1916 = vector.broadcast %ge3A_1915 : i32 to vector<16xi32>
      %ge3A_1917 = arith.cmpi sge, %sub3A_1914, %ge3A_1916 : vector<16xi32>
      %add3A_1918 = arith.constant 224 : i32
      %add3A_1919 = vector.broadcast %add3A_1918 : i32 to vector<16xi32>
      %add3A_1920 = arith.addi %iota3A, %add3A_1919 : vector<16xi32>
      %jit3A_1921 = arith.constant 0 : i32
      %broadcast_in_dim3A_1922 = vector.broadcast %jit3A_1921 : i32 to vector<16xi32>
      %select_n3A_1923 = arith.select %ge3A_1917, %add3A_1920, %broadcast_in_dim3A_1922 : vector<16xi1>, vector<16xi32>
      %reduce_max3A_1924 = arith.constant true
      %reduce_max3A_1925 = vector.broadcast %reduce_max3A_1924 : i1 to vector<16xi1>
      %reduce_max3A_1926 = arith.constant -2147483648 : i32
      %reduce_max3A_1927 = vector.broadcast %reduce_max3A_1926 : i32 to vector<16xi32>
      %reduce_max3A_1928 = arith.xori %select_n3A_1923, %reduce_max3A_1927 : vector<16xi32>
      %reduce_max3A_1929 = tpu.scan <max>, %reduce_max3A_1928 masked %reduce_max3A_1925 : vector<16xi32>, vector<16xi1> -> vector<16xi32>
      %reduce_max3A_1930 = arith.xori %reduce_max3A_1929, %reduce_max3A_1927 : vector<16xi32>
      %reduce_max3A_1931 = vector.extract %reduce_max3A_1930[15] : i32 from vector<16xi32>
      %max3A_1932 = arith.maxsi %max3A_1899, %reduce_max3A_1931 : i32
      %reduce_sum3A_1933 = arith.constant true
      %reduce_sum3A_1934 = vector.broadcast %reduce_sum3A_1933 : i1 to vector<16xi1>
      %reduce_sum3A_1935 = tpu.scan <sum>, %get3A_1906 masked %reduce_sum3A_1934 : vector<16xi32>, vector<16xi1> -> vector<16xi32>
      %reduce_sum3A_1936 = vector.extract %reduce_sum3A_1935[15] : i32 from vector<16xi32>
      %add3A_1937 = arith.addi %add3A_1904, %reduce_sum3A_1936 : i32
      %get3A_1938 = arith.constant 240 : index
      %get3A_1939 = tpu.vector_load %arg5[%get3A_1938] {strides = array<i32>} : memref<256xi32, #tpu.memory_space<vmem>>, vector<16xi32>,
      %broadcast_in_dim3A_1940 = arith.constant true
      %broadcast_in_dim3A_1941 = vector.broadcast %broadcast_in_dim3A_1940 : i1 to vector<16xi1>
      %masked_cumsum3A_1942 = tpu.scan <sum>, %get3A_1939 masked %broadcast_in_dim3A_1941 : vector<16xi32>, vector<16xi1> -> vector<16xi32>
      %sub3A_1943 = arith.subi %masked_cumsum3A_1942, %get3A_1939 : vector<16xi32>
      %add3A_1944 = vector.broadcast %add3A_1937 : i32 to vector<16xi32>
      %add3A_1945 = arith.addi %add3A_1944, %sub3A_1943 : vector<16xi32>
      %sub3A_1946 = vector.broadcast %reduce_sum3A_1439 : i32 to vector<16xi32>
      %sub3A_1947 = arith.subi %sub3A_1946, %add3A_1945 : vector<16xi32>
      %ge3A_1948 = arith.constant 1024 : i32
      %ge3A_1949 = vector.broadcast %ge3A_1948 : i32 to vector<16xi32>
      %ge3A_1950 = arith.cmpi sge, %sub3A_1947, %ge3A_1949 : vector<16xi32>
      %add3A_1951 = arith.constant 240 : i32
      %add3A_1952 = vector.broadcast %add3A_1951 : i32 to vector<16xi32>
      %add3A_1953 = arith.addi %iota3A, %add3A_1952 : vector<16xi32>
      %jit3A_1954 = arith.constant 0 : i32
      %broadcast_in_dim3A_1955 = vector.broadcast %jit3A_1954 : i32 to vector<16xi32>
      %select_n3A_1956 = arith.select %ge3A_1950, %add3A_1953, %broadcast_in_dim3A_1955 : vector<16xi1>, vector<16xi32>
      %reduce_max3A_1957 = arith.constant true
      %reduce_max3A_1958 = vector.broadcast %reduce_max3A_1957 : i1 to vector<16xi1>
      %reduce_max3A_1959 = arith.constant -2147483648 : i32
      %reduce_max3A_1960 = vector.broadcast %reduce_max3A_1959 : i32 to vector<16xi32>
      %reduce_max3A_1961 = arith.xori %select_n3A_1956, %reduce_max3A_1960 : vector<16xi32>
      %reduce_max3A_1962 = tpu.scan <max>, %reduce_max3A_1961 masked %reduce_max3A_1958 : vector<16xi32>, vector<16xi1> -> vector<16xi32>
      %reduce_max3A_1963 = arith.xori %reduce_max3A_1962, %reduce_max3A_1960 : vector<16xi32>
      %reduce_max3A_1964 = vector.extract %reduce_max3A_1963[15] : i32 from vector<16xi32>
      %max3A_1965 = arith.maxsi %max3A_1932, %reduce_max3A_1964 : i32
      %reduce_sum3A_1966 = arith.constant true
      %reduce_sum3A_1967 = vector.broadcast %reduce_sum3A_1966 : i1 to vector<16xi1>
      %reduce_sum3A_1968 = tpu.scan <sum>, %get3A_1939 masked %reduce_sum3A_1967 : vector<16xi32>, vector<16xi1> -> vector<16xi32>
      %reduce_sum3A_1969 = vector.extract %reduce_sum3A_1968[15] : i32 from vector<16xi32>
      %add3A_1970 = arith.addi %add3A_1937, %reduce_sum3A_1969 : i32
      %shift_left3A_1971 = arith.constant 8 : i32
      %shift_left3A_1972 = arith.shli %max3A_1965, %shift_left3A_1971 : i32
      %add3A_1973 = arith.addi %add3A_1312, %shift_left3A_1972 : i32
      %broadcast_in_dim3A_1974 = arith.constant 0 : i32
      %broadcast_in_dim3A_1975 = vector.broadcast %broadcast_in_dim3A_1974 : i32 to vector<16xi32>
      %swap3A_1976 = arith.constant 0 : index
      %swap3A_1977 = tpu.vector_load %arg5[%swap3A_1976] {strides = array<i32>} : memref<256xi32, #tpu.memory_space<vmem>>, vector<16xi32>,
      tpu.vector_store %arg5[%swap3A_1976], %broadcast_in_dim3A_1975 {strides = array<i32>} : memref<256xi32, #tpu.memory_space<vmem>>, vector<16xi32>,
      %broadcast_in_dim3A_1978 = arith.constant 0 : i32
      %broadcast_in_dim3A_1979 = vector.broadcast %broadcast_in_dim3A_1978 : i32 to vector<16xi32>
      %swap3A_1980 = arith.constant 16 : index
      %swap3A_1981 = tpu.vector_load %arg5[%swap3A_1980] {strides = array<i32>} : memref<256xi32, #tpu.memory_space<vmem>>, vector<16xi32>,
      tpu.vector_store %arg5[%swap3A_1980], %broadcast_in_dim3A_1979 {strides = array<i32>} : memref<256xi32, #tpu.memory_space<vmem>>, vector<16xi32>,
      %broadcast_in_dim3A_1982 = arith.constant 0 : i32
      %broadcast_in_dim3A_1983 = vector.broadcast %broadcast_in_dim3A_1982 : i32 to vector<16xi32>
      %swap3A_1984 = arith.constant 32 : index
      %swap3A_1985 = tpu.vector_load %arg5[%swap3A_1984] {strides = array<i32>} : memref<256xi32, #tpu.memory_space<vmem>>, vector<16xi32>,
      tpu.vector_store %arg5[%swap3A_1984], %broadcast_in_dim3A_1983 {strides = array<i32>} : memref<256xi32, #tpu.memory_space<vmem>>, vector<16xi32>,
      %broadcast_in_dim3A_1986 = arith.constant 0 : i32
      %broadcast_in_dim3A_1987 = vector.broadcast %broadcast_in_dim3A_1986 : i32 to vector<16xi32>
      %swap3A_1988 = arith.constant 48 : index
      %swap3A_1989 = tpu.vector_load %arg5[%swap3A_1988] {strides = array<i32>} : memref<256xi32, #tpu.memory_space<vmem>>, vector<16xi32>,
      tpu.vector_store %arg5[%swap3A_1988], %broadcast_in_dim3A_1987 {strides = array<i32>} : memref<256xi32, #tpu.memory_space<vmem>>, vector<16xi32>,
      %broadcast_in_dim3A_1990 = arith.constant 0 : i32
      %broadcast_in_dim3A_1991 = vector.broadcast %broadcast_in_dim3A_1990 : i32 to vector<16xi32>
      %swap3A_1992 = arith.constant 64 : index
      %swap3A_1993 = tpu.vector_load %arg5[%swap3A_1992] {strides = array<i32>} : memref<256xi32, #tpu.memory_space<vmem>>, vector<16xi32>,
      tpu.vector_store %arg5[%swap3A_1992], %broadcast_in_dim3A_1991 {strides = array<i32>} : memref<256xi32, #tpu.memory_space<vmem>>, vector<16xi32>,
      %broadcast_in_dim3A_1994 = arith.constant 0 : i32
      %broadcast_in_dim3A_1995 = vector.broadcast %broadcast_in_dim3A_1994 : i32 to vector<16xi32>
      %swap3A_1996 = arith.constant 80 : index
      %swap3A_1997 = tpu.vector_load %arg5[%swap3A_1996] {strides = array<i32>} : memref<256xi32, #tpu.memory_space<vmem>>, vector<16xi32>,
      tpu.vector_store %arg5[%swap3A_1996], %broadcast_in_dim3A_1995 {strides = array<i32>} : memref<256xi32, #tpu.memory_space<vmem>>, vector<16xi32>,
      %broadcast_in_dim3A_1998 = arith.constant 0 : i32
      %broadcast_in_dim3A_1999 = vector.broadcast %broadcast_in_dim3A_1998 : i32 to vector<16xi32>
      %swap3A_2000 = arith.constant 96 : index
      %swap3A_2001 = tpu.vector_load %arg5[%swap3A_2000] {strides = array<i32>} : memref<256xi32, #tpu.memory_space<vmem>>, vector<16xi32>,
      tpu.vector_store %arg5[%swap3A_2000], %broadcast_in_dim3A_1999 {strides = array<i32>} : memref<256xi32, #tpu.memory_space<vmem>>, vector<16xi32>,
      %broadcast_in_dim3A_2002 = arith.constant 0 : i32
      %broadcast_in_dim3A_2003 = vector.broadcast %broadcast_in_dim3A_2002 : i32 to vector<16xi32>
      %swap3A_2004 = arith.constant 112 : index
      %swap3A_2005 = tpu.vector_load %arg5[%swap3A_2004] {strides = array<i32>} : memref<256xi32, #tpu.memory_space<vmem>>, vector<16xi32>,
      tpu.vector_store %arg5[%swap3A_2004], %broadcast_in_dim3A_2003 {strides = array<i32>} : memref<256xi32, #tpu.memory_space<vmem>>, vector<16xi32>,
      %broadcast_in_dim3A_2006 = arith.constant 0 : i32
      %broadcast_in_dim3A_2007 = vector.broadcast %broadcast_in_dim3A_2006 : i32 to vector<16xi32>
      %swap3A_2008 = arith.constant 128 : index
      %swap3A_2009 = tpu.vector_load %arg5[%swap3A_2008] {strides = array<i32>} : memref<256xi32, #tpu.memory_space<vmem>>, vector<16xi32>,
      tpu.vector_store %arg5[%swap3A_2008], %broadcast_in_dim3A_2007 {strides = array<i32>} : memref<256xi32, #tpu.memory_space<vmem>>, vector<16xi32>,
      %broadcast_in_dim3A_2010 = arith.constant 0 : i32
      %broadcast_in_dim3A_2011 = vector.broadcast %broadcast_in_dim3A_2010 : i32 to vector<16xi32>
      %swap3A_2012 = arith.constant 144 : index
      %swap3A_2013 = tpu.vector_load %arg5[%swap3A_2012] {strides = array<i32>} : memref<256xi32, #tpu.memory_space<vmem>>, vector<16xi32>,
      tpu.vector_store %arg5[%swap3A_2012], %broadcast_in_dim3A_2011 {strides = array<i32>} : memref<256xi32, #tpu.memory_space<vmem>>, vector<16xi32>,
      %broadcast_in_dim3A_2014 = arith.constant 0 : i32
      %broadcast_in_dim3A_2015 = vector.broadcast %broadcast_in_dim3A_2014 : i32 to vector<16xi32>
      %swap3A_2016 = arith.constant 160 : index
      %swap3A_2017 = tpu.vector_load %arg5[%swap3A_2016] {strides = array<i32>} : memref<256xi32, #tpu.memory_space<vmem>>, vector<16xi32>,
      tpu.vector_store %arg5[%swap3A_2016], %broadcast_in_dim3A_2015 {strides = array<i32>} : memref<256xi32, #tpu.memory_space<vmem>>, vector<16xi32>,
      %broadcast_in_dim3A_2018 = arith.constant 0 : i32
      %broadcast_in_dim3A_2019 = vector.broadcast %broadcast_in_dim3A_2018 : i32 to vector<16xi32>
      %swap3A_2020 = arith.constant 176 : index
      %swap3A_2021 = tpu.vector_load %arg5[%swap3A_2020] {strides = array<i32>} : memref<256xi32, #tpu.memory_space<vmem>>, vector<16xi32>,
      tpu.vector_store %arg5[%swap3A_2020], %broadcast_in_dim3A_2019 {strides = array<i32>} : memref<256xi32, #tpu.memory_space<vmem>>, vector<16xi32>,
      %broadcast_in_dim3A_2022 = arith.constant 0 : i32
      %broadcast_in_dim3A_2023 = vector.broadcast %broadcast_in_dim3A_2022 : i32 to vector<16xi32>
      %swap3A_2024 = arith.constant 192 : index
      %swap3A_2025 = tpu.vector_load %arg5[%swap3A_2024] {strides = array<i32>} : memref<256xi32, #tpu.memory_space<vmem>>, vector<16xi32>,
      tpu.vector_store %arg5[%swap3A_2024], %broadcast_in_dim3A_2023 {strides = array<i32>} : memref<256xi32, #tpu.memory_space<vmem>>, vector<16xi32>,
      %broadcast_in_dim3A_2026 = arith.constant 0 : i32
      %broadcast_in_dim3A_2027 = vector.broadcast %broadcast_in_dim3A_2026 : i32 to vector<16xi32>
      %swap3A_2028 = arith.constant 208 : index
      %swap3A_2029 = tpu.vector_load %arg5[%swap3A_2028] {strides = array<i32>} : memref<256xi32, #tpu.memory_space<vmem>>, vector<16xi32>,
      tpu.vector_store %arg5[%swap3A_2028], %broadcast_in_dim3A_2027 {strides = array<i32>} : memref<256xi32, #tpu.memory_space<vmem>>, vector<16xi32>,
      %broadcast_in_dim3A_2030 = arith.constant 0 : i32
      %broadcast_in_dim3A_2031 = vector.broadcast %broadcast_in_dim3A_2030 : i32 to vector<16xi32>
      %swap3A_2032 = arith.constant 224 : index
      %swap3A_2033 = tpu.vector_load %arg5[%swap3A_2032] {strides = array<i32>} : memref<256xi32, #tpu.memory_space<vmem>>, vector<16xi32>,
      tpu.vector_store %arg5[%swap3A_2032], %broadcast_in_dim3A_2031 {strides = array<i32>} : memref<256xi32, #tpu.memory_space<vmem>>, vector<16xi32>,
      %broadcast_in_dim3A_2034 = arith.constant 0 : i32
      %broadcast_in_dim3A_2035 = vector.broadcast %broadcast_in_dim3A_2034 : i32 to vector<16xi32>
      %swap3A_2036 = arith.constant 240 : index
      %swap3A_2037 = tpu.vector_load %arg5[%swap3A_2036] {strides = array<i32>} : memref<256xi32, #tpu.memory_space<vmem>>, vector<16xi32>,
      tpu.vector_store %arg5[%swap3A_2036], %broadcast_in_dim3A_2035 {strides = array<i32>} : memref<256xi32, #tpu.memory_space<vmem>>, vector<16xi32>,
      %add3A_2038 = arith.constant 255 : i32
      %add3A_2039 = arith.addi %add3A_1973, %add3A_2038 : i32
      %scan3A_2040 = arith.constant 0 : i32
      %scan3A_2041 = arith.constant 0 : i32
      %scan3A_2042 = arith.constant 128 : i32
      %scan3A_2043 = arith.addi %scan3A_2041, %scan3A_2042 : i32
      %scan3A_2044 = arith.constant 1 : i32
      %scan3A_2045 = scf.for %scan3A_2683 = %scan3A_2041 to %scan3A_2043 step %scan3A_2044 iter_args(%scan3A_2684 = %scan3A_2040) -> (i32)  : i32 {
        %mul3A_2685 = arith.constant 8 : i32
        %mul3A_2686 = arith.muli %scan3A_2683, %mul3A_2685 : i32
        %add3A_2687 = arith.constant 0 : i32
        %add3A_2688 = arith.addi %mul3A_2686, %add3A_2687 : i32
        %mul3A_2689 = arith.constant 16 : i32
        %mul3A_2690 = arith.muli %add3A_2688, %mul3A_2689 : i32
        %get3A_2691 = arith.index_cast %mul3A_2690 : i32 to index
        %get3A_2692 = tpu.vector_load %arg4[%get3A_2691] {strides = array<i32>} : memref<16384xf32, #tpu.memory_space<vmem>>, vector<16xf32>,
        %bitcast_convert_type3A = tpu.bitcast %get3A_2692 : vector<16xf32> -> vector<16xi32>
        %ge3A_2693 = arith.constant 0 : i32
        %ge3A_2694 = vector.broadcast %ge3A_2693 : i32 to vector<16xi32>
        %ge3A_2695 = arith.cmpi sge, %bitcast_convert_type3A, %ge3A_2694 : vector<16xi32>
        %xor3A = arith.constant 2147483647 : i32
        %xor3A_2696 = vector.broadcast %xor3A : i32 to vector<16xi32>
        %xor3A_2697 = arith.xori %bitcast_convert_type3A, %xor3A_2696 : vector<16xi32>
        %select_n3A_2698 = arith.select %ge3A_2695, %bitcast_convert_type3A, %xor3A_2697 : vector<16xi1>, vector<16xi32>
        %max3A_2699 = vector.broadcast %add3A_1973 : i32 to vector<16xi32>
        %max3A_2700 = arith.maxsi %max3A_2699, %select_n3A_2698 : vector<16xi32>
        %min3A = vector.broadcast %add3A_2039 : i32 to vector<16xi32>
        %min3A_2701 = arith.minsi %min3A, %max3A_2700 : vector<16xi32>
        %sub3A_2702 = vector.broadcast %add3A_1973 : i32 to vector<16xi32>
        %sub3A_2703 = arith.subi %min3A_2701, %sub3A_2702 : vector<16xi32>
        %shift_right_arithmetic3A = arith.constant 0 : i32
        %shift_right_arithmetic3A_2704 = vector.broadcast %shift_right_arithmetic3A : i32 to vector<16xi32>
        %shift_right_arithmetic3A_2705 = arith.shrsi %sub3A_2703, %shift_right_arithmetic3A_2704 : vector<16xi32>
        tpu.vector_store_idx %arg5[%shift_right_arithmetic3A_2705], %broadcast_in_dim3A_3 {add = true} : memref<256xi32, #tpu.memory_space<vmem>>[vector<16xi32>], vector<16xi32>,
        %mul3A_2706 = arith.constant 8 : i32
        %mul3A_2707 = arith.muli %scan3A_2683, %mul3A_2706 : i32
        %add3A_2708 = arith.constant 1 : i32
        %add3A_2709 = arith.addi %mul3A_2707, %add3A_2708 : i32
        %mul3A_2710 = arith.constant 16 : i32
        %mul3A_2711 = arith.muli %add3A_2709, %mul3A_2710 : i32
        %get3A_2712 = arith.index_cast %mul3A_2711 : i32 to index
        %get3A_2713 = tpu.vector_load %arg4[%get3A_2712] {strides = array<i32>} : memref<16384xf32, #tpu.memory_space<vmem>>, vector<16xf32>,
        %bitcast_convert_type3A_2714 = tpu.bitcast %get3A_2713 : vector<16xf32> -> vector<16xi32>
        %ge3A_2715 = arith.constant 0 : i32
        %ge3A_2716 = vector.broadcast %ge3A_2715 : i32 to vector<16xi32>
        %ge3A_2717 = arith.cmpi sge, %bitcast_convert_type3A_2714, %ge3A_2716 : vector<16xi32>
        %xor3A_2718 = arith.constant 2147483647 : i32
        %xor3A_2719 = vector.broadcast %xor3A_2718 : i32 to vector<16xi32>
        %xor3A_2720 = arith.xori %bitcast_convert_type3A_2714, %xor3A_2719 : vector<16xi32>
        %select_n3A_2721 = arith.select %ge3A_2717, %bitcast_convert_type3A_2714, %xor3A_2720 : vector<16xi1>, vector<16xi32>
        %max3A_2722 = vector.broadcast %add3A_1973 : i32 to vector<16xi32>
        %max3A_2723 = arith.maxsi %max3A_2722, %select_n3A_2721 : vector<16xi32>
        %min3A_2724 = vector.broadcast %add3A_2039 : i32 to vector<16xi32>
        %min3A_2725 = arith.minsi %min3A_2724, %max3A_2723 : vector<16xi32>
        %sub3A_2726 = vector.broadcast %add3A_1973 : i32 to vector<16xi32>
        %sub3A_2727 = arith.subi %min3A_2725, %sub3A_2726 : vector<16xi32>
        %shift_right_arithmetic3A_2728 = arith.constant 0 : i32
        %shift_right_arithmetic3A_2729 = vector.broadcast %shift_right_arithmetic3A_2728 : i32 to vector<16xi32>
        %shift_right_arithmetic3A_2730 = arith.shrsi %sub3A_2727, %shift_right_arithmetic3A_2729 : vector<16xi32>
        tpu.vector_store_idx %arg5[%shift_right_arithmetic3A_2730], %broadcast_in_dim3A_3 {add = true} : memref<256xi32, #tpu.memory_space<vmem>>[vector<16xi32>], vector<16xi32>,
        %mul3A_2731 = arith.constant 8 : i32
        %mul3A_2732 = arith.muli %scan3A_2683, %mul3A_2731 : i32
        %add3A_2733 = arith.constant 2 : i32
        %add3A_2734 = arith.addi %mul3A_2732, %add3A_2733 : i32
        %mul3A_2735 = arith.constant 16 : i32
        %mul3A_2736 = arith.muli %add3A_2734, %mul3A_2735 : i32
        %get3A_2737 = arith.index_cast %mul3A_2736 : i32 to index
        %get3A_2738 = tpu.vector_load %arg4[%get3A_2737] {strides = array<i32>} : memref<16384xf32, #tpu.memory_space<vmem>>, vector<16xf32>,
        %bitcast_convert_type3A_2739 = tpu.bitcast %get3A_2738 : vector<16xf32> -> vector<16xi32>
        %ge3A_2740 = arith.constant 0 : i32
        %ge3A_2741 = vector.broadcast %ge3A_2740 : i32 to vector<16xi32>
        %ge3A_2742 = arith.cmpi sge, %bitcast_convert_type3A_2739, %ge3A_2741 : vector<16xi32>
        %xor3A_2743 = arith.constant 2147483647 : i32
        %xor3A_2744 = vector.broadcast %xor3A_2743 : i32 to vector<16xi32>
        %xor3A_2745 = arith.xori %bitcast_convert_type3A_2739, %xor3A_2744 : vector<16xi32>
        %select_n3A_2746 = arith.select %ge3A_2742, %bitcast_convert_type3A_2739, %xor3A_2745 : vector<16xi1>, vector<16xi32>
        %max3A_2747 = vector.broadcast %add3A_1973 : i32 to vector<16xi32>
        %max3A_2748 = arith.maxsi %max3A_2747, %select_n3A_2746 : vector<16xi32>
        %min3A_2749 = vector.broadcast %add3A_2039 : i32 to vector<16xi32>
        %min3A_2750 = arith.minsi %min3A_2749, %max3A_2748 : vector<16xi32>
        %sub3A_2751 = vector.broadcast %add3A_1973 : i32 to vector<16xi32>
        %sub3A_2752 = arith.subi %min3A_2750, %sub3A_2751 : vector<16xi32>
        %shift_right_arithmetic3A_2753 = arith.constant 0 : i32
        %shift_right_arithmetic3A_2754 = vector.broadcast %shift_right_arithmetic3A_2753 : i32 to vector<16xi32>
        %shift_right_arithmetic3A_2755 = arith.shrsi %sub3A_2752, %shift_right_arithmetic3A_2754 : vector<16xi32>
        tpu.vector_store_idx %arg5[%shift_right_arithmetic3A_2755], %broadcast_in_dim3A_3 {add = true} : memref<256xi32, #tpu.memory_space<vmem>>[vector<16xi32>], vector<16xi32>,
        %mul3A_2756 = arith.constant 8 : i32
        %mul3A_2757 = arith.muli %scan3A_2683, %mul3A_2756 : i32
        %add3A_2758 = arith.constant 3 : i32
        %add3A_2759 = arith.addi %mul3A_2757, %add3A_2758 : i32
        %mul3A_2760 = arith.constant 16 : i32
        %mul3A_2761 = arith.muli %add3A_2759, %mul3A_2760 : i32
        %get3A_2762 = arith.index_cast %mul3A_2761 : i32 to index
        %get3A_2763 = tpu.vector_load %arg4[%get3A_2762] {strides = array<i32>} : memref<16384xf32, #tpu.memory_space<vmem>>, vector<16xf32>,
        %bitcast_convert_type3A_2764 = tpu.bitcast %get3A_2763 : vector<16xf32> -> vector<16xi32>
        %ge3A_2765 = arith.constant 0 : i32
        %ge3A_2766 = vector.broadcast %ge3A_2765 : i32 to vector<16xi32>
        %ge3A_2767 = arith.cmpi sge, %bitcast_convert_type3A_2764, %ge3A_2766 : vector<16xi32>
        %xor3A_2768 = arith.constant 2147483647 : i32
        %xor3A_2769 = vector.broadcast %xor3A_2768 : i32 to vector<16xi32>
        %xor3A_2770 = arith.xori %bitcast_convert_type3A_2764, %xor3A_2769 : vector<16xi32>
        %select_n3A_2771 = arith.select %ge3A_2767, %bitcast_convert_type3A_2764, %xor3A_2770 : vector<16xi1>, vector<16xi32>
        %max3A_2772 = vector.broadcast %add3A_1973 : i32 to vector<16xi32>
        %max3A_2773 = arith.maxsi %max3A_2772, %select_n3A_2771 : vector<16xi32>
        %min3A_2774 = vector.broadcast %add3A_2039 : i32 to vector<16xi32>
        %min3A_2775 = arith.minsi %min3A_2774, %max3A_2773 : vector<16xi32>
        %sub3A_2776 = vector.broadcast %add3A_1973 : i32 to vector<16xi32>
        %sub3A_2777 = arith.subi %min3A_2775, %sub3A_2776 : vector<16xi32>
        %shift_right_arithmetic3A_2778 = arith.constant 0 : i32
        %shift_right_arithmetic3A_2779 = vector.broadcast %shift_right_arithmetic3A_2778 : i32 to vector<16xi32>
        %shift_right_arithmetic3A_2780 = arith.shrsi %sub3A_2777, %shift_right_arithmetic3A_2779 : vector<16xi32>
        tpu.vector_store_idx %arg5[%shift_right_arithmetic3A_2780], %broadcast_in_dim3A_3 {add = true} : memref<256xi32, #tpu.memory_space<vmem>>[vector<16xi32>], vector<16xi32>,
        %mul3A_2781 = arith.constant 8 : i32
        %mul3A_2782 = arith.muli %scan3A_2683, %mul3A_2781 : i32
        %add3A_2783 = arith.constant 4 : i32
        %add3A_2784 = arith.addi %mul3A_2782, %add3A_2783 : i32
        %mul3A_2785 = arith.constant 16 : i32
        %mul3A_2786 = arith.muli %add3A_2784, %mul3A_2785 : i32
        %get3A_2787 = arith.index_cast %mul3A_2786 : i32 to index
        %get3A_2788 = tpu.vector_load %arg4[%get3A_2787] {strides = array<i32>} : memref<16384xf32, #tpu.memory_space<vmem>>, vector<16xf32>,
        %bitcast_convert_type3A_2789 = tpu.bitcast %get3A_2788 : vector<16xf32> -> vector<16xi32>
        %ge3A_2790 = arith.constant 0 : i32
        %ge3A_2791 = vector.broadcast %ge3A_2790 : i32 to vector<16xi32>
        %ge3A_2792 = arith.cmpi sge, %bitcast_convert_type3A_2789, %ge3A_2791 : vector<16xi32>
        %xor3A_2793 = arith.constant 2147483647 : i32
        %xor3A_2794 = vector.broadcast %xor3A_2793 : i32 to vector<16xi32>
        %xor3A_2795 = arith.xori %bitcast_convert_type3A_2789, %xor3A_2794 : vector<16xi32>
        %select_n3A_2796 = arith.select %ge3A_2792, %bitcast_convert_type3A_2789, %xor3A_2795 : vector<16xi1>, vector<16xi32>
        %max3A_2797 = vector.broadcast %add3A_1973 : i32 to vector<16xi32>
        %max3A_2798 = arith.maxsi %max3A_2797, %select_n3A_2796 : vector<16xi32>
        %min3A_2799 = vector.broadcast %add3A_2039 : i32 to vector<16xi32>
        %min3A_2800 = arith.minsi %min3A_2799, %max3A_2798 : vector<16xi32>
        %sub3A_2801 = vector.broadcast %add3A_1973 : i32 to vector<16xi32>
        %sub3A_2802 = arith.subi %min3A_2800, %sub3A_2801 : vector<16xi32>
        %shift_right_arithmetic3A_2803 = arith.constant 0 : i32
        %shift_right_arithmetic3A_2804 = vector.broadcast %shift_right_arithmetic3A_2803 : i32 to vector<16xi32>
        %shift_right_arithmetic3A_2805 = arith.shrsi %sub3A_2802, %shift_right_arithmetic3A_2804 : vector<16xi32>
        tpu.vector_store_idx %arg5[%shift_right_arithmetic3A_2805], %broadcast_in_dim3A_3 {add = true} : memref<256xi32, #tpu.memory_space<vmem>>[vector<16xi32>], vector<16xi32>,
        %mul3A_2806 = arith.constant 8 : i32
        %mul3A_2807 = arith.muli %scan3A_2683, %mul3A_2806 : i32
        %add3A_2808 = arith.constant 5 : i32
        %add3A_2809 = arith.addi %mul3A_2807, %add3A_2808 : i32
        %mul3A_2810 = arith.constant 16 : i32
        %mul3A_2811 = arith.muli %add3A_2809, %mul3A_2810 : i32
        %get3A_2812 = arith.index_cast %mul3A_2811 : i32 to index
        %get3A_2813 = tpu.vector_load %arg4[%get3A_2812] {strides = array<i32>} : memref<16384xf32, #tpu.memory_space<vmem>>, vector<16xf32>,
        %bitcast_convert_type3A_2814 = tpu.bitcast %get3A_2813 : vector<16xf32> -> vector<16xi32>
        %ge3A_2815 = arith.constant 0 : i32
        %ge3A_2816 = vector.broadcast %ge3A_2815 : i32 to vector<16xi32>
        %ge3A_2817 = arith.cmpi sge, %bitcast_convert_type3A_2814, %ge3A_2816 : vector<16xi32>
        %xor3A_2818 = arith.constant 2147483647 : i32
        %xor3A_2819 = vector.broadcast %xor3A_2818 : i32 to vector<16xi32>
        %xor3A_2820 = arith.xori %bitcast_convert_type3A_2814, %xor3A_2819 : vector<16xi32>
        %select_n3A_2821 = arith.select %ge3A_2817, %bitcast_convert_type3A_2814, %xor3A_2820 : vector<16xi1>, vector<16xi32>
        %max3A_2822 = vector.broadcast %add3A_1973 : i32 to vector<16xi32>
        %max3A_2823 = arith.maxsi %max3A_2822, %select_n3A_2821 : vector<16xi32>
        %min3A_2824 = vector.broadcast %add3A_2039 : i32 to vector<16xi32>
        %min3A_2825 = arith.minsi %min3A_2824, %max3A_2823 : vector<16xi32>
        %sub3A_2826 = vector.broadcast %add3A_1973 : i32 to vector<16xi32>
        %sub3A_2827 = arith.subi %min3A_2825, %sub3A_2826 : vector<16xi32>
        %shift_right_arithmetic3A_2828 = arith.constant 0 : i32
        %shift_right_arithmetic3A_2829 = vector.broadcast %shift_right_arithmetic3A_2828 : i32 to vector<16xi32>
        %shift_right_arithmetic3A_2830 = arith.shrsi %sub3A_2827, %shift_right_arithmetic3A_2829 : vector<16xi32>
        tpu.vector_store_idx %arg5[%shift_right_arithmetic3A_2830], %broadcast_in_dim3A_3 {add = true} : memref<256xi32, #tpu.memory_space<vmem>>[vector<16xi32>], vector<16xi32>,
        %mul3A_2831 = arith.constant 8 : i32
        %mul3A_2832 = arith.muli %scan3A_2683, %mul3A_2831 : i32
        %add3A_2833 = arith.constant 6 : i32
        %add3A_2834 = arith.addi %mul3A_2832, %add3A_2833 : i32
        %mul3A_2835 = arith.constant 16 : i32
        %mul3A_2836 = arith.muli %add3A_2834, %mul3A_2835 : i32
        %get3A_2837 = arith.index_cast %mul3A_2836 : i32 to index
        %get3A_2838 = tpu.vector_load %arg4[%get3A_2837] {strides = array<i32>} : memref<16384xf32, #tpu.memory_space<vmem>>, vector<16xf32>,
        %bitcast_convert_type3A_2839 = tpu.bitcast %get3A_2838 : vector<16xf32> -> vector<16xi32>
        %ge3A_2840 = arith.constant 0 : i32
        %ge3A_2841 = vector.broadcast %ge3A_2840 : i32 to vector<16xi32>
        %ge3A_2842 = arith.cmpi sge, %bitcast_convert_type3A_2839, %ge3A_2841 : vector<16xi32>
        %xor3A_2843 = arith.constant 2147483647 : i32
        %xor3A_2844 = vector.broadcast %xor3A_2843 : i32 to vector<16xi32>
        %xor3A_2845 = arith.xori %bitcast_convert_type3A_2839, %xor3A_2844 : vector<16xi32>
        %select_n3A_2846 = arith.select %ge3A_2842, %bitcast_convert_type3A_2839, %xor3A_2845 : vector<16xi1>, vector<16xi32>
        %max3A_2847 = vector.broadcast %add3A_1973 : i32 to vector<16xi32>
        %max3A_2848 = arith.maxsi %max3A_2847, %select_n3A_2846 : vector<16xi32>
        %min3A_2849 = vector.broadcast %add3A_2039 : i32 to vector<16xi32>
        %min3A_2850 = arith.minsi %min3A_2849, %max3A_2848 : vector<16xi32>
        %sub3A_2851 = vector.broadcast %add3A_1973 : i32 to vector<16xi32>
        %sub3A_2852 = arith.subi %min3A_2850, %sub3A_2851 : vector<16xi32>
        %shift_right_arithmetic3A_2853 = arith.constant 0 : i32
        %shift_right_arithmetic3A_2854 = vector.broadcast %shift_right_arithmetic3A_2853 : i32 to vector<16xi32>
        %shift_right_arithmetic3A_2855 = arith.shrsi %sub3A_2852, %shift_right_arithmetic3A_2854 : vector<16xi32>
        tpu.vector_store_idx %arg5[%shift_right_arithmetic3A_2855], %broadcast_in_dim3A_3 {add = true} : memref<256xi32, #tpu.memory_space<vmem>>[vector<16xi32>], vector<16xi32>,
        %mul3A_2856 = arith.constant 8 : i32
        %mul3A_2857 = arith.muli %scan3A_2683, %mul3A_2856 : i32
        %add3A_2858 = arith.constant 7 : i32
        %add3A_2859 = arith.addi %mul3A_2857, %add3A_2858 : i32
        %mul3A_2860 = arith.constant 16 : i32
        %mul3A_2861 = arith.muli %add3A_2859, %mul3A_2860 : i32
        %get3A_2862 = arith.index_cast %mul3A_2861 : i32 to index
        %get3A_2863 = tpu.vector_load %arg4[%get3A_2862] {strides = array<i32>} : memref<16384xf32, #tpu.memory_space<vmem>>, vector<16xf32>,
        %bitcast_convert_type3A_2864 = tpu.bitcast %get3A_2863 : vector<16xf32> -> vector<16xi32>
        %ge3A_2865 = arith.constant 0 : i32
        %ge3A_2866 = vector.broadcast %ge3A_2865 : i32 to vector<16xi32>
        %ge3A_2867 = arith.cmpi sge, %bitcast_convert_type3A_2864, %ge3A_2866 : vector<16xi32>
        %xor3A_2868 = arith.constant 2147483647 : i32
        %xor3A_2869 = vector.broadcast %xor3A_2868 : i32 to vector<16xi32>
        %xor3A_2870 = arith.xori %bitcast_convert_type3A_2864, %xor3A_2869 : vector<16xi32>
        %select_n3A_2871 = arith.select %ge3A_2867, %bitcast_convert_type3A_2864, %xor3A_2870 : vector<16xi1>, vector<16xi32>
        %max3A_2872 = vector.broadcast %add3A_1973 : i32 to vector<16xi32>
        %max3A_2873 = arith.maxsi %max3A_2872, %select_n3A_2871 : vector<16xi32>
        %min3A_2874 = vector.broadcast %add3A_2039 : i32 to vector<16xi32>
        %min3A_2875 = arith.minsi %min3A_2874, %max3A_2873 : vector<16xi32>
        %sub3A_2876 = vector.broadcast %add3A_1973 : i32 to vector<16xi32>
        %sub3A_2877 = arith.subi %min3A_2875, %sub3A_2876 : vector<16xi32>
        %shift_right_arithmetic3A_2878 = arith.constant 0 : i32
        %shift_right_arithmetic3A_2879 = vector.broadcast %shift_right_arithmetic3A_2878 : i32 to vector<16xi32>
        %shift_right_arithmetic3A_2880 = arith.shrsi %sub3A_2877, %shift_right_arithmetic3A_2879 : vector<16xi32>
        tpu.vector_store_idx %arg5[%shift_right_arithmetic3A_2880], %broadcast_in_dim3A_3 {add = true} : memref<256xi32, #tpu.memory_space<vmem>>[vector<16xi32>], vector<16xi32>,
        %scan3A_2881 = arith.constant 0 : i32
        scf.yield %scan3A_2881 : i32
      }
      %scan3A_2046 = arith.constant 128 : i32
      %broadcast_in_dim3A_2047 = arith.constant 0 : i32
      %broadcast_in_dim3A_2048 = vector.broadcast %broadcast_in_dim3A_2047 : i32 to vector<16xi32>
      %get3A_2049 = arith.constant 0 : index
      %get3A_2050 = tpu.vector_load %arg5[%get3A_2049] {strides = array<i32>} : memref<256xi32, #tpu.memory_space<vmem>>, vector<16xi32>,
      %add3A_2051 = arith.addi %broadcast_in_dim3A_2048, %get3A_2050 : vector<16xi32>
      %get3A_2052 = arith.constant 16 : index
      %get3A_2053 = tpu.vector_load %arg5[%get3A_2052] {strides = array<i32>} : memref<256xi32, #tpu.memory_space<vmem>>, vector<16xi32>,
      %add3A_2054 = arith.addi %add3A_2051, %get3A_2053 : vector<16xi32>
      %get3A_2055 = arith.constant 32 : index
      %get3A_2056 = tpu.vector_load %arg5[%get3A_2055] {strides = array<i32>} : memref<256xi32, #tpu.memory_space<vmem>>, vector<16xi32>,
      %add3A_2057 = arith.addi %add3A_2054, %get3A_2056 : vector<16xi32>
      %get3A_2058 = arith.constant 48 : index
      %get3A_2059 = tpu.vector_load %arg5[%get3A_2058] {strides = array<i32>} : memref<256xi32, #tpu.memory_space<vmem>>, vector<16xi32>,
      %add3A_2060 = arith.addi %add3A_2057, %get3A_2059 : vector<16xi32>
      %get3A_2061 = arith.constant 64 : index
      %get3A_2062 = tpu.vector_load %arg5[%get3A_2061] {strides = array<i32>} : memref<256xi32, #tpu.memory_space<vmem>>, vector<16xi32>,
      %add3A_2063 = arith.addi %add3A_2060, %get3A_2062 : vector<16xi32>
      %get3A_2064 = arith.constant 80 : index
      %get3A_2065 = tpu.vector_load %arg5[%get3A_2064] {strides = array<i32>} : memref<256xi32, #tpu.memory_space<vmem>>, vector<16xi32>,
      %add3A_2066 = arith.addi %add3A_2063, %get3A_2065 : vector<16xi32>
      %get3A_2067 = arith.constant 96 : index
      %get3A_2068 = tpu.vector_load %arg5[%get3A_2067] {strides = array<i32>} : memref<256xi32, #tpu.memory_space<vmem>>, vector<16xi32>,
      %add3A_2069 = arith.addi %add3A_2066, %get3A_2068 : vector<16xi32>
      %get3A_2070 = arith.constant 112 : index
      %get3A_2071 = tpu.vector_load %arg5[%get3A_2070] {strides = array<i32>} : memref<256xi32, #tpu.memory_space<vmem>>, vector<16xi32>,
      %add3A_2072 = arith.addi %add3A_2069, %get3A_2071 : vector<16xi32>
      %get3A_2073 = arith.constant 128 : index
      %get3A_2074 = tpu.vector_load %arg5[%get3A_2073] {strides = array<i32>} : memref<256xi32, #tpu.memory_space<vmem>>, vector<16xi32>,
      %add3A_2075 = arith.addi %add3A_2072, %get3A_2074 : vector<16xi32>
      %get3A_2076 = arith.constant 144 : index
      %get3A_2077 = tpu.vector_load %arg5[%get3A_2076] {strides = array<i32>} : memref<256xi32, #tpu.memory_space<vmem>>, vector<16xi32>,
      %add3A_2078 = arith.addi %add3A_2075, %get3A_2077 : vector<16xi32>
      %get3A_2079 = arith.constant 160 : index
      %get3A_2080 = tpu.vector_load %arg5[%get3A_2079] {strides = array<i32>} : memref<256xi32, #tpu.memory_space<vmem>>, vector<16xi32>,
      %add3A_2081 = arith.addi %add3A_2078, %get3A_2080 : vector<16xi32>
      %get3A_2082 = arith.constant 176 : index
      %get3A_2083 = tpu.vector_load %arg5[%get3A_2082] {strides = array<i32>} : memref<256xi32, #tpu.memory_space<vmem>>, vector<16xi32>,
      %add3A_2084 = arith.addi %add3A_2081, %get3A_2083 : vector<16xi32>
      %get3A_2085 = arith.constant 192 : index
      %get3A_2086 = tpu.vector_load %arg5[%get3A_2085] {strides = array<i32>} : memref<256xi32, #tpu.memory_space<vmem>>, vector<16xi32>,
      %add3A_2087 = arith.addi %add3A_2084, %get3A_2086 : vector<16xi32>
      %get3A_2088 = arith.constant 208 : index
      %get3A_2089 = tpu.vector_load %arg5[%get3A_2088] {strides = array<i32>} : memref<256xi32, #tpu.memory_space<vmem>>, vector<16xi32>,
      %add3A_2090 = arith.addi %add3A_2087, %get3A_2089 : vector<16xi32>
      %get3A_2091 = arith.constant 224 : index
      %get3A_2092 = tpu.vector_load %arg5[%get3A_2091] {strides = array<i32>} : memref<256xi32, #tpu.memory_space<vmem>>, vector<16xi32>,
      %add3A_2093 = arith.addi %add3A_2090, %get3A_2092 : vector<16xi32>
      %get3A_2094 = arith.constant 240 : index
      %get3A_2095 = tpu.vector_load %arg5[%get3A_2094] {strides = array<i32>} : memref<256xi32, #tpu.memory_space<vmem>>, vector<16xi32>,
      %add3A_2096 = arith.addi %add3A_2093, %get3A_2095 : vector<16xi32>
      %reduce_sum3A_2097 = arith.constant true
      %reduce_sum3A_2098 = vector.broadcast %reduce_sum3A_2097 : i1 to vector<16xi1>
      %reduce_sum3A_2099 = tpu.scan <sum>, %add3A_2096 masked %reduce_sum3A_2098 : vector<16xi32>, vector<16xi1> -> vector<16xi32>
      %reduce_sum3A_2100 = vector.extract %reduce_sum3A_2099[15] : i32 from vector<16xi32>
      %get3A_2101 = arith.constant 0 : index
      %get3A_2102 = tpu.vector_load %arg5[%get3A_2101] {strides = array<i32>} : memref<256xi32, #tpu.memory_space<vmem>>, vector<16xi32>,
      %broadcast_in_dim3A_2103 = arith.constant true
      %broadcast_in_dim3A_2104 = vector.broadcast %broadcast_in_dim3A_2103 : i1 to vector<16xi1>
      %masked_cumsum3A_2105 = tpu.scan <sum>, %get3A_2102 masked %broadcast_in_dim3A_2104 : vector<16xi32>, vector<16xi1> -> vector<16xi32>
      %sub3A_2106 = arith.subi %masked_cumsum3A_2105, %get3A_2102 : vector<16xi32>
      %add3A_2107 = arith.constant 0 : i32
      %add3A_2108 = vector.broadcast %add3A_2107 : i32 to vector<16xi32>
      %add3A_2109 = arith.addi %add3A_2108, %sub3A_2106 : vector<16xi32>
      %sub3A_2110 = vector.broadcast %reduce_sum3A_2100 : i32 to vector<16xi32>
      %sub3A_2111 = arith.subi %sub3A_2110, %add3A_2109 : vector<16xi32>
      %ge3A_2112 = arith.constant 1024 : i32
      %ge3A_2113 = vector.broadcast %ge3A_2112 : i32 to vector<16xi32>
      %ge3A_2114 = arith.cmpi sge, %sub3A_2111, %ge3A_2113 : vector<16xi32>
      %add3A_2115 = arith.constant 0 : i32
      %add3A_2116 = vector.broadcast %add3A_2115 : i32 to vector<16xi32>
      %add3A_2117 = arith.addi %iota3A, %add3A_2116 : vector<16xi32>
      %jit3A_2118 = arith.constant 0 : i32
      %broadcast_in_dim3A_2119 = vector.broadcast %jit3A_2118 : i32 to vector<16xi32>
      %select_n3A_2120 = arith.select %ge3A_2114, %add3A_2117, %broadcast_in_dim3A_2119 : vector<16xi1>, vector<16xi32>
      %reduce_max3A_2121 = arith.constant true
      %reduce_max3A_2122 = vector.broadcast %reduce_max3A_2121 : i1 to vector<16xi1>
      %reduce_max3A_2123 = arith.constant -2147483648 : i32
      %reduce_max3A_2124 = vector.broadcast %reduce_max3A_2123 : i32 to vector<16xi32>
      %reduce_max3A_2125 = arith.xori %select_n3A_2120, %reduce_max3A_2124 : vector<16xi32>
      %reduce_max3A_2126 = tpu.scan <max>, %reduce_max3A_2125 masked %reduce_max3A_2122 : vector<16xi32>, vector<16xi1> -> vector<16xi32>
      %reduce_max3A_2127 = arith.xori %reduce_max3A_2126, %reduce_max3A_2124 : vector<16xi32>
      %reduce_max3A_2128 = vector.extract %reduce_max3A_2127[15] : i32 from vector<16xi32>
      %max3A_2129 = arith.constant 0 : i32
      %max3A_2130 = arith.maxsi %max3A_2129, %reduce_max3A_2128 : i32
      %reduce_sum3A_2131 = arith.constant true
      %reduce_sum3A_2132 = vector.broadcast %reduce_sum3A_2131 : i1 to vector<16xi1>
      %reduce_sum3A_2133 = tpu.scan <sum>, %get3A_2102 masked %reduce_sum3A_2132 : vector<16xi32>, vector<16xi1> -> vector<16xi32>
      %reduce_sum3A_2134 = vector.extract %reduce_sum3A_2133[15] : i32 from vector<16xi32>
      %add3A_2135 = arith.constant 0 : i32
      %add3A_2136 = arith.addi %add3A_2135, %reduce_sum3A_2134 : i32
      %get3A_2137 = arith.constant 16 : index
      %get3A_2138 = tpu.vector_load %arg5[%get3A_2137] {strides = array<i32>} : memref<256xi32, #tpu.memory_space<vmem>>, vector<16xi32>,
      %broadcast_in_dim3A_2139 = arith.constant true
      %broadcast_in_dim3A_2140 = vector.broadcast %broadcast_in_dim3A_2139 : i1 to vector<16xi1>
      %masked_cumsum3A_2141 = tpu.scan <sum>, %get3A_2138 masked %broadcast_in_dim3A_2140 : vector<16xi32>, vector<16xi1> -> vector<16xi32>
      %sub3A_2142 = arith.subi %masked_cumsum3A_2141, %get3A_2138 : vector<16xi32>
      %add3A_2143 = vector.broadcast %add3A_2136 : i32 to vector<16xi32>
      %add3A_2144 = arith.addi %add3A_2143, %sub3A_2142 : vector<16xi32>
      %sub3A_2145 = vector.broadcast %reduce_sum3A_2100 : i32 to vector<16xi32>
      %sub3A_2146 = arith.subi %sub3A_2145, %add3A_2144 : vector<16xi32>
      %ge3A_2147 = arith.constant 1024 : i32
      %ge3A_2148 = vector.broadcast %ge3A_2147 : i32 to vector<16xi32>
      %ge3A_2149 = arith.cmpi sge, %sub3A_2146, %ge3A_2148 : vector<16xi32>
      %add3A_2150 = arith.constant 16 : i32
      %add3A_2151 = vector.broadcast %add3A_2150 : i32 to vector<16xi32>
      %add3A_2152 = arith.addi %iota3A, %add3A_2151 : vector<16xi32>
      %jit3A_2153 = arith.constant 0 : i32
      %broadcast_in_dim3A_2154 = vector.broadcast %jit3A_2153 : i32 to vector<16xi32>
      %select_n3A_2155 = arith.select %ge3A_2149, %add3A_2152, %broadcast_in_dim3A_2154 : vector<16xi1>, vector<16xi32>
      %reduce_max3A_2156 = arith.constant true
      %reduce_max3A_2157 = vector.broadcast %reduce_max3A_2156 : i1 to vector<16xi1>
      %reduce_max3A_2158 = arith.constant -2147483648 : i32
      %reduce_max3A_2159 = vector.broadcast %reduce_max3A_2158 : i32 to vector<16xi32>
      %reduce_max3A_2160 = arith.xori %select_n3A_2155, %reduce_max3A_2159 : vector<16xi32>
      %reduce_max3A_2161 = tpu.scan <max>, %reduce_max3A_2160 masked %reduce_max3A_2157 : vector<16xi32>, vector<16xi1> -> vector<16xi32>
      %reduce_max3A_2162 = arith.xori %reduce_max3A_2161, %reduce_max3A_2159 : vector<16xi32>
      %reduce_max3A_2163 = vector.extract %reduce_max3A_2162[15] : i32 from vector<16xi32>
      %max3A_2164 = arith.maxsi %max3A_2130, %reduce_max3A_2163 : i32
      %reduce_sum3A_2165 = arith.constant true
      %reduce_sum3A_2166 = vector.broadcast %reduce_sum3A_2165 : i1 to vector<16xi1>
      %reduce_sum3A_2167 = tpu.scan <sum>, %get3A_2138 masked %reduce_sum3A_2166 : vector<16xi32>, vector<16xi1> -> vector<16xi32>
      %reduce_sum3A_2168 = vector.extract %reduce_sum3A_2167[15] : i32 from vector<16xi32>
      %add3A_2169 = arith.addi %add3A_2136, %reduce_sum3A_2168 : i32
      %get3A_2170 = arith.constant 32 : index
      %get3A_2171 = tpu.vector_load %arg5[%get3A_2170] {strides = array<i32>} : memref<256xi32, #tpu.memory_space<vmem>>, vector<16xi32>,
      %broadcast_in_dim3A_2172 = arith.constant true
      %broadcast_in_dim3A_2173 = vector.broadcast %broadcast_in_dim3A_2172 : i1 to vector<16xi1>
      %masked_cumsum3A_2174 = tpu.scan <sum>, %get3A_2171 masked %broadcast_in_dim3A_2173 : vector<16xi32>, vector<16xi1> -> vector<16xi32>
      %sub3A_2175 = arith.subi %masked_cumsum3A_2174, %get3A_2171 : vector<16xi32>
      %add3A_2176 = vector.broadcast %add3A_2169 : i32 to vector<16xi32>
      %add3A_2177 = arith.addi %add3A_2176, %sub3A_2175 : vector<16xi32>
      %sub3A_2178 = vector.broadcast %reduce_sum3A_2100 : i32 to vector<16xi32>
      %sub3A_2179 = arith.subi %sub3A_2178, %add3A_2177 : vector<16xi32>
      %ge3A_2180 = arith.constant 1024 : i32
      %ge3A_2181 = vector.broadcast %ge3A_2180 : i32 to vector<16xi32>
      %ge3A_2182 = arith.cmpi sge, %sub3A_2179, %ge3A_2181 : vector<16xi32>
      %add3A_2183 = arith.constant 32 : i32
      %add3A_2184 = vector.broadcast %add3A_2183 : i32 to vector<16xi32>
      %add3A_2185 = arith.addi %iota3A, %add3A_2184 : vector<16xi32>
      %jit3A_2186 = arith.constant 0 : i32
      %broadcast_in_dim3A_2187 = vector.broadcast %jit3A_2186 : i32 to vector<16xi32>
      %select_n3A_2188 = arith.select %ge3A_2182, %add3A_2185, %broadcast_in_dim3A_2187 : vector<16xi1>, vector<16xi32>
      %reduce_max3A_2189 = arith.constant true
      %reduce_max3A_2190 = vector.broadcast %reduce_max3A_2189 : i1 to vector<16xi1>
      %reduce_max3A_2191 = arith.constant -2147483648 : i32
      %reduce_max3A_2192 = vector.broadcast %reduce_max3A_2191 : i32 to vector<16xi32>
      %reduce_max3A_2193 = arith.xori %select_n3A_2188, %reduce_max3A_2192 : vector<16xi32>
      %reduce_max3A_2194 = tpu.scan <max>, %reduce_max3A_2193 masked %reduce_max3A_2190 : vector<16xi32>, vector<16xi1> -> vector<16xi32>
      %reduce_max3A_2195 = arith.xori %reduce_max3A_2194, %reduce_max3A_2192 : vector<16xi32>
      %reduce_max3A_2196 = vector.extract %reduce_max3A_2195[15] : i32 from vector<16xi32>
      %max3A_2197 = arith.maxsi %max3A_2164, %reduce_max3A_2196 : i32
      %reduce_sum3A_2198 = arith.constant true
      %reduce_sum3A_2199 = vector.broadcast %reduce_sum3A_2198 : i1 to vector<16xi1>
      %reduce_sum3A_2200 = tpu.scan <sum>, %get3A_2171 masked %reduce_sum3A_2199 : vector<16xi32>, vector<16xi1> -> vector<16xi32>
      %reduce_sum3A_2201 = vector.extract %reduce_sum3A_2200[15] : i32 from vector<16xi32>
      %add3A_2202 = arith.addi %add3A_2169, %reduce_sum3A_2201 : i32
      %get3A_2203 = arith.constant 48 : index
      %get3A_2204 = tpu.vector_load %arg5[%get3A_2203] {strides = array<i32>} : memref<256xi32, #tpu.memory_space<vmem>>, vector<16xi32>,
      %broadcast_in_dim3A_2205 = arith.constant true
      %broadcast_in_dim3A_2206 = vector.broadcast %broadcast_in_dim3A_2205 : i1 to vector<16xi1>
      %masked_cumsum3A_2207 = tpu.scan <sum>, %get3A_2204 masked %broadcast_in_dim3A_2206 : vector<16xi32>, vector<16xi1> -> vector<16xi32>
      %sub3A_2208 = arith.subi %masked_cumsum3A_2207, %get3A_2204 : vector<16xi32>
      %add3A_2209 = vector.broadcast %add3A_2202 : i32 to vector<16xi32>
      %add3A_2210 = arith.addi %add3A_2209, %sub3A_2208 : vector<16xi32>
      %sub3A_2211 = vector.broadcast %reduce_sum3A_2100 : i32 to vector<16xi32>
      %sub3A_2212 = arith.subi %sub3A_2211, %add3A_2210 : vector<16xi32>
      %ge3A_2213 = arith.constant 1024 : i32
      %ge3A_2214 = vector.broadcast %ge3A_2213 : i32 to vector<16xi32>
      %ge3A_2215 = arith.cmpi sge, %sub3A_2212, %ge3A_2214 : vector<16xi32>
      %add3A_2216 = arith.constant 48 : i32
      %add3A_2217 = vector.broadcast %add3A_2216 : i32 to vector<16xi32>
      %add3A_2218 = arith.addi %iota3A, %add3A_2217 : vector<16xi32>
      %jit3A_2219 = arith.constant 0 : i32
      %broadcast_in_dim3A_2220 = vector.broadcast %jit3A_2219 : i32 to vector<16xi32>
      %select_n3A_2221 = arith.select %ge3A_2215, %add3A_2218, %broadcast_in_dim3A_2220 : vector<16xi1>, vector<16xi32>
      %reduce_max3A_2222 = arith.constant true
      %reduce_max3A_2223 = vector.broadcast %reduce_max3A_2222 : i1 to vector<16xi1>
      %reduce_max3A_2224 = arith.constant -2147483648 : i32
      %reduce_max3A_2225 = vector.broadcast %reduce_max3A_2224 : i32 to vector<16xi32>
      %reduce_max3A_2226 = arith.xori %select_n3A_2221, %reduce_max3A_2225 : vector<16xi32>
      %reduce_max3A_2227 = tpu.scan <max>, %reduce_max3A_2226 masked %reduce_max3A_2223 : vector<16xi32>, vector<16xi1> -> vector<16xi32>
      %reduce_max3A_2228 = arith.xori %reduce_max3A_2227, %reduce_max3A_2225 : vector<16xi32>
      %reduce_max3A_2229 = vector.extract %reduce_max3A_2228[15] : i32 from vector<16xi32>
      %max3A_2230 = arith.maxsi %max3A_2197, %reduce_max3A_2229 : i32
      %reduce_sum3A_2231 = arith.constant true
      %reduce_sum3A_2232 = vector.broadcast %reduce_sum3A_2231 : i1 to vector<16xi1>
      %reduce_sum3A_2233 = tpu.scan <sum>, %get3A_2204 masked %reduce_sum3A_2232 : vector<16xi32>, vector<16xi1> -> vector<16xi32>
      %reduce_sum3A_2234 = vector.extract %reduce_sum3A_2233[15] : i32 from vector<16xi32>
      %add3A_2235 = arith.addi %add3A_2202, %reduce_sum3A_2234 : i32
      %get3A_2236 = arith.constant 64 : index
      %get3A_2237 = tpu.vector_load %arg5[%get3A_2236] {strides = array<i32>} : memref<256xi32, #tpu.memory_space<vmem>>, vector<16xi32>,
      %broadcast_in_dim3A_2238 = arith.constant true
      %broadcast_in_dim3A_2239 = vector.broadcast %broadcast_in_dim3A_2238 : i1 to vector<16xi1>
      %masked_cumsum3A_2240 = tpu.scan <sum>, %get3A_2237 masked %broadcast_in_dim3A_2239 : vector<16xi32>, vector<16xi1> -> vector<16xi32>
      %sub3A_2241 = arith.subi %masked_cumsum3A_2240, %get3A_2237 : vector<16xi32>
      %add3A_2242 = vector.broadcast %add3A_2235 : i32 to vector<16xi32>
      %add3A_2243 = arith.addi %add3A_2242, %sub3A_2241 : vector<16xi32>
      %sub3A_2244 = vector.broadcast %reduce_sum3A_2100 : i32 to vector<16xi32>
      %sub3A_2245 = arith.subi %sub3A_2244, %add3A_2243 : vector<16xi32>
      %ge3A_2246 = arith.constant 1024 : i32
      %ge3A_2247 = vector.broadcast %ge3A_2246 : i32 to vector<16xi32>
      %ge3A_2248 = arith.cmpi sge, %sub3A_2245, %ge3A_2247 : vector<16xi32>
      %add3A_2249 = arith.constant 64 : i32
      %add3A_2250 = vector.broadcast %add3A_2249 : i32 to vector<16xi32>
      %add3A_2251 = arith.addi %iota3A, %add3A_2250 : vector<16xi32>
      %jit3A_2252 = arith.constant 0 : i32
      %broadcast_in_dim3A_2253 = vector.broadcast %jit3A_2252 : i32 to vector<16xi32>
      %select_n3A_2254 = arith.select %ge3A_2248, %add3A_2251, %broadcast_in_dim3A_2253 : vector<16xi1>, vector<16xi32>
      %reduce_max3A_2255 = arith.constant true
      %reduce_max3A_2256 = vector.broadcast %reduce_max3A_2255 : i1 to vector<16xi1>
      %reduce_max3A_2257 = arith.constant -2147483648 : i32
      %reduce_max3A_2258 = vector.broadcast %reduce_max3A_2257 : i32 to vector<16xi32>
      %reduce_max3A_2259 = arith.xori %select_n3A_2254, %reduce_max3A_2258 : vector<16xi32>
      %reduce_max3A_2260 = tpu.scan <max>, %reduce_max3A_2259 masked %reduce_max3A_2256 : vector<16xi32>, vector<16xi1> -> vector<16xi32>
      %reduce_max3A_2261 = arith.xori %reduce_max3A_2260, %reduce_max3A_2258 : vector<16xi32>
      %reduce_max3A_2262 = vector.extract %reduce_max3A_2261[15] : i32 from vector<16xi32>
      %max3A_2263 = arith.maxsi %max3A_2230, %reduce_max3A_2262 : i32
      %reduce_sum3A_2264 = arith.constant true
      %reduce_sum3A_2265 = vector.broadcast %reduce_sum3A_2264 : i1 to vector<16xi1>
      %reduce_sum3A_2266 = tpu.scan <sum>, %get3A_2237 masked %reduce_sum3A_2265 : vector<16xi32>, vector<16xi1> -> vector<16xi32>
      %reduce_sum3A_2267 = vector.extract %reduce_sum3A_2266[15] : i32 from vector<16xi32>
      %add3A_2268 = arith.addi %add3A_2235, %reduce_sum3A_2267 : i32
      %get3A_2269 = arith.constant 80 : index
      %get3A_2270 = tpu.vector_load %arg5[%get3A_2269] {strides = array<i32>} : memref<256xi32, #tpu.memory_space<vmem>>, vector<16xi32>,
      %broadcast_in_dim3A_2271 = arith.constant true
      %broadcast_in_dim3A_2272 = vector.broadcast %broadcast_in_dim3A_2271 : i1 to vector<16xi1>
      %masked_cumsum3A_2273 = tpu.scan <sum>, %get3A_2270 masked %broadcast_in_dim3A_2272 : vector<16xi32>, vector<16xi1> -> vector<16xi32>
      %sub3A_2274 = arith.subi %masked_cumsum3A_2273, %get3A_2270 : vector<16xi32>
      %add3A_2275 = vector.broadcast %add3A_2268 : i32 to vector<16xi32>
      %add3A_2276 = arith.addi %add3A_2275, %sub3A_2274 : vector<16xi32>
      %sub3A_2277 = vector.broadcast %reduce_sum3A_2100 : i32 to vector<16xi32>
      %sub3A_2278 = arith.subi %sub3A_2277, %add3A_2276 : vector<16xi32>
      %ge3A_2279 = arith.constant 1024 : i32
      %ge3A_2280 = vector.broadcast %ge3A_2279 : i32 to vector<16xi32>
      %ge3A_2281 = arith.cmpi sge, %sub3A_2278, %ge3A_2280 : vector<16xi32>
      %add3A_2282 = arith.constant 80 : i32
      %add3A_2283 = vector.broadcast %add3A_2282 : i32 to vector<16xi32>
      %add3A_2284 = arith.addi %iota3A, %add3A_2283 : vector<16xi32>
      %jit3A_2285 = arith.constant 0 : i32
      %broadcast_in_dim3A_2286 = vector.broadcast %jit3A_2285 : i32 to vector<16xi32>
      %select_n3A_2287 = arith.select %ge3A_2281, %add3A_2284, %broadcast_in_dim3A_2286 : vector<16xi1>, vector<16xi32>
      %reduce_max3A_2288 = arith.constant true
      %reduce_max3A_2289 = vector.broadcast %reduce_max3A_2288 : i1 to vector<16xi1>
      %reduce_max3A_2290 = arith.constant -2147483648 : i32
      %reduce_max3A_2291 = vector.broadcast %reduce_max3A_2290 : i32 to vector<16xi32>
      %reduce_max3A_2292 = arith.xori %select_n3A_2287, %reduce_max3A_2291 : vector<16xi32>
      %reduce_max3A_2293 = tpu.scan <max>, %reduce_max3A_2292 masked %reduce_max3A_2289 : vector<16xi32>, vector<16xi1> -> vector<16xi32>
      %reduce_max3A_2294 = arith.xori %reduce_max3A_2293, %reduce_max3A_2291 : vector<16xi32>
      %reduce_max3A_2295 = vector.extract %reduce_max3A_2294[15] : i32 from vector<16xi32>
      %max3A_2296 = arith.maxsi %max3A_2263, %reduce_max3A_2295 : i32
      %reduce_sum3A_2297 = arith.constant true
      %reduce_sum3A_2298 = vector.broadcast %reduce_sum3A_2297 : i1 to vector<16xi1>
      %reduce_sum3A_2299 = tpu.scan <sum>, %get3A_2270 masked %reduce_sum3A_2298 : vector<16xi32>, vector<16xi1> -> vector<16xi32>
      %reduce_sum3A_2300 = vector.extract %reduce_sum3A_2299[15] : i32 from vector<16xi32>
      %add3A_2301 = arith.addi %add3A_2268, %reduce_sum3A_2300 : i32
      %get3A_2302 = arith.constant 96 : index
      %get3A_2303 = tpu.vector_load %arg5[%get3A_2302] {strides = array<i32>} : memref<256xi32, #tpu.memory_space<vmem>>, vector<16xi32>,
      %broadcast_in_dim3A_2304 = arith.constant true
      %broadcast_in_dim3A_2305 = vector.broadcast %broadcast_in_dim3A_2304 : i1 to vector<16xi1>
      %masked_cumsum3A_2306 = tpu.scan <sum>, %get3A_2303 masked %broadcast_in_dim3A_2305 : vector<16xi32>, vector<16xi1> -> vector<16xi32>
      %sub3A_2307 = arith.subi %masked_cumsum3A_2306, %get3A_2303 : vector<16xi32>
      %add3A_2308 = vector.broadcast %add3A_2301 : i32 to vector<16xi32>
      %add3A_2309 = arith.addi %add3A_2308, %sub3A_2307 : vector<16xi32>
      %sub3A_2310 = vector.broadcast %reduce_sum3A_2100 : i32 to vector<16xi32>
      %sub3A_2311 = arith.subi %sub3A_2310, %add3A_2309 : vector<16xi32>
      %ge3A_2312 = arith.constant 1024 : i32
      %ge3A_2313 = vector.broadcast %ge3A_2312 : i32 to vector<16xi32>
      %ge3A_2314 = arith.cmpi sge, %sub3A_2311, %ge3A_2313 : vector<16xi32>
      %add3A_2315 = arith.constant 96 : i32
      %add3A_2316 = vector.broadcast %add3A_2315 : i32 to vector<16xi32>
      %add3A_2317 = arith.addi %iota3A, %add3A_2316 : vector<16xi32>
      %jit3A_2318 = arith.constant 0 : i32
      %broadcast_in_dim3A_2319 = vector.broadcast %jit3A_2318 : i32 to vector<16xi32>
      %select_n3A_2320 = arith.select %ge3A_2314, %add3A_2317, %broadcast_in_dim3A_2319 : vector<16xi1>, vector<16xi32>
      %reduce_max3A_2321 = arith.constant true
      %reduce_max3A_2322 = vector.broadcast %reduce_max3A_2321 : i1 to vector<16xi1>
      %reduce_max3A_2323 = arith.constant -2147483648 : i32
      %reduce_max3A_2324 = vector.broadcast %reduce_max3A_2323 : i32 to vector<16xi32>
      %reduce_max3A_2325 = arith.xori %select_n3A_2320, %reduce_max3A_2324 : vector<16xi32>
      %reduce_max3A_2326 = tpu.scan <max>, %reduce_max3A_2325 masked %reduce_max3A_2322 : vector<16xi32>, vector<16xi1> -> vector<16xi32>
      %reduce_max3A_2327 = arith.xori %reduce_max3A_2326, %reduce_max3A_2324 : vector<16xi32>
      %reduce_max3A_2328 = vector.extract %reduce_max3A_2327[15] : i32 from vector<16xi32>
      %max3A_2329 = arith.maxsi %max3A_2296, %reduce_max3A_2328 : i32
      %reduce_sum3A_2330 = arith.constant true
      %reduce_sum3A_2331 = vector.broadcast %reduce_sum3A_2330 : i1 to vector<16xi1>
      %reduce_sum3A_2332 = tpu.scan <sum>, %get3A_2303 masked %reduce_sum3A_2331 : vector<16xi32>, vector<16xi1> -> vector<16xi32>
      %reduce_sum3A_2333 = vector.extract %reduce_sum3A_2332[15] : i32 from vector<16xi32>
      %add3A_2334 = arith.addi %add3A_2301, %reduce_sum3A_2333 : i32
      %get3A_2335 = arith.constant 112 : index
      %get3A_2336 = tpu.vector_load %arg5[%get3A_2335] {strides = array<i32>} : memref<256xi32, #tpu.memory_space<vmem>>, vector<16xi32>,
      %broadcast_in_dim3A_2337 = arith.constant true
      %broadcast_in_dim3A_2338 = vector.broadcast %broadcast_in_dim3A_2337 : i1 to vector<16xi1>
      %masked_cumsum3A_2339 = tpu.scan <sum>, %get3A_2336 masked %broadcast_in_dim3A_2338 : vector<16xi32>, vector<16xi1> -> vector<16xi32>
      %sub3A_2340 = arith.subi %masked_cumsum3A_2339, %get3A_2336 : vector<16xi32>
      %add3A_2341 = vector.broadcast %add3A_2334 : i32 to vector<16xi32>
      %add3A_2342 = arith.addi %add3A_2341, %sub3A_2340 : vector<16xi32>
      %sub3A_2343 = vector.broadcast %reduce_sum3A_2100 : i32 to vector<16xi32>
      %sub3A_2344 = arith.subi %sub3A_2343, %add3A_2342 : vector<16xi32>
      %ge3A_2345 = arith.constant 1024 : i32
      %ge3A_2346 = vector.broadcast %ge3A_2345 : i32 to vector<16xi32>
      %ge3A_2347 = arith.cmpi sge, %sub3A_2344, %ge3A_2346 : vector<16xi32>
      %add3A_2348 = arith.constant 112 : i32
      %add3A_2349 = vector.broadcast %add3A_2348 : i32 to vector<16xi32>
      %add3A_2350 = arith.addi %iota3A, %add3A_2349 : vector<16xi32>
      %jit3A_2351 = arith.constant 0 : i32
      %broadcast_in_dim3A_2352 = vector.broadcast %jit3A_2351 : i32 to vector<16xi32>
      %select_n3A_2353 = arith.select %ge3A_2347, %add3A_2350, %broadcast_in_dim3A_2352 : vector<16xi1>, vector<16xi32>
      %reduce_max3A_2354 = arith.constant true
      %reduce_max3A_2355 = vector.broadcast %reduce_max3A_2354 : i1 to vector<16xi1>
      %reduce_max3A_2356 = arith.constant -2147483648 : i32
      %reduce_max3A_2357 = vector.broadcast %reduce_max3A_2356 : i32 to vector<16xi32>
      %reduce_max3A_2358 = arith.xori %select_n3A_2353, %reduce_max3A_2357 : vector<16xi32>
      %reduce_max3A_2359 = tpu.scan <max>, %reduce_max3A_2358 masked %reduce_max3A_2355 : vector<16xi32>, vector<16xi1> -> vector<16xi32>
      %reduce_max3A_2360 = arith.xori %reduce_max3A_2359, %reduce_max3A_2357 : vector<16xi32>
      %reduce_max3A_2361 = vector.extract %reduce_max3A_2360[15] : i32 from vector<16xi32>
      %max3A_2362 = arith.maxsi %max3A_2329, %reduce_max3A_2361 : i32
      %reduce_sum3A_2363 = arith.constant true
      %reduce_sum3A_2364 = vector.broadcast %reduce_sum3A_2363 : i1 to vector<16xi1>
      %reduce_sum3A_2365 = tpu.scan <sum>, %get3A_2336 masked %reduce_sum3A_2364 : vector<16xi32>, vector<16xi1> -> vector<16xi32>
      %reduce_sum3A_2366 = vector.extract %reduce_sum3A_2365[15] : i32 from vector<16xi32>
      %add3A_2367 = arith.addi %add3A_2334, %reduce_sum3A_2366 : i32
      %get3A_2368 = arith.constant 128 : index
      %get3A_2369 = tpu.vector_load %arg5[%get3A_2368] {strides = array<i32>} : memref<256xi32, #tpu.memory_space<vmem>>, vector<16xi32>,
      %broadcast_in_dim3A_2370 = arith.constant true
      %broadcast_in_dim3A_2371 = vector.broadcast %broadcast_in_dim3A_2370 : i1 to vector<16xi1>
      %masked_cumsum3A_2372 = tpu.scan <sum>, %get3A_2369 masked %broadcast_in_dim3A_2371 : vector<16xi32>, vector<16xi1> -> vector<16xi32>
      %sub3A_2373 = arith.subi %masked_cumsum3A_2372, %get3A_2369 : vector<16xi32>
      %add3A_2374 = vector.broadcast %add3A_2367 : i32 to vector<16xi32>
      %add3A_2375 = arith.addi %add3A_2374, %sub3A_2373 : vector<16xi32>
      %sub3A_2376 = vector.broadcast %reduce_sum3A_2100 : i32 to vector<16xi32>
      %sub3A_2377 = arith.subi %sub3A_2376, %add3A_2375 : vector<16xi32>
      %ge3A_2378 = arith.constant 1024 : i32
      %ge3A_2379 = vector.broadcast %ge3A_2378 : i32 to vector<16xi32>
      %ge3A_2380 = arith.cmpi sge, %sub3A_2377, %ge3A_2379 : vector<16xi32>
      %add3A_2381 = arith.constant 128 : i32
      %add3A_2382 = vector.broadcast %add3A_2381 : i32 to vector<16xi32>
      %add3A_2383 = arith.addi %iota3A, %add3A_2382 : vector<16xi32>
      %jit3A_2384 = arith.constant 0 : i32
      %broadcast_in_dim3A_2385 = vector.broadcast %jit3A_2384 : i32 to vector<16xi32>
      %select_n3A_2386 = arith.select %ge3A_2380, %add3A_2383, %broadcast_in_dim3A_2385 : vector<16xi1>, vector<16xi32>
      %reduce_max3A_2387 = arith.constant true
      %reduce_max3A_2388 = vector.broadcast %reduce_max3A_2387 : i1 to vector<16xi1>
      %reduce_max3A_2389 = arith.constant -2147483648 : i32
      %reduce_max3A_2390 = vector.broadcast %reduce_max3A_2389 : i32 to vector<16xi32>
      %reduce_max3A_2391 = arith.xori %select_n3A_2386, %reduce_max3A_2390 : vector<16xi32>
      %reduce_max3A_2392 = tpu.scan <max>, %reduce_max3A_2391 masked %reduce_max3A_2388 : vector<16xi32>, vector<16xi1> -> vector<16xi32>
      %reduce_max3A_2393 = arith.xori %reduce_max3A_2392, %reduce_max3A_2390 : vector<16xi32>
      %reduce_max3A_2394 = vector.extract %reduce_max3A_2393[15] : i32 from vector<16xi32>
      %max3A_2395 = arith.maxsi %max3A_2362, %reduce_max3A_2394 : i32
      %reduce_sum3A_2396 = arith.constant true
      %reduce_sum3A_2397 = vector.broadcast %reduce_sum3A_2396 : i1 to vector<16xi1>
      %reduce_sum3A_2398 = tpu.scan <sum>, %get3A_2369 masked %reduce_sum3A_2397 : vector<16xi32>, vector<16xi1> -> vector<16xi32>
      %reduce_sum3A_2399 = vector.extract %reduce_sum3A_2398[15] : i32 from vector<16xi32>
      %add3A_2400 = arith.addi %add3A_2367, %reduce_sum3A_2399 : i32
      %get3A_2401 = arith.constant 144 : index
      %get3A_2402 = tpu.vector_load %arg5[%get3A_2401] {strides = array<i32>} : memref<256xi32, #tpu.memory_space<vmem>>, vector<16xi32>,
      %broadcast_in_dim3A_2403 = arith.constant true
      %broadcast_in_dim3A_2404 = vector.broadcast %broadcast_in_dim3A_2403 : i1 to vector<16xi1>
      %masked_cumsum3A_2405 = tpu.scan <sum>, %get3A_2402 masked %broadcast_in_dim3A_2404 : vector<16xi32>, vector<16xi1> -> vector<16xi32>
      %sub3A_2406 = arith.subi %masked_cumsum3A_2405, %get3A_2402 : vector<16xi32>
      %add3A_2407 = vector.broadcast %add3A_2400 : i32 to vector<16xi32>
      %add3A_2408 = arith.addi %add3A_2407, %sub3A_2406 : vector<16xi32>
      %sub3A_2409 = vector.broadcast %reduce_sum3A_2100 : i32 to vector<16xi32>
      %sub3A_2410 = arith.subi %sub3A_2409, %add3A_2408 : vector<16xi32>
      %ge3A_2411 = arith.constant 1024 : i32
      %ge3A_2412 = vector.broadcast %ge3A_2411 : i32 to vector<16xi32>
      %ge3A_2413 = arith.cmpi sge, %sub3A_2410, %ge3A_2412 : vector<16xi32>
      %add3A_2414 = arith.constant 144 : i32
      %add3A_2415 = vector.broadcast %add3A_2414 : i32 to vector<16xi32>
      %add3A_2416 = arith.addi %iota3A, %add3A_2415 : vector<16xi32>
      %jit3A_2417 = arith.constant 0 : i32
      %broadcast_in_dim3A_2418 = vector.broadcast %jit3A_2417 : i32 to vector<16xi32>
      %select_n3A_2419 = arith.select %ge3A_2413, %add3A_2416, %broadcast_in_dim3A_2418 : vector<16xi1>, vector<16xi32>
      %reduce_max3A_2420 = arith.constant true
      %reduce_max3A_2421 = vector.broadcast %reduce_max3A_2420 : i1 to vector<16xi1>
      %reduce_max3A_2422 = arith.constant -2147483648 : i32
      %reduce_max3A_2423 = vector.broadcast %reduce_max3A_2422 : i32 to vector<16xi32>
      %reduce_max3A_2424 = arith.xori %select_n3A_2419, %reduce_max3A_2423 : vector<16xi32>
      %reduce_max3A_2425 = tpu.scan <max>, %reduce_max3A_2424 masked %reduce_max3A_2421 : vector<16xi32>, vector<16xi1> -> vector<16xi32>
      %reduce_max3A_2426 = arith.xori %reduce_max3A_2425, %reduce_max3A_2423 : vector<16xi32>
      %reduce_max3A_2427 = vector.extract %reduce_max3A_2426[15] : i32 from vector<16xi32>
      %max3A_2428 = arith.maxsi %max3A_2395, %reduce_max3A_2427 : i32
      %reduce_sum3A_2429 = arith.constant true
      %reduce_sum3A_2430 = vector.broadcast %reduce_sum3A_2429 : i1 to vector<16xi1>
      %reduce_sum3A_2431 = tpu.scan <sum>, %get3A_2402 masked %reduce_sum3A_2430 : vector<16xi32>, vector<16xi1> -> vector<16xi32>
      %reduce_sum3A_2432 = vector.extract %reduce_sum3A_2431[15] : i32 from vector<16xi32>
      %add3A_2433 = arith.addi %add3A_2400, %reduce_sum3A_2432 : i32
      %get3A_2434 = arith.constant 160 : index
      %get3A_2435 = tpu.vector_load %arg5[%get3A_2434] {strides = array<i32>} : memref<256xi32, #tpu.memory_space<vmem>>, vector<16xi32>,
      %broadcast_in_dim3A_2436 = arith.constant true
      %broadcast_in_dim3A_2437 = vector.broadcast %broadcast_in_dim3A_2436 : i1 to vector<16xi1>
      %masked_cumsum3A_2438 = tpu.scan <sum>, %get3A_2435 masked %broadcast_in_dim3A_2437 : vector<16xi32>, vector<16xi1> -> vector<16xi32>
      %sub3A_2439 = arith.subi %masked_cumsum3A_2438, %get3A_2435 : vector<16xi32>
      %add3A_2440 = vector.broadcast %add3A_2433 : i32 to vector<16xi32>
      %add3A_2441 = arith.addi %add3A_2440, %sub3A_2439 : vector<16xi32>
      %sub3A_2442 = vector.broadcast %reduce_sum3A_2100 : i32 to vector<16xi32>
      %sub3A_2443 = arith.subi %sub3A_2442, %add3A_2441 : vector<16xi32>
      %ge3A_2444 = arith.constant 1024 : i32
      %ge3A_2445 = vector.broadcast %ge3A_2444 : i32 to vector<16xi32>
      %ge3A_2446 = arith.cmpi sge, %sub3A_2443, %ge3A_2445 : vector<16xi32>
      %add3A_2447 = arith.constant 160 : i32
      %add3A_2448 = vector.broadcast %add3A_2447 : i32 to vector<16xi32>
      %add3A_2449 = arith.addi %iota3A, %add3A_2448 : vector<16xi32>
      %jit3A_2450 = arith.constant 0 : i32
      %broadcast_in_dim3A_2451 = vector.broadcast %jit3A_2450 : i32 to vector<16xi32>
      %select_n3A_2452 = arith.select %ge3A_2446, %add3A_2449, %broadcast_in_dim3A_2451 : vector<16xi1>, vector<16xi32>
      %reduce_max3A_2453 = arith.constant true
      %reduce_max3A_2454 = vector.broadcast %reduce_max3A_2453 : i1 to vector<16xi1>
      %reduce_max3A_2455 = arith.constant -2147483648 : i32
      %reduce_max3A_2456 = vector.broadcast %reduce_max3A_2455 : i32 to vector<16xi32>
      %reduce_max3A_2457 = arith.xori %select_n3A_2452, %reduce_max3A_2456 : vector<16xi32>
      %reduce_max3A_2458 = tpu.scan <max>, %reduce_max3A_2457 masked %reduce_max3A_2454 : vector<16xi32>, vector<16xi1> -> vector<16xi32>
      %reduce_max3A_2459 = arith.xori %reduce_max3A_2458, %reduce_max3A_2456 : vector<16xi32>
      %reduce_max3A_2460 = vector.extract %reduce_max3A_2459[15] : i32 from vector<16xi32>
      %max3A_2461 = arith.maxsi %max3A_2428, %reduce_max3A_2460 : i32
      %reduce_sum3A_2462 = arith.constant true
      %reduce_sum3A_2463 = vector.broadcast %reduce_sum3A_2462 : i1 to vector<16xi1>
      %reduce_sum3A_2464 = tpu.scan <sum>, %get3A_2435 masked %reduce_sum3A_2463 : vector<16xi32>, vector<16xi1> -> vector<16xi32>
      %reduce_sum3A_2465 = vector.extract %reduce_sum3A_2464[15] : i32 from vector<16xi32>
      %add3A_2466 = arith.addi %add3A_2433, %reduce_sum3A_2465 : i32
      %get3A_2467 = arith.constant 176 : index
      %get3A_2468 = tpu.vector_load %arg5[%get3A_2467] {strides = array<i32>} : memref<256xi32, #tpu.memory_space<vmem>>, vector<16xi32>,
      %broadcast_in_dim3A_2469 = arith.constant true
      %broadcast_in_dim3A_2470 = vector.broadcast %broadcast_in_dim3A_2469 : i1 to vector<16xi1>
      %masked_cumsum3A_2471 = tpu.scan <sum>, %get3A_2468 masked %broadcast_in_dim3A_2470 : vector<16xi32>, vector<16xi1> -> vector<16xi32>
      %sub3A_2472 = arith.subi %masked_cumsum3A_2471, %get3A_2468 : vector<16xi32>
      %add3A_2473 = vector.broadcast %add3A_2466 : i32 to vector<16xi32>
      %add3A_2474 = arith.addi %add3A_2473, %sub3A_2472 : vector<16xi32>
      %sub3A_2475 = vector.broadcast %reduce_sum3A_2100 : i32 to vector<16xi32>
      %sub3A_2476 = arith.subi %sub3A_2475, %add3A_2474 : vector<16xi32>
      %ge3A_2477 = arith.constant 1024 : i32
      %ge3A_2478 = vector.broadcast %ge3A_2477 : i32 to vector<16xi32>
      %ge3A_2479 = arith.cmpi sge, %sub3A_2476, %ge3A_2478 : vector<16xi32>
      %add3A_2480 = arith.constant 176 : i32
      %add3A_2481 = vector.broadcast %add3A_2480 : i32 to vector<16xi32>
      %add3A_2482 = arith.addi %iota3A, %add3A_2481 : vector<16xi32>
      %jit3A_2483 = arith.constant 0 : i32
      %broadcast_in_dim3A_2484 = vector.broadcast %jit3A_2483 : i32 to vector<16xi32>
      %select_n3A_2485 = arith.select %ge3A_2479, %add3A_2482, %broadcast_in_dim3A_2484 : vector<16xi1>, vector<16xi32>
      %reduce_max3A_2486 = arith.constant true
      %reduce_max3A_2487 = vector.broadcast %reduce_max3A_2486 : i1 to vector<16xi1>
      %reduce_max3A_2488 = arith.constant -2147483648 : i32
      %reduce_max3A_2489 = vector.broadcast %reduce_max3A_2488 : i32 to vector<16xi32>
      %reduce_max3A_2490 = arith.xori %select_n3A_2485, %reduce_max3A_2489 : vector<16xi32>
      %reduce_max3A_2491 = tpu.scan <max>, %reduce_max3A_2490 masked %reduce_max3A_2487 : vector<16xi32>, vector<16xi1> -> vector<16xi32>
      %reduce_max3A_2492 = arith.xori %reduce_max3A_2491, %reduce_max3A_2489 : vector<16xi32>
      %reduce_max3A_2493 = vector.extract %reduce_max3A_2492[15] : i32 from vector<16xi32>
      %max3A_2494 = arith.maxsi %max3A_2461, %reduce_max3A_2493 : i32
      %reduce_sum3A_2495 = arith.constant true
      %reduce_sum3A_2496 = vector.broadcast %reduce_sum3A_2495 : i1 to vector<16xi1>
      %reduce_sum3A_2497 = tpu.scan <sum>, %get3A_2468 masked %reduce_sum3A_2496 : vector<16xi32>, vector<16xi1> -> vector<16xi32>
      %reduce_sum3A_2498 = vector.extract %reduce_sum3A_2497[15] : i32 from vector<16xi32>
      %add3A_2499 = arith.addi %add3A_2466, %reduce_sum3A_2498 : i32
      %get3A_2500 = arith.constant 192 : index
      %get3A_2501 = tpu.vector_load %arg5[%get3A_2500] {strides = array<i32>} : memref<256xi32, #tpu.memory_space<vmem>>, vector<16xi32>,
      %broadcast_in_dim3A_2502 = arith.constant true
      %broadcast_in_dim3A_2503 = vector.broadcast %broadcast_in_dim3A_2502 : i1 to vector<16xi1>
      %masked_cumsum3A_2504 = tpu.scan <sum>, %get3A_2501 masked %broadcast_in_dim3A_2503 : vector<16xi32>, vector<16xi1> -> vector<16xi32>
      %sub3A_2505 = arith.subi %masked_cumsum3A_2504, %get3A_2501 : vector<16xi32>
      %add3A_2506 = vector.broadcast %add3A_2499 : i32 to vector<16xi32>
      %add3A_2507 = arith.addi %add3A_2506, %sub3A_2505 : vector<16xi32>
      %sub3A_2508 = vector.broadcast %reduce_sum3A_2100 : i32 to vector<16xi32>
      %sub3A_2509 = arith.subi %sub3A_2508, %add3A_2507 : vector<16xi32>
      %ge3A_2510 = arith.constant 1024 : i32
      %ge3A_2511 = vector.broadcast %ge3A_2510 : i32 to vector<16xi32>
      %ge3A_2512 = arith.cmpi sge, %sub3A_2509, %ge3A_2511 : vector<16xi32>
      %add3A_2513 = arith.constant 192 : i32
      %add3A_2514 = vector.broadcast %add3A_2513 : i32 to vector<16xi32>
      %add3A_2515 = arith.addi %iota3A, %add3A_2514 : vector<16xi32>
      %jit3A_2516 = arith.constant 0 : i32
      %broadcast_in_dim3A_2517 = vector.broadcast %jit3A_2516 : i32 to vector<16xi32>
      %select_n3A_2518 = arith.select %ge3A_2512, %add3A_2515, %broadcast_in_dim3A_2517 : vector<16xi1>, vector<16xi32>
      %reduce_max3A_2519 = arith.constant true
      %reduce_max3A_2520 = vector.broadcast %reduce_max3A_2519 : i1 to vector<16xi1>
      %reduce_max3A_2521 = arith.constant -2147483648 : i32
      %reduce_max3A_2522 = vector.broadcast %reduce_max3A_2521 : i32 to vector<16xi32>
      %reduce_max3A_2523 = arith.xori %select_n3A_2518, %reduce_max3A_2522 : vector<16xi32>
      %reduce_max3A_2524 = tpu.scan <max>, %reduce_max3A_2523 masked %reduce_max3A_2520 : vector<16xi32>, vector<16xi1> -> vector<16xi32>
      %reduce_max3A_2525 = arith.xori %reduce_max3A_2524, %reduce_max3A_2522 : vector<16xi32>
      %reduce_max3A_2526 = vector.extract %reduce_max3A_2525[15] : i32 from vector<16xi32>
      %max3A_2527 = arith.maxsi %max3A_2494, %reduce_max3A_2526 : i32
      %reduce_sum3A_2528 = arith.constant true
      %reduce_sum3A_2529 = vector.broadcast %reduce_sum3A_2528 : i1 to vector<16xi1>
      %reduce_sum3A_2530 = tpu.scan <sum>, %get3A_2501 masked %reduce_sum3A_2529 : vector<16xi32>, vector<16xi1> -> vector<16xi32>
      %reduce_sum3A_2531 = vector.extract %reduce_sum3A_2530[15] : i32 from vector<16xi32>
      %add3A_2532 = arith.addi %add3A_2499, %reduce_sum3A_2531 : i32
      %get3A_2533 = arith.constant 208 : index
      %get3A_2534 = tpu.vector_load %arg5[%get3A_2533] {strides = array<i32>} : memref<256xi32, #tpu.memory_space<vmem>>, vector<16xi32>,
      %broadcast_in_dim3A_2535 = arith.constant true
      %broadcast_in_dim3A_2536 = vector.broadcast %broadcast_in_dim3A_2535 : i1 to vector<16xi1>
      %masked_cumsum3A_2537 = tpu.scan <sum>, %get3A_2534 masked %broadcast_in_dim3A_2536 : vector<16xi32>, vector<16xi1> -> vector<16xi32>
      %sub3A_2538 = arith.subi %masked_cumsum3A_2537, %get3A_2534 : vector<16xi32>
      %add3A_2539 = vector.broadcast %add3A_2532 : i32 to vector<16xi32>
      %add3A_2540 = arith.addi %add3A_2539, %sub3A_2538 : vector<16xi32>
      %sub3A_2541 = vector.broadcast %reduce_sum3A_2100 : i32 to vector<16xi32>
      %sub3A_2542 = arith.subi %sub3A_2541, %add3A_2540 : vector<16xi32>
      %ge3A_2543 = arith.constant 1024 : i32
      %ge3A_2544 = vector.broadcast %ge3A_2543 : i32 to vector<16xi32>
      %ge3A_2545 = arith.cmpi sge, %sub3A_2542, %ge3A_2544 : vector<16xi32>
      %add3A_2546 = arith.constant 208 : i32
      %add3A_2547 = vector.broadcast %add3A_2546 : i32 to vector<16xi32>
      %add3A_2548 = arith.addi %iota3A, %add3A_2547 : vector<16xi32>
      %jit3A_2549 = arith.constant 0 : i32
      %broadcast_in_dim3A_2550 = vector.broadcast %jit3A_2549 : i32 to vector<16xi32>
      %select_n3A_2551 = arith.select %ge3A_2545, %add3A_2548, %broadcast_in_dim3A_2550 : vector<16xi1>, vector<16xi32>
      %reduce_max3A_2552 = arith.constant true
      %reduce_max3A_2553 = vector.broadcast %reduce_max3A_2552 : i1 to vector<16xi1>
      %reduce_max3A_2554 = arith.constant -2147483648 : i32
      %reduce_max3A_2555 = vector.broadcast %reduce_max3A_2554 : i32 to vector<16xi32>
      %reduce_max3A_2556 = arith.xori %select_n3A_2551, %reduce_max3A_2555 : vector<16xi32>
      %reduce_max3A_2557 = tpu.scan <max>, %reduce_max3A_2556 masked %reduce_max3A_2553 : vector<16xi32>, vector<16xi1> -> vector<16xi32>
      %reduce_max3A_2558 = arith.xori %reduce_max3A_2557, %reduce_max3A_2555 : vector<16xi32>
      %reduce_max3A_2559 = vector.extract %reduce_max3A_2558[15] : i32 from vector<16xi32>
      %max3A_2560 = arith.maxsi %max3A_2527, %reduce_max3A_2559 : i32
      %reduce_sum3A_2561 = arith.constant true
      %reduce_sum3A_2562 = vector.broadcast %reduce_sum3A_2561 : i1 to vector<16xi1>
      %reduce_sum3A_2563 = tpu.scan <sum>, %get3A_2534 masked %reduce_sum3A_2562 : vector<16xi32>, vector<16xi1> -> vector<16xi32>
      %reduce_sum3A_2564 = vector.extract %reduce_sum3A_2563[15] : i32 from vector<16xi32>
      %add3A_2565 = arith.addi %add3A_2532, %reduce_sum3A_2564 : i32
      %get3A_2566 = arith.constant 224 : index
      %get3A_2567 = tpu.vector_load %arg5[%get3A_2566] {strides = array<i32>} : memref<256xi32, #tpu.memory_space<vmem>>, vector<16xi32>,
      %broadcast_in_dim3A_2568 = arith.constant true
      %broadcast_in_dim3A_2569 = vector.broadcast %broadcast_in_dim3A_2568 : i1 to vector<16xi1>
      %masked_cumsum3A_2570 = tpu.scan <sum>, %get3A_2567 masked %broadcast_in_dim3A_2569 : vector<16xi32>, vector<16xi1> -> vector<16xi32>
      %sub3A_2571 = arith.subi %masked_cumsum3A_2570, %get3A_2567 : vector<16xi32>
      %add3A_2572 = vector.broadcast %add3A_2565 : i32 to vector<16xi32>
      %add3A_2573 = arith.addi %add3A_2572, %sub3A_2571 : vector<16xi32>
      %sub3A_2574 = vector.broadcast %reduce_sum3A_2100 : i32 to vector<16xi32>
      %sub3A_2575 = arith.subi %sub3A_2574, %add3A_2573 : vector<16xi32>
      %ge3A_2576 = arith.constant 1024 : i32
      %ge3A_2577 = vector.broadcast %ge3A_2576 : i32 to vector<16xi32>
      %ge3A_2578 = arith.cmpi sge, %sub3A_2575, %ge3A_2577 : vector<16xi32>
      %add3A_2579 = arith.constant 224 : i32
      %add3A_2580 = vector.broadcast %add3A_2579 : i32 to vector<16xi32>
      %add3A_2581 = arith.addi %iota3A, %add3A_2580 : vector<16xi32>
      %jit3A_2582 = arith.constant 0 : i32
      %broadcast_in_dim3A_2583 = vector.broadcast %jit3A_2582 : i32 to vector<16xi32>
      %select_n3A_2584 = arith.select %ge3A_2578, %add3A_2581, %broadcast_in_dim3A_2583 : vector<16xi1>, vector<16xi32>
      %reduce_max3A_2585 = arith.constant true
      %reduce_max3A_2586 = vector.broadcast %reduce_max3A_2585 : i1 to vector<16xi1>
      %reduce_max3A_2587 = arith.constant -2147483648 : i32
      %reduce_max3A_2588 = vector.broadcast %reduce_max3A_2587 : i32 to vector<16xi32>
      %reduce_max3A_2589 = arith.xori %select_n3A_2584, %reduce_max3A_2588 : vector<16xi32>
      %reduce_max3A_2590 = tpu.scan <max>, %reduce_max3A_2589 masked %reduce_max3A_2586 : vector<16xi32>, vector<16xi1> -> vector<16xi32>
      %reduce_max3A_2591 = arith.xori %reduce_max3A_2590, %reduce_max3A_2588 : vector<16xi32>
      %reduce_max3A_2592 = vector.extract %reduce_max3A_2591[15] : i32 from vector<16xi32>
      %max3A_2593 = arith.maxsi %max3A_2560, %reduce_max3A_2592 : i32
      %reduce_sum3A_2594 = arith.constant true
      %reduce_sum3A_2595 = vector.broadcast %reduce_sum3A_2594 : i1 to vector<16xi1>
      %reduce_sum3A_2596 = tpu.scan <sum>, %get3A_2567 masked %reduce_sum3A_2595 : vector<16xi32>, vector<16xi1> -> vector<16xi32>
      %reduce_sum3A_2597 = vector.extract %reduce_sum3A_2596[15] : i32 from vector<16xi32>
      %add3A_2598 = arith.addi %add3A_2565, %reduce_sum3A_2597 : i32
      %get3A_2599 = arith.constant 240 : index
      %get3A_2600 = tpu.vector_load %arg5[%get3A_2599] {strides = array<i32>} : memref<256xi32, #tpu.memory_space<vmem>>, vector<16xi32>,
      %broadcast_in_dim3A_2601 = arith.constant true
      %broadcast_in_dim3A_2602 = vector.broadcast %broadcast_in_dim3A_2601 : i1 to vector<16xi1>
      %masked_cumsum3A_2603 = tpu.scan <sum>, %get3A_2600 masked %broadcast_in_dim3A_2602 : vector<16xi32>, vector<16xi1> -> vector<16xi32>
      %sub3A_2604 = arith.subi %masked_cumsum3A_2603, %get3A_2600 : vector<16xi32>
      %add3A_2605 = vector.broadcast %add3A_2598 : i32 to vector<16xi32>
      %add3A_2606 = arith.addi %add3A_2605, %sub3A_2604 : vector<16xi32>
      %sub3A_2607 = vector.broadcast %reduce_sum3A_2100 : i32 to vector<16xi32>
      %sub3A_2608 = arith.subi %sub3A_2607, %add3A_2606 : vector<16xi32>
      %ge3A_2609 = arith.constant 1024 : i32
      %ge3A_2610 = vector.broadcast %ge3A_2609 : i32 to vector<16xi32>
      %ge3A_2611 = arith.cmpi sge, %sub3A_2608, %ge3A_2610 : vector<16xi32>
      %add3A_2612 = arith.constant 240 : i32
      %add3A_2613 = vector.broadcast %add3A_2612 : i32 to vector<16xi32>
      %add3A_2614 = arith.addi %iota3A, %add3A_2613 : vector<16xi32>
      %jit3A_2615 = arith.constant 0 : i32
      %broadcast_in_dim3A_2616 = vector.broadcast %jit3A_2615 : i32 to vector<16xi32>
      %select_n3A_2617 = arith.select %ge3A_2611, %add3A_2614, %broadcast_in_dim3A_2616 : vector<16xi1>, vector<16xi32>
      %reduce_max3A_2618 = arith.constant true
      %reduce_max3A_2619 = vector.broadcast %reduce_max3A_2618 : i1 to vector<16xi1>
      %reduce_max3A_2620 = arith.constant -2147483648 : i32
      %reduce_max3A_2621 = vector.broadcast %reduce_max3A_2620 : i32 to vector<16xi32>
      %reduce_max3A_2622 = arith.xori %select_n3A_2617, %reduce_max3A_2621 : vector<16xi32>
      %reduce_max3A_2623 = tpu.scan <max>, %reduce_max3A_2622 masked %reduce_max3A_2619 : vector<16xi32>, vector<16xi1> -> vector<16xi32>
      %reduce_max3A_2624 = arith.xori %reduce_max3A_2623, %reduce_max3A_2621 : vector<16xi32>
      %reduce_max3A_2625 = vector.extract %reduce_max3A_2624[15] : i32 from vector<16xi32>
      %max3A_2626 = arith.maxsi %max3A_2593, %reduce_max3A_2625 : i32
      %reduce_sum3A_2627 = arith.constant true
      %reduce_sum3A_2628 = vector.broadcast %reduce_sum3A_2627 : i1 to vector<16xi1>
      %reduce_sum3A_2629 = tpu.scan <sum>, %get3A_2600 masked %reduce_sum3A_2628 : vector<16xi32>, vector<16xi1> -> vector<16xi32>
      %reduce_sum3A_2630 = vector.extract %reduce_sum3A_2629[15] : i32 from vector<16xi32>
      %add3A_2631 = arith.addi %add3A_2598, %reduce_sum3A_2630 : i32
      %shift_left3A_2632 = arith.constant 0 : i32
      %shift_left3A_2633 = arith.shli %max3A_2626, %shift_left3A_2632 : i32
      %add3A_2634 = arith.addi %add3A_1973, %shift_left3A_2633 : i32
      %broadcast_in_dim3A_2635 = arith.constant 0 : i32
      %broadcast_in_dim3A_2636 = vector.broadcast %broadcast_in_dim3A_2635 : i32 to vector<16xi32>
      %add3A_2637 = vector.broadcast %add3A_2634 : i32 to vector<16xi32>
      %add3A_2638 = arith.addi %broadcast_in_dim3A_2636, %add3A_2637 : vector<16xi32>
      %swap3A_2639 = arith.constant 0 : index
      %swap3A_2640 = tpu.vector_load %arg6[%swap3A_2639] {strides = array<i32>} : memref<128xi32, #tpu.memory_space<vmem>>, vector<16xi32>,
      tpu.vector_store %arg6[%swap3A_2639], %add3A_2638 {strides = array<i32>} : memref<128xi32, #tpu.memory_space<vmem>>, vector<16xi32>,
      %broadcast_in_dim3A_2641 = arith.constant 0 : i32
      %broadcast_in_dim3A_2642 = vector.broadcast %broadcast_in_dim3A_2641 : i32 to vector<16xi32>
      %add3A_2643 = vector.broadcast %add3A_2634 : i32 to vector<16xi32>
      %add3A_2644 = arith.addi %broadcast_in_dim3A_2642, %add3A_2643 : vector<16xi32>
      %swap3A_2645 = arith.constant 16 : index
      %swap3A_2646 = tpu.vector_load %arg6[%swap3A_2645] {strides = array<i32>} : memref<128xi32, #tpu.memory_space<vmem>>, vector<16xi32>,
      tpu.vector_store %arg6[%swap3A_2645], %add3A_2644 {strides = array<i32>} : memref<128xi32, #tpu.memory_space<vmem>>, vector<16xi32>,
      %broadcast_in_dim3A_2647 = arith.constant 0 : i32
      %broadcast_in_dim3A_2648 = vector.broadcast %broadcast_in_dim3A_2647 : i32 to vector<16xi32>
      %add3A_2649 = vector.broadcast %add3A_2634 : i32 to vector<16xi32>
      %add3A_2650 = arith.addi %broadcast_in_dim3A_2648, %add3A_2649 : vector<16xi32>
      %swap3A_2651 = arith.constant 32 : index
      %swap3A_2652 = tpu.vector_load %arg6[%swap3A_2651] {strides = array<i32>} : memref<128xi32, #tpu.memory_space<vmem>>, vector<16xi32>,
      tpu.vector_store %arg6[%swap3A_2651], %add3A_2650 {strides = array<i32>} : memref<128xi32, #tpu.memory_space<vmem>>, vector<16xi32>,
      %broadcast_in_dim3A_2653 = arith.constant 0 : i32
      %broadcast_in_dim3A_2654 = vector.broadcast %broadcast_in_dim3A_2653 : i32 to vector<16xi32>
      %add3A_2655 = vector.broadcast %add3A_2634 : i32 to vector<16xi32>
      %add3A_2656 = arith.addi %broadcast_in_dim3A_2654, %add3A_2655 : vector<16xi32>
      %swap3A_2657 = arith.constant 48 : index
      %swap3A_2658 = tpu.vector_load %arg6[%swap3A_2657] {strides = array<i32>} : memref<128xi32, #tpu.memory_space<vmem>>, vector<16xi32>,
      tpu.vector_store %arg6[%swap3A_2657], %add3A_2656 {strides = array<i32>} : memref<128xi32, #tpu.memory_space<vmem>>, vector<16xi32>,
      %broadcast_in_dim3A_2659 = arith.constant 0 : i32
      %broadcast_in_dim3A_2660 = vector.broadcast %broadcast_in_dim3A_2659 : i32 to vector<16xi32>
      %add3A_2661 = vector.broadcast %add3A_2634 : i32 to vector<16xi32>
      %add3A_2662 = arith.addi %broadcast_in_dim3A_2660, %add3A_2661 : vector<16xi32>
      %swap3A_2663 = arith.constant 64 : index
      %swap3A_2664 = tpu.vector_load %arg6[%swap3A_2663] {strides = array<i32>} : memref<128xi32, #tpu.memory_space<vmem>>, vector<16xi32>,
      tpu.vector_store %arg6[%swap3A_2663], %add3A_2662 {strides = array<i32>} : memref<128xi32, #tpu.memory_space<vmem>>, vector<16xi32>,
      %broadcast_in_dim3A_2665 = arith.constant 0 : i32
      %broadcast_in_dim3A_2666 = vector.broadcast %broadcast_in_dim3A_2665 : i32 to vector<16xi32>
      %add3A_2667 = vector.broadcast %add3A_2634 : i32 to vector<16xi32>
      %add3A_2668 = arith.addi %broadcast_in_dim3A_2666, %add3A_2667 : vector<16xi32>
      %swap3A_2669 = arith.constant 80 : index
      %swap3A_2670 = tpu.vector_load %arg6[%swap3A_2669] {strides = array<i32>} : memref<128xi32, #tpu.memory_space<vmem>>, vector<16xi32>,
      tpu.vector_store %arg6[%swap3A_2669], %add3A_2668 {strides = array<i32>} : memref<128xi32, #tpu.memory_space<vmem>>, vector<16xi32>,
      %broadcast_in_dim3A_2671 = arith.constant 0 : i32
      %broadcast_in_dim3A_2672 = vector.broadcast %broadcast_in_dim3A_2671 : i32 to vector<16xi32>
      %add3A_2673 = vector.broadcast %add3A_2634 : i32 to vector<16xi32>
      %add3A_2674 = arith.addi %broadcast_in_dim3A_2672, %add3A_2673 : vector<16xi32>
      %swap3A_2675 = arith.constant 96 : index
      %swap3A_2676 = tpu.vector_load %arg6[%swap3A_2675] {strides = array<i32>} : memref<128xi32, #tpu.memory_space<vmem>>, vector<16xi32>,
      tpu.vector_store %arg6[%swap3A_2675], %add3A_2674 {strides = array<i32>} : memref<128xi32, #tpu.memory_space<vmem>>, vector<16xi32>,
      %broadcast_in_dim3A_2677 = arith.constant 0 : i32
      %broadcast_in_dim3A_2678 = vector.broadcast %broadcast_in_dim3A_2677 : i32 to vector<16xi32>
      %add3A_2679 = vector.broadcast %add3A_2634 : i32 to vector<16xi32>
      %add3A_2680 = arith.addi %broadcast_in_dim3A_2678, %add3A_2679 : vector<16xi32>
      %swap3A_2681 = arith.constant 112 : index
      %swap3A_2682 = tpu.vector_load %arg6[%swap3A_2681] {strides = array<i32>} : memref<128xi32, #tpu.memory_space<vmem>>, vector<16xi32>,
      tpu.vector_store %arg6[%swap3A_2681], %add3A_2680 {strides = array<i32>} : memref<128xi32, #tpu.memory_space<vmem>>, vector<16xi32>,
      "tpu.region"() ({
        %run_scoped3A = tpu.sem_alloc : memref<!tpu.dma_semaphore, #tpu.memory_space<semaphore_mem>>
        %dma_start3A = arith.constant 0 : i32
        %dma_start3A_2683 = tpu.memref_slice %arg3[%add3A, %dma_start3A] : memref<16x128xi32, #tpu.memory_space<hbm>> -> memref<1x128xi32, #tpu.memory_space<hbm>>
        %dma_start3A_2684 = tpu.memref_squeeze %dma_start3A_2683 : memref<1x128xi32, #tpu.memory_space<hbm>> -> memref<128xi32, #tpu.memory_space<hbm>>
        %dma_start3A_2685 = arith.constant 0 : i32
        %dma_start3A_2686 = tpu.memref_slice %arg3[%add3A, %dma_start3A_2685] : memref<16x128xi32, #tpu.memory_space<hbm>> -> memref<1x128xi32, #tpu.memory_space<hbm>>
        %dma_start3A_2687 = tpu.memref_squeeze %dma_start3A_2686 : memref<1x128xi32, #tpu.memory_space<hbm>> -> memref<128xi32, #tpu.memory_space<hbm>>
        tpu.enqueue_dma source(%arg6 : memref<128xi32, #tpu.memory_space<vmem>>) target(%dma_start3A_2687 : memref<128xi32, #tpu.memory_space<hbm>>) target_semaphore(%run_scoped3A : memref<!tpu.dma_semaphore, #tpu.memory_space<semaphore_mem>>)
        %dma_wait3A = arith.constant 0 : i32
        %dma_wait3A_2688 = tpu.memref_slice %arg3[%add3A, %dma_wait3A] : memref<16x128xi32, #tpu.memory_space<hbm>> -> memref<1x128xi32, #tpu.memory_space<hbm>>
        %dma_wait3A_2689 = tpu.memref_squeeze %dma_wait3A_2688 : memref<1x128xi32, #tpu.memory_space<hbm>> -> memref<128xi32, #tpu.memory_space<hbm>>
        %dma_wait3A_2690 = arith.constant 0 : i32
        %dma_wait3A_2691 = tpu.memref_slice %arg3[%add3A, %dma_wait3A_2690] : memref<16x128xi32, #tpu.memory_space<hbm>> -> memref<1x128xi32, #tpu.memory_space<hbm>>
        %dma_wait3A_2692 = tpu.memref_squeeze %dma_wait3A_2691 : memref<1x128xi32, #tpu.memory_space<hbm>> -> memref<128xi32, #tpu.memory_space<hbm>>
        tpu.wait_dma2 semaphore(%run_scoped3A : memref<!tpu.dma_semaphore, #tpu.memory_space<semaphore_mem>>) src(%arg6 : memref<128xi32, #tpu.memory_space<vmem>>) dst(%dma_wait3A_2692 : memref<128xi32, #tpu.memory_space<hbm>>)
        tpu.yield
      }) : () -> ()
    } else {
    }
    return
  }
}

module attributes {stable_mosaic.version = 14 : i64} {
  func.func @_apply_body(%arg0: i32, %arg1: memref<1x3x128x2048xf32, #tpu.memory_space<vmem>>, %arg2: memref<1x128x128xf32, #tpu.memory_space<vmem>>, %arg3: memref<16x128xi32, #tpu.memory_space<vmem>>, %arg4: memref<128x512xf32, #tpu.memory_space<vmem>>, %arg5: memref<1x3x128x2048xf32, #tpu.memory_space<vmem>>) attributes {dimension_semantics = [#tpu.dimension_semantics<arbitrary>], iteration_bounds = array<i64: 16>, scalar_prefetch = 0 : i64, scratch_operands = 0 : i64, tpu.core_type = #tpu.core_type<tc>, window_params = [{transform_indices = @transform_0, window_bounds = array<i64: 1, 3, 128, 2048>}, {transform_indices = @transform_1, window_bounds = array<i64: 1, 128, 128>}, {pipeline_mode = #tpu.pipeline_mode<synchronous>, transform_indices = @transform_2, window_bounds = array<i64: 16, 128>}, {pipeline_mode = #tpu.pipeline_mode<synchronous>, transform_indices = @transform_3, window_bounds = array<i64: 128, 512>}, {transform_indices = @transform_4, window_bounds = array<i64: 1, 3, 128, 2048>}]} {
    %get3A = arith.constant 0 : index
    %get3A_0 = arith.constant 0 : index
    %get3A_1 = arith.constant 0 : index
    %get3A_2 = vector.load %arg2[%get3A, %get3A_0, %get3A_1] : memref<1x128x128xf32, #tpu.memory_space<vmem>>, vector<1x128x128xf32>
    %get3A_3 = vector.shape_cast %get3A_2 : vector<1x128x128xf32> to vector<128x128xf32>
    %bitcast_convert_type3A = tpu.bitcast %get3A_3 : vector<128x128xf32> -> vector<128x128xi32>
    %ge3A = arith.constant 0 : i32
    %ge3A_4 = vector.broadcast %ge3A : i32 to vector<128x128xi32>
    %ge3A_5 = arith.cmpi sge, %bitcast_convert_type3A, %ge3A_4 : vector<128x128xi32>
    %xor3A = arith.constant 2147483647 : i32
    %xor3A_6 = vector.broadcast %xor3A : i32 to vector<128x128xi32>
    %xor3A_7 = arith.xori %bitcast_convert_type3A, %xor3A_6 : vector<128x128xi32>
    %select_n3A = arith.select %ge3A_5, %bitcast_convert_type3A, %xor3A_7 : vector<128x128xi1>, vector<128x128xi32>
    %get3A_8 = arith.index_cast %arg0 : i32 to index
    %get3A_9 = arith.constant 0 : index
    %get3A_10 = vector.load %arg3[%get3A_8, %get3A_9] : memref<16x128xi32, #tpu.memory_space<vmem>>, vector<1x128xi32>
    %ge3A_11 = vector.broadcast %get3A_10 : vector<1x128xi32> to vector<128x128xi32>
    %ge3A_12 = arith.cmpi sge, %select_n3A, %ge3A_11 : vector<128x128xi32>
    %jit3A = arith.constant 0.000000e+00 : f32
    %broadcast_in_dim3A = vector.broadcast %jit3A : f32 to vector<128x128xf32>
    %select_n3A_13 = arith.select %ge3A_12, %get3A_3, %broadcast_in_dim3A : vector<128x128xi1>, vector<128x128xf32>
    %get3A_14 = arith.constant 0 : index
    %get3A_15 = arith.constant 0 : index
    %get3A_16 = vector.load %arg4[%get3A_14, %get3A_15] : memref<128x512xf32, #tpu.memory_space<vmem>>, vector<128x512xf32>
    %dot_general3A = arith.constant dense<0.000000e+00> : vector<128x512xf32>
    %dot_general3A_17 = tpu.matmul %select_n3A_13, %get3A_16, %dot_general3A {dimension_numbers = #tpu.dot_dimension_numbers<[1], [0], [0], [1], [0, 0, 1, 1], [], []>, precision = #tpu.contract_precision<fp32>, transpose_lhs_hint = false} : vector<128x128xf32>, vector<128x512xf32>, vector<128x512xf32> -> vector<128x512xf32>
    %get3A_18 = arith.constant 0 : index
    %get3A_19 = arith.constant 0 : index
    %get3A_20 = arith.constant 0 : index
    %get3A_21 = arith.constant 0 : index
    %get3A_22 = vector.load %arg1[%get3A_18, %get3A_19, %get3A_20, %get3A_21] : memref<1x3x128x2048xf32, #tpu.memory_space<vmem>>, vector<1x1x128x512xf32>
    %get3A_23 = vector.shape_cast %get3A_22 : vector<1x1x128x512xf32> to vector<128x512xf32>
    %mul3A = arith.mulf %get3A_23, %dot_general3A_17 : vector<128x512xf32>
    %swap3A = arith.constant 0 : index
    %swap3A_24 = arith.constant 0 : index
    %swap3A_25 = arith.constant 0 : index
    %swap3A_26 = arith.constant 0 : index
    %swap3A_27 = vector.load %arg5[%swap3A, %swap3A_24, %swap3A_25, %swap3A_26] : memref<1x3x128x2048xf32, #tpu.memory_space<vmem>>, vector<1x1x128x512xf32>
    %swap3A_28 = vector.shape_cast %swap3A_27 : vector<1x1x128x512xf32> to vector<128x512xf32>
    %swap3A_29 = vector.shape_cast %mul3A : vector<128x512xf32> to vector<1x1x128x512xf32>
    tpu.vector_store %arg5[%swap3A, %swap3A_24, %swap3A_25, %swap3A_26], %swap3A_29 {strides = array<i32>} : memref<1x3x128x2048xf32, #tpu.memory_space<vmem>>, vector<1x1x128x512xf32>,
    %get3A_30 = arith.constant 0 : index
    %get3A_31 = arith.constant 0 : index
    %get3A_32 = arith.constant 0 : index
    %get3A_33 = arith.constant 512 : index
    %get3A_34 = vector.load %arg1[%get3A_30, %get3A_31, %get3A_32, %get3A_33] : memref<1x3x128x2048xf32, #tpu.memory_space<vmem>>, vector<1x1x128x512xf32>
    %get3A_35 = vector.shape_cast %get3A_34 : vector<1x1x128x512xf32> to vector<128x512xf32>
    %mul3A_36 = arith.mulf %get3A_35, %dot_general3A_17 : vector<128x512xf32>
    %swap3A_37 = arith.constant 0 : index
    %swap3A_38 = arith.constant 0 : index
    %swap3A_39 = arith.constant 0 : index
    %swap3A_40 = arith.constant 512 : index
    %swap3A_41 = vector.load %arg5[%swap3A_37, %swap3A_38, %swap3A_39, %swap3A_40] : memref<1x3x128x2048xf32, #tpu.memory_space<vmem>>, vector<1x1x128x512xf32>
    %swap3A_42 = vector.shape_cast %swap3A_41 : vector<1x1x128x512xf32> to vector<128x512xf32>
    %swap3A_43 = vector.shape_cast %mul3A_36 : vector<128x512xf32> to vector<1x1x128x512xf32>
    tpu.vector_store %arg5[%swap3A_37, %swap3A_38, %swap3A_39, %swap3A_40], %swap3A_43 {strides = array<i32>} : memref<1x3x128x2048xf32, #tpu.memory_space<vmem>>, vector<1x1x128x512xf32>,
    %get3A_44 = arith.constant 0 : index
    %get3A_45 = arith.constant 0 : index
    %get3A_46 = arith.constant 0 : index
    %get3A_47 = arith.constant 1024 : index
    %get3A_48 = vector.load %arg1[%get3A_44, %get3A_45, %get3A_46, %get3A_47] : memref<1x3x128x2048xf32, #tpu.memory_space<vmem>>, vector<1x1x128x512xf32>
    %get3A_49 = vector.shape_cast %get3A_48 : vector<1x1x128x512xf32> to vector<128x512xf32>
    %mul3A_50 = arith.mulf %get3A_49, %dot_general3A_17 : vector<128x512xf32>
    %swap3A_51 = arith.constant 0 : index
    %swap3A_52 = arith.constant 0 : index
    %swap3A_53 = arith.constant 0 : index
    %swap3A_54 = arith.constant 1024 : index
    %swap3A_55 = vector.load %arg5[%swap3A_51, %swap3A_52, %swap3A_53, %swap3A_54] : memref<1x3x128x2048xf32, #tpu.memory_space<vmem>>, vector<1x1x128x512xf32>
    %swap3A_56 = vector.shape_cast %swap3A_55 : vector<1x1x128x512xf32> to vector<128x512xf32>
    %swap3A_57 = vector.shape_cast %mul3A_50 : vector<128x512xf32> to vector<1x1x128x512xf32>
    tpu.vector_store %arg5[%swap3A_51, %swap3A_52, %swap3A_53, %swap3A_54], %swap3A_57 {strides = array<i32>} : memref<1x3x128x2048xf32, #tpu.memory_space<vmem>>, vector<1x1x128x512xf32>,
    %get3A_58 = arith.constant 0 : index
    %get3A_59 = arith.constant 0 : index
    %get3A_60 = arith.constant 0 : index
    %get3A_61 = arith.constant 1536 : index
    %get3A_62 = vector.load %arg1[%get3A_58, %get3A_59, %get3A_60, %get3A_61] : memref<1x3x128x2048xf32, #tpu.memory_space<vmem>>, vector<1x1x128x512xf32>
    %get3A_63 = vector.shape_cast %get3A_62 : vector<1x1x128x512xf32> to vector<128x512xf32>
    %mul3A_64 = arith.mulf %get3A_63, %dot_general3A_17 : vector<128x512xf32>
    %swap3A_65 = arith.constant 0 : index
    %swap3A_66 = arith.constant 0 : index
    %swap3A_67 = arith.constant 0 : index
    %swap3A_68 = arith.constant 1536 : index
    %swap3A_69 = vector.load %arg5[%swap3A_65, %swap3A_66, %swap3A_67, %swap3A_68] : memref<1x3x128x2048xf32, #tpu.memory_space<vmem>>, vector<1x1x128x512xf32>
    %swap3A_70 = vector.shape_cast %swap3A_69 : vector<1x1x128x512xf32> to vector<128x512xf32>
    %swap3A_71 = vector.shape_cast %mul3A_64 : vector<128x512xf32> to vector<1x1x128x512xf32>
    tpu.vector_store %arg5[%swap3A_65, %swap3A_66, %swap3A_67, %swap3A_68], %swap3A_71 {strides = array<i32>} : memref<1x3x128x2048xf32, #tpu.memory_space<vmem>>, vector<1x1x128x512xf32>,
    %get3A_72 = arith.constant 0 : index
    %get3A_73 = arith.constant 1 : index
    %get3A_74 = arith.constant 0 : index
    %get3A_75 = arith.constant 0 : index
    %get3A_76 = vector.load %arg1[%get3A_72, %get3A_73, %get3A_74, %get3A_75] : memref<1x3x128x2048xf32, #tpu.memory_space<vmem>>, vector<1x1x128x512xf32>
    %get3A_77 = vector.shape_cast %get3A_76 : vector<1x1x128x512xf32> to vector<128x512xf32>
    %mul3A_78 = arith.mulf %get3A_77, %dot_general3A_17 : vector<128x512xf32>
    %swap3A_79 = arith.constant 0 : index
    %swap3A_80 = arith.constant 1 : index
    %swap3A_81 = arith.constant 0 : index
    %swap3A_82 = arith.constant 0 : index
    %swap3A_83 = vector.load %arg5[%swap3A_79, %swap3A_80, %swap3A_81, %swap3A_82] : memref<1x3x128x2048xf32, #tpu.memory_space<vmem>>, vector<1x1x128x512xf32>
    %swap3A_84 = vector.shape_cast %swap3A_83 : vector<1x1x128x512xf32> to vector<128x512xf32>
    %swap3A_85 = vector.shape_cast %mul3A_78 : vector<128x512xf32> to vector<1x1x128x512xf32>
    tpu.vector_store %arg5[%swap3A_79, %swap3A_80, %swap3A_81, %swap3A_82], %swap3A_85 {strides = array<i32>} : memref<1x3x128x2048xf32, #tpu.memory_space<vmem>>, vector<1x1x128x512xf32>,
    %get3A_86 = arith.constant 0 : index
    %get3A_87 = arith.constant 1 : index
    %get3A_88 = arith.constant 0 : index
    %get3A_89 = arith.constant 512 : index
    %get3A_90 = vector.load %arg1[%get3A_86, %get3A_87, %get3A_88, %get3A_89] : memref<1x3x128x2048xf32, #tpu.memory_space<vmem>>, vector<1x1x128x512xf32>
    %get3A_91 = vector.shape_cast %get3A_90 : vector<1x1x128x512xf32> to vector<128x512xf32>
    %mul3A_92 = arith.mulf %get3A_91, %dot_general3A_17 : vector<128x512xf32>
    %swap3A_93 = arith.constant 0 : index
    %swap3A_94 = arith.constant 1 : index
    %swap3A_95 = arith.constant 0 : index
    %swap3A_96 = arith.constant 512 : index
    %swap3A_97 = vector.load %arg5[%swap3A_93, %swap3A_94, %swap3A_95, %swap3A_96] : memref<1x3x128x2048xf32, #tpu.memory_space<vmem>>, vector<1x1x128x512xf32>
    %swap3A_98 = vector.shape_cast %swap3A_97 : vector<1x1x128x512xf32> to vector<128x512xf32>
    %swap3A_99 = vector.shape_cast %mul3A_92 : vector<128x512xf32> to vector<1x1x128x512xf32>
    tpu.vector_store %arg5[%swap3A_93, %swap3A_94, %swap3A_95, %swap3A_96], %swap3A_99 {strides = array<i32>} : memref<1x3x128x2048xf32, #tpu.memory_space<vmem>>, vector<1x1x128x512xf32>,
    %get3A_100 = arith.constant 0 : index
    %get3A_101 = arith.constant 1 : index
    %get3A_102 = arith.constant 0 : index
    %get3A_103 = arith.constant 1024 : index
    %get3A_104 = vector.load %arg1[%get3A_100, %get3A_101, %get3A_102, %get3A_103] : memref<1x3x128x2048xf32, #tpu.memory_space<vmem>>, vector<1x1x128x512xf32>
    %get3A_105 = vector.shape_cast %get3A_104 : vector<1x1x128x512xf32> to vector<128x512xf32>
    %mul3A_106 = arith.mulf %get3A_105, %dot_general3A_17 : vector<128x512xf32>
    %swap3A_107 = arith.constant 0 : index
    %swap3A_108 = arith.constant 1 : index
    %swap3A_109 = arith.constant 0 : index
    %swap3A_110 = arith.constant 1024 : index
    %swap3A_111 = vector.load %arg5[%swap3A_107, %swap3A_108, %swap3A_109, %swap3A_110] : memref<1x3x128x2048xf32, #tpu.memory_space<vmem>>, vector<1x1x128x512xf32>
    %swap3A_112 = vector.shape_cast %swap3A_111 : vector<1x1x128x512xf32> to vector<128x512xf32>
    %swap3A_113 = vector.shape_cast %mul3A_106 : vector<128x512xf32> to vector<1x1x128x512xf32>
    tpu.vector_store %arg5[%swap3A_107, %swap3A_108, %swap3A_109, %swap3A_110], %swap3A_113 {strides = array<i32>} : memref<1x3x128x2048xf32, #tpu.memory_space<vmem>>, vector<1x1x128x512xf32>,
    %get3A_114 = arith.constant 0 : index
    %get3A_115 = arith.constant 1 : index
    %get3A_116 = arith.constant 0 : index
    %get3A_117 = arith.constant 1536 : index
    %get3A_118 = vector.load %arg1[%get3A_114, %get3A_115, %get3A_116, %get3A_117] : memref<1x3x128x2048xf32, #tpu.memory_space<vmem>>, vector<1x1x128x512xf32>
    %get3A_119 = vector.shape_cast %get3A_118 : vector<1x1x128x512xf32> to vector<128x512xf32>
    %mul3A_120 = arith.mulf %get3A_119, %dot_general3A_17 : vector<128x512xf32>
    %swap3A_121 = arith.constant 0 : index
    %swap3A_122 = arith.constant 1 : index
    %swap3A_123 = arith.constant 0 : index
    %swap3A_124 = arith.constant 1536 : index
    %swap3A_125 = vector.load %arg5[%swap3A_121, %swap3A_122, %swap3A_123, %swap3A_124] : memref<1x3x128x2048xf32, #tpu.memory_space<vmem>>, vector<1x1x128x512xf32>
    %swap3A_126 = vector.shape_cast %swap3A_125 : vector<1x1x128x512xf32> to vector<128x512xf32>
    %swap3A_127 = vector.shape_cast %mul3A_120 : vector<128x512xf32> to vector<1x1x128x512xf32>
    tpu.vector_store %arg5[%swap3A_121, %swap3A_122, %swap3A_123, %swap3A_124], %swap3A_127 {strides = array<i32>} : memref<1x3x128x2048xf32, #tpu.memory_space<vmem>>, vector<1x1x128x512xf32>,
    %get3A_128 = arith.constant 0 : index
    %get3A_129 = arith.constant 2 : index
    %get3A_130 = arith.constant 0 : index
    %get3A_131 = arith.constant 0 : index
    %get3A_132 = vector.load %arg1[%get3A_128, %get3A_129, %get3A_130, %get3A_131] : memref<1x3x128x2048xf32, #tpu.memory_space<vmem>>, vector<1x1x128x512xf32>
    %get3A_133 = vector.shape_cast %get3A_132 : vector<1x1x128x512xf32> to vector<128x512xf32>
    %mul3A_134 = arith.mulf %get3A_133, %dot_general3A_17 : vector<128x512xf32>
    %swap3A_135 = arith.constant 0 : index
    %swap3A_136 = arith.constant 2 : index
    %swap3A_137 = arith.constant 0 : index
    %swap3A_138 = arith.constant 0 : index
    %swap3A_139 = vector.load %arg5[%swap3A_135, %swap3A_136, %swap3A_137, %swap3A_138] : memref<1x3x128x2048xf32, #tpu.memory_space<vmem>>, vector<1x1x128x512xf32>
    %swap3A_140 = vector.shape_cast %swap3A_139 : vector<1x1x128x512xf32> to vector<128x512xf32>
    %swap3A_141 = vector.shape_cast %mul3A_134 : vector<128x512xf32> to vector<1x1x128x512xf32>
    tpu.vector_store %arg5[%swap3A_135, %swap3A_136, %swap3A_137, %swap3A_138], %swap3A_141 {strides = array<i32>} : memref<1x3x128x2048xf32, #tpu.memory_space<vmem>>, vector<1x1x128x512xf32>,
    %get3A_142 = arith.constant 0 : index
    %get3A_143 = arith.constant 2 : index
    %get3A_144 = arith.constant 0 : index
    %get3A_145 = arith.constant 512 : index
    %get3A_146 = vector.load %arg1[%get3A_142, %get3A_143, %get3A_144, %get3A_145] : memref<1x3x128x2048xf32, #tpu.memory_space<vmem>>, vector<1x1x128x512xf32>
    %get3A_147 = vector.shape_cast %get3A_146 : vector<1x1x128x512xf32> to vector<128x512xf32>
    %mul3A_148 = arith.mulf %get3A_147, %dot_general3A_17 : vector<128x512xf32>
    %swap3A_149 = arith.constant 0 : index
    %swap3A_150 = arith.constant 2 : index
    %swap3A_151 = arith.constant 0 : index
    %swap3A_152 = arith.constant 512 : index
    %swap3A_153 = vector.load %arg5[%swap3A_149, %swap3A_150, %swap3A_151, %swap3A_152] : memref<1x3x128x2048xf32, #tpu.memory_space<vmem>>, vector<1x1x128x512xf32>
    %swap3A_154 = vector.shape_cast %swap3A_153 : vector<1x1x128x512xf32> to vector<128x512xf32>
    %swap3A_155 = vector.shape_cast %mul3A_148 : vector<128x512xf32> to vector<1x1x128x512xf32>
    tpu.vector_store %arg5[%swap3A_149, %swap3A_150, %swap3A_151, %swap3A_152], %swap3A_155 {strides = array<i32>} : memref<1x3x128x2048xf32, #tpu.memory_space<vmem>>, vector<1x1x128x512xf32>,
    %get3A_156 = arith.constant 0 : index
    %get3A_157 = arith.constant 2 : index
    %get3A_158 = arith.constant 0 : index
    %get3A_159 = arith.constant 1024 : index
    %get3A_160 = vector.load %arg1[%get3A_156, %get3A_157, %get3A_158, %get3A_159] : memref<1x3x128x2048xf32, #tpu.memory_space<vmem>>, vector<1x1x128x512xf32>
    %get3A_161 = vector.shape_cast %get3A_160 : vector<1x1x128x512xf32> to vector<128x512xf32>
    %mul3A_162 = arith.mulf %get3A_161, %dot_general3A_17 : vector<128x512xf32>
    %swap3A_163 = arith.constant 0 : index
    %swap3A_164 = arith.constant 2 : index
    %swap3A_165 = arith.constant 0 : index
    %swap3A_166 = arith.constant 1024 : index
    %swap3A_167 = vector.load %arg5[%swap3A_163, %swap3A_164, %swap3A_165, %swap3A_166] : memref<1x3x128x2048xf32, #tpu.memory_space<vmem>>, vector<1x1x128x512xf32>
    %swap3A_168 = vector.shape_cast %swap3A_167 : vector<1x1x128x512xf32> to vector<128x512xf32>
    %swap3A_169 = vector.shape_cast %mul3A_162 : vector<128x512xf32> to vector<1x1x128x512xf32>
    tpu.vector_store %arg5[%swap3A_163, %swap3A_164, %swap3A_165, %swap3A_166], %swap3A_169 {strides = array<i32>} : memref<1x3x128x2048xf32, #tpu.memory_space<vmem>>, vector<1x1x128x512xf32>,
    %get3A_170 = arith.constant 0 : index
    %get3A_171 = arith.constant 2 : index
    %get3A_172 = arith.constant 0 : index
    %get3A_173 = arith.constant 1536 : index
    %get3A_174 = vector.load %arg1[%get3A_170, %get3A_171, %get3A_172, %get3A_173] : memref<1x3x128x2048xf32, #tpu.memory_space<vmem>>, vector<1x1x128x512xf32>
    %get3A_175 = vector.shape_cast %get3A_174 : vector<1x1x128x512xf32> to vector<128x512xf32>
    %mul3A_176 = arith.mulf %get3A_175, %dot_general3A_17 : vector<128x512xf32>
    %swap3A_177 = arith.constant 0 : index
    %swap3A_178 = arith.constant 2 : index
    %swap3A_179 = arith.constant 0 : index
    %swap3A_180 = arith.constant 1536 : index
    %swap3A_181 = vector.load %arg5[%swap3A_177, %swap3A_178, %swap3A_179, %swap3A_180] : memref<1x3x128x2048xf32, #tpu.memory_space<vmem>>, vector<1x1x128x512xf32>
    %swap3A_182 = vector.shape_cast %swap3A_181 : vector<1x1x128x512xf32> to vector<128x512xf32>
    %swap3A_183 = vector.shape_cast %mul3A_176 : vector<128x512xf32> to vector<1x1x128x512xf32>
    tpu.vector_store %arg5[%swap3A_177, %swap3A_178, %swap3A_179, %swap3A_180], %swap3A_183 {strides = array<i32>} : memref<1x3x128x2048xf32, #tpu.memory_space<vmem>>, vector<1x1x128x512xf32>,
    return
  }
  func.func @transform_0(%arg0: i32) -> (i32, i32, i32, i32) {
    %c0_i32 = arith.constant 0 : i32
    %c0_i32_0 = arith.constant 0 : i32
    %c0_i32_1 = arith.constant 0 : i32
    %c0_i32_2 = arith.constant 0 : i32
    return %arg0, %c0_i32, %c0_i32_0, %c0_i32_1 : i32, i32, i32, i32
  }
  func.func @transform_1(%arg0: i32) -> (i32, i32, i32) {
    %c0_i32 = arith.constant 0 : i32
    %c0_i32_0 = arith.constant 0 : i32
    %c0_i32_1 = arith.constant 0 : i32
    return %arg0, %c0_i32, %c0_i32_0 : i32, i32, i32
  }
  func.func @transform_2(%arg0: i32) -> (i32, i32) {
    %c0_i32 = arith.constant 0 : i32
    %c0_i32_0 = arith.constant 0 : i32
    %c0_i32_1 = arith.constant 0 : i32
    return %c0_i32, %c0_i32_0 : i32, i32
  }
  func.func @transform_3(%arg0: i32) -> (i32, i32) {
    %c0_i32 = arith.constant 0 : i32
    %c0_i32_0 = arith.constant 0 : i32
    %c0_i32_1 = arith.constant 0 : i32
    return %c0_i32, %c0_i32_0 : i32, i32
  }
  func.func @transform_4(%arg0: i32) -> (i32, i32, i32, i32) {
    %c0_i32 = arith.constant 0 : i32
    %c0_i32_0 = arith.constant 0 : i32
    %c0_i32_1 = arith.constant 0 : i32
    %c0_i32_2 = arith.constant 0 : i32
    return %arg0, %c0_i32, %c0_i32_0, %c0_i32_1 : i32, i32, i32, i32
  }
}

module attributes {stable_mosaic.version = 14 : i64} {
  func.func @_gate_body(%arg0: i32, %arg1: memref<1x3x128x2048xf32, #tpu.memory_space<vmem>>, %arg2: memref<12x512xbf16, #tpu.memory_space<vmem>>, %arg3: memref<512x128xf32, #tpu.memory_space<vmem>>, %arg4: memref<1x128x128xf32, #tpu.memory_space<vmem>>) attributes {dimension_semantics = [#tpu.dimension_semantics<arbitrary>], iteration_bounds = array<i64: 16>, scalar_prefetch = 0 : i64, scratch_operands = 0 : i64, tpu.core_type = #tpu.core_type<tc>, window_params = [{transform_indices = @transform_0, window_bounds = array<i64: 1, 3, 128, 2048>}, {pipeline_mode = #tpu.pipeline_mode<synchronous>, transform_indices = @transform_1, window_bounds = array<i64: 12, 512>}, {pipeline_mode = #tpu.pipeline_mode<synchronous>, transform_indices = @transform_2, window_bounds = array<i64: 512, 128>}, {transform_indices = @transform_3, window_bounds = array<i64: 1, 128, 128>}]} {
    %broadcast_in_dim3A = arith.constant 0.000000e+00 : f32
    %broadcast_in_dim3A_0 = vector.broadcast %broadcast_in_dim3A : f32 to vector<128x512xf32>
    %get3A = arith.constant 0 : index
    %get3A_1 = arith.constant 0 : index
    %get3A_2 = arith.constant 0 : index
    %get3A_3 = arith.constant 0 : index
    %get3A_4 = vector.load %arg1[%get3A, %get3A_1, %get3A_2, %get3A_3] : memref<1x3x128x2048xf32, #tpu.memory_space<vmem>>, vector<1x1x128x512xf32>
    %get3A_5 = vector.shape_cast %get3A_4 : vector<1x1x128x512xf32> to vector<128x512xf32>
    %convert_element_type3A = arith.truncf %get3A_5 : vector<128x512xf32> to vector<128x512xbf16>
    %convert_element_type3A_6 = arith.extf %convert_element_type3A : vector<128x512xbf16> to vector<128x512xf32>
    %get3A_7 = arith.constant 0 : index
    %get3A_8 = arith.constant 0 : index
    %get3A_9 = vector.load %arg2[%get3A_7, %get3A_8] : memref<12x512xbf16, #tpu.memory_space<vmem>>, vector<1x512xbf16>
    %convert_element_type3A_10 = arith.extf %get3A_9 : vector<1x512xbf16> to vector<1x512xf32>
    %mul3A = vector.broadcast %convert_element_type3A_10 : vector<1x512xf32> to vector<128x512xf32>
    %mul3A_11 = arith.mulf %convert_element_type3A_6, %mul3A : vector<128x512xf32>
    %add3A = arith.addf %broadcast_in_dim3A_0, %mul3A_11 : vector<128x512xf32>
    %get3A_12 = arith.constant 0 : index
    %get3A_13 = arith.constant 0 : index
    %get3A_14 = arith.constant 0 : index
    %get3A_15 = arith.constant 512 : index
    %get3A_16 = vector.load %arg1[%get3A_12, %get3A_13, %get3A_14, %get3A_15] : memref<1x3x128x2048xf32, #tpu.memory_space<vmem>>, vector<1x1x128x512xf32>
    %get3A_17 = vector.shape_cast %get3A_16 : vector<1x1x128x512xf32> to vector<128x512xf32>
    %convert_element_type3A_18 = arith.truncf %get3A_17 : vector<128x512xf32> to vector<128x512xbf16>
    %convert_element_type3A_19 = arith.extf %convert_element_type3A_18 : vector<128x512xbf16> to vector<128x512xf32>
    %get3A_20 = arith.constant 1 : index
    %get3A_21 = arith.constant 0 : index
    %get3A_22 = vector.load %arg2[%get3A_20, %get3A_21] : memref<12x512xbf16, #tpu.memory_space<vmem>>, vector<1x512xbf16>
    %convert_element_type3A_23 = arith.extf %get3A_22 : vector<1x512xbf16> to vector<1x512xf32>
    %mul3A_24 = vector.broadcast %convert_element_type3A_23 : vector<1x512xf32> to vector<128x512xf32>
    %mul3A_25 = arith.mulf %convert_element_type3A_19, %mul3A_24 : vector<128x512xf32>
    %add3A_26 = arith.addf %add3A, %mul3A_25 : vector<128x512xf32>
    %get3A_27 = arith.constant 0 : index
    %get3A_28 = arith.constant 0 : index
    %get3A_29 = arith.constant 0 : index
    %get3A_30 = arith.constant 1024 : index
    %get3A_31 = vector.load %arg1[%get3A_27, %get3A_28, %get3A_29, %get3A_30] : memref<1x3x128x2048xf32, #tpu.memory_space<vmem>>, vector<1x1x128x512xf32>
    %get3A_32 = vector.shape_cast %get3A_31 : vector<1x1x128x512xf32> to vector<128x512xf32>
    %convert_element_type3A_33 = arith.truncf %get3A_32 : vector<128x512xf32> to vector<128x512xbf16>
    %convert_element_type3A_34 = arith.extf %convert_element_type3A_33 : vector<128x512xbf16> to vector<128x512xf32>
    %get3A_35 = arith.constant 2 : index
    %get3A_36 = arith.constant 0 : index
    %get3A_37 = vector.load %arg2[%get3A_35, %get3A_36] : memref<12x512xbf16, #tpu.memory_space<vmem>>, vector<1x512xbf16>
    %convert_element_type3A_38 = arith.extf %get3A_37 : vector<1x512xbf16> to vector<1x512xf32>
    %mul3A_39 = vector.broadcast %convert_element_type3A_38 : vector<1x512xf32> to vector<128x512xf32>
    %mul3A_40 = arith.mulf %convert_element_type3A_34, %mul3A_39 : vector<128x512xf32>
    %add3A_41 = arith.addf %add3A_26, %mul3A_40 : vector<128x512xf32>
    %get3A_42 = arith.constant 0 : index
    %get3A_43 = arith.constant 0 : index
    %get3A_44 = arith.constant 0 : index
    %get3A_45 = arith.constant 1536 : index
    %get3A_46 = vector.load %arg1[%get3A_42, %get3A_43, %get3A_44, %get3A_45] : memref<1x3x128x2048xf32, #tpu.memory_space<vmem>>, vector<1x1x128x512xf32>
    %get3A_47 = vector.shape_cast %get3A_46 : vector<1x1x128x512xf32> to vector<128x512xf32>
    %convert_element_type3A_48 = arith.truncf %get3A_47 : vector<128x512xf32> to vector<128x512xbf16>
    %convert_element_type3A_49 = arith.extf %convert_element_type3A_48 : vector<128x512xbf16> to vector<128x512xf32>
    %get3A_50 = arith.constant 3 : index
    %get3A_51 = arith.constant 0 : index
    %get3A_52 = vector.load %arg2[%get3A_50, %get3A_51] : memref<12x512xbf16, #tpu.memory_space<vmem>>, vector<1x512xbf16>
    %convert_element_type3A_53 = arith.extf %get3A_52 : vector<1x512xbf16> to vector<1x512xf32>
    %mul3A_54 = vector.broadcast %convert_element_type3A_53 : vector<1x512xf32> to vector<128x512xf32>
    %mul3A_55 = arith.mulf %convert_element_type3A_49, %mul3A_54 : vector<128x512xf32>
    %add3A_56 = arith.addf %add3A_41, %mul3A_55 : vector<128x512xf32>
    %get3A_57 = arith.constant 0 : index
    %get3A_58 = arith.constant 1 : index
    %get3A_59 = arith.constant 0 : index
    %get3A_60 = arith.constant 0 : index
    %get3A_61 = vector.load %arg1[%get3A_57, %get3A_58, %get3A_59, %get3A_60] : memref<1x3x128x2048xf32, #tpu.memory_space<vmem>>, vector<1x1x128x512xf32>
    %get3A_62 = vector.shape_cast %get3A_61 : vector<1x1x128x512xf32> to vector<128x512xf32>
    %convert_element_type3A_63 = arith.truncf %get3A_62 : vector<128x512xf32> to vector<128x512xbf16>
    %convert_element_type3A_64 = arith.extf %convert_element_type3A_63 : vector<128x512xbf16> to vector<128x512xf32>
    %get3A_65 = arith.constant 4 : index
    %get3A_66 = arith.constant 0 : index
    %get3A_67 = vector.load %arg2[%get3A_65, %get3A_66] : memref<12x512xbf16, #tpu.memory_space<vmem>>, vector<1x512xbf16>
    %convert_element_type3A_68 = arith.extf %get3A_67 : vector<1x512xbf16> to vector<1x512xf32>
    %mul3A_69 = vector.broadcast %convert_element_type3A_68 : vector<1x512xf32> to vector<128x512xf32>
    %mul3A_70 = arith.mulf %convert_element_type3A_64, %mul3A_69 : vector<128x512xf32>
    %add3A_71 = arith.addf %add3A_56, %mul3A_70 : vector<128x512xf32>
    %get3A_72 = arith.constant 0 : index
    %get3A_73 = arith.constant 1 : index
    %get3A_74 = arith.constant 0 : index
    %get3A_75 = arith.constant 512 : index
    %get3A_76 = vector.load %arg1[%get3A_72, %get3A_73, %get3A_74, %get3A_75] : memref<1x3x128x2048xf32, #tpu.memory_space<vmem>>, vector<1x1x128x512xf32>
    %get3A_77 = vector.shape_cast %get3A_76 : vector<1x1x128x512xf32> to vector<128x512xf32>
    %convert_element_type3A_78 = arith.truncf %get3A_77 : vector<128x512xf32> to vector<128x512xbf16>
    %convert_element_type3A_79 = arith.extf %convert_element_type3A_78 : vector<128x512xbf16> to vector<128x512xf32>
    %get3A_80 = arith.constant 5 : index
    %get3A_81 = arith.constant 0 : index
    %get3A_82 = vector.load %arg2[%get3A_80, %get3A_81] : memref<12x512xbf16, #tpu.memory_space<vmem>>, vector<1x512xbf16>
    %convert_element_type3A_83 = arith.extf %get3A_82 : vector<1x512xbf16> to vector<1x512xf32>
    %mul3A_84 = vector.broadcast %convert_element_type3A_83 : vector<1x512xf32> to vector<128x512xf32>
    %mul3A_85 = arith.mulf %convert_element_type3A_79, %mul3A_84 : vector<128x512xf32>
    %add3A_86 = arith.addf %add3A_71, %mul3A_85 : vector<128x512xf32>
    %get3A_87 = arith.constant 0 : index
    %get3A_88 = arith.constant 1 : index
    %get3A_89 = arith.constant 0 : index
    %get3A_90 = arith.constant 1024 : index
    %get3A_91 = vector.load %arg1[%get3A_87, %get3A_88, %get3A_89, %get3A_90] : memref<1x3x128x2048xf32, #tpu.memory_space<vmem>>, vector<1x1x128x512xf32>
    %get3A_92 = vector.shape_cast %get3A_91 : vector<1x1x128x512xf32> to vector<128x512xf32>
    %convert_element_type3A_93 = arith.truncf %get3A_92 : vector<128x512xf32> to vector<128x512xbf16>
    %convert_element_type3A_94 = arith.extf %convert_element_type3A_93 : vector<128x512xbf16> to vector<128x512xf32>
    %get3A_95 = arith.constant 6 : index
    %get3A_96 = arith.constant 0 : index
    %get3A_97 = vector.load %arg2[%get3A_95, %get3A_96] : memref<12x512xbf16, #tpu.memory_space<vmem>>, vector<1x512xbf16>
    %convert_element_type3A_98 = arith.extf %get3A_97 : vector<1x512xbf16> to vector<1x512xf32>
    %mul3A_99 = vector.broadcast %convert_element_type3A_98 : vector<1x512xf32> to vector<128x512xf32>
    %mul3A_100 = arith.mulf %convert_element_type3A_94, %mul3A_99 : vector<128x512xf32>
    %add3A_101 = arith.addf %add3A_86, %mul3A_100 : vector<128x512xf32>
    %get3A_102 = arith.constant 0 : index
    %get3A_103 = arith.constant 1 : index
    %get3A_104 = arith.constant 0 : index
    %get3A_105 = arith.constant 1536 : index
    %get3A_106 = vector.load %arg1[%get3A_102, %get3A_103, %get3A_104, %get3A_105] : memref<1x3x128x2048xf32, #tpu.memory_space<vmem>>, vector<1x1x128x512xf32>
    %get3A_107 = vector.shape_cast %get3A_106 : vector<1x1x128x512xf32> to vector<128x512xf32>
    %convert_element_type3A_108 = arith.truncf %get3A_107 : vector<128x512xf32> to vector<128x512xbf16>
    %convert_element_type3A_109 = arith.extf %convert_element_type3A_108 : vector<128x512xbf16> to vector<128x512xf32>
    %get3A_110 = arith.constant 7 : index
    %get3A_111 = arith.constant 0 : index
    %get3A_112 = vector.load %arg2[%get3A_110, %get3A_111] : memref<12x512xbf16, #tpu.memory_space<vmem>>, vector<1x512xbf16>
    %convert_element_type3A_113 = arith.extf %get3A_112 : vector<1x512xbf16> to vector<1x512xf32>
    %mul3A_114 = vector.broadcast %convert_element_type3A_113 : vector<1x512xf32> to vector<128x512xf32>
    %mul3A_115 = arith.mulf %convert_element_type3A_109, %mul3A_114 : vector<128x512xf32>
    %add3A_116 = arith.addf %add3A_101, %mul3A_115 : vector<128x512xf32>
    %get3A_117 = arith.constant 0 : index
    %get3A_118 = arith.constant 2 : index
    %get3A_119 = arith.constant 0 : index
    %get3A_120 = arith.constant 0 : index
    %get3A_121 = vector.load %arg1[%get3A_117, %get3A_118, %get3A_119, %get3A_120] : memref<1x3x128x2048xf32, #tpu.memory_space<vmem>>, vector<1x1x128x512xf32>
    %get3A_122 = vector.shape_cast %get3A_121 : vector<1x1x128x512xf32> to vector<128x512xf32>
    %convert_element_type3A_123 = arith.truncf %get3A_122 : vector<128x512xf32> to vector<128x512xbf16>
    %convert_element_type3A_124 = arith.extf %convert_element_type3A_123 : vector<128x512xbf16> to vector<128x512xf32>
    %get3A_125 = arith.constant 8 : index
    %get3A_126 = arith.constant 0 : index
    %get3A_127 = vector.load %arg2[%get3A_125, %get3A_126] : memref<12x512xbf16, #tpu.memory_space<vmem>>, vector<1x512xbf16>
    %convert_element_type3A_128 = arith.extf %get3A_127 : vector<1x512xbf16> to vector<1x512xf32>
    %mul3A_129 = vector.broadcast %convert_element_type3A_128 : vector<1x512xf32> to vector<128x512xf32>
    %mul3A_130 = arith.mulf %convert_element_type3A_124, %mul3A_129 : vector<128x512xf32>
    %add3A_131 = arith.addf %add3A_116, %mul3A_130 : vector<128x512xf32>
    %get3A_132 = arith.constant 0 : index
    %get3A_133 = arith.constant 2 : index
    %get3A_134 = arith.constant 0 : index
    %get3A_135 = arith.constant 512 : index
    %get3A_136 = vector.load %arg1[%get3A_132, %get3A_133, %get3A_134, %get3A_135] : memref<1x3x128x2048xf32, #tpu.memory_space<vmem>>, vector<1x1x128x512xf32>
    %get3A_137 = vector.shape_cast %get3A_136 : vector<1x1x128x512xf32> to vector<128x512xf32>
    %convert_element_type3A_138 = arith.truncf %get3A_137 : vector<128x512xf32> to vector<128x512xbf16>
    %convert_element_type3A_139 = arith.extf %convert_element_type3A_138 : vector<128x512xbf16> to vector<128x512xf32>
    %get3A_140 = arith.constant 9 : index
    %get3A_141 = arith.constant 0 : index
    %get3A_142 = vector.load %arg2[%get3A_140, %get3A_141] : memref<12x512xbf16, #tpu.memory_space<vmem>>, vector<1x512xbf16>
    %convert_element_type3A_143 = arith.extf %get3A_142 : vector<1x512xbf16> to vector<1x512xf32>
    %mul3A_144 = vector.broadcast %convert_element_type3A_143 : vector<1x512xf32> to vector<128x512xf32>
    %mul3A_145 = arith.mulf %convert_element_type3A_139, %mul3A_144 : vector<128x512xf32>
    %add3A_146 = arith.addf %add3A_131, %mul3A_145 : vector<128x512xf32>
    %get3A_147 = arith.constant 0 : index
    %get3A_148 = arith.constant 2 : index
    %get3A_149 = arith.constant 0 : index
    %get3A_150 = arith.constant 1024 : index
    %get3A_151 = vector.load %arg1[%get3A_147, %get3A_148, %get3A_149, %get3A_150] : memref<1x3x128x2048xf32, #tpu.memory_space<vmem>>, vector<1x1x128x512xf32>
    %get3A_152 = vector.shape_cast %get3A_151 : vector<1x1x128x512xf32> to vector<128x512xf32>
    %convert_element_type3A_153 = arith.truncf %get3A_152 : vector<128x512xf32> to vector<128x512xbf16>
    %convert_element_type3A_154 = arith.extf %convert_element_type3A_153 : vector<128x512xbf16> to vector<128x512xf32>
    %get3A_155 = arith.constant 10 : index
    %get3A_156 = arith.constant 0 : index
    %get3A_157 = vector.load %arg2[%get3A_155, %get3A_156] : memref<12x512xbf16, #tpu.memory_space<vmem>>, vector<1x512xbf16>
    %convert_element_type3A_158 = arith.extf %get3A_157 : vector<1x512xbf16> to vector<1x512xf32>
    %mul3A_159 = vector.broadcast %convert_element_type3A_158 : vector<1x512xf32> to vector<128x512xf32>
    %mul3A_160 = arith.mulf %convert_element_type3A_154, %mul3A_159 : vector<128x512xf32>
    %add3A_161 = arith.addf %add3A_146, %mul3A_160 : vector<128x512xf32>
    %get3A_162 = arith.constant 0 : index
    %get3A_163 = arith.constant 2 : index
    %get3A_164 = arith.constant 0 : index
    %get3A_165 = arith.constant 1536 : index
    %get3A_166 = vector.load %arg1[%get3A_162, %get3A_163, %get3A_164, %get3A_165] : memref<1x3x128x2048xf32, #tpu.memory_space<vmem>>, vector<1x1x128x512xf32>
    %get3A_167 = vector.shape_cast %get3A_166 : vector<1x1x128x512xf32> to vector<128x512xf32>
    %convert_element_type3A_168 = arith.truncf %get3A_167 : vector<128x512xf32> to vector<128x512xbf16>
    %convert_element_type3A_169 = arith.extf %convert_element_type3A_168 : vector<128x512xbf16> to vector<128x512xf32>
    %get3A_170 = arith.constant 11 : index
    %get3A_171 = arith.constant 0 : index
    %get3A_172 = vector.load %arg2[%get3A_170, %get3A_171] : memref<12x512xbf16, #tpu.memory_space<vmem>>, vector<1x512xbf16>
    %convert_element_type3A_173 = arith.extf %get3A_172 : vector<1x512xbf16> to vector<1x512xf32>
    %mul3A_174 = vector.broadcast %convert_element_type3A_173 : vector<1x512xf32> to vector<128x512xf32>
    %mul3A_175 = arith.mulf %convert_element_type3A_169, %mul3A_174 : vector<128x512xf32>
    %add3A_176 = arith.addf %add3A_161, %mul3A_175 : vector<128x512xf32>
    %get3A_177 = arith.constant 0 : index
    %get3A_178 = arith.constant 0 : index
    %get3A_179 = vector.load %arg3[%get3A_177, %get3A_178] : memref<512x128xf32, #tpu.memory_space<vmem>>, vector<512x128xf32>
    %dot_general3A = arith.constant dense<0.000000e+00> : vector<128x128xf32>
    %dot_general3A_180 = tpu.matmul %add3A_176, %get3A_179, %dot_general3A {dimension_numbers = #tpu.dot_dimension_numbers<[1], [0], [0], [1], [0, 0, 1, 1], [], []>, precision = #tpu.contract_precision<fp32>, transpose_lhs_hint = false} : vector<128x512xf32>, vector<512x128xf32>, vector<128x128xf32> -> vector<128x128xf32>
    %swap3A = arith.constant 0 : index
    %swap3A_181 = arith.constant 0 : index
    %swap3A_182 = arith.constant 0 : index
    %swap3A_183 = vector.load %arg4[%swap3A, %swap3A_181, %swap3A_182] : memref<1x128x128xf32, #tpu.memory_space<vmem>>, vector<1x128x128xf32>
    %swap3A_184 = vector.shape_cast %swap3A_183 : vector<1x128x128xf32> to vector<128x128xf32>
    %swap3A_185 = vector.shape_cast %dot_general3A_180 : vector<128x128xf32> to vector<1x128x128xf32>
    tpu.vector_store %arg4[%swap3A, %swap3A_181, %swap3A_182], %swap3A_185 {strides = array<i32>} : memref<1x128x128xf32, #tpu.memory_space<vmem>>, vector<1x128x128xf32>,
    return
  }
  func.func @transform_0(%arg0: i32) -> (i32, i32, i32, i32) {
    %c0_i32 = arith.constant 0 : i32
    %c0_i32_0 = arith.constant 0 : i32
    %c0_i32_1 = arith.constant 0 : i32
    %c0_i32_2 = arith.constant 0 : i32
    return %arg0, %c0_i32, %c0_i32_0, %c0_i32_1 : i32, i32, i32, i32
  }
  func.func @transform_1(%arg0: i32) -> (i32, i32) {
    %c0_i32 = arith.constant 0 : i32
    %c0_i32_0 = arith.constant 0 : i32
    %c0_i32_1 = arith.constant 0 : i32
    return %c0_i32, %c0_i32_0 : i32, i32
  }
  func.func @transform_2(%arg0: i32) -> (i32, i32) {
    %c0_i32 = arith.constant 0 : i32
    %c0_i32_0 = arith.constant 0 : i32
    %c0_i32_1 = arith.constant 0 : i32
    return %c0_i32, %c0_i32_0 : i32, i32
  }
  func.func @transform_3(%arg0: i32) -> (i32, i32, i32) {
    %c0_i32 = arith.constant 0 : i32
    %c0_i32_0 = arith.constant 0 : i32
    %c0_i32_1 = arith.constant 0 : i32
    return %arg0, %c0_i32, %c0_i32_0 : i32, i32, i32
  }
}

</mosaic_0001>

<sc_bundles>
// kernel: _run.5.cloned.1.call-start
scs
__scs_entry_jumppad:
0x0: {  	(pc) =	sbr.rel $0x88, $3  }
0x1: {  	(tag) =	ssettag $0x0;
	lr =	simm.s32 $0x1  }
0x2: {  	[smem:$0x3F9D] =	sst lr;
	_ =	strace $0xD0000000  }
0x3: {  	_ = 	snop  }
0x4: {  	_ = 	snop  }
0x5: {  	_ = 	snop  }
0x6: {  	_ = 	snop  }
0x7: {  	_ = 	snop  }
__scs_overlays_trampoline_lowered:
0x8: {  	[smem:$0x3FAC] =	sst s0  }
0x9: {  	[smem:$0x3FAD] =	sst s1  }
0xa: {  	[smem:$0x3FAE] =	sst s2  }
0xb: {  	[smem:$0x3FAF] =	sst s3  }
0xc: {  	[smem:$0x3FB0] =	sst s4  }
0xd: {  	[smem:$0x3FB1] =	sst s5  }
0xe: {  	[smem:$0x3FB2] =	sst s6  }
0xf: {  	[smem:$0x3FB3] =	sst s7  }
0x10: {  	[smem:$0x3FB4] =	sst s8  }
0x11: {  	[smem:$0x3FB5] =	sst s9;
	s0 =	simm.s32 @!p0 $0x0  }
0x12: {  	s1 =	sld [smem:$0x3F9B];
	s0 =	simm.s32 @p0 $0x1  }
0x13: {  	[smem:$0x3FB6] =	sst s0;
	s0 =	simm.s32 @!p1 $0x0  }
0x14: {  	s2 =	sld [smem:$0x3F9A];
	s0 =	simm.s32 @p1 $0x1  }
0x15: {  	[smem:$0x3FB7] =	sst s0;
	s0 =	simm.s32 @!p2 $0x0  }
0x16: {  	s3 =	sld [smem:$0x3FDB];
	s0 =	simm.s32 @p2 $0x1  }
0x17: {  	s4 =	simm.s32 $0x1BF5;
	[smem:$0x3FB9] =	sst s0  }
0x18: {  	s0 =	sld [smem:$0x3F9C];
	_ =	swait.ge [sflag:s4], $0x0  }
0x19: {  	s7 =	sld [smem:$0x3F9D]  }
0x1a: {  	s8 =	sadd.s32 $0xFFFFE003, lr  }
0x1b: {  	s9 =	sadd.s32 $0xFFFFFEF7, lr;
	s5 =	simm.s32 $0xFFFFFFFF;
	p2 =	slt.u32 s8, $0xFFFFF086  }
0x1c: {  	p1 =	slt.u32 s9, $0xF7A;
	s5 =	simm.s32 @!p2 $0x0  }
0x1d: {  	s5 =	simm.s32 @p1 $0x1;
	p0 =	seq.s32 s7, s2  }
0x1e: {  	s7 =	smul.u32 @!p0 $0xF7A, s2;
	p2 =	seq.s32 @!p0 s5, $0x0  }
0x1f: {  	s9 =	smul.u32 $0xF7A, s1;
	s8 =	simm.s32 @!p0 $0x1BF5;
	p2 =	por !p2, p0  }
0x20: {  	[sflag:s8] =	ssyncset.s32 @!p0 $0xFFFFF086;
	s6 =	sadd.s32 @!p0 s3, s7;
	s7 =	simm.s32 @!p0 $0x108  }
0x21: {  	s3 =	sadd.s32 s3, s9;
	s6 =	sadd.s32 @!p0 $0x88, s6;
	s7 =	simm.s32 @p2 $0x1082  }
0x22: {  	[simem:s7], [sflag:s8] =	dma.local @!p0 [hbm:s6], $0xF7A  }
0x23: {  	s9 =	sor.u32 $0xD0000000, s2;
	s6 =	simm.s32 $0x108;
	_ =	swait.ge @!p0 [sflag:s8], $0x0  }
0x24: {  	s3 =	sadd.s32 $0x88, s3;
	s6 =	simm.s32 @!p1 $0x1082;
	[sflag:s4] =	ssyncset.s32 $0xFFFFF086  }
0x25: {  	[simem:s6], [sflag:s4] =	dma.local [hbm:s3], $0xF7A  }
0x26: {  	[smem:$0x3F9D] =	sst s1;
	(tag) =	ssettag s2;
	_ =	strace s9  }
0x27: {  	s1 =	sld [smem:$0x3FAD]  }
0x28: {  	s2 =	sld [smem:$0x3FAE]  }
0x29: {  	s4 =	sld [smem:$0x3FB0]  }
0x2a: {  	p0 =	seq.s32 s5, $0x0;
	s5 =	sld [smem:$0x3FB1]  }
0x2b: {  	s6 =	sld [smem:$0x3FB2]  }
0x2c: {  	s7 =	sld [smem:$0x3FB3]  }
0x2d: {  	s3 =	simm.s32 $0x108;
	s8 =	sld [smem:$0x3FB4]  }
0x2e: {  	s3 =	simm.s32 @!p0 $0x1082;
	s9 =	sld [smem:$0x3FB5]  }
0x2f: {  	lr =	sadd.s32 s0, s3;
	s0 =	sld [smem:$0x3FAC]  }
0x30: {  	s3 =	sld [smem:$0x3FAF]  }
0x31: {  	[smem:$0x3FB8] =	sst s10  }
0x32: {  	s10 =	sld [smem:$0x3FB6];
	_ =	sdelay $0x3  }
0x33: {  	p0 =	seq.s32 s10, $0x1;
	s10 =	sld [smem:$0x3FB8];
	_ =	sdelay $0x3  }
0x34: {  	[smem:$0x3FB8] =	sst s10  }
0x35: {  	s10 =	sld [smem:$0x3FB7];
	_ =	sdelay $0x3  }
0x36: {  	p1 =	seq.s32 s10, $0x1;
	s10 =	sld [smem:$0x3FB8];
	_ =	sdelay $0x3  }
0x37: {  	[smem:$0x3FB8] =	sst s10  }
0x38: {  	s10 =	sld [smem:$0x3FB9]  }
0x39: {  	_ = 	snop;
	(pc) =	sbr.ind lr, $3  }
0x3a: {  	_ = 	snop  }
0x3b: {  	_ = 	snop  }
0x3c: {  	p2 =	seq.s32 s10, $0x1;
	s10 =	sld [smem:$0x3FB8]  }
0x3d: {  	_ =	shalt  }
0x3e: {  	_ =	shalt  }
0x3f: {  	_ =	shalt  }
0x40: {  	_ =	shalt  }
0x41: {  	_ =	shalt  }
0x42: {  	_ =	shalt  }
0x43: {  	_ =	shalt  }
0x44: {  	_ =	shalt  }
0x45: {  	_ =	shalt  }
0x46: {  	_ =	shalt  }
0x47: {  	_ =	shalt  }
0x48: {  	_ =	shalt  }
0x49: {  	_ =	shalt  }
0x4a: {  	_ =	shalt  }
0x4b: {  	_ =	shalt  }
0x4c: {  	_ =	shalt  }
0x4d: {  	_ =	shalt  }
0x4e: {  	_ =	shalt  }
0x4f: {  	_ =	shalt  }
0x50: {  	_ =	shalt  }
0x51: {  	_ =	shalt  }
0x52: {  	_ =	shalt  }
0x53: {  	_ =	shalt  }
0x54: {  	_ =	shalt  }
0x55: {  	_ =	shalt  }
0x56: {  	_ =	shalt  }
0x57: {  	_ =	shalt  }
0x58: {  	_ =	shalt  }
0x59: {  	_ =	shalt  }
0x5a: {  	_ =	shalt  }
0x5b: {  	_ =	shalt  }
0x5c: {  	_ =	shalt  }
0x5d: {  	_ =	shalt  }
0x5e: {  	_ =	shalt  }
0x5f: {  	_ =	shalt  }
0x60: {  	_ =	shalt  }
0x61: {  	_ =	shalt  }
0x62: {  	_ =	shalt  }
0x63: {  	_ =	shalt  }
0x64: {  	_ =	shalt  }
0x65: {  	_ =	shalt  }
0x66: {  	_ =	shalt  }
0x67: {  	_ =	shalt  }
0x68: {  	_ =	shalt  }
0x69: {  	_ =	shalt  }
0x6a: {  	_ =	shalt  }
0x6b: {  	_ =	shalt  }
0x6c: {  	_ =	shalt  }
0x6d: {  	_ =	shalt  }
0x6e: {  	_ =	shalt  }
0x6f: {  	_ =	shalt  }
0x70: {  	_ =	shalt  }
0x71: {  	_ =	shalt  }
0x72: {  	_ =	shalt  }
0x73: {  	_ =	shalt  }
0x74: {  	_ =	shalt  }
0x75: {  	_ =	shalt  }
0x76: {  	_ =	shalt  }
0x77: {  	_ =	shalt  }
0x78: {  	_ =	shalt  }
0x79: {  	_ =	shalt  }
0x7a: {  	_ =	shalt  }
0x7b: {  	_ =	shalt  }
0x7c: {  	_ =	shalt  }
0x7d: {  	_ =	shalt  }
0x7e: {  	_ =	shalt  }
0x7f: {  	_ =	shalt  }
0x80: {  	_ =	shalt  }
0x81: {  	_ =	shalt  }
0x82: {  	_ =	shalt  }
0x83: {  	_ =	shalt  }
0x84: {  	_ =	shalt  }
0x85: {  	_ =	shalt  }
0x86: {  	_ =	shalt  }
0x87: {  	_ =	shalt  }
.Lfunc_end0:
.L_simem_size_0:
called_computation_lowered:
.L_overlay_start_0:
0x88: {  	s2 =	sld [smem:$0x3FD9]  }
0x89: {  	s3 =	sld [smem:$0x3FFE];
	_ =	sdelay $0x1  }
0x8a: {  	s1 =	srdreg.scid  }
0x8b: {  	s0 =	sand.u32 $0x1, s1  }
0x8c: {  	s17 =	sshll.u32 s0, $0xA;
	s2 =	sadd.s32 s3, s2  }
0x8d: {  	s2 =	sadd.s32 s2, s17  }
0x8e: {  	[smem:$0x3FC4] =	sst s2  }
0x8f: {  	_ = 	snop  }
0x90: {  	s2 =	sld [smem:$0x3FD0];
	(tm) =	ssettm $0x1  }
0x91: {  	s18 =	sld [smem:$0x3FFB];
	_ =	sdelay $0x3  }
0x92: {  	_ =	strace s18  }
0x93: {  	s3 =	sld [smem:$0x3FFC];
	_ =	sdelay $0x3  }
0x94: {  	_ =	strace s3  }
0x95: {  	s3 =	sld [smem:$0x3FFD];
	_ =	sdelay $0x3  }
0x96: {  	_ =	strace s3  }
0x97: {  	_ =	strace $0x8FFFFFFF  }
0x98: {  	s19 =	sld [smem:$0x3FDB];
	_ =	sdelay $0x1  }
0x99: {  	s4 =	simm.s32 $_scs_section_size  }
0x9a: {  	s5 =	simm.s32 $_size__tile_overlayer_lowered;
	s6 =	simm.s32 $_tile_overlayer_lowered  }
0x9b: {  	s22 =	simm.s32 $0x1BFF;
	s21 =	sshll.u32 s6, $0x1;
	s3 =	sadd.s32 s4, s19  }
0x9c: {  	s7 =	simm.s32 $0x0;
	s20 =	sshll.u32 s5, $0x1;
	s5 =	sadd.s32 s21, s3  }
0x9d: {  	[timem:s7], [sflag:s22] =	dma.local [hbm:s5], s20  }
0x9e: {  	_ =	swait.ge [sflag:s22], s20  }
0x9f: {  	s4 =	ssub.s32 $0x0, s20;
	[sflag:s22] =	ssyncset.done $0x0  }
0xa0: {  	[sflag:s22] =	ssyncadd.s32 s4;
	_ =	sdelay $0x1  }
0xa1: {  	s23 =	simm.s32 $0x1B8B  }
0xa2: {  	_ =	swait.ge [sflag:s23], $0x1  }
0xa3: {  	[sflag:s23] =	ssyncset.done $0x0  }
0xa4: {  	s25 =	simm.s32 $0x1B8E;
	s24 =	sld [smem:$0x3FFE];
	[sflag:s23] =	ssyncadd.s32 $0xFFFFFFFF  }
0xa5: {  	s26 =	simm.s32 $execute0_lowered;
	[smem:$0x3FD2] =	sst s25  }
0xa6: {  	s5 =	sshll.u32 s26, $0x1;
	_ =	strace $0x80000046;
	[dreg:$0x1] =	wrdreg $0xFFFFFFFF  }
0xa7: {  	s28 =	simm.s32 $_size_execute0_lowered;
	s3 =	sadd.s32 s3, s5;
	[dreg:$0x0] =	wrdreg $0x0  }
0xa8: {  	s5 =	sshll.u32 s28, $0x1;
	[dreg:$0x2] =	wrdreg s3  }
0xa9: {  	[dreg:$0x3] =	wrdreg s5  }
0xaa: {  	[dreg:$0x4] =	wrdreg $0xC0  }
0xab: {  	_ =	task [dreg:s7], $0x5FFFF  }
0xac: {  	[dreg:$0x1] =	wrdreg $0xFFFFFFFF  }
0xad: {  	[dreg:$0x0] =	wrdreg $0x60  }
0xae: {  	[dreg:$0x2] =	wrdreg s2  }
0xaf: {  	[dreg:$0x3] =	wrdreg s24  }
0xb0: {  	[dreg:$0x4] =	wrdreg $0x9  }
0xb1: {  	_ =	task.clear_ibuf [dreg:s7], $0x5FFFF;
	_ =	strace $0x90000046  }
0xb2: {  	s29 =	simm.s32 $0x9;
	_ =	strace $0x80000048  }
0xb3: {  	_ =	swait.ge [sflag:s29], $0x1  }
0xb4: {  	[sflag:s29] =	ssyncadd.s32 $0xFFFFFFFF  }
0xb5: {  	_ =	strace $0x90000048  }
0xb6: {  	_ =	sfence  }
0xb7: {  	s30 =	sld [smem:$0x0];
	_ =	sdelay $0x2  }
0xb8: {  	s31 =	sshll.u32 s1, $0xD;
	s1 =	sshrl.u32 s1, $0x2  }
0xb9: {  	s3 =	sand.u32 $0x4000, s31;
	s1 =	sadd.s32 s1, s30  }
0xba: {  	s0 =	sor.u32 s3, s0;
	s1 =	sshll.u32 s1, $0x11  }
0xbb: {  	s0 =	sor.u32 s1, s0  }
0xbc: {  	s0 =	sadd.s32 $0x8F2B, s0  }
0xbd: {  	[sflag:s0] =	ssyncadd.remote.s32 $0x1  }
0xbe: {  	_ =	sfence.sel $0xFFFF  }
0xbf: {  	[dreg:$0x0] =	wrdreg $0xFFFFFFFF;
	(pc) =	sbr.abs _section_cstart, $3  }
0xc0: {  	[dreg:$0x1] =	wrdreg $0xFFFFFFFF  }
0xc1: {  	_ =	task.clear_ibuf [dreg:s7], $0x2FFFF;
	_ =	strace $0x9FFFFFFF  }
0xc2: {  	(tm) =	ssettm $0x7FFFFFFF  }
0xc3: {  	_ =	shalt  }
tec
execute0_lowered:
.L_overlay_start_1:
0x0: {  	(tag) =	ssettag $0x1  }
0x1: {  	s1 =	stileid.u32  }
0x2: {  	p0 =	sgt.u32 s1, $0x7  }
.Ltmp0:
0x3: {  	_ = 	snop;
	(pc) =	sbr.rel @p0 .LBB2_11-.Ltmp0, $4  }
0x4: {  	s6 =	rddreg [dreg:$0x0]  }
0x5: {  	s3 =	rddreg [dreg:$0x1];
	s2 =	simm.s32 $0x0  }
0x6: {  	[smem:$0x7FF] =	sst s2  }
0x7: {  	s0 =	rddreg [dreg:$0x2];
	_ =	strace $0x80000047  }
0x8: {  	s4 =	srdreg.scid;
	s30 =	sshll.u32 s1, $0x8;
	s5 =	sshrl.u32 s1, $0x2  }
0x9: {  	s7 =	sand.u32 $0x1, s4;
	s4 =	sand.u32 $0x300, s30;
	s31 =	sshll.u32 s5, $0xA  }
0xa: {  	v17 =	vlaneseq.u32;
	s9 =	sshll.u32 s5, $0x11;
	s5 =	simm.s32 $0x4000;
	s8 =	sshll.u32 s7, $0x7  }
0xb: {  	v2 =	vor.u32 $0x80000010, v17;
	v3 =	vor.u32 $0x80000020, v17;
	v4 =	vor.u32 $0x80000030, v17;
	s7 =	ssub.s32 $0x2, s7;
	s8 =	sor.u32 s8, s4  }
0xc: {  	s11 =	simm.s32 $0x0;
	v5 =	vor.u32 $0x80000040, v17;
	v6 =	vor.u32 $0x80000050, v17;
	v7 =	vor.u32 $0x80000060, v17;
	s10 =	sshrl.u32 s7, $0x1;
	s4 =	sor.u32 s31, s8  }
0xd: {  	v8 =	vor.u32 $0x80000070, v17;
	v9 =	vor.u32 $0x80000080, v17;
	v10 =	vor.u32 $0x80000090, v17;
	s8 =	sor.u32 s9, s8;
	s7 =	ssub.s32 s7, s10;
	s9 =	simm.s32 $0x1  }
0xe: {  	v0 =	vimm.s32 $0x0;
	v11 =	vor.u32 $0x800000A0, v17;
	v12 =	vor.u32 $0x800000B0, v17;
	s10 =	simm.s32 $0x4100;
	s4 =	sshrl.u32 s4, $0x3;
	s8 =	sshrl.u32 s8, $0x3  }
0xf: {  	v1 =	vimm.s32 $0x1;
	v13 =	vor.u32 $0x800000C0, v17;
	v14 =	vor.u32 $0x800000D0, v17;
	s7 =	smax.u32 s7, $0x1;
	s3 =	sadd.s32 s4, s3;
	s4 =	simm.s32 $0x400  }
0x10: {  	v15 =	vor.u32 $0x80000000, v17;
	v16 =	vor.u32 $0x800000E0, v17;
	v17 =	vor.u32 $0x800000F0, v17;
	s6 =	sadd.s32 s6, s8;
	s8 =	simm.s32 $0x80;
	s3 =	sadd.s32 $0xC00, s3  }
.LBB2_2:
0x11: {  	s12 =	simm.s32 $0x0  }
0x12: {  	[tilespmem:s12], [sflag:$0x1] =	stream.strided.gather [hbm4b:s6+s8], $0x4000, s4, s8, $0x38;
	[tilespmem:$0x4180] =	vst v63  }
0x13: {  	_ =	swait.ge [sflag:s9], $0x4000  }
0x14: {  	[sflag:s9] =	ssyncset.done $0x0  }
0x15: {  	[sflag:s9] =	ssyncadd.s32 $0xFFFFC000  }
0x16: {  	[tilespmem:$0x4000] =	vst v0  }
0x17: {  	[tilespmem:$0x4010] =	vst v0  }
0x18: {  	[tilespmem:$0x4020] =	vst v0  }
0x19: {  	[tilespmem:$0x4030] =	vst v0  }
0x1a: {  	[tilespmem:$0x4040] =	vst v0  }
0x1b: {  	[tilespmem:$0x4050] =	vst v0  }
0x1c: {  	[tilespmem:$0x4060] =	vst v0  }
0x1d: {  	[tilespmem:$0x4070] =	vst v0  }
0x1e: {  	[tilespmem:$0x4080] =	vst v0  }
0x1f: {  	[tilespmem:$0x4090] =	vst v0  }
0x20: {  	[tilespmem:$0x40A0] =	vst v0  }
0x21: {  	[tilespmem:$0x40B0] =	vst v0  }
0x22: {  	[tilespmem:$0x40C0] =	vst v0  }
0x23: {  	[tilespmem:$0x40D0] =	vst v0  }
0x24: {  	[tilespmem:$0x40E0] =	vst v0  }
0x25: {  	[tilespmem:$0x40F0] =	vst v0  }
.LBB2_3:
0x26: {  	s13 =	sshra.s32 s12, $0x2  }
0x27: {  	v18 =	vld [tilespmem:s13+$0x0];
	_ =	sdelay $0x4  }
0x28: {  	v19 =	vshra.s32 v18, $0x18  }
0x29: {  	vm0 =	vlt.s32 v18, $0x0;
	v18 =	vxor.u32 $0x7F, v19  }
0x2a: {  	v18 =	vsel vm0, v18, v19  }
0x2b: {  	v18 =	vadd.s32 $0x80, v18;
	_ =	sdelay $0x4  }
0x2c: {  	[tilespmem:v18+s5+$0x0] =	vst.idx.add.s32.msk $0xffff, v1  }
0x2d: {  	v18 =	vld [tilespmem:s13+$0x10];
	_ =	sdelay $0x4  }
0x2e: {  	v19 =	vshra.s32 v18, $0x18  }
0x2f: {  	vm9 =	vlt.s32 v18, $0x0;
	v18 =	vxor.u32 $0x7F, v19  }
0x30: {  	v18 =	vsel vm9, v18, v19  }
0x31: {  	v18 =	vadd.s32 $0x80, v18;
	_ =	sdelay $0x4  }
0x32: {  	[tilespmem:v18+s5+$0x0] =	vst.idx.add.s32.msk $0xffff, v1  }
0x33: {  	v18 =	vld [tilespmem:s13+$0x20];
	_ =	sdelay $0x4  }
0x34: {  	v19 =	vshra.s32 v18, $0x18  }
0x35: {  	vm10 =	vlt.s32 v18, $0x0;
	v18 =	vxor.u32 $0x7F, v19  }
0x36: {  	v18 =	vsel vm10, v18, v19  }
0x37: {  	v18 =	vadd.s32 $0x80, v18;
	_ =	sdelay $0x4  }
0x38: {  	[tilespmem:v18+s5+$0x0] =	vst.idx.add.s32.msk $0xffff, v1  }
0x39: {  	v18 =	vld [tilespmem:s13+$0x30];
	_ =	sdelay $0x4  }
0x3a: {  	v19 =	vshra.s32 v18, $0x18  }
0x3b: {  	vm11 =	vlt.s32 v18, $0x0;
	v18 =	vxor.u32 $0x7F, v19  }
0x3c: {  	v18 =	vsel vm11, v18, v19  }
0x3d: {  	v18 =	vadd.s32 $0x80, v18;
	_ =	sdelay $0x4  }
0x3e: {  	[tilespmem:v18+s5+$0x0] =	vst.idx.add.s32.msk $0xffff, v1  }
0x3f: {  	v18 =	vld [tilespmem:s13+$0x40];
	_ =	sdelay $0x4  }
0x40: {  	v19 =	vshra.s32 v18, $0x18  }
0x41: {  	vm12 =	vlt.s32 v18, $0x0;
	v18 =	vxor.u32 $0x7F, v19  }
0x42: {  	v18 =	vsel vm12, v18, v19  }
0x43: {  	v18 =	vadd.s32 $0x80, v18;
	_ =	sdelay $0x4  }
0x44: {  	[tilespmem:v18+s5+$0x0] =	vst.idx.add.s32.msk $0xffff, v1  }
0x45: {  	v18 =	vld [tilespmem:s13+$0x50];
	_ =	sdelay $0x4  }
0x46: {  	v19 =	vshra.s32 v18, $0x18  }
0x47: {  	vm13 =	vlt.s32 v18, $0x0;
	v18 =	vxor.u32 $0x7F, v19  }
0x48: {  	v18 =	vsel vm13, v18, v19  }
0x49: {  	v18 =	vadd.s32 $0x80, v18;
	_ =	sdelay $0x4  }
0x4a: {  	[tilespmem:v18+s5+$0x0] =	vst.idx.add.s32.msk $0xffff, v1  }
0x4b: {  	v18 =	vld [tilespmem:s13+$0x60];
	_ =	sdelay $0x4  }
0x4c: {  	v19 =	vshra.s32 v18, $0x18  }
0x4d: {  	vm14 =	vlt.s32 v18, $0x0;
	v18 =	vxor.u32 $0x7F, v19  }
0x4e: {  	v18 =	vsel vm14, v18, v19  }
0x4f: {  	v18 =	vadd.s32 $0x80, v18;
	_ =	sdelay $0x4  }
0x50: {  	[tilespmem:v18+s5+$0x0] =	vst.idx.add.s32.msk $0xffff, v1  }
0x51: {  	v18 =	vld [tilespmem:s13+$0x70];
	_ =	sdelay $0x4  }
0x52: {  	v19 =	vshra.s32 v18, $0x18  }
0x53: {  	vm15 =	vlt.s32 v18, $0x0;
	v18 =	vxor.u32 $0x7F, v19  }
0x54: {  	v18 =	vsel vm15, v18, v19  }
0x55: {  	p0 =	sne.s32 s12, $0xFE00;
	v18 =	vadd.s32 $0x80, v18  }
.Ltmp1:
0x56: {  	_ = 	snop;
	(pc) =	sbr.rel @p0 .LBB2_3-.Ltmp1, $2  }
0x57: {  	_ =	sdelay $0x2  }
0x58: {  	s12 =	sadd.s32 $0x200, s12;
	[tilespmem:v18+s5+$0x0] =	vst.idx.add.s32.msk $0xffff, v1  }
0x59: {  	v28 =	vld [tilespmem:$0x4000]  }
0x5a: {  	v29 =	vld [tilespmem:$0x4010]  }
0x5b: {  	v30 =	vld [tilespmem:$0x4020]  }
0x5c: {  	v31 =	vld [tilespmem:$0x4030]  }
0x5d: {  	v32 =	vld [tilespmem:$0x4040]  }
0x5e: {  	v33 =	vld [tilespmem:$0x4050]  }
0x5f: {  	v34 =	vld [tilespmem:$0x4060];
	v18 =	vadd.s32 v28, v29  }
0x60: {  	v27 =	vld [tilespmem:$0x4070];
	v18 =	vadd.s32 v30, v18  }
0x61: {  	v26 =	vld [tilespmem:$0x4080];
	v18 =	vadd.s32 v31, v18  }
0x62: {  	v25 =	vld [tilespmem:$0x4090];
	v18 =	vadd.s32 v32, v18  }
0x63: {  	v24 =	vld [tilespmem:$0x40A0];
	v18 =	vadd.s32 v33, v18  }
0x64: {  	v23 =	vld [tilespmem:$0x40B0];
	v18 =	vadd.s32 v34, v18  }
0x65: {  	v22 =	vld [tilespmem:$0x40C0];
	v18 =	vadd.s32 v27, v18  }
0x66: {  	v21 =	vld [tilespmem:$0x40D0];
	v18 =	vadd.s32 v26, v18  }
0x67: {  	v20 =	vld [tilespmem:$0x40E0];
	v18 =	vadd.s32 v25, v18  }
0x68: {  	v19 =	vadd.s32 v24, v18;
	v18 =	vld [tilespmem:$0x40F0]  }
0x69: {  	v19 =	vadd.s32 v23, v19  }
0x6a: {  	v19 =	vadd.s32 v22, v19  }
0x6b: {  	v19 =	vadd.s32 v21, v19  }
0x6c: {  	v19 =	vadd.s32 v20, v19  }
0x6d: {  	v19 =	vadd.s32 v18, v19  }
0x6e: {  	(xrf0) =	vadd.scan.msk.s32 $0xffff, v19  }
0x6f: {  	(xrf0) =	vadd.scan.msk.s32 $0xffff, v28;
	_ =	sdelay $0x4  }
0x70: {  	v19, _, _ =	vpop (xrf0)  }
0x71: {  	v35, _, _ =	vpop (xrf0);
	v19 =	vbroadcast v19, $0xF  }
0x72: {  	v28 =	vsub.s32 v28, v35  }
0x73: {  	v28 =	vadd.s32 v19, v28  }
0x74: {  	vm0 =	vgt.s32 v28, $0x3FF  }
0x75: {  	v28 =	vnsel vm0, $0x80000000, v15  }
0x76: {  	(xrf0) =	vmax.scan.msk.u32 $0xffff, v28  }
0x77: {  	(xrf0) =	vadd.scan.msk.s32 $0xffff, v29;
	_ =	sdelay $0x4  }
0x78: {  	v36 =	vsub.s32 $0x0, v35;
	v28, _, _ =	vpop (xrf0)  }
0x79: {  	v36 =	vbroadcast v36, $0xF;
	v37, _, _ =	vpop (xrf0)  }
0x7a: {  	v29 =	vsub.s32 v29, v37  }
0x7b: {  	v29 =	vadd.s32 v36, v29  }
0x7c: {  	v29 =	vadd.s32 v19, v29  }
0x7d: {  	vm13 =	vgt.s32 v29, $0x3FF  }
0x7e: {  	v29 =	vnsel vm13, $0x80000000, v2  }
0x7f: {  	(xrf0) =	vmax.scan.msk.u32 $0xffff, v29;
	_ =	sdelay $0x4  }
0x80: {  	(v2sf) =	vpush v28, $0xF  }
0x81: {  	(v2sf) =	vpush v35, $0xF;
	v61, _, _ =	vpop (xrf0)  }
0x82: {  	(v2sf) =	vpush v61, $0xF  }
0x83: {  	(v2sf) =	vpush v37, $0xF;
	_ =	sdelay $0xb  }
0x84: {  	s12 =	spop (v2sf)  }
0x85: {  	(xrf0) =	vadd.scan.msk.s32 $0xffff, v30;
	s14 =	spop (v2sf)  }
0x86: {  	s13 =	spop (v2sf)  }
0x87: {  	s15 =	spop (v2sf)  }
0x88: {  	s15 =	sadd.s32 s14, s15  }
0x89: {  	v62 =	vmov s15  }
0x8a: {  	v28 =	vsub.s32 $0x0, v62  }
0x8b: {  	v63, _, _ =	vpop (xrf0);
	v28 =	vbroadcast v28, $0x0  }
0x8c: {  	v30 =	vsub.s32 v30, v63  }
0x8d: {  	v28 =	vadd.s32 v28, v30  }
0x8e: {  	v28 =	vadd.s32 v19, v28  }
0x8f: {  	vm14 =	vgt.s32 v28, $0x3FF  }
0x90: {  	v28 =	vnsel vm14, $0x80000000, v3  }
0x91: {  	(xrf0) =	vmax.scan.msk.u32 $0xffff, v28;
	_ =	sdelay $0x5  }
0x92: {  	v28, _, _ =	vpop (xrf0)  }
0x93: {  	(v2sf) =	vpush v28, $0xF  }
0x94: {  	(v2sf) =	vpush v63, $0xF;
	_ =	sdelay $0xc  }
0x95: {  	(xrf0) =	vadd.scan.msk.s32 $0xffff, v31  }
0x96: {  	s14 =	spop (v2sf)  }
0x97: {  	s16 =	spop (v2sf)  }
0x98: {  	s16 =	sadd.s32 s16, s15  }
0x99: {  	v35 =	vmov s16  }
0x9a: {  	v28 =	vsub.s32 $0x0, v35  }
0x9b: {  	v36, _, _ =	vpop (xrf0);
	v28 =	vbroadcast v28, $0x0  }
0x9c: {  	v37 =	vsub.s32 v31, v36  }
0x9d: {  	v28 =	vadd.s32 v28, v37  }
0x9e: {  	v28 =	vadd.s32 v19, v28  }
0x9f: {  	vm15 =	vgt.s32 v28, $0x3FF  }
0xa0: {  	v28 =	vnsel vm15, $0x80000000, v4  }
0xa1: {  	(xrf0) =	vmax.scan.msk.u32 $0xffff, v28;
	_ =	sdelay $0x5  }
0xa2: {  	v28, _, _ =	vpop (xrf0)  }
0xa3: {  	(v2sf) =	vpush v28, $0xF  }
0xa4: {  	(v2sf) =	vpush v36, $0xF;
	_ =	sdelay $0xc  }
0xa5: {  	(xrf0) =	vadd.scan.msk.s32 $0xffff, v32  }
0xa6: {  	s15 =	spop (v2sf)  }
0xa7: {  	s17 =	spop (v2sf)  }
0xa8: {  	s17 =	sadd.s32 s17, s16  }
0xa9: {  	v38 =	vmov s17  }
0xaa: {  	v28 =	vsub.s32 $0x0, v38  }
0xab: {  	v39, _, _ =	vpop (xrf0);
	v28 =	vbroadcast v28, $0x0  }
0xac: {  	v40 =	vsub.s32 v32, v39  }
0xad: {  	v28 =	vadd.s32 v28, v40  }
0xae: {  	v28 =	vadd.s32 v19, v28  }
0xaf: {  	vm4 =	vgt.s32 v28, $0x3FF  }
0xb0: {  	v28 =	vnsel vm4, $0x80000000, v5  }
0xb1: {  	(xrf0) =	vmax.scan.msk.u32 $0xffff, v28;
	_ =	sdelay $0x5  }
0xb2: {  	v28, _, _ =	vpop (xrf0)  }
0xb3: {  	(v2sf) =	vpush v28, $0xF  }
0xb4: {  	(v2sf) =	vpush v39, $0xF;
	_ =	sdelay $0xc  }
0xb5: {  	(xrf0) =	vadd.scan.msk.s32 $0xffff, v33  }
0xb6: {  	s16 =	spop (v2sf)  }
0xb7: {  	s18 =	spop (v2sf)  }
0xb8: {  	s18 =	sadd.s32 s18, s17  }
0xb9: {  	v41 =	vmov s18  }
0xba: {  	v28 =	vsub.s32 $0x0, v41  }
0xbb: {  	v42, _, _ =	vpop (xrf0);
	v28 =	vbroadcast v28, $0x0  }
0xbc: {  	v43 =	vsub.s32 v33, v42  }
0xbd: {  	v28 =	vadd.s32 v28, v43  }
0xbe: {  	v28 =	vadd.s32 v19, v28  }
0xbf: {  	vm5 =	vgt.s32 v28, $0x3FF  }
0xc0: {  	v28 =	vnsel vm5, $0x80000000, v6  }
0xc1: {  	(xrf0) =	vmax.scan.msk.u32 $0xffff, v28;
	_ =	sdelay $0x5  }
0xc2: {  	v28, _, _ =	vpop (xrf0)  }
0xc3: {  	(v2sf) =	vpush v28, $0xF  }
0xc4: {  	(v2sf) =	vpush v42, $0xF;
	_ =	sdelay $0xc  }
0xc5: {  	(xrf0) =	vadd.scan.msk.s32 $0xffff, v34  }
0xc6: {  	s17 =	spop (v2sf)  }
0xc7: {  	s19 =	spop (v2sf)  }
0xc8: {  	s19 =	sadd.s32 s19, s18  }
0xc9: {  	v44 =	vmov s19  }
0xca: {  	v28 =	vsub.s32 $0x0, v44  }
0xcb: {  	v45, _, _ =	vpop (xrf0);
	v28 =	vbroadcast v28, $0x0  }
0xcc: {  	v46 =	vsub.s32 v34, v45  }
0xcd: {  	v28 =	vadd.s32 v28, v46  }
0xce: {  	v28 =	vadd.s32 v19, v28  }
0xcf: {  	vm6 =	vgt.s32 v28, $0x3FF  }
0xd0: {  	v28 =	vnsel vm6, $0x80000000, v7  }
0xd1: {  	(xrf0) =	vmax.scan.msk.u32 $0xffff, v28;
	_ =	sdelay $0x5  }
0xd2: {  	v28, _, _ =	vpop (xrf0)  }
0xd3: {  	(v2sf) =	vpush v28, $0xF  }
0xd4: {  	(v2sf) =	vpush v45, $0xF;
	_ =	sdelay $0xc  }
0xd5: {  	(xrf0) =	vadd.scan.msk.s32 $0xffff, v27  }
0xd6: {  	s18 =	spop (v2sf)  }
0xd7: {  	s20 =	spop (v2sf)  }
0xd8: {  	s20 =	sadd.s32 s20, s19  }
0xd9: {  	v47 =	vmov s20  }
0xda: {  	v28 =	vsub.s32 $0x0, v47  }
0xdb: {  	v48, _, _ =	vpop (xrf0);
	v28 =	vbroadcast v28, $0x0  }
0xdc: {  	v27 =	vsub.s32 v27, v48  }
0xdd: {  	v27 =	vadd.s32 v28, v27  }
0xde: {  	v27 =	vadd.s32 v19, v27  }
0xdf: {  	vm7 =	vgt.s32 v27, $0x3FF  }
0xe0: {  	v27 =	vnsel vm7, $0x80000000, v8  }
0xe1: {  	(xrf0) =	vmax.scan.msk.u32 $0xffff, v27;
	_ =	sdelay $0x5  }
0xe2: {  	v27, _, _ =	vpop (xrf0)  }
0xe3: {  	(v2sf) =	vpush v27, $0xF  }
0xe4: {  	(v2sf) =	vpush v48, $0xF;
	_ =	sdelay $0xc  }
0xe5: {  	(xrf0) =	vadd.scan.msk.s32 $0xffff, v26  }
0xe6: {  	s19 =	spop (v2sf)  }
0xe7: {  	s21 =	spop (v2sf)  }
0xe8: {  	s21 =	sadd.s32 s21, s20  }
0xe9: {  	v49 =	vmov s21  }
0xea: {  	v27 =	vsub.s32 $0x0, v49  }
0xeb: {  	v50, _, _ =	vpop (xrf0);
	v27 =	vbroadcast v27, $0x0  }
0xec: {  	v26 =	vsub.s32 v26, v50  }
0xed: {  	v26 =	vadd.s32 v27, v26  }
0xee: {  	v26 =	vadd.s32 v19, v26  }
0xef: {  	vm8 =	vgt.s32 v26, $0x3FF  }
0xf0: {  	v26 =	vnsel vm8, $0x80000000, v9  }
0xf1: {  	(xrf0) =	vmax.scan.msk.u32 $0xffff, v26;
	_ =	sdelay $0x5  }
0xf2: {  	v26, _, _ =	vpop (xrf0)  }
0xf3: {  	(v2sf) =	vpush v26, $0xF  }
0xf4: {  	(v2sf) =	vpush v50, $0xF;
	_ =	sdelay $0xc  }
0xf5: {  	(xrf0) =	vadd.scan.msk.s32 $0xffff, v25  }
0xf6: {  	s20 =	spop (v2sf)  }
0xf7: {  	s22 =	spop (v2sf)  }
0xf8: {  	s22 =	sadd.s32 s22, s21  }
0xf9: {  	v51 =	vmov s22  }
0xfa: {  	v26 =	vsub.s32 $0x0, v51  }
0xfb: {  	v52, _, _ =	vpop (xrf0);
	v26 =	vbroadcast v26, $0x0  }
0xfc: {  	v25 =	vsub.s32 v25, v52  }
0xfd: {  	v25 =	vadd.s32 v26, v25  }
0xfe: {  	v25 =	vadd.s32 v19, v25  }
0xff: {  	vm9 =	vgt.s32 v25, $0x3FF  }
0x100: {  	v25 =	vnsel vm9, $0x80000000, v10  }
0x101: {  	(xrf0) =	vmax.scan.msk.u32 $0xffff, v25;
	_ =	sdelay $0x5  }
0x102: {  	v25, _, _ =	vpop (xrf0)  }
0x103: {  	(v2sf) =	vpush v25, $0xF  }
0x104: {  	(v2sf) =	vpush v52, $0xF;
	_ =	sdelay $0xc  }
0x105: {  	(xrf0) =	vadd.scan.msk.s32 $0xffff, v24  }
0x106: {  	s21 =	spop (v2sf)  }
0x107: {  	s23 =	spop (v2sf)  }
0x108: {  	s23 =	sadd.s32 s23, s22  }
0x109: {  	v53 =	vmov s23  }
0x10a: {  	v25 =	vsub.s32 $0x0, v53  }
0x10b: {  	v54, _, _ =	vpop (xrf0);
	v25 =	vbroadcast v25, $0x0  }
0x10c: {  	v24 =	vsub.s32 v24, v54  }
0x10d: {  	v24 =	vadd.s32 v25, v24  }
0x10e: {  	v24 =	vadd.s32 v19, v24  }
0x10f: {  	vm10 =	vgt.s32 v24, $0x3FF  }
0x110: {  	v24 =	vnsel vm10, $0x80000000, v11  }
0x111: {  	(xrf0) =	vmax.scan.msk.u32 $0xffff, v24;
	_ =	sdelay $0x5  }
0x112: {  	v24, _, _ =	vpop (xrf0)  }
0x113: {  	(v2sf) =	vpush v24, $0xF  }
0x114: {  	(v2sf) =	vpush v54, $0xF;
	_ =	sdelay $0xc  }
0x115: {  	(xrf0) =	vadd.scan.msk.s32 $0xffff, v23  }
0x116: {  	s22 =	spop (v2sf)  }
0x117: {  	s24 =	spop (v2sf)  }
0x118: {  	s24 =	sadd.s32 s24, s23  }
0x119: {  	v55 =	vmov s24  }
0x11a: {  	v24 =	vsub.s32 $0x0, v55  }
0x11b: {  	v56, _, _ =	vpop (xrf0);
	v24 =	vbroadcast v24, $0x0  }
0x11c: {  	v23 =	vsub.s32 v23, v56  }
0x11d: {  	v23 =	vadd.s32 v24, v23  }
0x11e: {  	v23 =	vadd.s32 v19, v23  }
0x11f: {  	vm11 =	vgt.s32 v23, $0x3FF  }
0x120: {  	v23 =	vnsel vm11, $0x80000000, v12  }
0x121: {  	(xrf0) =	vmax.scan.msk.u32 $0xffff, v23;
	_ =	sdelay $0x5  }
0x122: {  	v23, _, _ =	vpop (xrf0)  }
0x123: {  	(v2sf) =	vpush v23, $0xF  }
0x124: {  	(v2sf) =	vpush v56, $0xF;
	_ =	sdelay $0xc  }
0x125: {  	(xrf0) =	vadd.scan.msk.s32 $0xffff, v22  }
0x126: {  	s23 =	spop (v2sf)  }
0x127: {  	s25 =	spop (v2sf)  }
0x128: {  	s25 =	sadd.s32 s25, s24  }
0x129: {  	v57 =	vmov s25  }
0x12a: {  	v23 =	vsub.s32 $0x0, v57  }
0x12b: {  	v58, _, _ =	vpop (xrf0);
	v23 =	vbroadcast v23, $0x0  }
0x12c: {  	v22 =	vsub.s32 v22, v58  }
0x12d: {  	v22 =	vadd.s32 v23, v22  }
0x12e: {  	v22 =	vadd.s32 v19, v22  }
0x12f: {  	vm12 =	vgt.s32 v22, $0x3FF  }
0x130: {  	v22 =	vnsel vm12, $0x80000000, v13  }
0x131: {  	(xrf0) =	vmax.scan.msk.u32 $0xffff, v22;
	_ =	sdelay $0x5  }
0x132: {  	v22, _, _ =	vpop (xrf0)  }
0x133: {  	(v2sf) =	vpush v22, $0xF  }
0x134: {  	(v2sf) =	vpush v58, $0xF;
	_ =	sdelay $0xc  }
0x135: {  	(xrf0) =	vadd.scan.msk.s32 $0xffff, v21  }
0x136: {  	s24 =	spop (v2sf)  }
0x137: {  	s26 =	spop (v2sf)  }
0x138: {  	s26 =	sadd.s32 s26, s25  }
0x139: {  	v59 =	vmov s26  }
0x13a: {  	v22 =	vsub.s32 $0x0, v59  }
0x13b: {  	v60, _, _ =	vpop (xrf0);
	v22 =	vbroadcast v22, $0x0  }
0x13c: {  	v21 =	vsub.s32 v21, v60  }
0x13d: {  	v21 =	vadd.s32 v22, v21  }
0x13e: {  	v21 =	vadd.s32 v19, v21  }
0x13f: {  	vm13 =	vgt.s32 v21, $0x3FF  }
0x140: {  	v21 =	vnsel vm13, $0x80000000, v14  }
0x141: {  	(xrf0) =	vmax.scan.msk.u32 $0xffff, v21;
	_ =	sdelay $0x5  }
0x142: {  	v21, _, _ =	vpop (xrf0)  }
0x143: {  	(v2sf) =	vpush v21, $0xF  }
0x144: {  	(v2sf) =	vpush v60, $0xF;
	_ =	sdelay $0xc  }
0x145: {  	(xrf0) =	vadd.scan.msk.s32 $0xffff, v20  }
0x146: {  	s31 =	spop (v2sf)  }
0x147: {  	s28 =	spop (v2sf)  }
0x148: {  	s26 =	sadd.s32 s28, s26  }
0x149: {  	v61 =	vmov s26  }
0x14a: {  	v21 =	vsub.s32 $0x0, v61  }
0x14b: {  	v62, _, _ =	vpop (xrf0);
	v21 =	vbroadcast v21, $0x0  }
0x14c: {  	v20 =	vsub.s32 v20, v62  }
0x14d: {  	v20 =	vadd.s32 v21, v20  }
0x14e: {  	v20 =	vadd.s32 v19, v20  }
0x14f: {  	vm14 =	vgt.s32 v20, $0x3FF  }
0x150: {  	v20 =	vnsel vm14, $0x80000000, v16  }
0x151: {  	(xrf0) =	vmax.scan.msk.u32 $0xffff, v20;
	_ =	sdelay $0x5  }
0x152: {  	v20, _, _ =	vpop (xrf0)  }
0x153: {  	(v2sf) =	vpush v20, $0xF  }
0x154: {  	(v2sf) =	vpush v62, $0xF;
	_ =	sdelay $0xb  }
0x155: {  	(xrf0) =	vadd.scan.msk.s32 $0xffff, v18;
	_ =	sdelay $0x1  }
0x156: {  	s30 =	spop (v2sf)  }
0x157: {  	s29 =	spop (v2sf)  }
0x158: {  	s26 =	sadd.s32 s29, s26  }
0x159: {  	v20 =	vmov s26  }
0x15a: {  	v63, _, _ =	vpop (xrf0);
	v20 =	vsub.s32 $0x0, v20  }
0x15b: {  	s12 =	sxor.u32 $0x80000000, s12;
	s13 =	sxor.u32 $0x80000000, s13;
	v18 =	vsub.s32 v18, v63;
	v20 =	vbroadcast v20, $0x0  }
0x15c: {  	p0 =	sgt.s32 s12, s13;
	v18 =	vadd.s32 v19, v18  }
0x15d: {  	s13 =	smov.u32 @p0 s12;
	s12 =	sxor.u32 $0x80000000, s14;
	v18 =	vadd.s32 v20, v18  }
0x15e: {  	p0 =	sgt.s32 s13, s12;
	vm15 =	vgt.s32 v18, $0x3FF  }
0x15f: {  	s12 =	smov.u32 @p0 s13;
	s13 =	sxor.u32 $0x80000000, s15;
	v18 =	vnsel vm15, $0x80000000, v17  }
0x160: {  	p0 =	sgt.s32 s12, s13;
	(xrf0) =	vmax.scan.msk.u32 $0xffff, v18  }
0x161: {  	s13 =	smov.u32 @p0 s12;
	s12 =	sxor.u32 $0x80000000, s16  }
0x162: {  	p0 =	sgt.s32 s13, s12  }
0x163: {  	s12 =	smov.u32 @p0 s13;
	s13 =	sxor.u32 $0x80000000, s17  }
0x164: {  	p0 =	sgt.s32 s12, s13  }
0x165: {  	s13 =	smov.u32 @p0 s12;
	s12 =	sxor.u32 $0x80000000, s18  }
0x166: {  	p0 =	sgt.s32 s13, s12;
	v18, _, _ =	vpop (xrf0)  }
0x167: {  	s12 =	smov.u32 @p0 s13;
	s13 =	sxor.u32 $0x80000000, s19;
	(v2sf) =	vpush v18, $0xF  }
0x168: {  	p0 =	sgt.s32 s12, s13  }
0x169: {  	s13 =	smov.u32 @p0 s12;
	s12 =	sxor.u32 $0x80000000, s20  }
0x16a: {  	p0 =	sgt.s32 s13, s12  }
0x16b: {  	s12 =	smov.u32 @p0 s13;
	s13 =	sxor.u32 $0x80000000, s21  }
0x16c: {  	p0 =	sgt.s32 s12, s13  }
0x16d: {  	s13 =	smov.u32 @p0 s12;
	s12 =	sxor.u32 $0x80000000, s22  }
0x16e: {  	p0 =	sgt.s32 s13, s12  }
0x16f: {  	[tilespmem:$0x4000] =	vst v0;
	s12 =	smov.u32 @p0 s13;
	s13 =	sxor.u32 $0x80000000, s23  }
0x170: {  	[tilespmem:$0x4010] =	vst v0;
	p0 =	sgt.s32 s12, s13  }
0x171: {  	[tilespmem:$0x4020] =	vst v0;
	s13 =	smov.u32 @p0 s12;
	s12 =	sxor.u32 $0x80000000, s24  }
0x172: {  	[tilespmem:$0x4030] =	vst v0;
	p0 =	sgt.s32 s13, s12  }
0x173: {  	[tilespmem:$0x4040] =	vst v0;
	s12 =	smov.u32 @p0 s13;
	s13 =	sxor.u32 $0x80000000, s31  }
0x174: {  	[tilespmem:$0x4050] =	vst v0;
	p0 =	sgt.s32 s12, s13  }
0x175: {  	[tilespmem:$0x4060] =	vst v0;
	s13 =	smov.u32 @p0 s12;
	s12 =	sxor.u32 $0x80000000, s30  }
0x176: {  	[tilespmem:$0x4070] =	vst v0;
	p0 =	sgt.s32 s13, s12;
	s31 =	spop (v2sf)  }
0x177: {  	[tilespmem:$0x4080] =	vst v0;
	s12 =	smov.u32 @p0 s13;
	s13 =	sxor.u32 $0x80000000, s31  }
0x178: {  	[tilespmem:$0x4090] =	vst v0;
	p0 =	sgt.s32 s12, s13  }
0x179: {  	[tilespmem:$0x40A0] =	vst v0;
	s13 =	smov.u32 @p0 s12  }
0x17a: {  	[tilespmem:$0x40B0] =	vst v0;
	p0 =	sgt.s32 s13, $0x0  }
0x17b: {  	[tilespmem:$0x40C0] =	vst v0;
	s13 =	simm.s32 @!p0 $0x0  }
0x17c: {  	[tilespmem:$0x40D0] =	vst v0;
	s13 =	sshll.u32 s13, $0x18  }
0x17d: {  	[tilespmem:$0x40E0] =	vst v0;
	s12 =	sxor.u32 $0x80000000, s13;
	s13 =	sadd.s32 $0x80FFFFFF, s13  }
0x17e: {  	[tilespmem:$0x40F0] =	vst v0;
	v18 =	vmov s12;
	v19 =	vmov s13;
	s13 =	simm.s32 $0x0  }
.LBB2_5:
0x17f: {  	s14 =	sshra.s32 s13, $0x2  }
0x180: {  	v20 =	vld [tilespmem:s14+$0x0];
	_ =	sdelay $0x4  }
0x181: {  	v21 =	vxor.u32 $0x7FFFFFFF, v20;
	vm0 =	vlt.s32 v20, $0x0  }
0x182: {  	v20 =	vsel vm0, v21, v20  }
0x183: {  	vm0 =	vgt.s32 v18, v20  }
0x184: {  	v20 =	vsel vm0, v18, v20  }
0x185: {  	vm0 =	vlt.s32 v19, v20  }
0x186: {  	v20 =	vsel vm0, v19, v20  }
0x187: {  	v20 =	vsub.s32 v20, v18  }
0x188: {  	v20 =	vshra.s32 v20, $0x10;
	_ =	sdelay $0x4  }
0x189: {  	[tilespmem:v20+s5+$0x0] =	vst.idx.add.s32.msk $0xffff, v1  }
0x18a: {  	v20 =	vld [tilespmem:s14+$0x10];
	_ =	sdelay $0x4  }
0x18b: {  	v57 =	vxor.u32 $0x7FFFFFFF, v20;
	vm9 =	vlt.s32 v20, $0x0  }
0x18c: {  	v20 =	vsel vm9, v57, v20  }
0x18d: {  	vm0 =	vgt.s32 v18, v20  }
0x18e: {  	v20 =	vsel vm0, v18, v20  }
0x18f: {  	vm0 =	vlt.s32 v19, v20  }
0x190: {  	v20 =	vsel vm0, v19, v20  }
0x191: {  	v20 =	vsub.s32 v20, v18  }
0x192: {  	v20 =	vshra.s32 v20, $0x10;
	_ =	sdelay $0x4  }
0x193: {  	[tilespmem:v20+s5+$0x0] =	vst.idx.add.s32.msk $0xffff, v1  }
0x194: {  	v20 =	vld [tilespmem:s14+$0x20];
	_ =	sdelay $0x4  }
0x195: {  	v58 =	vxor.u32 $0x7FFFFFFF, v20;
	vm10 =	vlt.s32 v20, $0x0  }
0x196: {  	v20 =	vsel vm10, v58, v20  }
0x197: {  	vm0 =	vgt.s32 v18, v20  }
0x198: {  	v20 =	vsel vm0, v18, v20  }
0x199: {  	vm0 =	vlt.s32 v19, v20  }
0x19a: {  	v20 =	vsel vm0, v19, v20  }
0x19b: {  	v20 =	vsub.s32 v20, v18  }
0x19c: {  	v20 =	vshra.s32 v20, $0x10;
	_ =	sdelay $0x4  }
0x19d: {  	[tilespmem:v20+s5+$0x0] =	vst.idx.add.s32.msk $0xffff, v1  }
0x19e: {  	v20 =	vld [tilespmem:s14+$0x30];
	_ =	sdelay $0x4  }
0x19f: {  	v59 =	vxor.u32 $0x7FFFFFFF, v20;
	vm11 =	vlt.s32 v20, $0x0  }
0x1a0: {  	v20 =	vsel vm11, v59, v20  }
0x1a1: {  	vm0 =	vgt.s32 v18, v20  }
0x1a2: {  	v20 =	vsel vm0, v18, v20  }
0x1a3: {  	vm0 =	vlt.s32 v19, v20  }
0x1a4: {  	v20 =	vsel vm0, v19, v20  }
0x1a5: {  	v20 =	vsub.s32 v20, v18  }
0x1a6: {  	v20 =	vshra.s32 v20, $0x10;
	_ =	sdelay $0x4  }
0x1a7: {  	[tilespmem:v20+s5+$0x0] =	vst.idx.add.s32.msk $0xffff, v1  }
0x1a8: {  	v20 =	vld [tilespmem:s14+$0x40];
	_ =	sdelay $0x4  }
0x1a9: {  	v60 =	vxor.u32 $0x7FFFFFFF, v20;
	vm12 =	vlt.s32 v20, $0x0  }
0x1aa: {  	v20 =	vsel vm12, v60, v20  }
0x1ab: {  	vm0 =	vgt.s32 v18, v20  }
0x1ac: {  	v20 =	vsel vm0, v18, v20  }
0x1ad: {  	vm0 =	vlt.s32 v19, v20  }
0x1ae: {  	v20 =	vsel vm0, v19, v20  }
0x1af: {  	v20 =	vsub.s32 v20, v18  }
0x1b0: {  	v20 =	vshra.s32 v20, $0x10;
	_ =	sdelay $0x4  }
0x1b1: {  	[tilespmem:v20+s5+$0x0] =	vst.idx.add.s32.msk $0xffff, v1  }
0x1b2: {  	v20 =	vld [tilespmem:s14+$0x50];
	_ =	sdelay $0x4  }
0x1b3: {  	v61 =	vxor.u32 $0x7FFFFFFF, v20;
	vm13 =	vlt.s32 v20, $0x0  }
0x1b4: {  	v20 =	vsel vm13, v61, v20  }
0x1b5: {  	vm0 =	vgt.s32 v18, v20  }
0x1b6: {  	v20 =	vsel vm0, v18, v20  }
0x1b7: {  	vm0 =	vlt.s32 v19, v20  }
0x1b8: {  	v20 =	vsel vm0, v19, v20  }
0x1b9: {  	v20 =	vsub.s32 v20, v18  }
0x1ba: {  	v20 =	vshra.s32 v20, $0x10;
	_ =	sdelay $0x4  }
0x1bb: {  	[tilespmem:v20+s5+$0x0] =	vst.idx.add.s32.msk $0xffff, v1  }
0x1bc: {  	v20 =	vld [tilespmem:s14+$0x60];
	_ =	sdelay $0x4  }
0x1bd: {  	v62 =	vxor.u32 $0x7FFFFFFF, v20;
	vm14 =	vlt.s32 v20, $0x0  }
0x1be: {  	v20 =	vsel vm14, v62, v20  }
0x1bf: {  	vm0 =	vgt.s32 v18, v20  }
0x1c0: {  	v20 =	vsel vm0, v18, v20  }
0x1c1: {  	vm0 =	vlt.s32 v19, v20  }
0x1c2: {  	v20 =	vsel vm0, v19, v20  }
0x1c3: {  	v20 =	vsub.s32 v20, v18  }
0x1c4: {  	v20 =	vshra.s32 v20, $0x10;
	_ =	sdelay $0x4  }
0x1c5: {  	[tilespmem:v20+s5+$0x0] =	vst.idx.add.s32.msk $0xffff, v1  }
0x1c6: {  	v20 =	vld [tilespmem:s14+$0x70];
	_ =	sdelay $0x4  }
0x1c7: {  	v63 =	vxor.u32 $0x7FFFFFFF, v20;
	vm15 =	vlt.s32 v20, $0x0  }
0x1c8: {  	v20 =	vsel vm15, v63, v20  }
0x1c9: {  	vm0 =	vgt.s32 v18, v20  }
0x1ca: {  	v20 =	vsel vm0, v18, v20  }
0x1cb: {  	vm0 =	vlt.s32 v19, v20  }
0x1cc: {  	v20 =	vsel vm0, v19, v20  }
0x1cd: {  	v20 =	vsub.s32 v20, v18  }
0x1ce: {  	p0 =	sne.s32 s13, $0xFE00;
	v20 =	vshra.s32 v20, $0x10  }
.Ltmp2:
0x1cf: {  	_ = 	snop;
	(pc) =	sbr.rel @p0 .LBB2_5-.Ltmp2, $2  }
0x1d0: {  	_ =	sdelay $0x2  }
0x1d1: {  	s13 =	sadd.s32 $0x200, s13;
	[tilespmem:v20+s5+$0x0] =	vst.idx.add.s32.msk $0xffff, v1  }
0x1d2: {  	v28 =	vld [tilespmem:$0x4000]  }
0x1d3: {  	v29 =	vld [tilespmem:$0x4010]  }
0x1d4: {  	v30 =	vld [tilespmem:$0x4020]  }
0x1d5: {  	v31 =	vld [tilespmem:$0x4030]  }
0x1d6: {  	v32 =	vld [tilespmem:$0x4040]  }
0x1d7: {  	v33 =	vld [tilespmem:$0x4050]  }
0x1d8: {  	v34 =	vld [tilespmem:$0x4060];
	v18 =	vadd.s32 v28, v29  }
0x1d9: {  	v27 =	vld [tilespmem:$0x4070];
	v18 =	vadd.s32 v30, v18  }
0x1da: {  	v26 =	vld [tilespmem:$0x4080];
	v18 =	vadd.s32 v31, v18  }
0x1db: {  	v25 =	vld [tilespmem:$0x4090];
	v18 =	vadd.s32 v32, v18  }
0x1dc: {  	v24 =	vld [tilespmem:$0x40A0];
	v18 =	vadd.s32 v33, v18  }
0x1dd: {  	v23 =	vld [tilespmem:$0x40B0];
	v18 =	vadd.s32 v34, v18  }
0x1de: {  	v22 =	vld [tilespmem:$0x40C0];
	v18 =	vadd.s32 v27, v18  }
0x1df: {  	v21 =	vld [tilespmem:$0x40D0];
	v18 =	vadd.s32 v26, v18  }
0x1e0: {  	v20 =	vld [tilespmem:$0x40E0];
	v18 =	vadd.s32 v25, v18  }
0x1e1: {  	v19 =	vadd.s32 v24, v18;
	v18 =	vld [tilespmem:$0x40F0]  }
0x1e2: {  	v19 =	vadd.s32 v23, v19  }
0x1e3: {  	v19 =	vadd.s32 v22, v19  }
0x1e4: {  	v19 =	vadd.s32 v21, v19  }
0x1e5: {  	v19 =	vadd.s32 v20, v19  }
0x1e6: {  	v19 =	vadd.s32 v18, v19  }
0x1e7: {  	(xrf0) =	vadd.scan.msk.s32 $0xffff, v19  }
0x1e8: {  	(xrf0) =	vadd.scan.msk.s32 $0xffff, v28;
	_ =	sdelay $0x4  }
0x1e9: {  	v19, _, _ =	vpop (xrf0)  }
0x1ea: {  	v35, _, _ =	vpop (xrf0);
	v19 =	vbroadcast v19, $0xF  }
0x1eb: {  	v28 =	vsub.s32 v28, v35  }
0x1ec: {  	v28 =	vadd.s32 v19, v28  }
0x1ed: {  	vm0 =	vgt.s32 v28, $0x3FF  }
0x1ee: {  	v28 =	vnsel vm0, $0x80000000, v15  }
0x1ef: {  	(xrf0) =	vmax.scan.msk.u32 $0xffff, v28  }
0x1f0: {  	(xrf0) =	vadd.scan.msk.s32 $0xffff, v29;
	_ =	sdelay $0x4  }
0x1f1: {  	v36 =	vsub.s32 $0x0, v35;
	v28, _, _ =	vpop (xrf0)  }
0x1f2: {  	v36 =	vbroadcast v36, $0xF;
	v37, _, _ =	vpop (xrf0)  }
0x1f3: {  	v29 =	vsub.s32 v29, v37  }
0x1f4: {  	v29 =	vadd.s32 v36, v29  }
0x1f5: {  	v29 =	vadd.s32 v19, v29  }
0x1f6: {  	vm13 =	vgt.s32 v29, $0x3FF  }
0x1f7: {  	v29 =	vnsel vm13, $0x80000000, v2  }
0x1f8: {  	(xrf0) =	vmax.scan.msk.u32 $0xffff, v29;
	_ =	sdelay $0x4  }
0x1f9: {  	(v2sf) =	vpush v28, $0xF  }
0x1fa: {  	(v2sf) =	vpush v35, $0xF;
	v61, _, _ =	vpop (xrf0)  }
0x1fb: {  	(v2sf) =	vpush v61, $0xF  }
0x1fc: {  	(v2sf) =	vpush v37, $0xF;
	_ =	sdelay $0xb  }
0x1fd: {  	s13 =	spop (v2sf)  }
0x1fe: {  	(xrf0) =	vadd.scan.msk.s32 $0xffff, v30;
	s15 =	spop (v2sf)  }
0x1ff: {  	s14 =	spop (v2sf)  }
0x200: {  	s16 =	spop (v2sf)  }
0x201: {  	s16 =	sadd.s32 s15, s16  }
0x202: {  	v62 =	vmov s16  }
0x203: {  	v28 =	vsub.s32 $0x0, v62  }
0x204: {  	v63, _, _ =	vpop (xrf0);
	v28 =	vbroadcast v28, $0x0  }
0x205: {  	v30 =	vsub.s32 v30, v63  }
0x206: {  	v28 =	vadd.s32 v28, v30  }
0x207: {  	v28 =	vadd.s32 v19, v28  }
0x208: {  	vm14 =	vgt.s32 v28, $0x3FF  }
0x209: {  	v28 =	vnsel vm14, $0x80000000, v3  }
0x20a: {  	(xrf0) =	vmax.scan.msk.u32 $0xffff, v28;
	_ =	sdelay $0x5  }
0x20b: {  	v28, _, _ =	vpop (xrf0)  }
0x20c: {  	(v2sf) =	vpush v28, $0xF  }
0x20d: {  	(v2sf) =	vpush v63, $0xF;
	_ =	sdelay $0xc  }
0x20e: {  	(xrf0) =	vadd.scan.msk.s32 $0xffff, v31  }
0x20f: {  	s15 =	spop (v2sf)  }
0x210: {  	s17 =	spop (v2sf)  }
0x211: {  	s17 =	sadd.s32 s17, s16  }
0x212: {  	v35 =	vmov s17  }
0x213: {  	v28 =	vsub.s32 $0x0, v35  }
0x214: {  	v36, _, _ =	vpop (xrf0);
	v28 =	vbroadcast v28, $0x0  }
0x215: {  	v37 =	vsub.s32 v31, v36  }
0x216: {  	v28 =	vadd.s32 v28, v37  }
0x217: {  	v28 =	vadd.s32 v19, v28  }
0x218: {  	vm15 =	vgt.s32 v28, $0x3FF  }
0x219: {  	v28 =	vnsel vm15, $0x80000000, v4  }
0x21a: {  	(xrf0) =	vmax.scan.msk.u32 $0xffff, v28;
	_ =	sdelay $0x5  }
0x21b: {  	v28, _, _ =	vpop (xrf0)  }
0x21c: {  	(v2sf) =	vpush v28, $0xF  }
0x21d: {  	(v2sf) =	vpush v36, $0xF;
	_ =	sdelay $0xc  }
0x21e: {  	(xrf0) =	vadd.scan.msk.s32 $0xffff, v32  }
0x21f: {  	s16 =	spop (v2sf)  }
0x220: {  	s18 =	spop (v2sf)  }
0x221: {  	s18 =	sadd.s32 s18, s17  }
0x222: {  	v38 =	vmov s18  }
0x223: {  	v28 =	vsub.s32 $0x0, v38  }
0x224: {  	v39, _, _ =	vpop (xrf0);
	v28 =	vbroadcast v28, $0x0  }
0x225: {  	v40 =	vsub.s32 v32, v39  }
0x226: {  	v28 =	vadd.s32 v28, v40  }
0x227: {  	v28 =	vadd.s32 v19, v28  }
0x228: {  	vm4 =	vgt.s32 v28, $0x3FF  }
0x229: {  	v28 =	vnsel vm4, $0x80000000, v5  }
0x22a: {  	(xrf0) =	vmax.scan.msk.u32 $0xffff, v28;
	_ =	sdelay $0x5  }
0x22b: {  	v28, _, _ =	vpop (xrf0)  }
0x22c: {  	(v2sf) =	vpush v28, $0xF  }
0x22d: {  	(v2sf) =	vpush v39, $0xF;
	_ =	sdelay $0xc  }
0x22e: {  	(xrf0) =	vadd.scan.msk.s32 $0xffff, v33  }
0x22f: {  	s17 =	spop (v2sf)  }
0x230: {  	s19 =	spop (v2sf)  }
0x231: {  	s19 =	sadd.s32 s19, s18  }
0x232: {  	v41 =	vmov s19  }
0x233: {  	v28 =	vsub.s32 $0x0, v41  }
0x234: {  	v42, _, _ =	vpop (xrf0);
	v28 =	vbroadcast v28, $0x0  }
0x235: {  	v43 =	vsub.s32 v33, v42  }
0x236: {  	v28 =	vadd.s32 v28, v43  }
0x237: {  	v28 =	vadd.s32 v19, v28  }
0x238: {  	vm5 =	vgt.s32 v28, $0x3FF  }
0x239: {  	v28 =	vnsel vm5, $0x80000000, v6  }
0x23a: {  	(xrf0) =	vmax.scan.msk.u32 $0xffff, v28;
	_ =	sdelay $0x5  }
0x23b: {  	v28, _, _ =	vpop (xrf0)  }
0x23c: {  	(v2sf) =	vpush v28, $0xF  }
0x23d: {  	(v2sf) =	vpush v42, $0xF;
	_ =	sdelay $0xc  }
0x23e: {  	(xrf0) =	vadd.scan.msk.s32 $0xffff, v34  }
0x23f: {  	s18 =	spop (v2sf)  }
0x240: {  	s20 =	spop (v2sf)  }
0x241: {  	s20 =	sadd.s32 s20, s19  }
0x242: {  	v44 =	vmov s20  }
0x243: {  	v28 =	vsub.s32 $0x0, v44  }
0x244: {  	v45, _, _ =	vpop (xrf0);
	v28 =	vbroadcast v28, $0x0  }
0x245: {  	v46 =	vsub.s32 v34, v45  }
0x246: {  	v28 =	vadd.s32 v28, v46  }
0x247: {  	v28 =	vadd.s32 v19, v28  }
0x248: {  	vm6 =	vgt.s32 v28, $0x3FF  }
0x249: {  	v28 =	vnsel vm6, $0x80000000, v7  }
0x24a: {  	(xrf0) =	vmax.scan.msk.u32 $0xffff, v28;
	_ =	sdelay $0x5  }
0x24b: {  	v28, _, _ =	vpop (xrf0)  }
0x24c: {  	(v2sf) =	vpush v28, $0xF  }
0x24d: {  	(v2sf) =	vpush v45, $0xF;
	_ =	sdelay $0xc  }
0x24e: {  	(xrf0) =	vadd.scan.msk.s32 $0xffff, v27  }
0x24f: {  	s19 =	spop (v2sf)  }
0x250: {  	s21 =	spop (v2sf)  }
0x251: {  	s21 =	sadd.s32 s21, s20  }
0x252: {  	v47 =	vmov s21  }
0x253: {  	v28 =	vsub.s32 $0x0, v47  }
0x254: {  	v48, _, _ =	vpop (xrf0);
	v28 =	vbroadcast v28, $0x0  }
0x255: {  	v27 =	vsub.s32 v27, v48  }
0x256: {  	v27 =	vadd.s32 v28, v27  }
0x257: {  	v27 =	vadd.s32 v19, v27  }
0x258: {  	vm7 =	vgt.s32 v27, $0x3FF  }
0x259: {  	v27 =	vnsel vm7, $0x80000000, v8  }
0x25a: {  	(xrf0) =	vmax.scan.msk.u32 $0xffff, v27;
	_ =	sdelay $0x5  }
0x25b: {  	v27, _, _ =	vpop (xrf0)  }
0x25c: {  	(v2sf) =	vpush v27, $0xF  }
0x25d: {  	(v2sf) =	vpush v48, $0xF;
	_ =	sdelay $0xc  }
0x25e: {  	(xrf0) =	vadd.scan.msk.s32 $0xffff, v26  }
0x25f: {  	s20 =	spop (v2sf)  }
0x260: {  	s22 =	spop (v2sf)  }
0x261: {  	s22 =	sadd.s32 s22, s21  }
0x262: {  	v49 =	vmov s22  }
0x263: {  	v27 =	vsub.s32 $0x0, v49  }
0x264: {  	v50, _, _ =	vpop (xrf0);
	v27 =	vbroadcast v27, $0x0  }
0x265: {  	v26 =	vsub.s32 v26, v50  }
0x266: {  	v26 =	vadd.s32 v27, v26  }
0x267: {  	v26 =	vadd.s32 v19, v26  }
0x268: {  	vm8 =	vgt.s32 v26, $0x3FF  }
0x269: {  	v26 =	vnsel vm8, $0x80000000, v9  }
0x26a: {  	(xrf0) =	vmax.scan.msk.u32 $0xffff, v26;
	_ =	sdelay $0x5  }
0x26b: {  	v26, _, _ =	vpop (xrf0)  }
0x26c: {  	(v2sf) =	vpush v26, $0xF  }
0x26d: {  	(v2sf) =	vpush v50, $0xF;
	_ =	sdelay $0xc  }
0x26e: {  	(xrf0) =	vadd.scan.msk.s32 $0xffff, v25  }
0x26f: {  	s21 =	spop (v2sf)  }
0x270: {  	s23 =	spop (v2sf)  }
0x271: {  	s23 =	sadd.s32 s23, s22  }
0x272: {  	v51 =	vmov s23  }
0x273: {  	v26 =	vsub.s32 $0x0, v51  }
0x274: {  	v52, _, _ =	vpop (xrf0);
	v26 =	vbroadcast v26, $0x0  }
0x275: {  	v25 =	vsub.s32 v25, v52  }
0x276: {  	v25 =	vadd.s32 v26, v25  }
0x277: {  	v25 =	vadd.s32 v19, v25  }
0x278: {  	vm9 =	vgt.s32 v25, $0x3FF  }
0x279: {  	v25 =	vnsel vm9, $0x80000000, v10  }
0x27a: {  	(xrf0) =	vmax.scan.msk.u32 $0xffff, v25;
	_ =	sdelay $0x5  }
0x27b: {  	v25, _, _ =	vpop (xrf0)  }
0x27c: {  	(v2sf) =	vpush v25, $0xF  }
0x27d: {  	(v2sf) =	vpush v52, $0xF;
	_ =	sdelay $0xc  }
0x27e: {  	(xrf0) =	vadd.scan.msk.s32 $0xffff, v24  }
0x27f: {  	s22 =	spop (v2sf)  }
0x280: {  	s24 =	spop (v2sf)  }
0x281: {  	s24 =	sadd.s32 s24, s23  }
0x282: {  	v53 =	vmov s24  }
0x283: {  	v25 =	vsub.s32 $0x0, v53  }
0x284: {  	v54, _, _ =	vpop (xrf0);
	v25 =	vbroadcast v25, $0x0  }
0x285: {  	v24 =	vsub.s32 v24, v54  }
0x286: {  	v24 =	vadd.s32 v25, v24  }
0x287: {  	v24 =	vadd.s32 v19, v24  }
0x288: {  	vm10 =	vgt.s32 v24, $0x3FF  }
0x289: {  	v24 =	vnsel vm10, $0x80000000, v11  }
0x28a: {  	(xrf0) =	vmax.scan.msk.u32 $0xffff, v24;
	_ =	sdelay $0x5  }
0x28b: {  	v24, _, _ =	vpop (xrf0)  }
0x28c: {  	(v2sf) =	vpush v24, $0xF  }
0x28d: {  	(v2sf) =	vpush v54, $0xF;
	_ =	sdelay $0xc  }
0x28e: {  	(xrf0) =	vadd.scan.msk.s32 $0xffff, v23  }
0x28f: {  	s23 =	spop (v2sf)  }
0x290: {  	s25 =	spop (v2sf)  }
0x291: {  	s25 =	sadd.s32 s25, s24  }
0x292: {  	v55 =	vmov s25  }
0x293: {  	v24 =	vsub.s32 $0x0, v55  }
0x294: {  	v56, _, _ =	vpop (xrf0);
	v24 =	vbroadcast v24, $0x0  }
0x295: {  	v23 =	vsub.s32 v23, v56  }
0x296: {  	v23 =	vadd.s32 v24, v23  }
0x297: {  	v23 =	vadd.s32 v19, v23  }
0x298: {  	vm11 =	vgt.s32 v23, $0x3FF  }
0x299: {  	v23 =	vnsel vm11, $0x80000000, v12  }
0x29a: {  	(xrf0) =	vmax.scan.msk.u32 $0xffff, v23;
	_ =	sdelay $0x5  }
0x29b: {  	v23, _, _ =	vpop (xrf0)  }
0x29c: {  	(v2sf) =	vpush v23, $0xF  }
0x29d: {  	(v2sf) =	vpush v56, $0xF;
	_ =	sdelay $0xc  }
0x29e: {  	(xrf0) =	vadd.scan.msk.s32 $0xffff, v22  }
0x29f: {  	s24 =	spop (v2sf)  }
0x2a0: {  	s26 =	spop (v2sf)  }
0x2a1: {  	s26 =	sadd.s32 s26, s25  }
0x2a2: {  	v57 =	vmov s26  }
0x2a3: {  	v23 =	vsub.s32 $0x0, v57  }
0x2a4: {  	v58, _, _ =	vpop (xrf0);
	v23 =	vbroadcast v23, $0x0  }
0x2a5: {  	v22 =	vsub.s32 v22, v58  }
0x2a6: {  	v22 =	vadd.s32 v23, v22  }
0x2a7: {  	v22 =	vadd.s32 v19, v22  }
0x2a8: {  	vm12 =	vgt.s32 v22, $0x3FF  }
0x2a9: {  	v22 =	vnsel vm12, $0x80000000, v13  }
0x2aa: {  	(xrf0) =	vmax.scan.msk.u32 $0xffff, v22;
	_ =	sdelay $0x5  }
0x2ab: {  	v22, _, _ =	vpop (xrf0)  }
0x2ac: {  	(v2sf) =	vpush v22, $0xF  }
0x2ad: {  	(v2sf) =	vpush v58, $0xF;
	_ =	sdelay $0xc  }
0x2ae: {  	(xrf0) =	vadd.scan.msk.s32 $0xffff, v21  }
0x2af: {  	s25 =	spop (v2sf)  }
0x2b0: {  	s28 =	spop (v2sf)  }
0x2b1: {  	s28 =	sadd.s32 s28, s26  }
0x2b2: {  	v59 =	vmov s28  }
0x2b3: {  	v22 =	vsub.s32 $0x0, v59  }
0x2b4: {  	v60, _, _ =	vpop (xrf0);
	v22 =	vbroadcast v22, $0x0  }
0x2b5: {  	v21 =	vsub.s32 v21, v60  }
0x2b6: {  	v21 =	vadd.s32 v22, v21  }
0x2b7: {  	v21 =	vadd.s32 v19, v21  }
0x2b8: {  	vm13 =	vgt.s32 v21, $0x3FF  }
0x2b9: {  	v21 =	vnsel vm13, $0x80000000, v14  }
0x2ba: {  	(xrf0) =	vmax.scan.msk.u32 $0xffff, v21;
	_ =	sdelay $0x5  }
0x2bb: {  	v21, _, _ =	vpop (xrf0)  }
0x2bc: {  	(v2sf) =	vpush v21, $0xF  }
0x2bd: {  	(v2sf) =	vpush v60, $0xF;
	_ =	sdelay $0xc  }
0x2be: {  	(xrf0) =	vadd.scan.msk.s32 $0xffff, v20  }
0x2bf: {  	s26 =	spop (v2sf)  }
0x2c0: {  	s29 =	spop (v2sf)  }
0x2c1: {  	s28 =	sadd.s32 s29, s28  }
0x2c2: {  	v61 =	vmov s28  }
0x2c3: {  	v21 =	vsub.s32 $0x0, v61  }
0x2c4: {  	v62, _, _ =	vpop (xrf0);
	v21 =	vbroadcast v21, $0x0  }
0x2c5: {  	v20 =	vsub.s32 v20, v62  }
0x2c6: {  	v20 =	vadd.s32 v21, v20  }
0x2c7: {  	v20 =	vadd.s32 v19, v20  }
0x2c8: {  	vm14 =	vgt.s32 v20, $0x3FF  }
0x2c9: {  	v20 =	vnsel vm14, $0x80000000, v16  }
0x2ca: {  	(xrf0) =	vmax.scan.msk.u32 $0xffff, v20;
	_ =	sdelay $0x5  }
0x2cb: {  	v20, _, _ =	vpop (xrf0)  }
0x2cc: {  	(v2sf) =	vpush v20, $0xF  }
0x2cd: {  	(v2sf) =	vpush v62, $0xF;
	_ =	sdelay $0xb  }
0x2ce: {  	(xrf0) =	vadd.scan.msk.s32 $0xffff, v18;
	_ =	sdelay $0x1  }
0x2cf: {  	s31 =	spop (v2sf)  }
0x2d0: {  	s30 =	spop (v2sf)  }
0x2d1: {  	s28 =	sadd.s32 s30, s28  }
0x2d2: {  	v20 =	vmov s28  }
0x2d3: {  	v63, _, _ =	vpop (xrf0);
	v20 =	vsub.s32 $0x0, v20  }
0x2d4: {  	s13 =	sxor.u32 $0x80000000, s13;
	s14 =	sxor.u32 $0x80000000, s14;
	v18 =	vsub.s32 v18, v63;
	v20 =	vbroadcast v20, $0x0  }
0x2d5: {  	p0 =	sgt.s32 s13, s14;
	v18 =	vadd.s32 v19, v18  }
0x2d6: {  	s14 =	smov.u32 @p0 s13;
	s13 =	sxor.u32 $0x80000000, s15;
	v18 =	vadd.s32 v20, v18  }
0x2d7: {  	p0 =	sgt.s32 s14, s13;
	vm15 =	vgt.s32 v18, $0x3FF  }
0x2d8: {  	s13 =	smov.u32 @p0 s14;
	s14 =	sxor.u32 $0x80000000, s16;
	v18 =	vnsel vm15, $0x80000000, v17  }
0x2d9: {  	p0 =	sgt.s32 s13, s14;
	(xrf0) =	vmax.scan.msk.u32 $0xffff, v18  }
0x2da: {  	s14 =	smov.u32 @p0 s13;
	s13 =	sxor.u32 $0x80000000, s17  }
0x2db: {  	p0 =	sgt.s32 s14, s13  }
0x2dc: {  	s13 =	smov.u32 @p0 s14;
	s14 =	sxor.u32 $0x80000000, s18  }
0x2dd: {  	p0 =	sgt.s32 s13, s14  }
0x2de: {  	s14 =	smov.u32 @p0 s13;
	s13 =	sxor.u32 $0x80000000, s19  }
0x2df: {  	p0 =	sgt.s32 s14, s13;
	v18, _, _ =	vpop (xrf0)  }
0x2e0: {  	s13 =	smov.u32 @p0 s14;
	s14 =	sxor.u32 $0x80000000, s20;
	(v2sf) =	vpush v18, $0xF  }
0x2e1: {  	p0 =	sgt.s32 s13, s14  }
0x2e2: {  	s14 =	smov.u32 @p0 s13;
	s13 =	sxor.u32 $0x80000000, s21  }
0x2e3: {  	p0 =	sgt.s32 s14, s13  }
0x2e4: {  	s13 =	smov.u32 @p0 s14;
	s14 =	sxor.u32 $0x80000000, s22  }
0x2e5: {  	p0 =	sgt.s32 s13, s14  }
0x2e6: {  	s14 =	smov.u32 @p0 s13;
	s13 =	sxor.u32 $0x80000000, s23  }
0x2e7: {  	p0 =	sgt.s32 s14, s13  }
0x2e8: {  	s13 =	smov.u32 @p0 s14;
	s14 =	sxor.u32 $0x80000000, s24  }
0x2e9: {  	[tilespmem:$0x4000] =	vst v0;
	p0 =	sgt.s32 s13, s14  }
0x2ea: {  	[tilespmem:$0x4010] =	vst v0;
	s14 =	smov.u32 @p0 s13;
	s13 =	sxor.u32 $0x80000000, s25  }
0x2eb: {  	[tilespmem:$0x4020] =	vst v0;
	p0 =	sgt.s32 s14, s13  }
0x2ec: {  	[tilespmem:$0x4030] =	vst v0;
	s13 =	smov.u32 @p0 s14;
	s14 =	sxor.u32 $0x80000000, s26  }
0x2ed: {  	[tilespmem:$0x4040] =	vst v0;
	p0 =	sgt.s32 s13, s14  }
0x2ee: {  	[tilespmem:$0x4050] =	vst v0;
	s14 =	smov.u32 @p0 s13;
	s13 =	sxor.u32 $0x80000000, s31  }
0x2ef: {  	[tilespmem:$0x4060] =	vst v0;
	p0 =	sgt.s32 s14, s13;
	s30 =	spop (v2sf)  }
0x2f0: {  	[tilespmem:$0x4070] =	vst v0;
	s13 =	smov.u32 @p0 s14;
	s14 =	sxor.u32 $0x80000000, s30  }
0x2f1: {  	[tilespmem:$0x4080] =	vst v0;
	p0 =	sgt.s32 s13, s14  }
0x2f2: {  	[tilespmem:$0x4090] =	vst v0;
	s14 =	smov.u32 @p0 s13  }
0x2f3: {  	[tilespmem:$0x40A0] =	vst v0;
	p0 =	sgt.s32 s14, $0x0  }
0x2f4: {  	[tilespmem:$0x40B0] =	vst v0;
	s14 =	simm.s32 @!p0 $0x0  }
0x2f5: {  	[tilespmem:$0x40C0] =	vst v0;
	s31 =	sshll.u32 s14, $0x10  }
0x2f6: {  	[tilespmem:$0x40D0] =	vst v0;
	s12 =	sadd.s32 s12, s31  }
0x2f7: {  	[tilespmem:$0x40E0] =	vst v0;
	s13 =	sor.u32 $0xFFFF, s12  }
0x2f8: {  	[tilespmem:$0x40F0] =	vst v0;
	v18 =	vmov s12;
	v19 =	vmov s13;
	s13 =	simm.s32 $0x0  }
.LBB2_7:
0x2f9: {  	s14 =	sshra.s32 s13, $0x2  }
0x2fa: {  	v20 =	vld [tilespmem:s14+$0x0];
	_ =	sdelay $0x4  }
0x2fb: {  	v21 =	vxor.u32 $0x7FFFFFFF, v20;
	vm0 =	vlt.s32 v20, $0x0  }
0x2fc: {  	v20 =	vsel vm0, v21, v20  }
0x2fd: {  	vm0 =	vgt.s32 v18, v20  }
0x2fe: {  	v20 =	vsel vm0, v18, v20  }
0x2ff: {  	vm0 =	vlt.s32 v19, v20  }
0x300: {  	v20 =	vsel vm0, v19, v20  }
0x301: {  	v20 =	vsub.s32 v20, v18  }
0x302: {  	v20 =	vshra.s32 v20, $0x8;
	_ =	sdelay $0x4  }
0x303: {  	[tilespmem:v20+s5+$0x0] =	vst.idx.add.s32.msk $0xffff, v1  }
0x304: {  	v20 =	vld [tilespmem:s14+$0x10];
	_ =	sdelay $0x4  }
0x305: {  	v57 =	vxor.u32 $0x7FFFFFFF, v20;
	vm9 =	vlt.s32 v20, $0x0  }
0x306: {  	v20 =	vsel vm9, v57, v20  }
0x307: {  	vm0 =	vgt.s32 v18, v20  }
0x308: {  	v20 =	vsel vm0, v18, v20  }
0x309: {  	vm0 =	vlt.s32 v19, v20  }
0x30a: {  	v20 =	vsel vm0, v19, v20  }
0x30b: {  	v20 =	vsub.s32 v20, v18  }
0x30c: {  	v20 =	vshra.s32 v20, $0x8;
	_ =	sdelay $0x4  }
0x30d: {  	[tilespmem:v20+s5+$0x0] =	vst.idx.add.s32.msk $0xffff, v1  }
0x30e: {  	v20 =	vld [tilespmem:s14+$0x20];
	_ =	sdelay $0x4  }
0x30f: {  	v58 =	vxor.u32 $0x7FFFFFFF, v20;
	vm10 =	vlt.s32 v20, $0x0  }
0x310: {  	v20 =	vsel vm10, v58, v20  }
0x311: {  	vm0 =	vgt.s32 v18, v20  }
0x312: {  	v20 =	vsel vm0, v18, v20  }
0x313: {  	vm0 =	vlt.s32 v19, v20  }
0x314: {  	v20 =	vsel vm0, v19, v20  }
0x315: {  	v20 =	vsub.s32 v20, v18  }
0x316: {  	v20 =	vshra.s32 v20, $0x8;
	_ =	sdelay $0x4  }
0x317: {  	[tilespmem:v20+s5+$0x0] =	vst.idx.add.s32.msk $0xffff, v1  }
0x318: {  	v20 =	vld [tilespmem:s14+$0x30];
	_ =	sdelay $0x4  }
0x319: {  	v59 =	vxor.u32 $0x7FFFFFFF, v20;
	vm11 =	vlt.s32 v20, $0x0  }
0x31a: {  	v20 =	vsel vm11, v59, v20  }
0x31b: {  	vm0 =	vgt.s32 v18, v20  }
0x31c: {  	v20 =	vsel vm0, v18, v20  }
0x31d: {  	vm0 =	vlt.s32 v19, v20  }
0x31e: {  	v20 =	vsel vm0, v19, v20  }
0x31f: {  	v20 =	vsub.s32 v20, v18  }
0x320: {  	v20 =	vshra.s32 v20, $0x8;
	_ =	sdelay $0x4  }
0x321: {  	[tilespmem:v20+s5+$0x0] =	vst.idx.add.s32.msk $0xffff, v1  }
0x322: {  	v20 =	vld [tilespmem:s14+$0x40];
	_ =	sdelay $0x4  }
0x323: {  	v60 =	vxor.u32 $0x7FFFFFFF, v20;
	vm12 =	vlt.s32 v20, $0x0  }
0x324: {  	v20 =	vsel vm12, v60, v20  }
0x325: {  	vm0 =	vgt.s32 v18, v20  }
0x326: {  	v20 =	vsel vm0, v18, v20  }
0x327: {  	vm0 =	vlt.s32 v19, v20  }
0x328: {  	v20 =	vsel vm0, v19, v20  }
0x329: {  	v20 =	vsub.s32 v20, v18  }
0x32a: {  	v20 =	vshra.s32 v20, $0x8;
	_ =	sdelay $0x4  }
0x32b: {  	[tilespmem:v20+s5+$0x0] =	vst.idx.add.s32.msk $0xffff, v1  }
0x32c: {  	v20 =	vld [tilespmem:s14+$0x50];
	_ =	sdelay $0x4  }
0x32d: {  	v61 =	vxor.u32 $0x7FFFFFFF, v20;
	vm13 =	vlt.s32 v20, $0x0  }
0x32e: {  	v20 =	vsel vm13, v61, v20  }
0x32f: {  	vm0 =	vgt.s32 v18, v20  }
0x330: {  	v20 =	vsel vm0, v18, v20  }
0x331: {  	vm0 =	vlt.s32 v19, v20  }
0x332: {  	v20 =	vsel vm0, v19, v20  }
0x333: {  	v20 =	vsub.s32 v20, v18  }
0x334: {  	v20 =	vshra.s32 v20, $0x8;
	_ =	sdelay $0x4  }
0x335: {  	[tilespmem:v20+s5+$0x0] =	vst.idx.add.s32.msk $0xffff, v1  }
0x336: {  	v20 =	vld [tilespmem:s14+$0x60];
	_ =	sdelay $0x4  }
0x337: {  	v62 =	vxor.u32 $0x7FFFFFFF, v20;
	vm14 =	vlt.s32 v20, $0x0  }
0x338: {  	v20 =	vsel vm14, v62, v20  }
0x339: {  	vm0 =	vgt.s32 v18, v20  }
0x33a: {  	v20 =	vsel vm0, v18, v20  }
0x33b: {  	vm0 =	vlt.s32 v19, v20  }
0x33c: {  	v20 =	vsel vm0, v19, v20  }
0x33d: {  	v20 =	vsub.s32 v20, v18  }
0x33e: {  	v20 =	vshra.s32 v20, $0x8;
	_ =	sdelay $0x4  }
0x33f: {  	[tilespmem:v20+s5+$0x0] =	vst.idx.add.s32.msk $0xffff, v1  }
0x340: {  	v20 =	vld [tilespmem:s14+$0x70];
	_ =	sdelay $0x4  }
0x341: {  	v63 =	vxor.u32 $0x7FFFFFFF, v20;
	vm15 =	vlt.s32 v20, $0x0  }
0x342: {  	v20 =	vsel vm15, v63, v20  }
0x343: {  	vm0 =	vgt.s32 v18, v20  }
0x344: {  	v20 =	vsel vm0, v18, v20  }
0x345: {  	vm0 =	vlt.s32 v19, v20  }
0x346: {  	v20 =	vsel vm0, v19, v20  }
0x347: {  	v20 =	vsub.s32 v20, v18  }
0x348: {  	p0 =	sne.s32 s13, $0xFE00;
	v20 =	vshra.s32 v20, $0x8  }
.Ltmp3:
0x349: {  	_ = 	snop;
	(pc) =	sbr.rel @p0 .LBB2_7-.Ltmp3, $2  }
0x34a: {  	_ =	sdelay $0x2  }
0x34b: {  	s13 =	sadd.s32 $0x200, s13;
	[tilespmem:v20+s5+$0x0] =	vst.idx.add.s32.msk $0xffff, v1  }
0x34c: {  	v28 =	vld [tilespmem:$0x4000]  }
0x34d: {  	v29 =	vld [tilespmem:$0x4010]  }
0x34e: {  	v30 =	vld [tilespmem:$0x4020]  }
0x34f: {  	v31 =	vld [tilespmem:$0x4030]  }
0x350: {  	v32 =	vld [tilespmem:$0x4040]  }
0x351: {  	v33 =	vld [tilespmem:$0x4050]  }
0x352: {  	v34 =	vld [tilespmem:$0x4060];
	v18 =	vadd.s32 v28, v29  }
0x353: {  	v27 =	vld [tilespmem:$0x4070];
	v18 =	vadd.s32 v30, v18  }
0x354: {  	v26 =	vld [tilespmem:$0x4080];
	v18 =	vadd.s32 v31, v18  }
0x355: {  	v25 =	vld [tilespmem:$0x4090];
	v18 =	vadd.s32 v32, v18  }
0x356: {  	v24 =	vld [tilespmem:$0x40A0];
	v18 =	vadd.s32 v33, v18  }
0x357: {  	v23 =	vld [tilespmem:$0x40B0];
	v18 =	vadd.s32 v34, v18  }
0x358: {  	v22 =	vld [tilespmem:$0x40C0];
	v18 =	vadd.s32 v27, v18  }
0x359: {  	v21 =	vld [tilespmem:$0x40D0];
	v18 =	vadd.s32 v26, v18  }
0x35a: {  	v20 =	vld [tilespmem:$0x40E0];
	v18 =	vadd.s32 v25, v18  }
0x35b: {  	v19 =	vadd.s32 v24, v18;
	v18 =	vld [tilespmem:$0x40F0]  }
0x35c: {  	v19 =	vadd.s32 v23, v19  }
0x35d: {  	v19 =	vadd.s32 v22, v19  }
0x35e: {  	v19 =	vadd.s32 v21, v19  }
0x35f: {  	v19 =	vadd.s32 v20, v19  }
0x360: {  	v19 =	vadd.s32 v18, v19  }
0x361: {  	(xrf0) =	vadd.scan.msk.s32 $0xffff, v19  }
0x362: {  	(xrf0) =	vadd.scan.msk.s32 $0xffff, v28;
	_ =	sdelay $0x4  }
0x363: {  	v19, _, _ =	vpop (xrf0)  }
0x364: {  	v35, _, _ =	vpop (xrf0);
	v19 =	vbroadcast v19, $0xF  }
0x365: {  	v28 =	vsub.s32 v28, v35  }
0x366: {  	v28 =	vadd.s32 v19, v28  }
0x367: {  	vm0 =	vgt.s32 v28, $0x3FF  }
0x368: {  	v28 =	vnsel vm0, $0x80000000, v15  }
0x369: {  	(xrf0) =	vmax.scan.msk.u32 $0xffff, v28  }
0x36a: {  	(xrf0) =	vadd.scan.msk.s32 $0xffff, v29;
	_ =	sdelay $0x4  }
0x36b: {  	v36 =	vsub.s32 $0x0, v35;
	v28, _, _ =	vpop (xrf0)  }
0x36c: {  	v36 =	vbroadcast v36, $0xF;
	v37, _, _ =	vpop (xrf0)  }
0x36d: {  	v29 =	vsub.s32 v29, v37  }
0x36e: {  	v29 =	vadd.s32 v36, v29  }
0x36f: {  	v29 =	vadd.s32 v19, v29  }
0x370: {  	vm13 =	vgt.s32 v29, $0x3FF  }
0x371: {  	v29 =	vnsel vm13, $0x80000000, v2  }
0x372: {  	(xrf0) =	vmax.scan.msk.u32 $0xffff, v29;
	_ =	sdelay $0x4  }
0x373: {  	(v2sf) =	vpush v28, $0xF  }
0x374: {  	(v2sf) =	vpush v35, $0xF;
	v61, _, _ =	vpop (xrf0)  }
0x375: {  	(v2sf) =	vpush v61, $0xF  }
0x376: {  	(v2sf) =	vpush v37, $0xF;
	_ =	sdelay $0xb  }
0x377: {  	s13 =	spop (v2sf)  }
0x378: {  	(xrf0) =	vadd.scan.msk.s32 $0xffff, v30;
	s15 =	spop (v2sf)  }
0x379: {  	s14 =	spop (v2sf)  }
0x37a: {  	s16 =	spop (v2sf)  }
0x37b: {  	s16 =	sadd.s32 s15, s16  }
0x37c: {  	v62 =	vmov s16  }
0x37d: {  	v28 =	vsub.s32 $0x0, v62  }
0x37e: {  	v63, _, _ =	vpop (xrf0);
	v28 =	vbroadcast v28, $0x0  }
0x37f: {  	v30 =	vsub.s32 v30, v63  }
0x380: {  	v28 =	vadd.s32 v28, v30  }
0x381: {  	v28 =	vadd.s32 v19, v28  }
0x382: {  	vm14 =	vgt.s32 v28, $0x3FF  }
0x383: {  	v28 =	vnsel vm14, $0x80000000, v3  }
0x384: {  	(xrf0) =	vmax.scan.msk.u32 $0xffff, v28;
	_ =	sdelay $0x5  }
0x385: {  	v28, _, _ =	vpop (xrf0)  }
0x386: {  	(v2sf) =	vpush v28, $0xF  }
0x387: {  	(v2sf) =	vpush v63, $0xF;
	_ =	sdelay $0xc  }
0x388: {  	(xrf0) =	vadd.scan.msk.s32 $0xffff, v31  }
0x389: {  	s15 =	spop (v2sf)  }
0x38a: {  	s17 =	spop (v2sf)  }
0x38b: {  	s17 =	sadd.s32 s17, s16  }
0x38c: {  	v35 =	vmov s17  }
0x38d: {  	v28 =	vsub.s32 $0x0, v35  }
0x38e: {  	v36, _, _ =	vpop (xrf0);
	v28 =	vbroadcast v28, $0x0  }
0x38f: {  	v37 =	vsub.s32 v31, v36  }
0x390: {  	v28 =	vadd.s32 v28, v37  }
0x391: {  	v28 =	vadd.s32 v19, v28  }
0x392: {  	vm15 =	vgt.s32 v28, $0x3FF  }
0x393: {  	v28 =	vnsel vm15, $0x80000000, v4  }
0x394: {  	(xrf0) =	vmax.scan.msk.u32 $0xffff, v28;
	_ =	sdelay $0x5  }
0x395: {  	v28, _, _ =	vpop (xrf0)  }
0x396: {  	(v2sf) =	vpush v28, $0xF  }
0x397: {  	(v2sf) =	vpush v36, $0xF;
	_ =	sdelay $0xc  }
0x398: {  	(xrf0) =	vadd.scan.msk.s32 $0xffff, v32  }
0x399: {  	s16 =	spop (v2sf)  }
0x39a: {  	s18 =	spop (v2sf)  }
0x39b: {  	s18 =	sadd.s32 s18, s17  }
0x39c: {  	v38 =	vmov s18  }
0x39d: {  	v28 =	vsub.s32 $0x0, v38  }
0x39e: {  	v39, _, _ =	vpop (xrf0);
	v28 =	vbroadcast v28, $0x0  }
0x39f: {  	v40 =	vsub.s32 v32, v39  }
0x3a0: {  	v28 =	vadd.s32 v28, v40  }
0x3a1: {  	v28 =	vadd.s32 v19, v28  }
0x3a2: {  	vm4 =	vgt.s32 v28, $0x3FF  }
0x3a3: {  	v28 =	vnsel vm4, $0x80000000, v5  }
0x3a4: {  	(xrf0) =	vmax.scan.msk.u32 $0xffff, v28;
	_ =	sdelay $0x5  }
0x3a5: {  	v28, _, _ =	vpop (xrf0)  }
0x3a6: {  	(v2sf) =	vpush v28, $0xF  }
0x3a7: {  	(v2sf) =	vpush v39, $0xF;
	_ =	sdelay $0xc  }
0x3a8: {  	(xrf0) =	vadd.scan.msk.s32 $0xffff, v33  }
0x3a9: {  	s17 =	spop (v2sf)  }
0x3aa: {  	s19 =	spop (v2sf)  }
0x3ab: {  	s19 =	sadd.s32 s19, s18  }
0x3ac: {  	v41 =	vmov s19  }
0x3ad: {  	v28 =	vsub.s32 $0x0, v41  }
0x3ae: {  	v42, _, _ =	vpop (xrf0);
	v28 =	vbroadcast v28, $0x0  }
0x3af: {  	v43 =	vsub.s32 v33, v42  }
0x3b0: {  	v28 =	vadd.s32 v28, v43  }
0x3b1: {  	v28 =	vadd.s32 v19, v28  }
0x3b2: {  	vm5 =	vgt.s32 v28, $0x3FF  }
0x3b3: {  	v28 =	vnsel vm5, $0x80000000, v6  }
0x3b4: {  	(xrf0) =	vmax.scan.msk.u32 $0xffff, v28;
	_ =	sdelay $0x5  }
0x3b5: {  	v28, _, _ =	vpop (xrf0)  }
0x3b6: {  	(v2sf) =	vpush v28, $0xF  }
0x3b7: {  	(v2sf) =	vpush v42, $0xF;
	_ =	sdelay $0xc  }
0x3b8: {  	(xrf0) =	vadd.scan.msk.s32 $0xffff, v34  }
0x3b9: {  	s18 =	spop (v2sf)  }
0x3ba: {  	s20 =	spop (v2sf)  }
0x3bb: {  	s20 =	sadd.s32 s20, s19  }
0x3bc: {  	v44 =	vmov s20  }
0x3bd: {  	v28 =	vsub.s32 $0x0, v44  }
0x3be: {  	v45, _, _ =	vpop (xrf0);
	v28 =	vbroadcast v28, $0x0  }
0x3bf: {  	v46 =	vsub.s32 v34, v45  }
0x3c0: {  	v28 =	vadd.s32 v28, v46  }
0x3c1: {  	v28 =	vadd.s32 v19, v28  }
0x3c2: {  	vm6 =	vgt.s32 v28, $0x3FF  }
0x3c3: {  	v28 =	vnsel vm6, $0x80000000, v7  }
0x3c4: {  	(xrf0) =	vmax.scan.msk.u32 $0xffff, v28;
	_ =	sdelay $0x5  }
0x3c5: {  	v28, _, _ =	vpop (xrf0)  }
0x3c6: {  	(v2sf) =	vpush v28, $0xF  }
0x3c7: {  	(v2sf) =	vpush v45, $0xF;
	_ =	sdelay $0xc  }
0x3c8: {  	(xrf0) =	vadd.scan.msk.s32 $0xffff, v27  }
0x3c9: {  	s19 =	spop (v2sf)  }
0x3ca: {  	s21 =	spop (v2sf)  }
0x3cb: {  	s21 =	sadd.s32 s21, s20  }
0x3cc: {  	v47 =	vmov s21  }
0x3cd: {  	v28 =	vsub.s32 $0x0, v47  }
0x3ce: {  	v48, _, _ =	vpop (xrf0);
	v28 =	vbroadcast v28, $0x0  }
0x3cf: {  	v27 =	vsub.s32 v27, v48  }
0x3d0: {  	v27 =	vadd.s32 v28, v27  }
0x3d1: {  	v27 =	vadd.s32 v19, v27  }
0x3d2: {  	vm7 =	vgt.s32 v27, $0x3FF  }
0x3d3: {  	v27 =	vnsel vm7, $0x80000000, v8  }
0x3d4: {  	(xrf0) =	vmax.scan.msk.u32 $0xffff, v27;
	_ =	sdelay $0x5  }
0x3d5: {  	v27, _, _ =	vpop (xrf0)  }
0x3d6: {  	(v2sf) =	vpush v27, $0xF  }
0x3d7: {  	(v2sf) =	vpush v48, $0xF;
	_ =	sdelay $0xc  }
0x3d8: {  	(xrf0) =	vadd.scan.msk.s32 $0xffff, v26  }
0x3d9: {  	s20 =	spop (v2sf)  }
0x3da: {  	s22 =	spop (v2sf)  }
0x3db: {  	s22 =	sadd.s32 s22, s21  }
0x3dc: {  	v49 =	vmov s22  }
0x3dd: {  	v27 =	vsub.s32 $0x0, v49  }
0x3de: {  	v50, _, _ =	vpop (xrf0);
	v27 =	vbroadcast v27, $0x0  }
0x3df: {  	v26 =	vsub.s32 v26, v50  }
0x3e0: {  	v26 =	vadd.s32 v27, v26  }
0x3e1: {  	v26 =	vadd.s32 v19, v26  }
0x3e2: {  	vm8 =	vgt.s32 v26, $0x3FF  }
0x3e3: {  	v26 =	vnsel vm8, $0x80000000, v9  }
0x3e4: {  	(xrf0) =	vmax.scan.msk.u32 $0xffff, v26;
	_ =	sdelay $0x5  }
0x3e5: {  	v26, _, _ =	vpop (xrf0)  }
0x3e6: {  	(v2sf) =	vpush v26, $0xF  }
0x3e7: {  	(v2sf) =	vpush v50, $0xF;
	_ =	sdelay $0xc  }
0x3e8: {  	(xrf0) =	vadd.scan.msk.s32 $0xffff, v25  }
0x3e9: {  	s21 =	spop (v2sf)  }
0x3ea: {  	s23 =	spop (v2sf)  }
0x3eb: {  	s23 =	sadd.s32 s23, s22  }
0x3ec: {  	v51 =	vmov s23  }
0x3ed: {  	v26 =	vsub.s32 $0x0, v51  }
0x3ee: {  	v52, _, _ =	vpop (xrf0);
	v26 =	vbroadcast v26, $0x0  }
0x3ef: {  	v25 =	vsub.s32 v25, v52  }
0x3f0: {  	v25 =	vadd.s32 v26, v25  }
0x3f1: {  	v25 =	vadd.s32 v19, v25  }
0x3f2: {  	vm9 =	vgt.s32 v25, $0x3FF  }
0x3f3: {  	v25 =	vnsel vm9, $0x80000000, v10  }
0x3f4: {  	(xrf0) =	vmax.scan.msk.u32 $0xffff, v25;
	_ =	sdelay $0x5  }
0x3f5: {  	v25, _, _ =	vpop (xrf0)  }
0x3f6: {  	(v2sf) =	vpush v25, $0xF  }
0x3f7: {  	(v2sf) =	vpush v52, $0xF;
	_ =	sdelay $0xc  }
0x3f8: {  	(xrf0) =	vadd.scan.msk.s32 $0xffff, v24  }
0x3f9: {  	s22 =	spop (v2sf)  }
0x3fa: {  	s24 =	spop (v2sf)  }
0x3fb: {  	s24 =	sadd.s32 s24, s23  }
0x3fc: {  	v53 =	vmov s24  }
0x3fd: {  	v25 =	vsub.s32 $0x0, v53  }
0x3fe: {  	v54, _, _ =	vpop (xrf0);
	v25 =	vbroadcast v25, $0x0  }
0x3ff: {  	v24 =	vsub.s32 v24, v54  }
0x400: {  	v24 =	vadd.s32 v25, v24  }
0x401: {  	v24 =	vadd.s32 v19, v24  }
0x402: {  	vm10 =	vgt.s32 v24, $0x3FF  }
0x403: {  	v24 =	vnsel vm10, $0x80000000, v11  }
0x404: {  	(xrf0) =	vmax.scan.msk.u32 $0xffff, v24;
	_ =	sdelay $0x5  }
0x405: {  	v24, _, _ =	vpop (xrf0)  }
0x406: {  	(v2sf) =	vpush v24, $0xF  }
0x407: {  	(v2sf) =	vpush v54, $0xF;
	_ =	sdelay $0xc  }
0x408: {  	(xrf0) =	vadd.scan.msk.s32 $0xffff, v23  }
0x409: {  	s23 =	spop (v2sf)  }
0x40a: {  	s25 =	spop (v2sf)  }
0x40b: {  	s25 =	sadd.s32 s25, s24  }
0x40c: {  	v55 =	vmov s25  }
0x40d: {  	v24 =	vsub.s32 $0x0, v55  }
0x40e: {  	v56, _, _ =	vpop (xrf0);
	v24 =	vbroadcast v24, $0x0  }
0x40f: {  	v23 =	vsub.s32 v23, v56  }
0x410: {  	v23 =	vadd.s32 v24, v23  }
0x411: {  	v23 =	vadd.s32 v19, v23  }
0x412: {  	vm11 =	vgt.s32 v23, $0x3FF  }
0x413: {  	v23 =	vnsel vm11, $0x80000000, v12  }
0x414: {  	(xrf0) =	vmax.scan.msk.u32 $0xffff, v23;
	_ =	sdelay $0x5  }
0x415: {  	v23, _, _ =	vpop (xrf0)  }
0x416: {  	(v2sf) =	vpush v23, $0xF  }
0x417: {  	(v2sf) =	vpush v56, $0xF;
	_ =	sdelay $0xc  }
0x418: {  	(xrf0) =	vadd.scan.msk.s32 $0xffff, v22  }
0x419: {  	s24 =	spop (v2sf)  }
0x41a: {  	s26 =	spop (v2sf)  }
0x41b: {  	s26 =	sadd.s32 s26, s25  }
0x41c: {  	v57 =	vmov s26  }
0x41d: {  	v23 =	vsub.s32 $0x0, v57  }
0x41e: {  	v58, _, _ =	vpop (xrf0);
	v23 =	vbroadcast v23, $0x0  }
0x41f: {  	v22 =	vsub.s32 v22, v58  }
0x420: {  	v22 =	vadd.s32 v23, v22  }
0x421: {  	v22 =	vadd.s32 v19, v22  }
0x422: {  	vm12 =	vgt.s32 v22, $0x3FF  }
0x423: {  	v22 =	vnsel vm12, $0x80000000, v13  }
0x424: {  	(xrf0) =	vmax.scan.msk.u32 $0xffff, v22;
	_ =	sdelay $0x5  }
0x425: {  	v22, _, _ =	vpop (xrf0)  }
0x426: {  	(v2sf) =	vpush v22, $0xF  }
0x427: {  	(v2sf) =	vpush v58, $0xF;
	_ =	sdelay $0xc  }
0x428: {  	(xrf0) =	vadd.scan.msk.s32 $0xffff, v21  }
0x429: {  	s25 =	spop (v2sf)  }
0x42a: {  	s28 =	spop (v2sf)  }
0x42b: {  	s28 =	sadd.s32 s28, s26  }
0x42c: {  	v59 =	vmov s28  }
0x42d: {  	v22 =	vsub.s32 $0x0, v59  }
0x42e: {  	v60, _, _ =	vpop (xrf0);
	v22 =	vbroadcast v22, $0x0  }
0x42f: {  	v21 =	vsub.s32 v21, v60  }
0x430: {  	v21 =	vadd.s32 v22, v21  }
0x431: {  	v21 =	vadd.s32 v19, v21  }
0x432: {  	vm13 =	vgt.s32 v21, $0x3FF  }
0x433: {  	v21 =	vnsel vm13, $0x80000000, v14  }
0x434: {  	(xrf0) =	vmax.scan.msk.u32 $0xffff, v21;
	_ =	sdelay $0x5  }
0x435: {  	v21, _, _ =	vpop (xrf0)  }
0x436: {  	(v2sf) =	vpush v21, $0xF  }
0x437: {  	(v2sf) =	vpush v60, $0xF;
	_ =	sdelay $0xc  }
0x438: {  	(xrf0) =	vadd.scan.msk.s32 $0xffff, v20  }
0x439: {  	s26 =	spop (v2sf)  }
0x43a: {  	s29 =	spop (v2sf)  }
0x43b: {  	s28 =	sadd.s32 s29, s28  }
0x43c: {  	v61 =	vmov s28  }
0x43d: {  	v21 =	vsub.s32 $0x0, v61  }
0x43e: {  	v62, _, _ =	vpop (xrf0);
	v21 =	vbroadcast v21, $0x0  }
0x43f: {  	v20 =	vsub.s32 v20, v62  }
0x440: {  	v20 =	vadd.s32 v21, v20  }
0x441: {  	v20 =	vadd.s32 v19, v20  }
0x442: {  	vm14 =	vgt.s32 v20, $0x3FF  }
0x443: {  	v20 =	vnsel vm14, $0x80000000, v16  }
0x444: {  	(xrf0) =	vmax.scan.msk.u32 $0xffff, v20;
	_ =	sdelay $0x5  }
0x445: {  	v20, _, _ =	vpop (xrf0)  }
0x446: {  	(v2sf) =	vpush v20, $0xF  }
0x447: {  	(v2sf) =	vpush v62, $0xF;
	_ =	sdelay $0xb  }
0x448: {  	(xrf0) =	vadd.scan.msk.s32 $0xffff, v18;
	_ =	sdelay $0x1  }
0x449: {  	s31 =	spop (v2sf)  }
0x44a: {  	s30 =	spop (v2sf)  }
0x44b: {  	s28 =	sadd.s32 s30, s28  }
0x44c: {  	v20 =	vmov s28  }
0x44d: {  	v63, _, _ =	vpop (xrf0);
	v20 =	vsub.s32 $0x0, v20  }
0x44e: {  	s13 =	sxor.u32 $0x80000000, s13;
	s14 =	sxor.u32 $0x80000000, s14;
	v18 =	vsub.s32 v18, v63;
	v20 =	vbroadcast v20, $0x0  }
0x44f: {  	p0 =	sgt.s32 s13, s14;
	v18 =	vadd.s32 v19, v18  }
0x450: {  	s14 =	smov.u32 @p0 s13;
	s13 =	sxor.u32 $0x80000000, s15;
	v18 =	vadd.s32 v20, v18  }
0x451: {  	p0 =	sgt.s32 s14, s13;
	vm15 =	vgt.s32 v18, $0x3FF  }
0x452: {  	s13 =	smov.u32 @p0 s14;
	s14 =	sxor.u32 $0x80000000, s16;
	v18 =	vnsel vm15, $0x80000000, v17  }
0x453: {  	p0 =	sgt.s32 s13, s14;
	(xrf0) =	vmax.scan.msk.u32 $0xffff, v18  }
0x454: {  	s14 =	smov.u32 @p0 s13;
	s13 =	sxor.u32 $0x80000000, s17  }
0x455: {  	p0 =	sgt.s32 s14, s13  }
0x456: {  	s13 =	smov.u32 @p0 s14;
	s14 =	sxor.u32 $0x80000000, s18  }
0x457: {  	p0 =	sgt.s32 s13, s14  }
0x458: {  	s14 =	smov.u32 @p0 s13;
	s13 =	sxor.u32 $0x80000000, s19  }
0x459: {  	p0 =	sgt.s32 s14, s13;
	v18, _, _ =	vpop (xrf0)  }
0x45a: {  	s13 =	smov.u32 @p0 s14;
	s14 =	sxor.u32 $0x80000000, s20;
	(v2sf) =	vpush v18, $0xF  }
0x45b: {  	p0 =	sgt.s32 s13, s14  }
0x45c: {  	s14 =	smov.u32 @p0 s13;
	s13 =	sxor.u32 $0x80000000, s21  }
0x45d: {  	p0 =	sgt.s32 s14, s13  }
0x45e: {  	s13 =	smov.u32 @p0 s14;
	s14 =	sxor.u32 $0x80000000, s22  }
0x45f: {  	p0 =	sgt.s32 s13, s14  }
0x460: {  	s14 =	smov.u32 @p0 s13;
	s13 =	sxor.u32 $0x80000000, s23  }
0x461: {  	p0 =	sgt.s32 s14, s13  }
0x462: {  	s13 =	smov.u32 @p0 s14;
	s14 =	sxor.u32 $0x80000000, s24  }
0x463: {  	[tilespmem:$0x4000] =	vst v0;
	p0 =	sgt.s32 s13, s14  }
0x464: {  	[tilespmem:$0x4010] =	vst v0;
	s14 =	smov.u32 @p0 s13;
	s13 =	sxor.u32 $0x80000000, s25  }
0x465: {  	[tilespmem:$0x4020] =	vst v0;
	p0 =	sgt.s32 s14, s13  }
0x466: {  	[tilespmem:$0x4030] =	vst v0;
	s13 =	smov.u32 @p0 s14;
	s14 =	sxor.u32 $0x80000000, s26  }
0x467: {  	[tilespmem:$0x4040] =	vst v0;
	p0 =	sgt.s32 s13, s14  }
0x468: {  	[tilespmem:$0x4050] =	vst v0;
	s14 =	smov.u32 @p0 s13;
	s13 =	sxor.u32 $0x80000000, s31  }
0x469: {  	[tilespmem:$0x4060] =	vst v0;
	p0 =	sgt.s32 s14, s13;
	s30 =	spop (v2sf)  }
0x46a: {  	[tilespmem:$0x4070] =	vst v0;
	s13 =	smov.u32 @p0 s14;
	s14 =	sxor.u32 $0x80000000, s30  }
0x46b: {  	[tilespmem:$0x4080] =	vst v0;
	p0 =	sgt.s32 s13, s14  }
0x46c: {  	[tilespmem:$0x4090] =	vst v0;
	s14 =	smov.u32 @p0 s13  }
0x46d: {  	[tilespmem:$0x40A0] =	vst v0;
	p0 =	sgt.s32 s14, $0x0  }
0x46e: {  	[tilespmem:$0x40B0] =	vst v0;
	s14 =	simm.s32 @!p0 $0x0  }
0x46f: {  	[tilespmem:$0x40C0] =	vst v0;
	s31 =	sshll.u32 s14, $0x8  }
0x470: {  	[tilespmem:$0x40D0] =	vst v0;
	s12 =	sadd.s32 s12, s31  }
0x471: {  	[tilespmem:$0x40E0] =	vst v0;
	s13 =	sor.u32 $0xFF, s12  }
0x472: {  	[tilespmem:$0x40F0] =	vst v0;
	v18 =	vmov s12;
	v19 =	vmov s13;
	s13 =	simm.s32 $0x0  }
.LBB2_9:
0x473: {  	s14 =	sshra.s32 s13, $0x2  }
0x474: {  	v20 =	vld [tilespmem:s14+$0x0];
	_ =	sdelay $0x4  }
0x475: {  	v21 =	vxor.u32 $0x7FFFFFFF, v20;
	vm0 =	vlt.s32 v20, $0x0  }
0x476: {  	v20 =	vsel vm0, v21, v20  }
0x477: {  	vm0 =	vgt.s32 v18, v20  }
0x478: {  	v20 =	vsel vm0, v18, v20  }
0x479: {  	vm0 =	vlt.s32 v19, v20  }
0x47a: {  	v20 =	vsel vm0, v19, v20  }
0x47b: {  	v20 =	vsub.s32 v20, v18;
	_ =	sdelay $0x4  }
0x47c: {  	[tilespmem:v20+s5+$0x0] =	vst.idx.add.s32.msk $0xffff, v1  }
0x47d: {  	v20 =	vld [tilespmem:s14+$0x10];
	_ =	sdelay $0x4  }
0x47e: {  	v57 =	vxor.u32 $0x7FFFFFFF, v20;
	vm9 =	vlt.s32 v20, $0x0  }
0x47f: {  	v20 =	vsel vm9, v57, v20  }
0x480: {  	vm0 =	vgt.s32 v18, v20  }
0x481: {  	v20 =	vsel vm0, v18, v20  }
0x482: {  	vm0 =	vlt.s32 v19, v20  }
0x483: {  	v20 =	vsel vm0, v19, v20  }
0x484: {  	v20 =	vsub.s32 v20, v18;
	_ =	sdelay $0x4  }
0x485: {  	[tilespmem:v20+s5+$0x0] =	vst.idx.add.s32.msk $0xffff, v1  }
0x486: {  	v20 =	vld [tilespmem:s14+$0x20];
	_ =	sdelay $0x4  }
0x487: {  	v58 =	vxor.u32 $0x7FFFFFFF, v20;
	vm10 =	vlt.s32 v20, $0x0  }
0x488: {  	v20 =	vsel vm10, v58, v20  }
0x489: {  	vm0 =	vgt.s32 v18, v20  }
0x48a: {  	v20 =	vsel vm0, v18, v20  }
0x48b: {  	vm0 =	vlt.s32 v19, v20  }
0x48c: {  	v20 =	vsel vm0, v19, v20  }
0x48d: {  	v20 =	vsub.s32 v20, v18;
	_ =	sdelay $0x4  }
0x48e: {  	[tilespmem:v20+s5+$0x0] =	vst.idx.add.s32.msk $0xffff, v1  }
0x48f: {  	v20 =	vld [tilespmem:s14+$0x30];
	_ =	sdelay $0x4  }
0x490: {  	v59 =	vxor.u32 $0x7FFFFFFF, v20;
	vm11 =	vlt.s32 v20, $0x0  }
0x491: {  	v20 =	vsel vm11, v59, v20  }
0x492: {  	vm0 =	vgt.s32 v18, v20  }
0x493: {  	v20 =	vsel vm0, v18, v20  }
0x494: {  	vm0 =	vlt.s32 v19, v20  }
0x495: {  	v20 =	vsel vm0, v19, v20  }
0x496: {  	v20 =	vsub.s32 v20, v18;
	_ =	sdelay $0x4  }
0x497: {  	[tilespmem:v20+s5+$0x0] =	vst.idx.add.s32.msk $0xffff, v1  }
0x498: {  	v20 =	vld [tilespmem:s14+$0x40];
	_ =	sdelay $0x4  }
0x499: {  	v60 =	vxor.u32 $0x7FFFFFFF, v20;
	vm12 =	vlt.s32 v20, $0x0  }
0x49a: {  	v20 =	vsel vm12, v60, v20  }
0x49b: {  	vm0 =	vgt.s32 v18, v20  }
0x49c: {  	v20 =	vsel vm0, v18, v20  }
0x49d: {  	vm0 =	vlt.s32 v19, v20  }
0x49e: {  	v20 =	vsel vm0, v19, v20  }
0x49f: {  	v20 =	vsub.s32 v20, v18;
	_ =	sdelay $0x4  }
0x4a0: {  	[tilespmem:v20+s5+$0x0] =	vst.idx.add.s32.msk $0xffff, v1  }
0x4a1: {  	v20 =	vld [tilespmem:s14+$0x50];
	_ =	sdelay $0x4  }
0x4a2: {  	v61 =	vxor.u32 $0x7FFFFFFF, v20;
	vm13 =	vlt.s32 v20, $0x0  }
0x4a3: {  	v20 =	vsel vm13, v61, v20  }
0x4a4: {  	vm0 =	vgt.s32 v18, v20  }
0x4a5: {  	v20 =	vsel vm0, v18, v20  }
0x4a6: {  	vm0 =	vlt.s32 v19, v20  }
0x4a7: {  	v20 =	vsel vm0, v19, v20  }
0x4a8: {  	v20 =	vsub.s32 v20, v18;
	_ =	sdelay $0x4  }
0x4a9: {  	[tilespmem:v20+s5+$0x0] =	vst.idx.add.s32.msk $0xffff, v1  }
0x4aa: {  	v20 =	vld [tilespmem:s14+$0x60];
	_ =	sdelay $0x4  }
0x4ab: {  	v62 =	vxor.u32 $0x7FFFFFFF, v20;
	vm14 =	vlt.s32 v20, $0x0  }
0x4ac: {  	v20 =	vsel vm14, v62, v20  }
0x4ad: {  	vm0 =	vgt.s32 v18, v20  }
0x4ae: {  	v20 =	vsel vm0, v18, v20  }
0x4af: {  	vm0 =	vlt.s32 v19, v20  }
0x4b0: {  	v20 =	vsel vm0, v19, v20  }
0x4b1: {  	v20 =	vsub.s32 v20, v18;
	_ =	sdelay $0x4  }
0x4b2: {  	[tilespmem:v20+s5+$0x0] =	vst.idx.add.s32.msk $0xffff, v1  }
0x4b3: {  	v20 =	vld [tilespmem:s14+$0x70];
	_ =	sdelay $0x4  }
0x4b4: {  	v63 =	vxor.u32 $0x7FFFFFFF, v20;
	vm15 =	vlt.s32 v20, $0x0  }
0x4b5: {  	v20 =	vsel vm15, v63, v20  }
0x4b6: {  	vm0 =	vgt.s32 v18, v20  }
0x4b7: {  	v20 =	vsel vm0, v18, v20  }
0x4b8: {  	vm0 =	vlt.s32 v19, v20  }
0x4b9: {  	v20 =	vsel vm0, v19, v20  }
0x4ba: {  	p0 =	sne.s32 s13, $0xFE00;
	v20 =	vsub.s32 v20, v18  }
.Ltmp4:
0x4bb: {  	_ = 	snop;
	(pc) =	sbr.rel @p0 .LBB2_9-.Ltmp4, $2  }
0x4bc: {  	_ =	sdelay $0x2  }
0x4bd: {  	s13 =	sadd.s32 $0x200, s13;
	[tilespmem:v20+s5+$0x0] =	vst.idx.add.s32.msk $0xffff, v1  }
0x4be: {  	v28 =	vld [tilespmem:$0x4000]  }
0x4bf: {  	v29 =	vld [tilespmem:$0x4010]  }
0x4c0: {  	v30 =	vld [tilespmem:$0x4020]  }
0x4c1: {  	v31 =	vld [tilespmem:$0x4030]  }
0x4c2: {  	v32 =	vld [tilespmem:$0x4040]  }
0x4c3: {  	v33 =	vld [tilespmem:$0x4050]  }
0x4c4: {  	v34 =	vld [tilespmem:$0x4060];
	v18 =	vadd.s32 v28, v29  }
0x4c5: {  	v27 =	vld [tilespmem:$0x4070];
	v18 =	vadd.s32 v30, v18  }
0x4c6: {  	v26 =	vld [tilespmem:$0x4080];
	v18 =	vadd.s32 v31, v18  }
0x4c7: {  	v25 =	vld [tilespmem:$0x4090];
	v18 =	vadd.s32 v32, v18  }
0x4c8: {  	v24 =	vld [tilespmem:$0x40A0];
	v18 =	vadd.s32 v33, v18  }
0x4c9: {  	v23 =	vld [tilespmem:$0x40B0];
	v18 =	vadd.s32 v34, v18  }
0x4ca: {  	v22 =	vld [tilespmem:$0x40C0];
	v18 =	vadd.s32 v27, v18  }
0x4cb: {  	v21 =	vld [tilespmem:$0x40D0];
	v18 =	vadd.s32 v26, v18  }
0x4cc: {  	v20 =	vld [tilespmem:$0x40E0];
	v18 =	vadd.s32 v25, v18  }
0x4cd: {  	v19 =	vadd.s32 v24, v18;
	v18 =	vld [tilespmem:$0x40F0]  }
0x4ce: {  	v19 =	vadd.s32 v23, v19  }
0x4cf: {  	v19 =	vadd.s32 v22, v19  }
0x4d0: {  	v19 =	vadd.s32 v21, v19  }
0x4d1: {  	v19 =	vadd.s32 v20, v19  }
0x4d2: {  	v19 =	vadd.s32 v18, v19  }
0x4d3: {  	(xrf0) =	vadd.scan.msk.s32 $0xffff, v19  }
0x4d4: {  	(xrf0) =	vadd.scan.msk.s32 $0xffff, v28;
	_ =	sdelay $0x4  }
0x4d5: {  	v19, _, _ =	vpop (xrf0)  }
0x4d6: {  	v35, _, _ =	vpop (xrf0);
	v19 =	vbroadcast v19, $0xF  }
0x4d7: {  	v28 =	vsub.s32 v28, v35  }
0x4d8: {  	v28 =	vadd.s32 v19, v28  }
0x4d9: {  	vm0 =	vgt.s32 v28, $0x3FF  }
0x4da: {  	v28 =	vnsel vm0, $0x80000000, v15  }
0x4db: {  	(xrf0) =	vmax.scan.msk.u32 $0xffff, v28  }
0x4dc: {  	(xrf0) =	vadd.scan.msk.s32 $0xffff, v29;
	_ =	sdelay $0x4  }
0x4dd: {  	v36 =	vsub.s32 $0x0, v35;
	v28, _, _ =	vpop (xrf0)  }
0x4de: {  	v36 =	vbroadcast v36, $0xF;
	v37, _, _ =	vpop (xrf0)  }
0x4df: {  	v29 =	vsub.s32 v29, v37  }
0x4e0: {  	v29 =	vadd.s32 v36, v29  }
0x4e1: {  	v29 =	vadd.s32 v19, v29  }
0x4e2: {  	vm13 =	vgt.s32 v29, $0x3FF  }
0x4e3: {  	v29 =	vnsel vm13, $0x80000000, v2  }
0x4e4: {  	(xrf0) =	vmax.scan.msk.u32 $0xffff, v29;
	_ =	sdelay $0x4  }
0x4e5: {  	(v2sf) =	vpush v28, $0xF  }
0x4e6: {  	(v2sf) =	vpush v35, $0xF;
	v60, _, _ =	vpop (xrf0)  }
0x4e7: {  	(v2sf) =	vpush v60, $0xF  }
0x4e8: {  	(v2sf) =	vpush v37, $0xF;
	_ =	sdelay $0xb  }
0x4e9: {  	s13 =	spop (v2sf)  }
0x4ea: {  	(xrf0) =	vadd.scan.msk.s32 $0xffff, v30;
	s15 =	spop (v2sf)  }
0x4eb: {  	s14 =	spop (v2sf)  }
0x4ec: {  	s16 =	spop (v2sf)  }
0x4ed: {  	s16 =	sadd.s32 s15, s16  }
0x4ee: {  	v61 =	vmov s16  }
0x4ef: {  	v28 =	vsub.s32 $0x0, v61  }
0x4f0: {  	v62, _, _ =	vpop (xrf0);
	v28 =	vbroadcast v28, $0x0  }
0x4f1: {  	v30 =	vsub.s32 v30, v62  }
0x4f2: {  	v28 =	vadd.s32 v28, v30  }
0x4f3: {  	v28 =	vadd.s32 v19, v28  }
0x4f4: {  	vm14 =	vgt.s32 v28, $0x3FF  }
0x4f5: {  	v28 =	vnsel vm14, $0x80000000, v3  }
0x4f6: {  	(xrf0) =	vmax.scan.msk.u32 $0xffff, v28;
	_ =	sdelay $0x5  }
0x4f7: {  	v28, _, _ =	vpop (xrf0)  }
0x4f8: {  	(v2sf) =	vpush v28, $0xF  }
0x4f9: {  	(v2sf) =	vpush v62, $0xF;
	_ =	sdelay $0xc  }
0x4fa: {  	(xrf0) =	vadd.scan.msk.s32 $0xffff, v31  }
0x4fb: {  	s15 =	spop (v2sf)  }
0x4fc: {  	s17 =	spop (v2sf)  }
0x4fd: {  	s17 =	sadd.s32 s17, s16  }
0x4fe: {  	v63 =	vmov s17  }
0x4ff: {  	v28 =	vsub.s32 $0x0, v63  }
0x500: {  	v35, _, _ =	vpop (xrf0);
	v28 =	vbroadcast v28, $0x0  }
0x501: {  	v36 =	vsub.s32 v31, v35  }
0x502: {  	v28 =	vadd.s32 v28, v36  }
0x503: {  	v28 =	vadd.s32 v19, v28  }
0x504: {  	vm15 =	vgt.s32 v28, $0x3FF  }
0x505: {  	v28 =	vnsel vm15, $0x80000000, v4  }
0x506: {  	(xrf0) =	vmax.scan.msk.u32 $0xffff, v28;
	_ =	sdelay $0x5  }
0x507: {  	v28, _, _ =	vpop (xrf0)  }
0x508: {  	(v2sf) =	vpush v28, $0xF  }
0x509: {  	(v2sf) =	vpush v35, $0xF;
	_ =	sdelay $0xc  }
0x50a: {  	(xrf0) =	vadd.scan.msk.s32 $0xffff, v32  }
0x50b: {  	s16 =	spop (v2sf)  }
0x50c: {  	s18 =	spop (v2sf)  }
0x50d: {  	s18 =	sadd.s32 s18, s17  }
0x50e: {  	v37 =	vmov s18  }
0x50f: {  	v28 =	vsub.s32 $0x0, v37  }
0x510: {  	v38, _, _ =	vpop (xrf0);
	v28 =	vbroadcast v28, $0x0  }
0x511: {  	v39 =	vsub.s32 v32, v38  }
0x512: {  	v28 =	vadd.s32 v28, v39  }
0x513: {  	v28 =	vadd.s32 v19, v28  }
0x514: {  	vm4 =	vgt.s32 v28, $0x3FF  }
0x515: {  	v28 =	vnsel vm4, $0x80000000, v5  }
0x516: {  	(xrf0) =	vmax.scan.msk.u32 $0xffff, v28;
	_ =	sdelay $0x5  }
0x517: {  	v28, _, _ =	vpop (xrf0)  }
0x518: {  	(v2sf) =	vpush v28, $0xF  }
0x519: {  	(v2sf) =	vpush v38, $0xF;
	_ =	sdelay $0xc  }
0x51a: {  	(xrf0) =	vadd.scan.msk.s32 $0xffff, v33  }
0x51b: {  	s17 =	spop (v2sf)  }
0x51c: {  	s19 =	spop (v2sf)  }
0x51d: {  	s19 =	sadd.s32 s19, s18  }
0x51e: {  	v40 =	vmov s19  }
0x51f: {  	v28 =	vsub.s32 $0x0, v40  }
0x520: {  	v41, _, _ =	vpop (xrf0);
	v28 =	vbroadcast v28, $0x0  }
0x521: {  	v42 =	vsub.s32 v33, v41  }
0x522: {  	v28 =	vadd.s32 v28, v42  }
0x523: {  	v28 =	vadd.s32 v19, v28  }
0x524: {  	vm5 =	vgt.s32 v28, $0x3FF  }
0x525: {  	v28 =	vnsel vm5, $0x80000000, v6  }
0x526: {  	(xrf0) =	vmax.scan.msk.u32 $0xffff, v28;
	_ =	sdelay $0x5  }
0x527: {  	v28, _, _ =	vpop (xrf0)  }
0x528: {  	(v2sf) =	vpush v28, $0xF  }
0x529: {  	(v2sf) =	vpush v41, $0xF;
	_ =	sdelay $0xc  }
0x52a: {  	(xrf0) =	vadd.scan.msk.s32 $0xffff, v34  }
0x52b: {  	s18 =	spop (v2sf)  }
0x52c: {  	s20 =	spop (v2sf)  }
0x52d: {  	s20 =	sadd.s32 s20, s19  }
0x52e: {  	v43 =	vmov s20  }
0x52f: {  	v28 =	vsub.s32 $0x0, v43  }
0x530: {  	v44, _, _ =	vpop (xrf0);
	v28 =	vbroadcast v28, $0x0  }
0x531: {  	v45 =	vsub.s32 v34, v44  }
0x532: {  	v28 =	vadd.s32 v28, v45  }
0x533: {  	v28 =	vadd.s32 v19, v28  }
0x534: {  	vm6 =	vgt.s32 v28, $0x3FF  }
0x535: {  	v28 =	vnsel vm6, $0x80000000, v7  }
0x536: {  	(xrf0) =	vmax.scan.msk.u32 $0xffff, v28;
	_ =	sdelay $0x5  }
0x537: {  	v28, _, _ =	vpop (xrf0)  }
0x538: {  	(v2sf) =	vpush v28, $0xF  }
0x539: {  	(v2sf) =	vpush v44, $0xF;
	_ =	sdelay $0xc  }
0x53a: {  	(xrf0) =	vadd.scan.msk.s32 $0xffff, v27  }
0x53b: {  	s19 =	spop (v2sf)  }
0x53c: {  	s21 =	spop (v2sf)  }
0x53d: {  	s21 =	sadd.s32 s21, s20  }
0x53e: {  	v46 =	vmov s21  }
0x53f: {  	v28 =	vsub.s32 $0x0, v46  }
0x540: {  	v47, _, _ =	vpop (xrf0);
	v28 =	vbroadcast v28, $0x0  }
0x541: {  	v27 =	vsub.s32 v27, v47  }
0x542: {  	v27 =	vadd.s32 v28, v27  }
0x543: {  	v27 =	vadd.s32 v19, v27  }
0x544: {  	vm7 =	vgt.s32 v27, $0x3FF  }
0x545: {  	v27 =	vnsel vm7, $0x80000000, v8  }
0x546: {  	(xrf0) =	vmax.scan.msk.u32 $0xffff, v27;
	_ =	sdelay $0x5  }
0x547: {  	v27, _, _ =	vpop (xrf0)  }
0x548: {  	(v2sf) =	vpush v27, $0xF  }
0x549: {  	(v2sf) =	vpush v47, $0xF;
	_ =	sdelay $0xc  }
0x54a: {  	(xrf0) =	vadd.scan.msk.s32 $0xffff, v26  }
0x54b: {  	s20 =	spop (v2sf)  }
0x54c: {  	s22 =	spop (v2sf)  }
0x54d: {  	s22 =	sadd.s32 s22, s21  }
0x54e: {  	v48 =	vmov s22  }
0x54f: {  	v27 =	vsub.s32 $0x0, v48  }
0x550: {  	v49, _, _ =	vpop (xrf0);
	v27 =	vbroadcast v27, $0x0  }
0x551: {  	v26 =	vsub.s32 v26, v49  }
0x552: {  	v26 =	vadd.s32 v27, v26  }
0x553: {  	v26 =	vadd.s32 v19, v26  }
0x554: {  	vm8 =	vgt.s32 v26, $0x3FF  }
0x555: {  	v26 =	vnsel vm8, $0x80000000, v9  }
0x556: {  	(xrf0) =	vmax.scan.msk.u32 $0xffff, v26;
	_ =	sdelay $0x5  }
0x557: {  	v26, _, _ =	vpop (xrf0)  }
0x558: {  	(v2sf) =	vpush v26, $0xF  }
0x559: {  	(v2sf) =	vpush v49, $0xF;
	_ =	sdelay $0xc  }
0x55a: {  	(xrf0) =	vadd.scan.msk.s32 $0xffff, v25  }
0x55b: {  	s21 =	spop (v2sf)  }
0x55c: {  	s23 =	spop (v2sf)  }
0x55d: {  	s23 =	sadd.s32 s23, s22  }
0x55e: {  	v50 =	vmov s23  }
0x55f: {  	v26 =	vsub.s32 $0x0, v50  }
0x560: {  	v51, _, _ =	vpop (xrf0);
	v26 =	vbroadcast v26, $0x0  }
0x561: {  	v25 =	vsub.s32 v25, v51  }
0x562: {  	v25 =	vadd.s32 v26, v25  }
0x563: {  	v25 =	vadd.s32 v19, v25  }
0x564: {  	vm9 =	vgt.s32 v25, $0x3FF  }
0x565: {  	v25 =	vnsel vm9, $0x80000000, v10  }
0x566: {  	(xrf0) =	vmax.scan.msk.u32 $0xffff, v25;
	_ =	sdelay $0x5  }
0x567: {  	v25, _, _ =	vpop (xrf0)  }
0x568: {  	(v2sf) =	vpush v25, $0xF  }
0x569: {  	(v2sf) =	vpush v51, $0xF;
	_ =	sdelay $0xc  }
0x56a: {  	(xrf0) =	vadd.scan.msk.s32 $0xffff, v24  }
0x56b: {  	s22 =	spop (v2sf)  }
0x56c: {  	s24 =	spop (v2sf)  }
0x56d: {  	s24 =	sadd.s32 s24, s23  }
0x56e: {  	v52 =	vmov s24  }
0x56f: {  	v25 =	vsub.s32 $0x0, v52  }
0x570: {  	v53, _, _ =	vpop (xrf0);
	v25 =	vbroadcast v25, $0x0  }
0x571: {  	v24 =	vsub.s32 v24, v53  }
0x572: {  	v24 =	vadd.s32 v25, v24  }
0x573: {  	v24 =	vadd.s32 v19, v24  }
0x574: {  	vm10 =	vgt.s32 v24, $0x3FF  }
0x575: {  	v24 =	vnsel vm10, $0x80000000, v11  }
0x576: {  	(xrf0) =	vmax.scan.msk.u32 $0xffff, v24;
	_ =	sdelay $0x5  }
0x577: {  	v24, _, _ =	vpop (xrf0)  }
0x578: {  	(v2sf) =	vpush v24, $0xF  }
0x579: {  	(v2sf) =	vpush v53, $0xF;
	_ =	sdelay $0xc  }
0x57a: {  	(xrf0) =	vadd.scan.msk.s32 $0xffff, v23  }
0x57b: {  	s23 =	spop (v2sf)  }
0x57c: {  	s25 =	spop (v2sf)  }
0x57d: {  	s25 =	sadd.s32 s25, s24  }
0x57e: {  	v54 =	vmov s25  }
0x57f: {  	v24 =	vsub.s32 $0x0, v54  }
0x580: {  	v55, _, _ =	vpop (xrf0);
	v24 =	vbroadcast v24, $0x0  }
0x581: {  	v23 =	vsub.s32 v23, v55  }
0x582: {  	v23 =	vadd.s32 v24, v23  }
0x583: {  	v23 =	vadd.s32 v19, v23  }
0x584: {  	vm11 =	vgt.s32 v23, $0x3FF  }
0x585: {  	v23 =	vnsel vm11, $0x80000000, v12  }
0x586: {  	(xrf0) =	vmax.scan.msk.u32 $0xffff, v23;
	_ =	sdelay $0x5  }
0x587: {  	v23, _, _ =	vpop (xrf0)  }
0x588: {  	(v2sf) =	vpush v23, $0xF  }
0x589: {  	(v2sf) =	vpush v55, $0xF;
	_ =	sdelay $0xc  }
0x58a: {  	(xrf0) =	vadd.scan.msk.s32 $0xffff, v22  }
0x58b: {  	s24 =	spop (v2sf)  }
0x58c: {  	s26 =	spop (v2sf)  }
0x58d: {  	s26 =	sadd.s32 s26, s25  }
0x58e: {  	v56 =	vmov s26  }
0x58f: {  	v23 =	vsub.s32 $0x0, v56  }
0x590: {  	v57, _, _ =	vpop (xrf0);
	v23 =	vbroadcast v23, $0x0  }
0x591: {  	v22 =	vsub.s32 v22, v57  }
0x592: {  	v22 =	vadd.s32 v23, v22  }
0x593: {  	v22 =	vadd.s32 v19, v22  }
0x594: {  	vm12 =	vgt.s32 v22, $0x3FF  }
0x595: {  	v22 =	vnsel vm12, $0x80000000, v13  }
0x596: {  	(xrf0) =	vmax.scan.msk.u32 $0xffff, v22;
	_ =	sdelay $0x5  }
0x597: {  	v22, _, _ =	vpop (xrf0)  }
0x598: {  	(v2sf) =	vpush v22, $0xF  }
0x599: {  	(v2sf) =	vpush v57, $0xF;
	_ =	sdelay $0xc  }
0x59a: {  	(xrf0) =	vadd.scan.msk.s32 $0xffff, v21  }
0x59b: {  	s25 =	spop (v2sf)  }
0x59c: {  	s28 =	spop (v2sf)  }
0x59d: {  	s28 =	sadd.s32 s28, s26  }
0x59e: {  	v58 =	vmov s28  }
0x59f: {  	v22 =	vsub.s32 $0x0, v58  }
0x5a0: {  	v59, _, _ =	vpop (xrf0);
	v22 =	vbroadcast v22, $0x0  }
0x5a1: {  	v21 =	vsub.s32 v21, v59  }
0x5a2: {  	v21 =	vadd.s32 v22, v21  }
0x5a3: {  	v21 =	vadd.s32 v19, v21  }
0x5a4: {  	vm13 =	vgt.s32 v21, $0x3FF  }
0x5a5: {  	v21 =	vnsel vm13, $0x80000000, v14  }
0x5a6: {  	(xrf0) =	vmax.scan.msk.u32 $0xffff, v21;
	_ =	sdelay $0x5  }
0x5a7: {  	v21, _, _ =	vpop (xrf0)  }
0x5a8: {  	(v2sf) =	vpush v21, $0xF  }
0x5a9: {  	(v2sf) =	vpush v59, $0xF;
	_ =	sdelay $0xc  }
0x5aa: {  	(xrf0) =	vadd.scan.msk.s32 $0xffff, v20  }
0x5ab: {  	s26 =	spop (v2sf)  }
0x5ac: {  	s29 =	spop (v2sf)  }
0x5ad: {  	s28 =	sadd.s32 s29, s28  }
0x5ae: {  	v60 =	vmov s28  }
0x5af: {  	v21 =	vsub.s32 $0x0, v60  }
0x5b0: {  	v61, _, _ =	vpop (xrf0);
	v21 =	vbroadcast v21, $0x0  }
0x5b1: {  	v20 =	vsub.s32 v20, v61  }
0x5b2: {  	v20 =	vadd.s32 v21, v20  }
0x5b3: {  	v20 =	vadd.s32 v19, v20  }
0x5b4: {  	vm14 =	vgt.s32 v20, $0x3FF  }
0x5b5: {  	v20 =	vnsel vm14, $0x80000000, v16  }
0x5b6: {  	(xrf0) =	vmax.scan.msk.u32 $0xffff, v20;
	_ =	sdelay $0x5  }
0x5b7: {  	v20, _, _ =	vpop (xrf0)  }
0x5b8: {  	(v2sf) =	vpush v20, $0xF  }
0x5b9: {  	(v2sf) =	vpush v61, $0xF;
	_ =	sdelay $0xb  }
0x5ba: {  	(xrf0) =	vadd.scan.msk.s32 $0xffff, v18;
	_ =	sdelay $0x1  }
0x5bb: {  	s31 =	spop (v2sf)  }
0x5bc: {  	s30 =	spop (v2sf)  }
0x5bd: {  	s28 =	sadd.s32 s30, s28  }
0x5be: {  	v62 =	vmov s28  }
0x5bf: {  	v63, _, _ =	vpop (xrf0);
	v20 =	vsub.s32 $0x0, v62  }
0x5c0: {  	s13 =	sxor.u32 $0x80000000, s13;
	s14 =	sxor.u32 $0x80000000, s14;
	v18 =	vsub.s32 v18, v63;
	v20 =	vbroadcast v20, $0x0  }
0x5c1: {  	p0 =	sgt.s32 s13, s14;
	v18 =	vadd.s32 v19, v18  }
0x5c2: {  	s14 =	smov.u32 @p0 s13;
	s13 =	sxor.u32 $0x80000000, s15;
	v18 =	vadd.s32 v20, v18  }
0x5c3: {  	p0 =	sgt.s32 s14, s13;
	vm15 =	vgt.s32 v18, $0x3FF  }
0x5c4: {  	s13 =	smov.u32 @p0 s14;
	s14 =	sxor.u32 $0x80000000, s16;
	v18 =	vnsel vm15, $0x80000000, v17  }
0x5c5: {  	p0 =	sgt.s32 s13, s14;
	(xrf0) =	vmax.scan.msk.u32 $0xffff, v18  }
0x5c6: {  	s14 =	smov.u32 @p0 s13;
	s13 =	sxor.u32 $0x80000000, s17  }
0x5c7: {  	p0 =	sgt.s32 s14, s13  }
0x5c8: {  	s13 =	smov.u32 @p0 s14;
	s14 =	sxor.u32 $0x80000000, s18  }
0x5c9: {  	p0 =	sgt.s32 s13, s14  }
0x5ca: {  	s14 =	smov.u32 @p0 s13;
	s13 =	sxor.u32 $0x80000000, s19  }
0x5cb: {  	p0 =	sgt.s32 s14, s13;
	v18, _, _ =	vpop (xrf0)  }
0x5cc: {  	s13 =	smov.u32 @p0 s14;
	s14 =	sxor.u32 $0x80000000, s20;
	(v2sf) =	vpush v18, $0xF  }
0x5cd: {  	p0 =	sgt.s32 s13, s14  }
0x5ce: {  	s14 =	smov.u32 @p0 s13;
	s13 =	sxor.u32 $0x80000000, s21  }
0x5cf: {  	p0 =	sgt.s32 s14, s13  }
0x5d0: {  	s13 =	smov.u32 @p0 s14;
	s14 =	sxor.u32 $0x80000000, s22  }
0x5d1: {  	p0 =	sgt.s32 s13, s14  }
0x5d2: {  	s14 =	smov.u32 @p0 s13;
	s13 =	sxor.u32 $0x80000000, s23  }
0x5d3: {  	p0 =	sgt.s32 s14, s13  }
0x5d4: {  	s13 =	smov.u32 @p0 s14;
	s14 =	sxor.u32 $0x80000000, s24  }
0x5d5: {  	p0 =	sgt.s32 s13, s14  }
0x5d6: {  	s14 =	smov.u32 @p0 s13;
	s13 =	sxor.u32 $0x80000000, s25  }
0x5d7: {  	p0 =	sgt.s32 s14, s13  }
0x5d8: {  	s13 =	smov.u32 @p0 s14;
	s14 =	sxor.u32 $0x80000000, s26  }
0x5d9: {  	p0 =	sgt.s32 s13, s14  }
0x5da: {  	s14 =	smov.u32 @p0 s13;
	s13 =	sxor.u32 $0x80000000, s31  }
0x5db: {  	p0 =	sgt.s32 s14, s13;
	s31 =	spop (v2sf)  }
0x5dc: {  	s13 =	smov.u32 @p0 s14;
	s14 =	sxor.u32 $0x80000000, s31  }
0x5dd: {  	p0 =	sgt.s32 s13, s14  }
0x5de: {  	s14 =	smov.u32 @p0 s13  }
0x5df: {  	p0 =	sgt.s32 s14, $0x0  }
0x5e0: {  	s14 =	simm.s32 @!p0 $0x0  }
0x5e1: {  	s12 =	sadd.s32 s12, s14  }
0x5e2: {  	v18 =	vmov s12  }
0x5e3: {  	[tilespmem:$0x4100] =	vst v18  }
0x5e4: {  	[tilespmem:$0x4110] =	vst v18  }
0x5e5: {  	[tilespmem:$0x4120] =	vst v18  }
0x5e6: {  	[tilespmem:$0x4130] =	vst v18  }
0x5e7: {  	[tilespmem:$0x4140] =	vst v18  }
0x5e8: {  	s11 =	sadd.s32 $0x1, s11;
	[tilespmem:$0x4150] =	vst v18  }
0x5e9: {  	p0 =	sne.s32 s11, s7;
	[tilespmem:$0x4160] =	vst v18  }
.Ltmp5:
0x5ea: {  	[tilespmem:$0x4170] =	vst v18;
	(pc) =	sbr.rel @p0 .LBB2_2-.Ltmp5, $4  }
0x5eb: {  	[hbm4b:s3+s2] =	stream.linear.scatter [tilespmem:s10], [sflag:$0x1], $0x80, $0x38;
	[tilespmem:$0x4180] =	vst v63  }
0x5ec: {  	_ =	swait.ge [sflag:s9], $0x80  }
0x5ed: {  	[sflag:s9] =	ssyncset.done $0x0  }
0x5ee: {  	[sflag:s9] =	ssyncadd.s32 $0xFFFFFF80  }
.LBB2_11:
0x5ef: {  	_ =	sfence.sel $0x180000  }
0x5f0: {  	[bflag:$0x0] =	sbarrier.arrive $0xFFFF  }
0x5f1: {  	p0 =	sne.s32 s1, $0x0;
	_ =	strace $0x90000047  }
0x5f2: {  	s0 =	sadd.s32 @!p0 $0x100000, s0;
	[bflag:$0x2] =	sbarrier.arrive $0xFFFF  }
0x5f3: {  	[sflag:s0] =	ssyncadd.tile.s32 @!p0 $0x1;
	_ =	shalt  }
.Lfunc_end2:
_tile_overlayer_lowered:
.L_overlay_start_2:
0x5f4: {  	(tag) =	ssettag $0x2  }
0x5f5: {  	s0 =	rddreg [dreg:$0x0];
	s2 =	stileid.u32  }
0x5f6: {  	s1 =	rddreg [dreg:$0x1];
	p0 =	sne.s32 s2, $0x0  }
0x5f7: {  	s3 =	rddreg [dreg:$0x2];
	[bflag:$0x3] =	sbarrier.arrive $0xFFFF;
	s2 =	simm.s32 @!p0 $0x1C01  }
0x5f8: {  	[timem:s3], [sflag:s2] =	dma.local @!p0 [hbm:s0], s1  }
0x5f9: {  	s0 =	simm.s32 @!p0 $0x1  }
0x5fa: {  	_ =	swait.ge @!p0 [sflag:s0], s1  }
0x5fb: {  	s1 =	ssub.s32 @!p0 $0x0, s1;
	[sflag:s0] =	ssyncset.done @!p0 $0x0  }
0x5fc: {  	[sflag:s0] =	ssyncadd.s32 @!p0 s1  }
0x5fd: {  	[bflag:$0x3] =	sbarrier.arrive $0xFFFF  }
0x5fe: {  	_ =	shalt  }

</sc_bundles>
